<compile_context>
chip_gen: v7x
topology: tpu7x:2x2x1
jax: 0.10.2.dev20260603
libtpu: 0.0.44.dev20260713+nightly
codegen_flags: <defaults>
</compile_context>

<pallas_src>
import functools

import jax
import jax.numpy as jnp
from jax import lax
from jax.experimental import pallas as pl
from jax.experimental.pallas import tpu as pltpu
from jax.experimental.pallas import tpu_sc as plsc

N_NODES = 10000
D = 128
E_EDGES = 320000

NC = 2
NS = 16
NW = NC * NS
L = 16

CH = 128
CHUNKS = 79
EW_PER = CH * CHUNKS
E_PAD = EW_PER * NW
N_PAD = 10240
ROWS_PER_TILE = N_PAD // NS


def _sc_mesh():
    return plsc.VectorSubcoreMesh(core_axis_name="c", subcore_axis_name="s")


def _worker_id():
    return lax.axis_index("s") * NC + lax.axis_index("c")


def _rowsum_body(dst_hbm, ew_hbm, zz_hbm, p0_hbm, p1_hbm,
                 dst_v, ew_v, rs_sh):
    cid = lax.axis_index("c")
    sid = lax.axis_index("s")
    wid = _worker_id()

    pltpu.sync_copy(zz_hbm.at[pl.ds(0, ROWS_PER_TILE)],
                    rs_sh.at[pl.ds(sid * ROWS_PER_TILE, ROWS_PER_TILE)])
    plsc.subcore_barrier()

    def chunk(c, carry):
        base = wid * EW_PER + c * CH
        pltpu.sync_copy(dst_hbm.at[pl.ds(base, CH)], dst_v)
        pltpu.sync_copy(ew_hbm.at[pl.ds(base, CH)], ew_v)
        pltpu.sync_copy(ew_v, rs_sh.at[dst_v], add=True)
        return carry

    lax.fori_loop(0, CHUNKS, chunk, 0)
    plsc.subcore_barrier()

    sl = pl.ds(sid * ROWS_PER_TILE, ROWS_PER_TILE)

    @pl.when(cid == 0)
    def _():
        pltpu.sync_copy(rs_sh.at[sl], p0_hbm.at[sl])

    @pl.when(cid == 1)
    def _():
        pltpu.sync_copy(rs_sh.at[sl], p1_hbm.at[sl])


def _rowsum_call(dst, ew, zz):
    kern = pl.kernel(
        _rowsum_body,
        out_type=(jax.ShapeDtypeStruct((N_PAD,), jnp.float32),
                  jax.ShapeDtypeStruct((N_PAD,), jnp.float32)),
        mesh=_sc_mesh(),
        scratch_types=[
            pltpu.VMEM((CH,), jnp.int32),
            pltpu.VMEM((CH,), jnp.float32),
            pltpu.VMEM_SHARED((N_PAD,), jnp.float32),
        ],
    )
    return kern(dst, ew, zz)


def _scale_rows(rows, wn_v):
    def egroup(g, carry):
        wv = wn_v[pl.ds(g * L, L)]
        for i in range(L):
            w = lax.gather(
                wv, jnp.full((L, 1), i, jnp.int32),
                lax.GatherDimensionNumbers(
                    offset_dims=(), collapsed_slice_dims=(0,),
                    start_index_map=(0,)),
                (1,), mode=lax.GatherScatterMode.PROMISE_IN_BOUNDS)
            e = g * L + i
            for j in range(D // L):
                sl = pl.ds(j * L, L)
                rows[e, sl] = rows[e, sl] * w
        return carry

    lax.fori_loop(0, CH // L, egroup, 0)


def _acc_writeout(cid, sid, acc_sh, a0_hbm, a1_hbm):
    sl = pl.ds(sid * ROWS_PER_TILE, ROWS_PER_TILE)

    @pl.when(cid == 0)
    def _():
        pltpu.sync_copy(acc_sh.at[sl], a0_hbm.at[sl])

    @pl.when(cid == 1)
    def _():
        pltpu.sync_copy(acc_sh.at[sl], a1_hbm.at[sl])


def _spmm1_body(x_hbm, src_hbm, dst_hbm, ew_hbm, p0_hbm, p1_hbm, zzr_hbm,
                a0_hbm, a1_hbm, wn_hbm,
                src_v, dst_v, ew_v, rs0_v, rs1_v, wn_v, rows, acc_sh, sem):
    cid = lax.axis_index("c")
    sid = lax.axis_index("s")
    wid = _worker_id()

    pltpu.sync_copy(zzr_hbm.at[pl.ds(0, ROWS_PER_TILE)],
                    acc_sh.at[pl.ds(sid * ROWS_PER_TILE, ROWS_PER_TILE)])
    plsc.subcore_barrier()

    def chunk(c, carry):
        base = wid * EW_PER + c * CH
        pltpu.sync_copy(src_hbm.at[pl.ds(base, CH)], src_v)
        pltpu.sync_copy(dst_hbm.at[pl.ds(base, CH)], dst_v)
        pltpu.sync_copy(ew_hbm.at[pl.ds(base, CH)], ew_v)
        pltpu.async_copy(x_hbm.at[src_v], rows, sem).wait()
        pltpu.async_copy(p0_hbm.at[dst_v], rs0_v, sem).wait()
        pltpu.async_copy(p1_hbm.at[dst_v], rs1_v, sem).wait()
        for j in range(CH // L):
            sl = pl.ds(j * L, L)
            rs = rs0_v[sl] + rs1_v[sl]
            wn_v[sl] = ew_v[sl] / jnp.maximum(rs, 1e-12)
        pltpu.sync_copy(wn_v, wn_hbm.at[pl.ds(base, CH)])
        _scale_rows(rows, wn_v)
        pltpu.sync_copy(rows, acc_sh.at[dst_v], add=True)
        return carry

    lax.fori_loop(0, CHUNKS, chunk, 0)
    plsc.subcore_barrier()
    _acc_writeout(cid, sid, acc_sh, a0_hbm, a1_hbm)


def _spmm2_body(x_hbm, src_hbm, dst_hbm, wn_hbm, zzr_hbm,
                a0_hbm, a1_hbm,
                src_v, dst_v, wn_v, rows, acc_sh, sem):
    cid = lax.axis_index("c")
    sid = lax.axis_index("s")
    wid = _worker_id()

    pltpu.sync_copy(zzr_hbm.at[pl.ds(0, ROWS_PER_TILE)],
                    acc_sh.at[pl.ds(sid * ROWS_PER_TILE, ROWS_PER_TILE)])
    plsc.subcore_barrier()

    def chunk(c, carry):
        base = wid * EW_PER + c * CH
        pltpu.sync_copy(src_hbm.at[pl.ds(base, CH)], src_v)
        pltpu.sync_copy(dst_hbm.at[pl.ds(base, CH)], dst_v)
        pltpu.sync_copy(wn_hbm.at[pl.ds(base, CH)], wn_v)
        pltpu.async_copy(x_hbm.at[src_v], rows, sem).wait()
        _scale_rows(rows, wn_v)
        pltpu.sync_copy(rows, acc_sh.at[dst_v], add=True)
        return carry

    lax.fori_loop(0, CHUNKS, chunk, 0)
    plsc.subcore_barrier()
    _acc_writeout(cid, sid, acc_sh, a0_hbm, a1_hbm)


def _spmm1_call(x_pad, src, dst, ew, p0, p1, zzr):
    kern = pl.kernel(
        _spmm1_body,
        out_type=(jax.ShapeDtypeStruct((N_PAD, D), jnp.float32),
                  jax.ShapeDtypeStruct((N_PAD, D), jnp.float32),
                  jax.ShapeDtypeStruct((E_PAD,), jnp.float32)),
        mesh=_sc_mesh(),
        scratch_types=[
            pltpu.VMEM((CH,), jnp.int32),
            pltpu.VMEM((CH,), jnp.int32),
            pltpu.VMEM((CH,), jnp.float32),
            pltpu.VMEM((CH,), jnp.float32),
            pltpu.VMEM((CH,), jnp.float32),
            pltpu.VMEM((CH,), jnp.float32),
            pltpu.VMEM((CH, D), jnp.float32),
            pltpu.VMEM_SHARED((N_PAD, D), jnp.float32),
            pltpu.SemaphoreType.DMA,
        ],
    )
    return kern(x_pad, src, dst, ew, p0, p1, zzr)


def _spmm2_call(h_pad, src, dst, wn, zzr):
    kern = pl.kernel(
        _spmm2_body,
        out_type=(jax.ShapeDtypeStruct((N_PAD, D), jnp.float32),
                  jax.ShapeDtypeStruct((N_PAD, D), jnp.float32)),
        mesh=_sc_mesh(),
        scratch_types=[
            pltpu.VMEM((CH,), jnp.int32),
            pltpu.VMEM((CH,), jnp.int32),
            pltpu.VMEM((CH,), jnp.float32),
            pltpu.VMEM((CH, D), jnp.float32),
            pltpu.VMEM_SHARED((N_PAD, D), jnp.float32),
            pltpu.SemaphoreType.DMA,
        ],
    )
    return kern(h_pad, src, dst, wn, zzr)


BM = 512


def _mlp_body(x_ref, a0_ref, a1_ref, w_ref, b_ref, o_ref, *, relu):
    hn = a0_ref[...] + a1_ref[...]
    wx = w_ref[:, :D]
    wn = w_ref[:, D:]
    z = (lax.dot_general(x_ref[...], wx, (((1,), (1,)), ((), ())),
                         preferred_element_type=jnp.float32)
         + lax.dot_general(hn, wn, (((1,), (1,)), ((), ())),
                           preferred_element_type=jnp.float32)
         + b_ref[...])
    if relu:
        z = jnp.maximum(z, 0.0)
    o_ref[...] = z


def _mlp_call(x_pad, a0, a1, w, b2d, relu):
    grid = N_PAD // BM
    return pl.pallas_call(
        functools.partial(_mlp_body, relu=relu),
        grid=(grid,),
        in_specs=[
            pl.BlockSpec((BM, D), lambda i: (i, 0)),
            pl.BlockSpec((BM, D), lambda i: (i, 0)),
            pl.BlockSpec((BM, D), lambda i: (i, 0)),
            pl.BlockSpec((D, 2 * D), lambda i: (0, 0)),
            pl.BlockSpec((1, D), lambda i: (0, 0)),
        ],
        out_specs=pl.BlockSpec((BM, D), lambda i: (i, 0)),
        out_shape=jax.ShapeDtypeStruct((N_PAD, D), jnp.float32),
    )(x_pad, a0, a1, w, b2d)


def kernel(x, edge_index, edge_weight, W1_w, W1_b, W2_w, W2_b):
    dst = edge_index[0]
    src = edge_index[1]

    pad_e = E_PAD - E_EDGES
    src_p = jnp.concatenate(
        [src, jnp.full((pad_e,), N_NODES, jnp.int32)])
    dst_p = jnp.concatenate(
        [dst, jnp.full((pad_e,), N_NODES, jnp.int32)])
    ew_p = jnp.concatenate([edge_weight, jnp.zeros((pad_e,), jnp.float32)])

    x_pad = jnp.zeros((N_PAD, D), jnp.float32).at[:N_NODES].set(x)
    zzr = jnp.zeros((ROWS_PER_TILE, D), jnp.float32)
    zz1 = jnp.zeros((ROWS_PER_TILE,), jnp.float32)

    p0, p1 = _rowsum_call(dst_p, ew_p, zz1)
    a0, a1, wn = _spmm1_call(x_pad, src_p, dst_p, ew_p, p0, p1, zzr)
    h_pad = _mlp_call(x_pad, a0, a1, W1_w, W1_b.reshape(1, D), relu=True)
    q0, q1 = _spmm2_call(h_pad, src_p, dst_p, wn, zzr)
    h2 = _mlp_call(h_pad, q0, q1, W2_w, W2_b.reshape(1, D), relu=False)
    return h2[:N_NODES]

# --- scband reference (transcript-rebuilt; emitter-appended) ---
"""Pipeline reference for scband-simple-graph-sage-19739669692448 (READ-ONLY COPY).

The authoritative reference and input builder live on the scoring server;
editing this copy changes nothing except your own understanding.
"""

import jax, jax.numpy as jnp
import numpy as np

N = 10000
E = 320000
D_IN = 128
D_H = 128
D_OUT = 128


def _spmm(edge_index, edge_weight, x, n):
    # Row-normalized sparse matmul: adj = adj / adj.sum(1), then adj @ x.
    dst = edge_index[0]
    src = edge_index[1]
    rowsum = jax.ops.segment_sum(edge_weight, dst, num_segments=n)
    w_norm = edge_weight / jnp.maximum(rowsum[dst], 1e-12)
    msgs = x[src] * w_norm[:, None]
    return jax.ops.segment_sum(msgs, dst, num_segments=n)


def setup_inputs(seed: int = 0) -> dict:
    key = jax.random.key(seed)
    ks = jax.random.split(key, 8)
    x = jax.random.normal(ks[0], (N, D_IN), dtype=jnp.float32)
    edge_index = jax.random.randint(ks[1], (2, E), 0, N, dtype=jnp.int32)
    edge_weight = jax.random.uniform(ks[2], (E,), dtype=jnp.float32)
    W1_w = jax.random.normal(ks[3], (D_H, 2 * D_IN), dtype=jnp.float32) * 0.05
    W1_b = jnp.zeros((D_H,), dtype=jnp.float32)
    W2_w = jax.random.normal(ks[4], (D_OUT, 2 * D_H), dtype=jnp.float32) * 0.05
    W2_b = jnp.zeros((D_OUT,), dtype=jnp.float32)
    return {"x": x, "edge_index": edge_index, "edge_weight": edge_weight,
            "W1_w": W1_w, "W1_b": W1_b, "W2_w": W2_w, "W2_b": W2_b}


def reference(x, edge_index, edge_weight, W1_w, W1_b, W2_w, W2_b):
    h_neigh = _spmm(edge_index, edge_weight, x, N)
    h = jnp.concatenate([x, h_neigh], axis=1)
    h = jax.nn.relu(h @ W1_w.T + W1_b)
    h_neigh2 = _spmm(edge_index, edge_weight, h, N)
    h2 = jnp.concatenate([h, h_neigh2], axis=1)
    h2 = h2 @ W2_w.T + W2_b
    return h2

if __name__ == "__main__":
    import jax
    _d = setup_inputs()
    print(jax.jit(kernel)(*tuple(_d.values())))

</pallas_src>

<mosaic_0001>
#map = affine_map<(d0, d1) -> (0)>
module attributes {stable_mosaic.version = 14 : i64} {
  func.func @_rowsum_body(%arg0: i32, %arg1: i32, %arg2: memref<323584xi32, #tpu.memory_space<hbm>>, %arg3: memref<323584xf32, #tpu.memory_space<hbm>>, %arg4: memref<640xf32, #tpu.memory_space<hbm>>, %arg5: memref<10240xf32, #tpu.memory_space<hbm>>, %arg6: memref<10240xf32, #tpu.memory_space<hbm>>, %arg7: memref<128xi32, #tpu.memory_space<vmem>>, %arg8: memref<128xf32, #tpu.memory_space<vmem>>, %arg9: memref<10240xf32, #tpu.memory_space<vmem_shared>>) attributes {dimension_semantics = [#tpu.dimension_semantics<core_parallel>, #tpu.dimension_semantics<subcore_parallel>], iteration_bounds = array<i64: 2, 16>, scalar_prefetch = 0 : i64, scratch_operands = 3 : i64, tpu.core_type = #tpu.core_type<sc_vector_subcore>, window_params = [{transform_indices = #map}, {transform_indices = #map}, {transform_indices = #map}, {transform_indices = #map}, {transform_indices = #map}]} {
    %mul3A = arith.constant 2 : i32
    %mul3A_0 = arith.muli %arg1, %mul3A : i32
    %add3A = arith.addi %mul3A_0, %arg0 : i32
    %mul3A_1 = arith.constant 640 : i32
    %mul3A_2 = arith.muli %arg1, %mul3A_1 : i32
    "tpu.region"() ({
      %run_scoped3A = tpu.sem_alloc : memref<!tpu.dma_semaphore, #tpu.memory_space<semaphore_mem>>
      %dma_start3A = tpu.memref_slice %arg9[%mul3A_2] : memref<10240xf32, #tpu.memory_space<vmem_shared>> -> memref<640xf32, #tpu.memory_space<vmem_shared>>
      %dma_start3A_18 = arith.constant 0 : i32
      %dma_start3A_19 = tpu.memref_slice %arg4[%dma_start3A_18] : memref<640xf32, #tpu.memory_space<hbm>> -> memref<640xf32, #tpu.memory_space<hbm>>
      tpu.enqueue_dma source(%dma_start3A_19 : memref<640xf32, #tpu.memory_space<hbm>>) target(%dma_start3A : memref<640xf32, #tpu.memory_space<vmem_shared>>) target_semaphore(%run_scoped3A : memref<!tpu.dma_semaphore, #tpu.memory_space<semaphore_mem>>)
      %dma_wait3A = tpu.memref_slice %arg9[%mul3A_2] : memref<10240xf32, #tpu.memory_space<vmem_shared>> -> memref<640xf32, #tpu.memory_space<vmem_shared>>
      %dma_wait3A_20 = arith.constant 0 : i32
      %dma_wait3A_21 = tpu.memref_slice %arg4[%dma_wait3A_20] : memref<640xf32, #tpu.memory_space<hbm>> -> memref<640xf32, #tpu.memory_space<hbm>>
      tpu.wait_dma2 semaphore(%run_scoped3A : memref<!tpu.dma_semaphore, #tpu.memory_space<semaphore_mem>>) src(%dma_wait3A_21 : memref<640xf32, #tpu.memory_space<hbm>>) dst(%dma_wait3A : memref<640xf32, #tpu.memory_space<vmem_shared>>)
      tpu.yield
    }) : () -> ()
    %barrier3A = arith.constant 0 : index
    tpu.barrier barrier_id(%barrier3A)
    %scan3A = arith.constant 0 : i32
    %scan3A_3 = arith.constant 0 : i32
    %scan3A_4 = arith.constant 79 : i32
    %scan3A_5 = arith.addi %scan3A_3, %scan3A_4 : i32
    %scan3A_6 = arith.constant 1 : i32
    scf.for %scan3A_18 = %scan3A_3 to %scan3A_5 step %scan3A_6  : i32 {
      %mul3A_19 = arith.constant 10112 : i32
      %mul3A_20 = arith.muli %add3A, %mul3A_19 : i32
      %mul3A_21 = arith.constant 128 : i32
      %mul3A_22 = arith.muli %scan3A_18, %mul3A_21 : i32
      %add3A_23 = arith.addi %mul3A_20, %mul3A_22 : i32
      "tpu.region"() ({
        %run_scoped3A = tpu.sem_alloc : memref<!tpu.dma_semaphore, #tpu.memory_space<semaphore_mem>>
        %dma_start3A = tpu.memref_slice %arg2[%add3A_23] : memref<323584xi32, #tpu.memory_space<hbm>> -> memref<128xi32, #tpu.memory_space<hbm>>
        %dma_start3A_24 = tpu.memref_slice %arg2[%add3A_23] : memref<323584xi32, #tpu.memory_space<hbm>> -> memref<128xi32, #tpu.memory_space<hbm>>
        tpu.enqueue_dma source(%dma_start3A_24 : memref<128xi32, #tpu.memory_space<hbm>>) target(%arg7 : memref<128xi32, #tpu.memory_space<vmem>>) target_semaphore(%run_scoped3A : memref<!tpu.dma_semaphore, #tpu.memory_space<semaphore_mem>>)
        %dma_wait3A = tpu.memref_slice %arg2[%add3A_23] : memref<323584xi32, #tpu.memory_space<hbm>> -> memref<128xi32, #tpu.memory_space<hbm>>
        %dma_wait3A_25 = tpu.memref_slice %arg2[%add3A_23] : memref<323584xi32, #tpu.memory_space<hbm>> -> memref<128xi32, #tpu.memory_space<hbm>>
        tpu.wait_dma2 semaphore(%run_scoped3A : memref<!tpu.dma_semaphore, #tpu.memory_space<semaphore_mem>>) src(%dma_wait3A_25 : memref<128xi32, #tpu.memory_space<hbm>>) dst(%arg7 : memref<128xi32, #tpu.memory_space<vmem>>)
        tpu.yield
      }) : () -> ()
      "tpu.region"() ({
        %run_scoped3A = tpu.sem_alloc : memref<!tpu.dma_semaphore, #tpu.memory_space<semaphore_mem>>
        %dma_start3A = tpu.memref_slice %arg3[%add3A_23] : memref<323584xf32, #tpu.memory_space<hbm>> -> memref<128xf32, #tpu.memory_space<hbm>>
        %dma_start3A_24 = tpu.memref_slice %arg3[%add3A_23] : memref<323584xf32, #tpu.memory_space<hbm>> -> memref<128xf32, #tpu.memory_space<hbm>>
        tpu.enqueue_dma source(%dma_start3A_24 : memref<128xf32, #tpu.memory_space<hbm>>) target(%arg8 : memref<128xf32, #tpu.memory_space<vmem>>) target_semaphore(%run_scoped3A : memref<!tpu.dma_semaphore, #tpu.memory_space<semaphore_mem>>)
        %dma_wait3A = tpu.memref_slice %arg3[%add3A_23] : memref<323584xf32, #tpu.memory_space<hbm>> -> memref<128xf32, #tpu.memory_space<hbm>>
        %dma_wait3A_25 = tpu.memref_slice %arg3[%add3A_23] : memref<323584xf32, #tpu.memory_space<hbm>> -> memref<128xf32, #tpu.memory_space<hbm>>
        tpu.wait_dma2 semaphore(%run_scoped3A : memref<!tpu.dma_semaphore, #tpu.memory_space<semaphore_mem>>) src(%dma_wait3A_25 : memref<128xf32, #tpu.memory_space<hbm>>) dst(%arg8 : memref<128xf32, #tpu.memory_space<vmem>>)
        tpu.yield
      }) : () -> ()
      "tpu.region"() ({
        %run_scoped3A = tpu.sem_alloc : memref<!tpu.dma_semaphore, #tpu.memory_space<semaphore_mem>>
        %dma_start3A = arith.constant 0 : i32
        %dma_start3A_24 = tpu.memref_slice %arg9[%dma_start3A] : memref<10240xf32, #tpu.memory_space<vmem_shared>> -> memref<10240xf32, #tpu.memory_space<vmem_shared>>
        tpu.enqueue_indirect_dma source(%arg8 : memref<128xf32, #tpu.memory_space<vmem>>) target(%dma_start3A_24 : memref<10240xf32, #tpu.memory_space<vmem_shared>>) offsets(%arg7 : memref<128xi32, #tpu.memory_space<vmem>>) semaphore(%run_scoped3A : memref<!tpu.dma_semaphore, #tpu.memory_space<semaphore_mem>>) {add = true}
        %dma_wait3A = arith.constant 0 : i32
        %dma_wait3A_25 = tpu.memref_slice %arg9[%dma_wait3A] : memref<10240xf32, #tpu.memory_space<vmem_shared>> -> memref<10240xf32, #tpu.memory_space<vmem_shared>>
        tpu.wait_indirect_dma semaphore(%run_scoped3A : memref<!tpu.dma_semaphore, #tpu.memory_space<semaphore_mem>>) src(%arg8 : memref<128xf32, #tpu.memory_space<vmem>>) dst(%dma_wait3A_25 : memref<10240xf32, #tpu.memory_space<vmem_shared>>)
        tpu.yield
      }) : () -> ()
    }
    %scan3A_7 = arith.constant 79 : i32
    %barrier3A_8 = arith.constant 0 : index
    tpu.barrier barrier_id(%barrier3A_8)
    %mul3A_9 = arith.constant 640 : i32
    %mul3A_10 = arith.muli %arg1, %mul3A_9 : i32
    %eq3A = arith.constant 0 : i32
    %eq3A_11 = arith.cmpi eq, %arg0, %eq3A : i32
    %convert_element_type3A = arith.extui %eq3A_11 : i1 to i32
    %cond3A = arith.constant 0 : i32
    %cond3A_12 = arith.cmpi ne, %convert_element_type3A, %cond3A : i32
    scf.if %cond3A_12 {
      "tpu.region"() ({
        %run_scoped3A = tpu.sem_alloc : memref<!tpu.dma_semaphore, #tpu.memory_space<semaphore_mem>>
        %dma_start3A = tpu.memref_slice %arg5[%mul3A_10] : memref<10240xf32, #tpu.memory_space<hbm>> -> memref<640xf32, #tpu.memory_space<hbm>>
        %dma_start3A_18 = tpu.memref_slice %arg9[%mul3A_10] : memref<10240xf32, #tpu.memory_space<vmem_shared>> -> memref<640xf32, #tpu.memory_space<vmem_shared>>
        tpu.enqueue_dma source(%dma_start3A_18 : memref<640xf32, #tpu.memory_space<vmem_shared>>) target(%dma_start3A : memref<640xf32, #tpu.memory_space<hbm>>) target_semaphore(%run_scoped3A : memref<!tpu.dma_semaphore, #tpu.memory_space<semaphore_mem>>)
        %dma_wait3A = tpu.memref_slice %arg5[%mul3A_10] : memref<10240xf32, #tpu.memory_space<hbm>> -> memref<640xf32, #tpu.memory_space<hbm>>
        %dma_wait3A_19 = tpu.memref_slice %arg9[%mul3A_10] : memref<10240xf32, #tpu.memory_space<vmem_shared>> -> memref<640xf32, #tpu.memory_space<vmem_shared>>
        tpu.wait_dma2 semaphore(%run_scoped3A : memref<!tpu.dma_semaphore, #tpu.memory_space<semaphore_mem>>) src(%dma_wait3A_19 : memref<640xf32, #tpu.memory_space<vmem_shared>>) dst(%dma_wait3A : memref<640xf32, #tpu.memory_space<hbm>>)
        tpu.yield
      }) : () -> ()
    } else {
    }
    %eq3A_13 = arith.constant 1 : i32
    %eq3A_14 = arith.cmpi eq, %arg0, %eq3A_13 : i32
    %convert_element_type3A_15 = arith.extui %eq3A_14 : i1 to i32
    %cond3A_16 = arith.constant 0 : i32
    %cond3A_17 = arith.cmpi ne, %convert_element_type3A_15, %cond3A_16 : i32
    scf.if %cond3A_17 {
      "tpu.region"() ({
        %run_scoped3A = tpu.sem_alloc : memref<!tpu.dma_semaphore, #tpu.memory_space<semaphore_mem>>
        %dma_start3A = tpu.memref_slice %arg6[%mul3A_10] : memref<10240xf32, #tpu.memory_space<hbm>> -> memref<640xf32, #tpu.memory_space<hbm>>
        %dma_start3A_18 = tpu.memref_slice %arg9[%mul3A_10] : memref<10240xf32, #tpu.memory_space<vmem_shared>> -> memref<640xf32, #tpu.memory_space<vmem_shared>>
        tpu.enqueue_dma source(%dma_start3A_18 : memref<640xf32, #tpu.memory_space<vmem_shared>>) target(%dma_start3A : memref<640xf32, #tpu.memory_space<hbm>>) target_semaphore(%run_scoped3A : memref<!tpu.dma_semaphore, #tpu.memory_space<semaphore_mem>>)
        %dma_wait3A = tpu.memref_slice %arg6[%mul3A_10] : memref<10240xf32, #tpu.memory_space<hbm>> -> memref<640xf32, #tpu.memory_space<hbm>>
        %dma_wait3A_19 = tpu.memref_slice %arg9[%mul3A_10] : memref<10240xf32, #tpu.memory_space<vmem_shared>> -> memref<640xf32, #tpu.memory_space<vmem_shared>>
        tpu.wait_dma2 semaphore(%run_scoped3A : memref<!tpu.dma_semaphore, #tpu.memory_space<semaphore_mem>>) src(%dma_wait3A_19 : memref<640xf32, #tpu.memory_space<vmem_shared>>) dst(%dma_wait3A : memref<640xf32, #tpu.memory_space<hbm>>)
        tpu.yield
      }) : () -> ()
    } else {
    }
    return
  }
}

#map = affine_map<(d0, d1) -> (0, 0)>
#map1 = affine_map<(d0, d1) -> (0)>
module attributes {stable_mosaic.version = 14 : i64} {
  func.func @_spmm1_body(%arg0: i32, %arg1: i32, %arg2: memref<10240x128xf32, #tpu.memory_space<hbm>>, %arg3: memref<323584xi32, #tpu.memory_space<hbm>>, %arg4: memref<323584xi32, #tpu.memory_space<hbm>>, %arg5: memref<323584xf32, #tpu.memory_space<hbm>>, %arg6: memref<10240xf32, #tpu.memory_space<hbm>>, %arg7: memref<10240xf32, #tpu.memory_space<hbm>>, %arg8: memref<640x128xf32, #tpu.memory_space<hbm>>, %arg9: memref<10240x128xf32, #tpu.memory_space<hbm>>, %arg10: memref<10240x128xf32, #tpu.memory_space<hbm>>, %arg11: memref<323584xf32, #tpu.memory_space<hbm>>, %arg12: memref<128xi32, #tpu.memory_space<vmem>>, %arg13: memref<128xi32, #tpu.memory_space<vmem>>, %arg14: memref<128xf32, #tpu.memory_space<vmem>>, %arg15: memref<128xf32, #tpu.memory_space<vmem>>, %arg16: memref<128xf32, #tpu.memory_space<vmem>>, %arg17: memref<128xf32, #tpu.memory_space<vmem>>, %arg18: memref<128x128xf32, #tpu.memory_space<vmem>>, %arg19: memref<10240x128xf32, #tpu.memory_space<vmem_shared>>, %arg20: memref<!tpu.dma_semaphore, #tpu.memory_space<semaphore_mem>>) attributes {dimension_semantics = [#tpu.dimension_semantics<core_parallel>, #tpu.dimension_semantics<subcore_parallel>], iteration_bounds = array<i64: 2, 16>, scalar_prefetch = 0 : i64, scratch_operands = 9 : i64, tpu.core_type = #tpu.core_type<sc_vector_subcore>, window_params = [{transform_indices = #map}, {transform_indices = #map1}, {transform_indices = #map1}, {transform_indices = #map1}, {transform_indices = #map1}, {transform_indices = #map1}, {transform_indices = #map}, {transform_indices = #map}, {transform_indices = #map}, {transform_indices = #map1}]} {
    %mul3A = arith.constant 2 : i32
    %mul3A_0 = arith.muli %arg1, %mul3A : i32
    %add3A = arith.addi %mul3A_0, %arg0 : i32
    %mul3A_1 = arith.constant 640 : i32
    %mul3A_2 = arith.muli %arg1, %mul3A_1 : i32
    "tpu.region"() ({
      %run_scoped3A = tpu.sem_alloc : memref<!tpu.dma_semaphore, #tpu.memory_space<semaphore_mem>>
      %dma_start3A = arith.constant 0 : i32
      %dma_start3A_18 = tpu.memref_slice %arg19[%mul3A_2, %dma_start3A] : memref<10240x128xf32, #tpu.memory_space<vmem_shared>> -> memref<640x128xf32, #tpu.memory_space<vmem_shared>>
      %dma_start3A_19 = arith.constant 0 : i32
      %dma_start3A_20 = arith.constant 0 : i32
      %dma_start3A_21 = tpu.memref_slice %arg8[%dma_start3A_19, %dma_start3A_20] : memref<640x128xf32, #tpu.memory_space<hbm>> -> memref<640x128xf32, #tpu.memory_space<hbm>>
      tpu.enqueue_dma source(%dma_start3A_21 : memref<640x128xf32, #tpu.memory_space<hbm>>) target(%dma_start3A_18 : memref<640x128xf32, #tpu.memory_space<vmem_shared>>) target_semaphore(%run_scoped3A : memref<!tpu.dma_semaphore, #tpu.memory_space<semaphore_mem>>)
      %dma_wait3A = arith.constant 0 : i32
      %dma_wait3A_22 = tpu.memref_slice %arg19[%mul3A_2, %dma_wait3A] : memref<10240x128xf32, #tpu.memory_space<vmem_shared>> -> memref<640x128xf32, #tpu.memory_space<vmem_shared>>
      %dma_wait3A_23 = arith.constant 0 : i32
      %dma_wait3A_24 = arith.constant 0 : i32
      %dma_wait3A_25 = tpu.memref_slice %arg8[%dma_wait3A_23, %dma_wait3A_24] : memref<640x128xf32, #tpu.memory_space<hbm>> -> memref<640x128xf32, #tpu.memory_space<hbm>>
      tpu.wait_dma2 semaphore(%run_scoped3A : memref<!tpu.dma_semaphore, #tpu.memory_space<semaphore_mem>>) src(%dma_wait3A_25 : memref<640x128xf32, #tpu.memory_space<hbm>>) dst(%dma_wait3A_22 : memref<640x128xf32, #tpu.memory_space<vmem_shared>>)
      tpu.yield
    }) : () -> ()
    %barrier3A = arith.constant 0 : index
    tpu.barrier barrier_id(%barrier3A)
    %scan3A = arith.constant 0 : i32
    %scan3A_3 = arith.constant 0 : i32
    %scan3A_4 = arith.constant 79 : i32
    %scan3A_5 = arith.addi %scan3A_3, %scan3A_4 : i32
    %scan3A_6 = arith.constant 1 : i32
    scf.for %scan3A_18 = %scan3A_3 to %scan3A_5 step %scan3A_6  : i32 {
      %mul3A_19 = arith.constant 10112 : i32
      %mul3A_20 = arith.muli %add3A, %mul3A_19 : i32
      %mul3A_21 = arith.constant 128 : i32
      %mul3A_22 = arith.muli %scan3A_18, %mul3A_21 : i32
      %add3A_23 = arith.addi %mul3A_20, %mul3A_22 : i32
      "tpu.region"() ({
        %run_scoped3A = tpu.sem_alloc : memref<!tpu.dma_semaphore, #tpu.memory_space<semaphore_mem>>
        %dma_start3A_182 = tpu.memref_slice %arg3[%add3A_23] : memref<323584xi32, #tpu.memory_space<hbm>> -> memref<128xi32, #tpu.memory_space<hbm>>
        %dma_start3A_183 = tpu.memref_slice %arg3[%add3A_23] : memref<323584xi32, #tpu.memory_space<hbm>> -> memref<128xi32, #tpu.memory_space<hbm>>
        tpu.enqueue_dma source(%dma_start3A_183 : memref<128xi32, #tpu.memory_space<hbm>>) target(%arg12 : memref<128xi32, #tpu.memory_space<vmem>>) target_semaphore(%run_scoped3A : memref<!tpu.dma_semaphore, #tpu.memory_space<semaphore_mem>>)
        %dma_wait3A_184 = tpu.memref_slice %arg3[%add3A_23] : memref<323584xi32, #tpu.memory_space<hbm>> -> memref<128xi32, #tpu.memory_space<hbm>>
        %dma_wait3A_185 = tpu.memref_slice %arg3[%add3A_23] : memref<323584xi32, #tpu.memory_space<hbm>> -> memref<128xi32, #tpu.memory_space<hbm>>
        tpu.wait_dma2 semaphore(%run_scoped3A : memref<!tpu.dma_semaphore, #tpu.memory_space<semaphore_mem>>) src(%dma_wait3A_185 : memref<128xi32, #tpu.memory_space<hbm>>) dst(%arg12 : memref<128xi32, #tpu.memory_space<vmem>>)
        tpu.yield
      }) : () -> ()
      "tpu.region"() ({
        %run_scoped3A = tpu.sem_alloc : memref<!tpu.dma_semaphore, #tpu.memory_space<semaphore_mem>>
        %dma_start3A_182 = tpu.memref_slice %arg4[%add3A_23] : memref<323584xi32, #tpu.memory_space<hbm>> -> memref<128xi32, #tpu.memory_space<hbm>>
        %dma_start3A_183 = tpu.memref_slice %arg4[%add3A_23] : memref<323584xi32, #tpu.memory_space<hbm>> -> memref<128xi32, #tpu.memory_space<hbm>>
        tpu.enqueue_dma source(%dma_start3A_183 : memref<128xi32, #tpu.memory_space<hbm>>) target(%arg13 : memref<128xi32, #tpu.memory_space<vmem>>) target_semaphore(%run_scoped3A : memref<!tpu.dma_semaphore, #tpu.memory_space<semaphore_mem>>)
        %dma_wait3A_184 = tpu.memref_slice %arg4[%add3A_23] : memref<323584xi32, #tpu.memory_space<hbm>> -> memref<128xi32, #tpu.memory_space<hbm>>
        %dma_wait3A_185 = tpu.memref_slice %arg4[%add3A_23] : memref<323584xi32, #tpu.memory_space<hbm>> -> memref<128xi32, #tpu.memory_space<hbm>>
        tpu.wait_dma2 semaphore(%run_scoped3A : memref<!tpu.dma_semaphore, #tpu.memory_space<semaphore_mem>>) src(%dma_wait3A_185 : memref<128xi32, #tpu.memory_space<hbm>>) dst(%arg13 : memref<128xi32, #tpu.memory_space<vmem>>)
        tpu.yield
      }) : () -> ()
      "tpu.region"() ({
        %run_scoped3A = tpu.sem_alloc : memref<!tpu.dma_semaphore, #tpu.memory_space<semaphore_mem>>
        %dma_start3A_182 = tpu.memref_slice %arg5[%add3A_23] : memref<323584xf32, #tpu.memory_space<hbm>> -> memref<128xf32, #tpu.memory_space<hbm>>
        %dma_start3A_183 = tpu.memref_slice %arg5[%add3A_23] : memref<323584xf32, #tpu.memory_space<hbm>> -> memref<128xf32, #tpu.memory_space<hbm>>
        tpu.enqueue_dma source(%dma_start3A_183 : memref<128xf32, #tpu.memory_space<hbm>>) target(%arg14 : memref<128xf32, #tpu.memory_space<vmem>>) target_semaphore(%run_scoped3A : memref<!tpu.dma_semaphore, #tpu.memory_space<semaphore_mem>>)
        %dma_wait3A_184 = tpu.memref_slice %arg5[%add3A_23] : memref<323584xf32, #tpu.memory_space<hbm>> -> memref<128xf32, #tpu.memory_space<hbm>>
        %dma_wait3A_185 = tpu.memref_slice %arg5[%add3A_23] : memref<323584xf32, #tpu.memory_space<hbm>> -> memref<128xf32, #tpu.memory_space<hbm>>
        tpu.wait_dma2 semaphore(%run_scoped3A : memref<!tpu.dma_semaphore, #tpu.memory_space<semaphore_mem>>) src(%dma_wait3A_185 : memref<128xf32, #tpu.memory_space<hbm>>) dst(%arg14 : memref<128xf32, #tpu.memory_space<vmem>>)
        tpu.yield
      }) : () -> ()
      %dma_start3A = arith.constant 0 : i32
      %dma_start3A_24 = arith.constant 0 : i32
      %dma_start3A_25 = tpu.memref_slice %arg2[%dma_start3A, %dma_start3A_24] : memref<10240x128xf32, #tpu.memory_space<hbm>> -> memref<10240x128xf32, #tpu.memory_space<hbm>>
      tpu.enqueue_indirect_dma source(%dma_start3A_25 : memref<10240x128xf32, #tpu.memory_space<hbm>>) target(%arg18 : memref<128x128xf32, #tpu.memory_space<vmem>>) offsets(%arg12 : memref<128xi32, #tpu.memory_space<vmem>>) semaphore(%arg20 : memref<!tpu.dma_semaphore, #tpu.memory_space<semaphore_mem>>)
      %dma_wait3A = arith.constant 0 : i32
      %dma_wait3A_26 = arith.constant 0 : i32
      %dma_wait3A_27 = tpu.memref_slice %arg2[%dma_wait3A, %dma_wait3A_26] : memref<10240x128xf32, #tpu.memory_space<hbm>> -> memref<10240x128xf32, #tpu.memory_space<hbm>>
      tpu.wait_indirect_dma semaphore(%arg20 : memref<!tpu.dma_semaphore, #tpu.memory_space<semaphore_mem>>) src(%dma_wait3A_27 : memref<10240x128xf32, #tpu.memory_space<hbm>>) dst(%arg18 : memref<128x128xf32, #tpu.memory_space<vmem>>)
      %dma_start3A_28 = arith.constant 0 : i32
      %dma_start3A_29 = tpu.memref_slice %arg6[%dma_start3A_28] : memref<10240xf32, #tpu.memory_space<hbm>> -> memref<10240xf32, #tpu.memory_space<hbm>>
      tpu.enqueue_indirect_dma source(%dma_start3A_29 : memref<10240xf32, #tpu.memory_space<hbm>>) target(%arg15 : memref<128xf32, #tpu.memory_space<vmem>>) offsets(%arg13 : memref<128xi32, #tpu.memory_space<vmem>>) semaphore(%arg20 : memref<!tpu.dma_semaphore, #tpu.memory_space<semaphore_mem>>)
      %dma_wait3A_30 = arith.constant 0 : i32
      %dma_wait3A_31 = tpu.memref_slice %arg6[%dma_wait3A_30] : memref<10240xf32, #tpu.memory_space<hbm>> -> memref<10240xf32, #tpu.memory_space<hbm>>
      tpu.wait_indirect_dma semaphore(%arg20 : memref<!tpu.dma_semaphore, #tpu.memory_space<semaphore_mem>>) src(%dma_wait3A_31 : memref<10240xf32, #tpu.memory_space<hbm>>) dst(%arg15 : memref<128xf32, #tpu.memory_space<vmem>>)
      %dma_start3A_32 = arith.constant 0 : i32
      %dma_start3A_33 = tpu.memref_slice %arg7[%dma_start3A_32] : memref<10240xf32, #tpu.memory_space<hbm>> -> memref<10240xf32, #tpu.memory_space<hbm>>
      tpu.enqueue_indirect_dma source(%dma_start3A_33 : memref<10240xf32, #tpu.memory_space<hbm>>) target(%arg16 : memref<128xf32, #tpu.memory_space<vmem>>) offsets(%arg13 : memref<128xi32, #tpu.memory_space<vmem>>) semaphore(%arg20 : memref<!tpu.dma_semaphore, #tpu.memory_space<semaphore_mem>>)
      %dma_wait3A_34 = arith.constant 0 : i32
      %dma_wait3A_35 = tpu.memref_slice %arg7[%dma_wait3A_34] : memref<10240xf32, #tpu.memory_space<hbm>> -> memref<10240xf32, #tpu.memory_space<hbm>>
      tpu.wait_indirect_dma semaphore(%arg20 : memref<!tpu.dma_semaphore, #tpu.memory_space<semaphore_mem>>) src(%dma_wait3A_35 : memref<10240xf32, #tpu.memory_space<hbm>>) dst(%arg16 : memref<128xf32, #tpu.memory_space<vmem>>)
      %get3A = arith.constant 0 : index
      %get3A_36 = tpu.vector_load %arg15[%get3A] {strides = array<i32>} : memref<128xf32, #tpu.memory_space<vmem>>, vector<16xf32>,
      %get3A_37 = vector.shape_cast %get3A_36 : vector<16xf32> to vector<16xf32>
      %get3A_38 = arith.constant 0 : index
      %get3A_39 = tpu.vector_load %arg16[%get3A_38] {strides = array<i32>} : memref<128xf32, #tpu.memory_space<vmem>>, vector<16xf32>,
      %get3A_40 = vector.shape_cast %get3A_39 : vector<16xf32> to vector<16xf32>
      %add3A_41 = arith.addf %get3A_37, %get3A_40 : vector<16xf32>
      %get3A_42 = arith.constant 0 : index
      %get3A_43 = tpu.vector_load %arg14[%get3A_42] {strides = array<i32>} : memref<128xf32, #tpu.memory_space<vmem>>, vector<16xf32>,
      %get3A_44 = vector.shape_cast %get3A_43 : vector<16xf32> to vector<16xf32>
      %max3A = arith.constant 9.99999996E-13 : f32
      %max3A_45 = vector.broadcast %max3A : f32 to vector<16xf32>
      %max3A_46 = arith.maximumf %add3A_41, %max3A_45 : vector<16xf32>
      %div3A = arith.divf %get3A_44, %max3A_46 : vector<16xf32>
      %swap3A = arith.constant 0 : index
      %swap3A_47 = tpu.vector_load %arg17[%swap3A] {strides = array<i32>} : memref<128xf32, #tpu.memory_space<vmem>>, vector<16xf32>,
      %swap3A_48 = vector.shape_cast %swap3A_47 : vector<16xf32> to vector<16xf32>
      %swap3A_49 = vector.shape_cast %div3A : vector<16xf32> to vector<16xf32>
      tpu.vector_store %arg17[%swap3A], %swap3A_49 {strides = array<i32>} : memref<128xf32, #tpu.memory_space<vmem>>, vector<16xf32>,
      %get3A_50 = arith.constant 16 : index
      %get3A_51 = tpu.vector_load %arg15[%get3A_50] {strides = array<i32>} : memref<128xf32, #tpu.memory_space<vmem>>, vector<16xf32>,
      %get3A_52 = vector.shape_cast %get3A_51 : vector<16xf32> to vector<16xf32>
      %get3A_53 = arith.constant 16 : index
      %get3A_54 = tpu.vector_load %arg16[%get3A_53] {strides = array<i32>} : memref<128xf32, #tpu.memory_space<vmem>>, vector<16xf32>,
      %get3A_55 = vector.shape_cast %get3A_54 : vector<16xf32> to vector<16xf32>
      %add3A_56 = arith.addf %get3A_52, %get3A_55 : vector<16xf32>
      %get3A_57 = arith.constant 16 : index
      %get3A_58 = tpu.vector_load %arg14[%get3A_57] {strides = array<i32>} : memref<128xf32, #tpu.memory_space<vmem>>, vector<16xf32>,
      %get3A_59 = vector.shape_cast %get3A_58 : vector<16xf32> to vector<16xf32>
      %max3A_60 = arith.constant 9.99999996E-13 : f32
      %max3A_61 = vector.broadcast %max3A_60 : f32 to vector<16xf32>
      %max3A_62 = arith.maximumf %add3A_56, %max3A_61 : vector<16xf32>
      %div3A_63 = arith.divf %get3A_59, %max3A_62 : vector<16xf32>
      %swap3A_64 = arith.constant 16 : index
      %swap3A_65 = tpu.vector_load %arg17[%swap3A_64] {strides = array<i32>} : memref<128xf32, #tpu.memory_space<vmem>>, vector<16xf32>,
      %swap3A_66 = vector.shape_cast %swap3A_65 : vector<16xf32> to vector<16xf32>
      %swap3A_67 = vector.shape_cast %div3A_63 : vector<16xf32> to vector<16xf32>
      tpu.vector_store %arg17[%swap3A_64], %swap3A_67 {strides = array<i32>} : memref<128xf32, #tpu.memory_space<vmem>>, vector<16xf32>,
      %get3A_68 = arith.constant 32 : index
      %get3A_69 = tpu.vector_load %arg15[%get3A_68] {strides = array<i32>} : memref<128xf32, #tpu.memory_space<vmem>>, vector<16xf32>,
      %get3A_70 = vector.shape_cast %get3A_69 : vector<16xf32> to vector<16xf32>
      %get3A_71 = arith.constant 32 : index
      %get3A_72 = tpu.vector_load %arg16[%get3A_71] {strides = array<i32>} : memref<128xf32, #tpu.memory_space<vmem>>, vector<16xf32>,
      %get3A_73 = vector.shape_cast %get3A_72 : vector<16xf32> to vector<16xf32>
      %add3A_74 = arith.addf %get3A_70, %get3A_73 : vector<16xf32>
      %get3A_75 = arith.constant 32 : index
      %get3A_76 = tpu.vector_load %arg14[%get3A_75] {strides = array<i32>} : memref<128xf32, #tpu.memory_space<vmem>>, vector<16xf32>,
      %get3A_77 = vector.shape_cast %get3A_76 : vector<16xf32> to vector<16xf32>
      %max3A_78 = arith.constant 9.99999996E-13 : f32
      %max3A_79 = vector.broadcast %max3A_78 : f32 to vector<16xf32>
      %max3A_80 = arith.maximumf %add3A_74, %max3A_79 : vector<16xf32>
      %div3A_81 = arith.divf %get3A_77, %max3A_80 : vector<16xf32>
      %swap3A_82 = arith.constant 32 : index
      %swap3A_83 = tpu.vector_load %arg17[%swap3A_82] {strides = array<i32>} : memref<128xf32, #tpu.memory_space<vmem>>, vector<16xf32>,
      %swap3A_84 = vector.shape_cast %swap3A_83 : vector<16xf32> to vector<16xf32>
      %swap3A_85 = vector.shape_cast %div3A_81 : vector<16xf32> to vector<16xf32>
      tpu.vector_store %arg17[%swap3A_82], %swap3A_85 {strides = array<i32>} : memref<128xf32, #tpu.memory_space<vmem>>, vector<16xf32>,
      %get3A_86 = arith.constant 48 : index
      %get3A_87 = tpu.vector_load %arg15[%get3A_86] {strides = array<i32>} : memref<128xf32, #tpu.memory_space<vmem>>, vector<16xf32>,
      %get3A_88 = vector.shape_cast %get3A_87 : vector<16xf32> to vector<16xf32>
      %get3A_89 = arith.constant 48 : index
      %get3A_90 = tpu.vector_load %arg16[%get3A_89] {strides = array<i32>} : memref<128xf32, #tpu.memory_space<vmem>>, vector<16xf32>,
      %get3A_91 = vector.shape_cast %get3A_90 : vector<16xf32> to vector<16xf32>
      %add3A_92 = arith.addf %get3A_88, %get3A_91 : vector<16xf32>
      %get3A_93 = arith.constant 48 : index
      %get3A_94 = tpu.vector_load %arg14[%get3A_93] {strides = array<i32>} : memref<128xf32, #tpu.memory_space<vmem>>, vector<16xf32>,
      %get3A_95 = vector.shape_cast %get3A_94 : vector<16xf32> to vector<16xf32>
      %max3A_96 = arith.constant 9.99999996E-13 : f32
      %max3A_97 = vector.broadcast %max3A_96 : f32 to vector<16xf32>
      %max3A_98 = arith.maximumf %add3A_92, %max3A_97 : vector<16xf32>
      %div3A_99 = arith.divf %get3A_95, %max3A_98 : vector<16xf32>
      %swap3A_100 = arith.constant 48 : index
      %swap3A_101 = tpu.vector_load %arg17[%swap3A_100] {strides = array<i32>} : memref<128xf32, #tpu.memory_space<vmem>>, vector<16xf32>,
      %swap3A_102 = vector.shape_cast %swap3A_101 : vector<16xf32> to vector<16xf32>
      %swap3A_103 = vector.shape_cast %div3A_99 : vector<16xf32> to vector<16xf32>
      tpu.vector_store %arg17[%swap3A_100], %swap3A_103 {strides = array<i32>} : memref<128xf32, #tpu.memory_space<vmem>>, vector<16xf32>,
      %get3A_104 = arith.constant 64 : index
      %get3A_105 = tpu.vector_load %arg15[%get3A_104] {strides = array<i32>} : memref<128xf32, #tpu.memory_space<vmem>>, vector<16xf32>,
      %get3A_106 = vector.shape_cast %get3A_105 : vector<16xf32> to vector<16xf32>
      %get3A_107 = arith.constant 64 : index
      %get3A_108 = tpu.vector_load %arg16[%get3A_107] {strides = array<i32>} : memref<128xf32, #tpu.memory_space<vmem>>, vector<16xf32>,
      %get3A_109 = vector.shape_cast %get3A_108 : vector<16xf32> to vector<16xf32>
      %add3A_110 = arith.addf %get3A_106, %get3A_109 : vector<16xf32>
      %get3A_111 = arith.constant 64 : index
      %get3A_112 = tpu.vector_load %arg14[%get3A_111] {strides = array<i32>} : memref<128xf32, #tpu.memory_space<vmem>>, vector<16xf32>,
      %get3A_113 = vector.shape_cast %get3A_112 : vector<16xf32> to vector<16xf32>
      %max3A_114 = arith.constant 9.99999996E-13 : f32
      %max3A_115 = vector.broadcast %max3A_114 : f32 to vector<16xf32>
      %max3A_116 = arith.maximumf %add3A_110, %max3A_115 : vector<16xf32>
      %div3A_117 = arith.divf %get3A_113, %max3A_116 : vector<16xf32>
      %swap3A_118 = arith.constant 64 : index
      %swap3A_119 = tpu.vector_load %arg17[%swap3A_118] {strides = array<i32>} : memref<128xf32, #tpu.memory_space<vmem>>, vector<16xf32>,
      %swap3A_120 = vector.shape_cast %swap3A_119 : vector<16xf32> to vector<16xf32>
      %swap3A_121 = vector.shape_cast %div3A_117 : vector<16xf32> to vector<16xf32>
      tpu.vector_store %arg17[%swap3A_118], %swap3A_121 {strides = array<i32>} : memref<128xf32, #tpu.memory_space<vmem>>, vector<16xf32>,
      %get3A_122 = arith.constant 80 : index
      %get3A_123 = tpu.vector_load %arg15[%get3A_122] {strides = array<i32>} : memref<128xf32, #tpu.memory_space<vmem>>, vector<16xf32>,
      %get3A_124 = vector.shape_cast %get3A_123 : vector<16xf32> to vector<16xf32>
      %get3A_125 = arith.constant 80 : index
      %get3A_126 = tpu.vector_load %arg16[%get3A_125] {strides = array<i32>} : memref<128xf32, #tpu.memory_space<vmem>>, vector<16xf32>,
      %get3A_127 = vector.shape_cast %get3A_126 : vector<16xf32> to vector<16xf32>
      %add3A_128 = arith.addf %get3A_124, %get3A_127 : vector<16xf32>
      %get3A_129 = arith.constant 80 : index
      %get3A_130 = tpu.vector_load %arg14[%get3A_129] {strides = array<i32>} : memref<128xf32, #tpu.memory_space<vmem>>, vector<16xf32>,
      %get3A_131 = vector.shape_cast %get3A_130 : vector<16xf32> to vector<16xf32>
      %max3A_132 = arith.constant 9.99999996E-13 : f32
      %max3A_133 = vector.broadcast %max3A_132 : f32 to vector<16xf32>
      %max3A_134 = arith.maximumf %add3A_128, %max3A_133 : vector<16xf32>
      %div3A_135 = arith.divf %get3A_131, %max3A_134 : vector<16xf32>
      %swap3A_136 = arith.constant 80 : index
      %swap3A_137 = tpu.vector_load %arg17[%swap3A_136] {strides = array<i32>} : memref<128xf32, #tpu.memory_space<vmem>>, vector<16xf32>,
      %swap3A_138 = vector.shape_cast %swap3A_137 : vector<16xf32> to vector<16xf32>
      %swap3A_139 = vector.shape_cast %div3A_135 : vector<16xf32> to vector<16xf32>
      tpu.vector_store %arg17[%swap3A_136], %swap3A_139 {strides = array<i32>} : memref<128xf32, #tpu.memory_space<vmem>>, vector<16xf32>,
      %get3A_140 = arith.constant 96 : index
      %get3A_141 = tpu.vector_load %arg15[%get3A_140] {strides = array<i32>} : memref<128xf32, #tpu.memory_space<vmem>>, vector<16xf32>,
      %get3A_142 = vector.shape_cast %get3A_141 : vector<16xf32> to vector<16xf32>
      %get3A_143 = arith.constant 96 : index
      %get3A_144 = tpu.vector_load %arg16[%get3A_143] {strides = array<i32>} : memref<128xf32, #tpu.memory_space<vmem>>, vector<16xf32>,
      %get3A_145 = vector.shape_cast %get3A_144 : vector<16xf32> to vector<16xf32>
      %add3A_146 = arith.addf %get3A_142, %get3A_145 : vector<16xf32>
      %get3A_147 = arith.constant 96 : index
      %get3A_148 = tpu.vector_load %arg14[%get3A_147] {strides = array<i32>} : memref<128xf32, #tpu.memory_space<vmem>>, vector<16xf32>,
      %get3A_149 = vector.shape_cast %get3A_148 : vector<16xf32> to vector<16xf32>
      %max3A_150 = arith.constant 9.99999996E-13 : f32
      %max3A_151 = vector.broadcast %max3A_150 : f32 to vector<16xf32>
      %max3A_152 = arith.maximumf %add3A_146, %max3A_151 : vector<16xf32>
      %div3A_153 = arith.divf %get3A_149, %max3A_152 : vector<16xf32>
      %swap3A_154 = arith.constant 96 : index
      %swap3A_155 = tpu.vector_load %arg17[%swap3A_154] {strides = array<i32>} : memref<128xf32, #tpu.memory_space<vmem>>, vector<16xf32>,
      %swap3A_156 = vector.shape_cast %swap3A_155 : vector<16xf32> to vector<16xf32>
      %swap3A_157 = vector.shape_cast %div3A_153 : vector<16xf32> to vector<16xf32>
      tpu.vector_store %arg17[%swap3A_154], %swap3A_157 {strides = array<i32>} : memref<128xf32, #tpu.memory_space<vmem>>, vector<16xf32>,
      %get3A_158 = arith.constant 112 : index
      %get3A_159 = tpu.vector_load %arg15[%get3A_158] {strides = array<i32>} : memref<128xf32, #tpu.memory_space<vmem>>, vector<16xf32>,
      %get3A_160 = vector.shape_cast %get3A_159 : vector<16xf32> to vector<16xf32>
      %get3A_161 = arith.constant 112 : index
      %get3A_162 = tpu.vector_load %arg16[%get3A_161] {strides = array<i32>} : memref<128xf32, #tpu.memory_space<vmem>>, vector<16xf32>,
      %get3A_163 = vector.shape_cast %get3A_162 : vector<16xf32> to vector<16xf32>
      %add3A_164 = arith.addf %get3A_160, %get3A_163 : vector<16xf32>
      %get3A_165 = arith.constant 112 : index
      %get3A_166 = tpu.vector_load %arg14[%get3A_165] {strides = array<i32>} : memref<128xf32, #tpu.memory_space<vmem>>, vector<16xf32>,
      %get3A_167 = vector.shape_cast %get3A_166 : vector<16xf32> to vector<16xf32>
      %max3A_168 = arith.constant 9.99999996E-13 : f32
      %max3A_169 = vector.broadcast %max3A_168 : f32 to vector<16xf32>
      %max3A_170 = arith.maximumf %add3A_164, %max3A_169 : vector<16xf32>
      %div3A_171 = arith.divf %get3A_167, %max3A_170 : vector<16xf32>
      %swap3A_172 = arith.constant 112 : index
      %swap3A_173 = tpu.vector_load %arg17[%swap3A_172] {strides = array<i32>} : memref<128xf32, #tpu.memory_space<vmem>>, vector<16xf32>,
      %swap3A_174 = vector.shape_cast %swap3A_173 : vector<16xf32> to vector<16xf32>
      %swap3A_175 = vector.shape_cast %div3A_171 : vector<16xf32> to vector<16xf32>
      tpu.vector_store %arg17[%swap3A_172], %swap3A_175 {strides = array<i32>} : memref<128xf32, #tpu.memory_space<vmem>>, vector<16xf32>,
      "tpu.region"() ({
        %run_scoped3A = tpu.sem_alloc : memref<!tpu.dma_semaphore, #tpu.memory_space<semaphore_mem>>
        %dma_start3A_182 = tpu.memref_slice %arg11[%add3A_23] : memref<323584xf32, #tpu.memory_space<hbm>> -> memref<128xf32, #tpu.memory_space<hbm>>
        %dma_start3A_183 = tpu.memref_slice %arg11[%add3A_23] : memref<323584xf32, #tpu.memory_space<hbm>> -> memref<128xf32, #tpu.memory_space<hbm>>
        tpu.enqueue_dma source(%arg17 : memref<128xf32, #tpu.memory_space<vmem>>) target(%dma_start3A_183 : memref<128xf32, #tpu.memory_space<hbm>>) target_semaphore(%run_scoped3A : memref<!tpu.dma_semaphore, #tpu.memory_space<semaphore_mem>>)
        %dma_wait3A_184 = tpu.memref_slice %arg11[%add3A_23] : memref<323584xf32, #tpu.memory_space<hbm>> -> memref<128xf32, #tpu.memory_space<hbm>>
        %dma_wait3A_185 = tpu.memref_slice %arg11[%add3A_23] : memref<323584xf32, #tpu.memory_space<hbm>> -> memref<128xf32, #tpu.memory_space<hbm>>
        tpu.wait_dma2 semaphore(%run_scoped3A : memref<!tpu.dma_semaphore, #tpu.memory_space<semaphore_mem>>) src(%arg17 : memref<128xf32, #tpu.memory_space<vmem>>) dst(%dma_wait3A_185 : memref<128xf32, #tpu.memory_space<hbm>>)
        tpu.yield
      }) : () -> ()
      %scan3A_176 = arith.constant 0 : i32
      %scan3A_177 = arith.constant 0 : i32
      %scan3A_178 = arith.constant 8 : i32
      %scan3A_179 = arith.addi %scan3A_177, %scan3A_178 : i32
      %scan3A_180 = arith.constant 1 : i32
      scf.for %scan3A_182 = %scan3A_177 to %scan3A_179 step %scan3A_180  : i32 {
        %mul3A_183 = arith.constant 16 : i32
        %mul3A_184 = arith.muli %scan3A_182, %mul3A_183 : i32
        %get3A_185 = arith.index_cast %mul3A_184 : i32 to index
        %get3A_186 = tpu.vector_load %arg17[%get3A_185] {strides = array<i32>} : memref<128xf32, #tpu.memory_space<vmem>>, vector<16xf32>,
        %get3A_187 = vector.shape_cast %get3A_186 : vector<16xf32> to vector<16xf32>
        %broadcast_in_dim3A = arith.constant 0 : i32
        %broadcast_in_dim3A_188 = vector.broadcast %broadcast_in_dim3A : i32 to vector<16x1xi32>
        %gather3A = vector.shape_cast %broadcast_in_dim3A_188 : vector<16x1xi32> to vector<16xi32>
        %gather3A_189 = tpu.dynamic_gather %get3A_187[%gather3A] in [0] : vector<16xf32>, vector<16xi32> -> vector<16xf32>
        %mul3A_190 = arith.constant 16 : i32
        %mul3A_191 = arith.muli %scan3A_182, %mul3A_190 : i32
        %add3A_192 = arith.constant 0 : i32
        %add3A_193 = arith.addi %mul3A_191, %add3A_192 : i32
        %get3A_194 = arith.index_cast %add3A_193 : i32 to index
        %get3A_195 = arith.constant 0 : index
        %get3A_196 = tpu.vector_load %arg18[%get3A_194, %get3A_195] {strides = array<i32>} : memref<128x128xf32, #tpu.memory_space<vmem>>, vector<1x16xf32>,
        %get3A_197 = vector.shape_cast %get3A_196 : vector<1x16xf32> to vector<16xf32>
        %mul3A_198 = arith.mulf %get3A_197, %gather3A_189 : vector<16xf32>
        %swap3A_199 = arith.index_cast %add3A_193 : i32 to index
        %swap3A_200 = arith.constant 0 : index
        %swap3A_201 = tpu.vector_load %arg18[%swap3A_199, %swap3A_200] {strides = array<i32>} : memref<128x128xf32, #tpu.memory_space<vmem>>, vector<1x16xf32>,
        %swap3A_202 = vector.shape_cast %swap3A_201 : vector<1x16xf32> to vector<16xf32>
        %swap3A_203 = vector.shape_cast %mul3A_198 : vector<16xf32> to vector<1x16xf32>
        tpu.vector_store %arg18[%swap3A_199, %swap3A_200], %swap3A_203 {strides = array<i32>} : memref<128x128xf32, #tpu.memory_space<vmem>>, vector<1x16xf32>,
        %get3A_204 = arith.index_cast %add3A_193 : i32 to index
        %get3A_205 = arith.constant 16 : index
        %get3A_206 = tpu.vector_load %arg18[%get3A_204, %get3A_205] {strides = array<i32>} : memref<128x128xf32, #tpu.memory_space<vmem>>, vector<1x16xf32>,
        %get3A_207 = vector.shape_cast %get3A_206 : vector<1x16xf32> to vector<16xf32>
        %mul3A_208 = arith.mulf %get3A_207, %gather3A_189 : vector<16xf32>
        %swap3A_209 = arith.index_cast %add3A_193 : i32 to index
        %swap3A_210 = arith.constant 16 : index
        %swap3A_211 = tpu.vector_load %arg18[%swap3A_209, %swap3A_210] {strides = array<i32>} : memref<128x128xf32, #tpu.memory_space<vmem>>, vector<1x16xf32>,
        %swap3A_212 = vector.shape_cast %swap3A_211 : vector<1x16xf32> to vector<16xf32>
        %swap3A_213 = vector.shape_cast %mul3A_208 : vector<16xf32> to vector<1x16xf32>
        tpu.vector_store %arg18[%swap3A_209, %swap3A_210], %swap3A_213 {strides = array<i32>} : memref<128x128xf32, #tpu.memory_space<vmem>>, vector<1x16xf32>,
        %get3A_214 = arith.index_cast %add3A_193 : i32 to index
        %get3A_215 = arith.constant 32 : index
        %get3A_216 = tpu.vector_load %arg18[%get3A_214, %get3A_215] {strides = array<i32>} : memref<128x128xf32, #tpu.memory_space<vmem>>, vector<1x16xf32>,
        %get3A_217 = vector.shape_cast %get3A_216 : vector<1x16xf32> to vector<16xf32>
        %mul3A_218 = arith.mulf %get3A_217, %gather3A_189 : vector<16xf32>
        %swap3A_219 = arith.index_cast %add3A_193 : i32 to index
        %swap3A_220 = arith.constant 32 : index
        %swap3A_221 = tpu.vector_load %arg18[%swap3A_219, %swap3A_220] {strides = array<i32>} : memref<128x128xf32, #tpu.memory_space<vmem>>, vector<1x16xf32>,
        %swap3A_222 = vector.shape_cast %swap3A_221 : vector<1x16xf32> to vector<16xf32>
        %swap3A_223 = vector.shape_cast %mul3A_218 : vector<16xf32> to vector<1x16xf32>
        tpu.vector_store %arg18[%swap3A_219, %swap3A_220], %swap3A_223 {strides = array<i32>} : memref<128x128xf32, #tpu.memory_space<vmem>>, vector<1x16xf32>,
        %get3A_224 = arith.index_cast %add3A_193 : i32 to index
        %get3A_225 = arith.constant 48 : index
        %get3A_226 = tpu.vector_load %arg18[%get3A_224, %get3A_225] {strides = array<i32>} : memref<128x128xf32, #tpu.memory_space<vmem>>, vector<1x16xf32>,
        %get3A_227 = vector.shape_cast %get3A_226 : vector<1x16xf32> to vector<16xf32>
        %mul3A_228 = arith.mulf %get3A_227, %gather3A_189 : vector<16xf32>
        %swap3A_229 = arith.index_cast %add3A_193 : i32 to index
        %swap3A_230 = arith.constant 48 : index
        %swap3A_231 = tpu.vector_load %arg18[%swap3A_229, %swap3A_230] {strides = array<i32>} : memref<128x128xf32, #tpu.memory_space<vmem>>, vector<1x16xf32>,
        %swap3A_232 = vector.shape_cast %swap3A_231 : vector<1x16xf32> to vector<16xf32>
        %swap3A_233 = vector.shape_cast %mul3A_228 : vector<16xf32> to vector<1x16xf32>
        tpu.vector_store %arg18[%swap3A_229, %swap3A_230], %swap3A_233 {strides = array<i32>} : memref<128x128xf32, #tpu.memory_space<vmem>>, vector<1x16xf32>,
        %get3A_234 = arith.index_cast %add3A_193 : i32 to index
        %get3A_235 = arith.constant 64 : index
        %get3A_236 = tpu.vector_load %arg18[%get3A_234, %get3A_235] {strides = array<i32>} : memref<128x128xf32, #tpu.memory_space<vmem>>, vector<1x16xf32>,
        %get3A_237 = vector.shape_cast %get3A_236 : vector<1x16xf32> to vector<16xf32>
        %mul3A_238 = arith.mulf %get3A_237, %gather3A_189 : vector<16xf32>
        %swap3A_239 = arith.index_cast %add3A_193 : i32 to index
        %swap3A_240 = arith.constant 64 : index
        %swap3A_241 = tpu.vector_load %arg18[%swap3A_239, %swap3A_240] {strides = array<i32>} : memref<128x128xf32, #tpu.memory_space<vmem>>, vector<1x16xf32>,
        %swap3A_242 = vector.shape_cast %swap3A_241 : vector<1x16xf32> to vector<16xf32>
        %swap3A_243 = vector.shape_cast %mul3A_238 : vector<16xf32> to vector<1x16xf32>
        tpu.vector_store %arg18[%swap3A_239, %swap3A_240], %swap3A_243 {strides = array<i32>} : memref<128x128xf32, #tpu.memory_space<vmem>>, vector<1x16xf32>,
        %get3A_244 = arith.index_cast %add3A_193 : i32 to index
        %get3A_245 = arith.constant 80 : index
        %get3A_246 = tpu.vector_load %arg18[%get3A_244, %get3A_245] {strides = array<i32>} : memref<128x128xf32, #tpu.memory_space<vmem>>, vector<1x16xf32>,
        %get3A_247 = vector.shape_cast %get3A_246 : vector<1x16xf32> to vector<16xf32>
        %mul3A_248 = arith.mulf %get3A_247, %gather3A_189 : vector<16xf32>
        %swap3A_249 = arith.index_cast %add3A_193 : i32 to index
        %swap3A_250 = arith.constant 80 : index
        %swap3A_251 = tpu.vector_load %arg18[%swap3A_249, %swap3A_250] {strides = array<i32>} : memref<128x128xf32, #tpu.memory_space<vmem>>, vector<1x16xf32>,
        %swap3A_252 = vector.shape_cast %swap3A_251 : vector<1x16xf32> to vector<16xf32>
        %swap3A_253 = vector.shape_cast %mul3A_248 : vector<16xf32> to vector<1x16xf32>
        tpu.vector_store %arg18[%swap3A_249, %swap3A_250], %swap3A_253 {strides = array<i32>} : memref<128x128xf32, #tpu.memory_space<vmem>>, vector<1x16xf32>,
        %get3A_254 = arith.index_cast %add3A_193 : i32 to index
        %get3A_255 = arith.constant 96 : index
        %get3A_256 = tpu.vector_load %arg18[%get3A_254, %get3A_255] {strides = array<i32>} : memref<128x128xf32, #tpu.memory_space<vmem>>, vector<1x16xf32>,
        %get3A_257 = vector.shape_cast %get3A_256 : vector<1x16xf32> to vector<16xf32>
        %mul3A_258 = arith.mulf %get3A_257, %gather3A_189 : vector<16xf32>
        %swap3A_259 = arith.index_cast %add3A_193 : i32 to index
        %swap3A_260 = arith.constant 96 : index
        %swap3A_261 = tpu.vector_load %arg18[%swap3A_259, %swap3A_260] {strides = array<i32>} : memref<128x128xf32, #tpu.memory_space<vmem>>, vector<1x16xf32>,
        %swap3A_262 = vector.shape_cast %swap3A_261 : vector<1x16xf32> to vector<16xf32>
        %swap3A_263 = vector.shape_cast %mul3A_258 : vector<16xf32> to vector<1x16xf32>
        tpu.vector_store %arg18[%swap3A_259, %swap3A_260], %swap3A_263 {strides = array<i32>} : memref<128x128xf32, #tpu.memory_space<vmem>>, vector<1x16xf32>,
        %get3A_264 = arith.index_cast %add3A_193 : i32 to index
        %get3A_265 = arith.constant 112 : index
        %get3A_266 = tpu.vector_load %arg18[%get3A_264, %get3A_265] {strides = array<i32>} : memref<128x128xf32, #tpu.memory_space<vmem>>, vector<1x16xf32>,
        %get3A_267 = vector.shape_cast %get3A_266 : vector<1x16xf32> to vector<16xf32>
        %mul3A_268 = arith.mulf %get3A_267, %gather3A_189 : vector<16xf32>
        %swap3A_269 = arith.index_cast %add3A_193 : i32 to index
        %swap3A_270 = arith.constant 112 : index
        %swap3A_271 = tpu.vector_load %arg18[%swap3A_269, %swap3A_270] {strides = array<i32>} : memref<128x128xf32, #tpu.memory_space<vmem>>, vector<1x16xf32>,
        %swap3A_272 = vector.shape_cast %swap3A_271 : vector<1x16xf32> to vector<16xf32>
        %swap3A_273 = vector.shape_cast %mul3A_268 : vector<16xf32> to vector<1x16xf32>
        tpu.vector_store %arg18[%swap3A_269, %swap3A_270], %swap3A_273 {strides = array<i32>} : memref<128x128xf32, #tpu.memory_space<vmem>>, vector<1x16xf32>,
        %broadcast_in_dim3A_274 = arith.constant 1 : i32
        %broadcast_in_dim3A_275 = vector.broadcast %broadcast_in_dim3A_274 : i32 to vector<16x1xi32>
        %gather3A_276 = vector.shape_cast %broadcast_in_dim3A_275 : vector<16x1xi32> to vector<16xi32>
        %gather3A_277 = tpu.dynamic_gather %get3A_187[%gather3A_276] in [0] : vector<16xf32>, vector<16xi32> -> vector<16xf32>
        %mul3A_278 = arith.constant 16 : i32
        %mul3A_279 = arith.muli %scan3A_182, %mul3A_278 : i32
        %add3A_280 = arith.constant 1 : i32
        %add3A_281 = arith.addi %mul3A_279, %add3A_280 : i32
        %get3A_282 = arith.index_cast %add3A_281 : i32 to index
        %get3A_283 = arith.constant 0 : index
        %get3A_284 = tpu.vector_load %arg18[%get3A_282, %get3A_283] {strides = array<i32>} : memref<128x128xf32, #tpu.memory_space<vmem>>, vector<1x16xf32>,
        %get3A_285 = vector.shape_cast %get3A_284 : vector<1x16xf32> to vector<16xf32>
        %mul3A_286 = arith.mulf %get3A_285, %gather3A_277 : vector<16xf32>
        %swap3A_287 = arith.index_cast %add3A_281 : i32 to index
        %swap3A_288 = arith.constant 0 : index
        %swap3A_289 = tpu.vector_load %arg18[%swap3A_287, %swap3A_288] {strides = array<i32>} : memref<128x128xf32, #tpu.memory_space<vmem>>, vector<1x16xf32>,
        %swap3A_290 = vector.shape_cast %swap3A_289 : vector<1x16xf32> to vector<16xf32>
        %swap3A_291 = vector.shape_cast %mul3A_286 : vector<16xf32> to vector<1x16xf32>
        tpu.vector_store %arg18[%swap3A_287, %swap3A_288], %swap3A_291 {strides = array<i32>} : memref<128x128xf32, #tpu.memory_space<vmem>>, vector<1x16xf32>,
        %get3A_292 = arith.index_cast %add3A_281 : i32 to index
        %get3A_293 = arith.constant 16 : index
        %get3A_294 = tpu.vector_load %arg18[%get3A_292, %get3A_293] {strides = array<i32>} : memref<128x128xf32, #tpu.memory_space<vmem>>, vector<1x16xf32>,
        %get3A_295 = vector.shape_cast %get3A_294 : vector<1x16xf32> to vector<16xf32>
        %mul3A_296 = arith.mulf %get3A_295, %gather3A_277 : vector<16xf32>
        %swap3A_297 = arith.index_cast %add3A_281 : i32 to index
        %swap3A_298 = arith.constant 16 : index
        %swap3A_299 = tpu.vector_load %arg18[%swap3A_297, %swap3A_298] {strides = array<i32>} : memref<128x128xf32, #tpu.memory_space<vmem>>, vector<1x16xf32>,
        %swap3A_300 = vector.shape_cast %swap3A_299 : vector<1x16xf32> to vector<16xf32>
        %swap3A_301 = vector.shape_cast %mul3A_296 : vector<16xf32> to vector<1x16xf32>
        tpu.vector_store %arg18[%swap3A_297, %swap3A_298], %swap3A_301 {strides = array<i32>} : memref<128x128xf32, #tpu.memory_space<vmem>>, vector<1x16xf32>,
        %get3A_302 = arith.index_cast %add3A_281 : i32 to index
        %get3A_303 = arith.constant 32 : index
        %get3A_304 = tpu.vector_load %arg18[%get3A_302, %get3A_303] {strides = array<i32>} : memref<128x128xf32, #tpu.memory_space<vmem>>, vector<1x16xf32>,
        %get3A_305 = vector.shape_cast %get3A_304 : vector<1x16xf32> to vector<16xf32>
        %mul3A_306 = arith.mulf %get3A_305, %gather3A_277 : vector<16xf32>
        %swap3A_307 = arith.index_cast %add3A_281 : i32 to index
        %swap3A_308 = arith.constant 32 : index
        %swap3A_309 = tpu.vector_load %arg18[%swap3A_307, %swap3A_308] {strides = array<i32>} : memref<128x128xf32, #tpu.memory_space<vmem>>, vector<1x16xf32>,
        %swap3A_310 = vector.shape_cast %swap3A_309 : vector<1x16xf32> to vector<16xf32>
        %swap3A_311 = vector.shape_cast %mul3A_306 : vector<16xf32> to vector<1x16xf32>
        tpu.vector_store %arg18[%swap3A_307, %swap3A_308], %swap3A_311 {strides = array<i32>} : memref<128x128xf32, #tpu.memory_space<vmem>>, vector<1x16xf32>,
        %get3A_312 = arith.index_cast %add3A_281 : i32 to index
        %get3A_313 = arith.constant 48 : index
        %get3A_314 = tpu.vector_load %arg18[%get3A_312, %get3A_313] {strides = array<i32>} : memref<128x128xf32, #tpu.memory_space<vmem>>, vector<1x16xf32>,
        %get3A_315 = vector.shape_cast %get3A_314 : vector<1x16xf32> to vector<16xf32>
        %mul3A_316 = arith.mulf %get3A_315, %gather3A_277 : vector<16xf32>
        %swap3A_317 = arith.index_cast %add3A_281 : i32 to index
        %swap3A_318 = arith.constant 48 : index
        %swap3A_319 = tpu.vector_load %arg18[%swap3A_317, %swap3A_318] {strides = array<i32>} : memref<128x128xf32, #tpu.memory_space<vmem>>, vector<1x16xf32>,
        %swap3A_320 = vector.shape_cast %swap3A_319 : vector<1x16xf32> to vector<16xf32>
        %swap3A_321 = vector.shape_cast %mul3A_316 : vector<16xf32> to vector<1x16xf32>
        tpu.vector_store %arg18[%swap3A_317, %swap3A_318], %swap3A_321 {strides = array<i32>} : memref<128x128xf32, #tpu.memory_space<vmem>>, vector<1x16xf32>,
        %get3A_322 = arith.index_cast %add3A_281 : i32 to index
        %get3A_323 = arith.constant 64 : index
        %get3A_324 = tpu.vector_load %arg18[%get3A_322, %get3A_323] {strides = array<i32>} : memref<128x128xf32, #tpu.memory_space<vmem>>, vector<1x16xf32>,
        %get3A_325 = vector.shape_cast %get3A_324 : vector<1x16xf32> to vector<16xf32>
        %mul3A_326 = arith.mulf %get3A_325, %gather3A_277 : vector<16xf32>
        %swap3A_327 = arith.index_cast %add3A_281 : i32 to index
        %swap3A_328 = arith.constant 64 : index
        %swap3A_329 = tpu.vector_load %arg18[%swap3A_327, %swap3A_328] {strides = array<i32>} : memref<128x128xf32, #tpu.memory_space<vmem>>, vector<1x16xf32>,
        %swap3A_330 = vector.shape_cast %swap3A_329 : vector<1x16xf32> to vector<16xf32>
        %swap3A_331 = vector.shape_cast %mul3A_326 : vector<16xf32> to vector<1x16xf32>
        tpu.vector_store %arg18[%swap3A_327, %swap3A_328], %swap3A_331 {strides = array<i32>} : memref<128x128xf32, #tpu.memory_space<vmem>>, vector<1x16xf32>,
        %get3A_332 = arith.index_cast %add3A_281 : i32 to index
        %get3A_333 = arith.constant 80 : index
        %get3A_334 = tpu.vector_load %arg18[%get3A_332, %get3A_333] {strides = array<i32>} : memref<128x128xf32, #tpu.memory_space<vmem>>, vector<1x16xf32>,
        %get3A_335 = vector.shape_cast %get3A_334 : vector<1x16xf32> to vector<16xf32>
        %mul3A_336 = arith.mulf %get3A_335, %gather3A_277 : vector<16xf32>
        %swap3A_337 = arith.index_cast %add3A_281 : i32 to index
        %swap3A_338 = arith.constant 80 : index
        %swap3A_339 = tpu.vector_load %arg18[%swap3A_337, %swap3A_338] {strides = array<i32>} : memref<128x128xf32, #tpu.memory_space<vmem>>, vector<1x16xf32>,
        %swap3A_340 = vector.shape_cast %swap3A_339 : vector<1x16xf32> to vector<16xf32>
        %swap3A_341 = vector.shape_cast %mul3A_336 : vector<16xf32> to vector<1x16xf32>
        tpu.vector_store %arg18[%swap3A_337, %swap3A_338], %swap3A_341 {strides = array<i32>} : memref<128x128xf32, #tpu.memory_space<vmem>>, vector<1x16xf32>,
        %get3A_342 = arith.index_cast %add3A_281 : i32 to index
        %get3A_343 = arith.constant 96 : index
        %get3A_344 = tpu.vector_load %arg18[%get3A_342, %get3A_343] {strides = array<i32>} : memref<128x128xf32, #tpu.memory_space<vmem>>, vector<1x16xf32>,
        %get3A_345 = vector.shape_cast %get3A_344 : vector<1x16xf32> to vector<16xf32>
        %mul3A_346 = arith.mulf %get3A_345, %gather3A_277 : vector<16xf32>
        %swap3A_347 = arith.index_cast %add3A_281 : i32 to index
        %swap3A_348 = arith.constant 96 : index
        %swap3A_349 = tpu.vector_load %arg18[%swap3A_347, %swap3A_348] {strides = array<i32>} : memref<128x128xf32, #tpu.memory_space<vmem>>, vector<1x16xf32>,
        %swap3A_350 = vector.shape_cast %swap3A_349 : vector<1x16xf32> to vector<16xf32>
        %swap3A_351 = vector.shape_cast %mul3A_346 : vector<16xf32> to vector<1x16xf32>
        tpu.vector_store %arg18[%swap3A_347, %swap3A_348], %swap3A_351 {strides = array<i32>} : memref<128x128xf32, #tpu.memory_space<vmem>>, vector<1x16xf32>,
        %get3A_352 = arith.index_cast %add3A_281 : i32 to index
        %get3A_353 = arith.constant 112 : index
        %get3A_354 = tpu.vector_load %arg18[%get3A_352, %get3A_353] {strides = array<i32>} : memref<128x128xf32, #tpu.memory_space<vmem>>, vector<1x16xf32>,
        %get3A_355 = vector.shape_cast %get3A_354 : vector<1x16xf32> to vector<16xf32>
        %mul3A_356 = arith.mulf %get3A_355, %gather3A_277 : vector<16xf32>
        %swap3A_357 = arith.index_cast %add3A_281 : i32 to index
        %swap3A_358 = arith.constant 112 : index
        %swap3A_359 = tpu.vector_load %arg18[%swap3A_357, %swap3A_358] {strides = array<i32>} : memref<128x128xf32, #tpu.memory_space<vmem>>, vector<1x16xf32>,
        %swap3A_360 = vector.shape_cast %swap3A_359 : vector<1x16xf32> to vector<16xf32>
        %swap3A_361 = vector.shape_cast %mul3A_356 : vector<16xf32> to vector<1x16xf32>
        tpu.vector_store %arg18[%swap3A_357, %swap3A_358], %swap3A_361 {strides = array<i32>} : memref<128x128xf32, #tpu.memory_space<vmem>>, vector<1x16xf32>,
        %broadcast_in_dim3A_362 = arith.constant 2 : i32
        %broadcast_in_dim3A_363 = vector.broadcast %broadcast_in_dim3A_362 : i32 to vector<16x1xi32>
        %gather3A_364 = vector.shape_cast %broadcast_in_dim3A_363 : vector<16x1xi32> to vector<16xi32>
        %gather3A_365 = tpu.dynamic_gather %get3A_187[%gather3A_364] in [0] : vector<16xf32>, vector<16xi32> -> vector<16xf32>
        %mul3A_366 = arith.constant 16 : i32
        %mul3A_367 = arith.muli %scan3A_182, %mul3A_366 : i32
        %add3A_368 = arith.constant 2 : i32
        %add3A_369 = arith.addi %mul3A_367, %add3A_368 : i32
        %get3A_370 = arith.index_cast %add3A_369 : i32 to index
        %get3A_371 = arith.constant 0 : index
        %get3A_372 = tpu.vector_load %arg18[%get3A_370, %get3A_371] {strides = array<i32>} : memref<128x128xf32, #tpu.memory_space<vmem>>, vector<1x16xf32>,
        %get3A_373 = vector.shape_cast %get3A_372 : vector<1x16xf32> to vector<16xf32>
        %mul3A_374 = arith.mulf %get3A_373, %gather3A_365 : vector<16xf32>
        %swap3A_375 = arith.index_cast %add3A_369 : i32 to index
        %swap3A_376 = arith.constant 0 : index
        %swap3A_377 = tpu.vector_load %arg18[%swap3A_375, %swap3A_376] {strides = array<i32>} : memref<128x128xf32, #tpu.memory_space<vmem>>, vector<1x16xf32>,
        %swap3A_378 = vector.shape_cast %swap3A_377 : vector<1x16xf32> to vector<16xf32>
        %swap3A_379 = vector.shape_cast %mul3A_374 : vector<16xf32> to vector<1x16xf32>
        tpu.vector_store %arg18[%swap3A_375, %swap3A_376], %swap3A_379 {strides = array<i32>} : memref<128x128xf32, #tpu.memory_space<vmem>>, vector<1x16xf32>,
        %get3A_380 = arith.index_cast %add3A_369 : i32 to index
        %get3A_381 = arith.constant 16 : index
        %get3A_382 = tpu.vector_load %arg18[%get3A_380, %get3A_381] {strides = array<i32>} : memref<128x128xf32, #tpu.memory_space<vmem>>, vector<1x16xf32>,
        %get3A_383 = vector.shape_cast %get3A_382 : vector<1x16xf32> to vector<16xf32>
        %mul3A_384 = arith.mulf %get3A_383, %gather3A_365 : vector<16xf32>
        %swap3A_385 = arith.index_cast %add3A_369 : i32 to index
        %swap3A_386 = arith.constant 16 : index
        %swap3A_387 = tpu.vector_load %arg18[%swap3A_385, %swap3A_386] {strides = array<i32>} : memref<128x128xf32, #tpu.memory_space<vmem>>, vector<1x16xf32>,
        %swap3A_388 = vector.shape_cast %swap3A_387 : vector<1x16xf32> to vector<16xf32>
        %swap3A_389 = vector.shape_cast %mul3A_384 : vector<16xf32> to vector<1x16xf32>
        tpu.vector_store %arg18[%swap3A_385, %swap3A_386], %swap3A_389 {strides = array<i32>} : memref<128x128xf32, #tpu.memory_space<vmem>>, vector<1x16xf32>,
        %get3A_390 = arith.index_cast %add3A_369 : i32 to index
        %get3A_391 = arith.constant 32 : index
        %get3A_392 = tpu.vector_load %arg18[%get3A_390, %get3A_391] {strides = array<i32>} : memref<128x128xf32, #tpu.memory_space<vmem>>, vector<1x16xf32>,
        %get3A_393 = vector.shape_cast %get3A_392 : vector<1x16xf32> to vector<16xf32>
        %mul3A_394 = arith.mulf %get3A_393, %gather3A_365 : vector<16xf32>
        %swap3A_395 = arith.index_cast %add3A_369 : i32 to index
        %swap3A_396 = arith.constant 32 : index
        %swap3A_397 = tpu.vector_load %arg18[%swap3A_395, %swap3A_396] {strides = array<i32>} : memref<128x128xf32, #tpu.memory_space<vmem>>, vector<1x16xf32>,
        %swap3A_398 = vector.shape_cast %swap3A_397 : vector<1x16xf32> to vector<16xf32>
        %swap3A_399 = vector.shape_cast %mul3A_394 : vector<16xf32> to vector<1x16xf32>
        tpu.vector_store %arg18[%swap3A_395, %swap3A_396], %swap3A_399 {strides = array<i32>} : memref<128x128xf32, #tpu.memory_space<vmem>>, vector<1x16xf32>,
        %get3A_400 = arith.index_cast %add3A_369 : i32 to index
        %get3A_401 = arith.constant 48 : index
        %get3A_402 = tpu.vector_load %arg18[%get3A_400, %get3A_401] {strides = array<i32>} : memref<128x128xf32, #tpu.memory_space<vmem>>, vector<1x16xf32>,
        %get3A_403 = vector.shape_cast %get3A_402 : vector<1x16xf32> to vector<16xf32>
        %mul3A_404 = arith.mulf %get3A_403, %gather3A_365 : vector<16xf32>
        %swap3A_405 = arith.index_cast %add3A_369 : i32 to index
        %swap3A_406 = arith.constant 48 : index
        %swap3A_407 = tpu.vector_load %arg18[%swap3A_405, %swap3A_406] {strides = array<i32>} : memref<128x128xf32, #tpu.memory_space<vmem>>, vector<1x16xf32>,
        %swap3A_408 = vector.shape_cast %swap3A_407 : vector<1x16xf32> to vector<16xf32>
        %swap3A_409 = vector.shape_cast %mul3A_404 : vector<16xf32> to vector<1x16xf32>
        tpu.vector_store %arg18[%swap3A_405, %swap3A_406], %swap3A_409 {strides = array<i32>} : memref<128x128xf32, #tpu.memory_space<vmem>>, vector<1x16xf32>,
        %get3A_410 = arith.index_cast %add3A_369 : i32 to index
        %get3A_411 = arith.constant 64 : index
        %get3A_412 = tpu.vector_load %arg18[%get3A_410, %get3A_411] {strides = array<i32>} : memref<128x128xf32, #tpu.memory_space<vmem>>, vector<1x16xf32>,
        %get3A_413 = vector.shape_cast %get3A_412 : vector<1x16xf32> to vector<16xf32>
        %mul3A_414 = arith.mulf %get3A_413, %gather3A_365 : vector<16xf32>
        %swap3A_415 = arith.index_cast %add3A_369 : i32 to index
        %swap3A_416 = arith.constant 64 : index
        %swap3A_417 = tpu.vector_load %arg18[%swap3A_415, %swap3A_416] {strides = array<i32>} : memref<128x128xf32, #tpu.memory_space<vmem>>, vector<1x16xf32>,
        %swap3A_418 = vector.shape_cast %swap3A_417 : vector<1x16xf32> to vector<16xf32>
        %swap3A_419 = vector.shape_cast %mul3A_414 : vector<16xf32> to vector<1x16xf32>
        tpu.vector_store %arg18[%swap3A_415, %swap3A_416], %swap3A_419 {strides = array<i32>} : memref<128x128xf32, #tpu.memory_space<vmem>>, vector<1x16xf32>,
        %get3A_420 = arith.index_cast %add3A_369 : i32 to index
        %get3A_421 = arith.constant 80 : index
        %get3A_422 = tpu.vector_load %arg18[%get3A_420, %get3A_421] {strides = array<i32>} : memref<128x128xf32, #tpu.memory_space<vmem>>, vector<1x16xf32>,
        %get3A_423 = vector.shape_cast %get3A_422 : vector<1x16xf32> to vector<16xf32>
        %mul3A_424 = arith.mulf %get3A_423, %gather3A_365 : vector<16xf32>
        %swap3A_425 = arith.index_cast %add3A_369 : i32 to index
        %swap3A_426 = arith.constant 80 : index
        %swap3A_427 = tpu.vector_load %arg18[%swap3A_425, %swap3A_426] {strides = array<i32>} : memref<128x128xf32, #tpu.memory_space<vmem>>, vector<1x16xf32>,
        %swap3A_428 = vector.shape_cast %swap3A_427 : vector<1x16xf32> to vector<16xf32>
        %swap3A_429 = vector.shape_cast %mul3A_424 : vector<16xf32> to vector<1x16xf32>
        tpu.vector_store %arg18[%swap3A_425, %swap3A_426], %swap3A_429 {strides = array<i32>} : memref<128x128xf32, #tpu.memory_space<vmem>>, vector<1x16xf32>,
        %get3A_430 = arith.index_cast %add3A_369 : i32 to index
        %get3A_431 = arith.constant 96 : index
        %get3A_432 = tpu.vector_load %arg18[%get3A_430, %get3A_431] {strides = array<i32>} : memref<128x128xf32, #tpu.memory_space<vmem>>, vector<1x16xf32>,
        %get3A_433 = vector.shape_cast %get3A_432 : vector<1x16xf32> to vector<16xf32>
        %mul3A_434 = arith.mulf %get3A_433, %gather3A_365 : vector<16xf32>
        %swap3A_435 = arith.index_cast %add3A_369 : i32 to index
        %swap3A_436 = arith.constant 96 : index
        %swap3A_437 = tpu.vector_load %arg18[%swap3A_435, %swap3A_436] {strides = array<i32>} : memref<128x128xf32, #tpu.memory_space<vmem>>, vector<1x16xf32>,
        %swap3A_438 = vector.shape_cast %swap3A_437 : vector<1x16xf32> to vector<16xf32>
        %swap3A_439 = vector.shape_cast %mul3A_434 : vector<16xf32> to vector<1x16xf32>
        tpu.vector_store %arg18[%swap3A_435, %swap3A_436], %swap3A_439 {strides = array<i32>} : memref<128x128xf32, #tpu.memory_space<vmem>>, vector<1x16xf32>,
        %get3A_440 = arith.index_cast %add3A_369 : i32 to index
        %get3A_441 = arith.constant 112 : index
        %get3A_442 = tpu.vector_load %arg18[%get3A_440, %get3A_441] {strides = array<i32>} : memref<128x128xf32, #tpu.memory_space<vmem>>, vector<1x16xf32>,
        %get3A_443 = vector.shape_cast %get3A_442 : vector<1x16xf32> to vector<16xf32>
        %mul3A_444 = arith.mulf %get3A_443, %gather3A_365 : vector<16xf32>
        %swap3A_445 = arith.index_cast %add3A_369 : i32 to index
        %swap3A_446 = arith.constant 112 : index
        %swap3A_447 = tpu.vector_load %arg18[%swap3A_445, %swap3A_446] {strides = array<i32>} : memref<128x128xf32, #tpu.memory_space<vmem>>, vector<1x16xf32>,
        %swap3A_448 = vector.shape_cast %swap3A_447 : vector<1x16xf32> to vector<16xf32>
        %swap3A_449 = vector.shape_cast %mul3A_444 : vector<16xf32> to vector<1x16xf32>
        tpu.vector_store %arg18[%swap3A_445, %swap3A_446], %swap3A_449 {strides = array<i32>} : memref<128x128xf32, #tpu.memory_space<vmem>>, vector<1x16xf32>,
        %broadcast_in_dim3A_450 = arith.constant 3 : i32
        %broadcast_in_dim3A_451 = vector.broadcast %broadcast_in_dim3A_450 : i32 to vector<16x1xi32>
        %gather3A_452 = vector.shape_cast %broadcast_in_dim3A_451 : vector<16x1xi32> to vector<16xi32>
        %gather3A_453 = tpu.dynamic_gather %get3A_187[%gather3A_452] in [0] : vector<16xf32>, vector<16xi32> -> vector<16xf32>
        %mul3A_454 = arith.constant 16 : i32
        %mul3A_455 = arith.muli %scan3A_182, %mul3A_454 : i32
        %add3A_456 = arith.constant 3 : i32
        %add3A_457 = arith.addi %mul3A_455, %add3A_456 : i32
        %get3A_458 = arith.index_cast %add3A_457 : i32 to index
        %get3A_459 = arith.constant 0 : index
        %get3A_460 = tpu.vector_load %arg18[%get3A_458, %get3A_459] {strides = array<i32>} : memref<128x128xf32, #tpu.memory_space<vmem>>, vector<1x16xf32>,
        %get3A_461 = vector.shape_cast %get3A_460 : vector<1x16xf32> to vector<16xf32>
        %mul3A_462 = arith.mulf %get3A_461, %gather3A_453 : vector<16xf32>
        %swap3A_463 = arith.index_cast %add3A_457 : i32 to index
        %swap3A_464 = arith.constant 0 : index
        %swap3A_465 = tpu.vector_load %arg18[%swap3A_463, %swap3A_464] {strides = array<i32>} : memref<128x128xf32, #tpu.memory_space<vmem>>, vector<1x16xf32>,
        %swap3A_466 = vector.shape_cast %swap3A_465 : vector<1x16xf32> to vector<16xf32>
        %swap3A_467 = vector.shape_cast %mul3A_462 : vector<16xf32> to vector<1x16xf32>
        tpu.vector_store %arg18[%swap3A_463, %swap3A_464], %swap3A_467 {strides = array<i32>} : memref<128x128xf32, #tpu.memory_space<vmem>>, vector<1x16xf32>,
        %get3A_468 = arith.index_cast %add3A_457 : i32 to index
        %get3A_469 = arith.constant 16 : index
        %get3A_470 = tpu.vector_load %arg18[%get3A_468, %get3A_469] {strides = array<i32>} : memref<128x128xf32, #tpu.memory_space<vmem>>, vector<1x16xf32>,
        %get3A_471 = vector.shape_cast %get3A_470 : vector<1x16xf32> to vector<16xf32>
        %mul3A_472 = arith.mulf %get3A_471, %gather3A_453 : vector<16xf32>
        %swap3A_473 = arith.index_cast %add3A_457 : i32 to index
        %swap3A_474 = arith.constant 16 : index
        %swap3A_475 = tpu.vector_load %arg18[%swap3A_473, %swap3A_474] {strides = array<i32>} : memref<128x128xf32, #tpu.memory_space<vmem>>, vector<1x16xf32>,
        %swap3A_476 = vector.shape_cast %swap3A_475 : vector<1x16xf32> to vector<16xf32>
        %swap3A_477 = vector.shape_cast %mul3A_472 : vector<16xf32> to vector<1x16xf32>
        tpu.vector_store %arg18[%swap3A_473, %swap3A_474], %swap3A_477 {strides = array<i32>} : memref<128x128xf32, #tpu.memory_space<vmem>>, vector<1x16xf32>,
        %get3A_478 = arith.index_cast %add3A_457 : i32 to index
        %get3A_479 = arith.constant 32 : index
        %get3A_480 = tpu.vector_load %arg18[%get3A_478, %get3A_479] {strides = array<i32>} : memref<128x128xf32, #tpu.memory_space<vmem>>, vector<1x16xf32>,
        %get3A_481 = vector.shape_cast %get3A_480 : vector<1x16xf32> to vector<16xf32>
        %mul3A_482 = arith.mulf %get3A_481, %gather3A_453 : vector<16xf32>
        %swap3A_483 = arith.index_cast %add3A_457 : i32 to index
        %swap3A_484 = arith.constant 32 : index
        %swap3A_485 = tpu.vector_load %arg18[%swap3A_483, %swap3A_484] {strides = array<i32>} : memref<128x128xf32, #tpu.memory_space<vmem>>, vector<1x16xf32>,
        %swap3A_486 = vector.shape_cast %swap3A_485 : vector<1x16xf32> to vector<16xf32>
        %swap3A_487 = vector.shape_cast %mul3A_482 : vector<16xf32> to vector<1x16xf32>
        tpu.vector_store %arg18[%swap3A_483, %swap3A_484], %swap3A_487 {strides = array<i32>} : memref<128x128xf32, #tpu.memory_space<vmem>>, vector<1x16xf32>,
        %get3A_488 = arith.index_cast %add3A_457 : i32 to index
        %get3A_489 = arith.constant 48 : index
        %get3A_490 = tpu.vector_load %arg18[%get3A_488, %get3A_489] {strides = array<i32>} : memref<128x128xf32, #tpu.memory_space<vmem>>, vector<1x16xf32>,
        %get3A_491 = vector.shape_cast %get3A_490 : vector<1x16xf32> to vector<16xf32>
        %mul3A_492 = arith.mulf %get3A_491, %gather3A_453 : vector<16xf32>
        %swap3A_493 = arith.index_cast %add3A_457 : i32 to index
        %swap3A_494 = arith.constant 48 : index
        %swap3A_495 = tpu.vector_load %arg18[%swap3A_493, %swap3A_494] {strides = array<i32>} : memref<128x128xf32, #tpu.memory_space<vmem>>, vector<1x16xf32>,
        %swap3A_496 = vector.shape_cast %swap3A_495 : vector<1x16xf32> to vector<16xf32>
        %swap3A_497 = vector.shape_cast %mul3A_492 : vector<16xf32> to vector<1x16xf32>
        tpu.vector_store %arg18[%swap3A_493, %swap3A_494], %swap3A_497 {strides = array<i32>} : memref<128x128xf32, #tpu.memory_space<vmem>>, vector<1x16xf32>,
        %get3A_498 = arith.index_cast %add3A_457 : i32 to index
        %get3A_499 = arith.constant 64 : index
        %get3A_500 = tpu.vector_load %arg18[%get3A_498, %get3A_499] {strides = array<i32>} : memref<128x128xf32, #tpu.memory_space<vmem>>, vector<1x16xf32>,
        %get3A_501 = vector.shape_cast %get3A_500 : vector<1x16xf32> to vector<16xf32>
        %mul3A_502 = arith.mulf %get3A_501, %gather3A_453 : vector<16xf32>
        %swap3A_503 = arith.index_cast %add3A_457 : i32 to index
        %swap3A_504 = arith.constant 64 : index
        %swap3A_505 = tpu.vector_load %arg18[%swap3A_503, %swap3A_504] {strides = array<i32>} : memref<128x128xf32, #tpu.memory_space<vmem>>, vector<1x16xf32>,
        %swap3A_506 = vector.shape_cast %swap3A_505 : vector<1x16xf32> to vector<16xf32>
        %swap3A_507 = vector.shape_cast %mul3A_502 : vector<16xf32> to vector<1x16xf32>
        tpu.vector_store %arg18[%swap3A_503, %swap3A_504], %swap3A_507 {strides = array<i32>} : memref<128x128xf32, #tpu.memory_space<vmem>>, vector<1x16xf32>,
        %get3A_508 = arith.index_cast %add3A_457 : i32 to index
        %get3A_509 = arith.constant 80 : index
        %get3A_510 = tpu.vector_load %arg18[%get3A_508, %get3A_509] {strides = array<i32>} : memref<128x128xf32, #tpu.memory_space<vmem>>, vector<1x16xf32>,
        %get3A_511 = vector.shape_cast %get3A_510 : vector<1x16xf32> to vector<16xf32>
        %mul3A_512 = arith.mulf %get3A_511, %gather3A_453 : vector<16xf32>
        %swap3A_513 = arith.index_cast %add3A_457 : i32 to index
        %swap3A_514 = arith.constant 80 : index
        %swap3A_515 = tpu.vector_load %arg18[%swap3A_513, %swap3A_514] {strides = array<i32>} : memref<128x128xf32, #tpu.memory_space<vmem>>, vector<1x16xf32>,
        %swap3A_516 = vector.shape_cast %swap3A_515 : vector<1x16xf32> to vector<16xf32>
        %swap3A_517 = vector.shape_cast %mul3A_512 : vector<16xf32> to vector<1x16xf32>
        tpu.vector_store %arg18[%swap3A_513, %swap3A_514], %swap3A_517 {strides = array<i32>} : memref<128x128xf32, #tpu.memory_space<vmem>>, vector<1x16xf32>,
        %get3A_518 = arith.index_cast %add3A_457 : i32 to index
        %get3A_519 = arith.constant 96 : index
        %get3A_520 = tpu.vector_load %arg18[%get3A_518, %get3A_519] {strides = array<i32>} : memref<128x128xf32, #tpu.memory_space<vmem>>, vector<1x16xf32>,
        %get3A_521 = vector.shape_cast %get3A_520 : vector<1x16xf32> to vector<16xf32>
        %mul3A_522 = arith.mulf %get3A_521, %gather3A_453 : vector<16xf32>
        %swap3A_523 = arith.index_cast %add3A_457 : i32 to index
        %swap3A_524 = arith.constant 96 : index
        %swap3A_525 = tpu.vector_load %arg18[%swap3A_523, %swap3A_524] {strides = array<i32>} : memref<128x128xf32, #tpu.memory_space<vmem>>, vector<1x16xf32>,
        %swap3A_526 = vector.shape_cast %swap3A_525 : vector<1x16xf32> to vector<16xf32>
        %swap3A_527 = vector.shape_cast %mul3A_522 : vector<16xf32> to vector<1x16xf32>
        tpu.vector_store %arg18[%swap3A_523, %swap3A_524], %swap3A_527 {strides = array<i32>} : memref<128x128xf32, #tpu.memory_space<vmem>>, vector<1x16xf32>,
        %get3A_528 = arith.index_cast %add3A_457 : i32 to index
        %get3A_529 = arith.constant 112 : index
        %get3A_530 = tpu.vector_load %arg18[%get3A_528, %get3A_529] {strides = array<i32>} : memref<128x128xf32, #tpu.memory_space<vmem>>, vector<1x16xf32>,
        %get3A_531 = vector.shape_cast %get3A_530 : vector<1x16xf32> to vector<16xf32>
        %mul3A_532 = arith.mulf %get3A_531, %gather3A_453 : vector<16xf32>
        %swap3A_533 = arith.index_cast %add3A_457 : i32 to index
        %swap3A_534 = arith.constant 112 : index
        %swap3A_535 = tpu.vector_load %arg18[%swap3A_533, %swap3A_534] {strides = array<i32>} : memref<128x128xf32, #tpu.memory_space<vmem>>, vector<1x16xf32>,
        %swap3A_536 = vector.shape_cast %swap3A_535 : vector<1x16xf32> to vector<16xf32>
        %swap3A_537 = vector.shape_cast %mul3A_532 : vector<16xf32> to vector<1x16xf32>
        tpu.vector_store %arg18[%swap3A_533, %swap3A_534], %swap3A_537 {strides = array<i32>} : memref<128x128xf32, #tpu.memory_space<vmem>>, vector<1x16xf32>,
        %broadcast_in_dim3A_538 = arith.constant 4 : i32
        %broadcast_in_dim3A_539 = vector.broadcast %broadcast_in_dim3A_538 : i32 to vector<16x1xi32>
        %gather3A_540 = vector.shape_cast %broadcast_in_dim3A_539 : vector<16x1xi32> to vector<16xi32>
        %gather3A_541 = tpu.dynamic_gather %get3A_187[%gather3A_540] in [0] : vector<16xf32>, vector<16xi32> -> vector<16xf32>
        %mul3A_542 = arith.constant 16 : i32
        %mul3A_543 = arith.muli %scan3A_182, %mul3A_542 : i32
        %add3A_544 = arith.constant 4 : i32
        %add3A_545 = arith.addi %mul3A_543, %add3A_544 : i32
        %get3A_546 = arith.index_cast %add3A_545 : i32 to index
        %get3A_547 = arith.constant 0 : index
        %get3A_548 = tpu.vector_load %arg18[%get3A_546, %get3A_547] {strides = array<i32>} : memref<128x128xf32, #tpu.memory_space<vmem>>, vector<1x16xf32>,
        %get3A_549 = vector.shape_cast %get3A_548 : vector<1x16xf32> to vector<16xf32>
        %mul3A_550 = arith.mulf %get3A_549, %gather3A_541 : vector<16xf32>
        %swap3A_551 = arith.index_cast %add3A_545 : i32 to index
        %swap3A_552 = arith.constant 0 : index
        %swap3A_553 = tpu.vector_load %arg18[%swap3A_551, %swap3A_552] {strides = array<i32>} : memref<128x128xf32, #tpu.memory_space<vmem>>, vector<1x16xf32>,
        %swap3A_554 = vector.shape_cast %swap3A_553 : vector<1x16xf32> to vector<16xf32>
        %swap3A_555 = vector.shape_cast %mul3A_550 : vector<16xf32> to vector<1x16xf32>
        tpu.vector_store %arg18[%swap3A_551, %swap3A_552], %swap3A_555 {strides = array<i32>} : memref<128x128xf32, #tpu.memory_space<vmem>>, vector<1x16xf32>,
        %get3A_556 = arith.index_cast %add3A_545 : i32 to index
        %get3A_557 = arith.constant 16 : index
        %get3A_558 = tpu.vector_load %arg18[%get3A_556, %get3A_557] {strides = array<i32>} : memref<128x128xf32, #tpu.memory_space<vmem>>, vector<1x16xf32>,
        %get3A_559 = vector.shape_cast %get3A_558 : vector<1x16xf32> to vector<16xf32>
        %mul3A_560 = arith.mulf %get3A_559, %gather3A_541 : vector<16xf32>
        %swap3A_561 = arith.index_cast %add3A_545 : i32 to index
        %swap3A_562 = arith.constant 16 : index
        %swap3A_563 = tpu.vector_load %arg18[%swap3A_561, %swap3A_562] {strides = array<i32>} : memref<128x128xf32, #tpu.memory_space<vmem>>, vector<1x16xf32>,
        %swap3A_564 = vector.shape_cast %swap3A_563 : vector<1x16xf32> to vector<16xf32>
        %swap3A_565 = vector.shape_cast %mul3A_560 : vector<16xf32> to vector<1x16xf32>
        tpu.vector_store %arg18[%swap3A_561, %swap3A_562], %swap3A_565 {strides = array<i32>} : memref<128x128xf32, #tpu.memory_space<vmem>>, vector<1x16xf32>,
        %get3A_566 = arith.index_cast %add3A_545 : i32 to index
        %get3A_567 = arith.constant 32 : index
        %get3A_568 = tpu.vector_load %arg18[%get3A_566, %get3A_567] {strides = array<i32>} : memref<128x128xf32, #tpu.memory_space<vmem>>, vector<1x16xf32>,
        %get3A_569 = vector.shape_cast %get3A_568 : vector<1x16xf32> to vector<16xf32>
        %mul3A_570 = arith.mulf %get3A_569, %gather3A_541 : vector<16xf32>
        %swap3A_571 = arith.index_cast %add3A_545 : i32 to index
        %swap3A_572 = arith.constant 32 : index
        %swap3A_573 = tpu.vector_load %arg18[%swap3A_571, %swap3A_572] {strides = array<i32>} : memref<128x128xf32, #tpu.memory_space<vmem>>, vector<1x16xf32>,
        %swap3A_574 = vector.shape_cast %swap3A_573 : vector<1x16xf32> to vector<16xf32>
        %swap3A_575 = vector.shape_cast %mul3A_570 : vector<16xf32> to vector<1x16xf32>
        tpu.vector_store %arg18[%swap3A_571, %swap3A_572], %swap3A_575 {strides = array<i32>} : memref<128x128xf32, #tpu.memory_space<vmem>>, vector<1x16xf32>,
        %get3A_576 = arith.index_cast %add3A_545 : i32 to index
        %get3A_577 = arith.constant 48 : index
        %get3A_578 = tpu.vector_load %arg18[%get3A_576, %get3A_577] {strides = array<i32>} : memref<128x128xf32, #tpu.memory_space<vmem>>, vector<1x16xf32>,
        %get3A_579 = vector.shape_cast %get3A_578 : vector<1x16xf32> to vector<16xf32>
        %mul3A_580 = arith.mulf %get3A_579, %gather3A_541 : vector<16xf32>
        %swap3A_581 = arith.index_cast %add3A_545 : i32 to index
        %swap3A_582 = arith.constant 48 : index
        %swap3A_583 = tpu.vector_load %arg18[%swap3A_581, %swap3A_582] {strides = array<i32>} : memref<128x128xf32, #tpu.memory_space<vmem>>, vector<1x16xf32>,
        %swap3A_584 = vector.shape_cast %swap3A_583 : vector<1x16xf32> to vector<16xf32>
        %swap3A_585 = vector.shape_cast %mul3A_580 : vector<16xf32> to vector<1x16xf32>
        tpu.vector_store %arg18[%swap3A_581, %swap3A_582], %swap3A_585 {strides = array<i32>} : memref<128x128xf32, #tpu.memory_space<vmem>>, vector<1x16xf32>,
        %get3A_586 = arith.index_cast %add3A_545 : i32 to index
        %get3A_587 = arith.constant 64 : index
        %get3A_588 = tpu.vector_load %arg18[%get3A_586, %get3A_587] {strides = array<i32>} : memref<128x128xf32, #tpu.memory_space<vmem>>, vector<1x16xf32>,
        %get3A_589 = vector.shape_cast %get3A_588 : vector<1x16xf32> to vector<16xf32>
        %mul3A_590 = arith.mulf %get3A_589, %gather3A_541 : vector<16xf32>
        %swap3A_591 = arith.index_cast %add3A_545 : i32 to index
        %swap3A_592 = arith.constant 64 : index
        %swap3A_593 = tpu.vector_load %arg18[%swap3A_591, %swap3A_592] {strides = array<i32>} : memref<128x128xf32, #tpu.memory_space<vmem>>, vector<1x16xf32>,
        %swap3A_594 = vector.shape_cast %swap3A_593 : vector<1x16xf32> to vector<16xf32>
        %swap3A_595 = vector.shape_cast %mul3A_590 : vector<16xf32> to vector<1x16xf32>
        tpu.vector_store %arg18[%swap3A_591, %swap3A_592], %swap3A_595 {strides = array<i32>} : memref<128x128xf32, #tpu.memory_space<vmem>>, vector<1x16xf32>,
        %get3A_596 = arith.index_cast %add3A_545 : i32 to index
        %get3A_597 = arith.constant 80 : index
        %get3A_598 = tpu.vector_load %arg18[%get3A_596, %get3A_597] {strides = array<i32>} : memref<128x128xf32, #tpu.memory_space<vmem>>, vector<1x16xf32>,
        %get3A_599 = vector.shape_cast %get3A_598 : vector<1x16xf32> to vector<16xf32>
        %mul3A_600 = arith.mulf %get3A_599, %gather3A_541 : vector<16xf32>
        %swap3A_601 = arith.index_cast %add3A_545 : i32 to index
        %swap3A_602 = arith.constant 80 : index
        %swap3A_603 = tpu.vector_load %arg18[%swap3A_601, %swap3A_602] {strides = array<i32>} : memref<128x128xf32, #tpu.memory_space<vmem>>, vector<1x16xf32>,
        %swap3A_604 = vector.shape_cast %swap3A_603 : vector<1x16xf32> to vector<16xf32>
        %swap3A_605 = vector.shape_cast %mul3A_600 : vector<16xf32> to vector<1x16xf32>
        tpu.vector_store %arg18[%swap3A_601, %swap3A_602], %swap3A_605 {strides = array<i32>} : memref<128x128xf32, #tpu.memory_space<vmem>>, vector<1x16xf32>,
        %get3A_606 = arith.index_cast %add3A_545 : i32 to index
        %get3A_607 = arith.constant 96 : index
        %get3A_608 = tpu.vector_load %arg18[%get3A_606, %get3A_607] {strides = array<i32>} : memref<128x128xf32, #tpu.memory_space<vmem>>, vector<1x16xf32>,
        %get3A_609 = vector.shape_cast %get3A_608 : vector<1x16xf32> to vector<16xf32>
        %mul3A_610 = arith.mulf %get3A_609, %gather3A_541 : vector<16xf32>
        %swap3A_611 = arith.index_cast %add3A_545 : i32 to index
        %swap3A_612 = arith.constant 96 : index
        %swap3A_613 = tpu.vector_load %arg18[%swap3A_611, %swap3A_612] {strides = array<i32>} : memref<128x128xf32, #tpu.memory_space<vmem>>, vector<1x16xf32>,
        %swap3A_614 = vector.shape_cast %swap3A_613 : vector<1x16xf32> to vector<16xf32>
        %swap3A_615 = vector.shape_cast %mul3A_610 : vector<16xf32> to vector<1x16xf32>
        tpu.vector_store %arg18[%swap3A_611, %swap3A_612], %swap3A_615 {strides = array<i32>} : memref<128x128xf32, #tpu.memory_space<vmem>>, vector<1x16xf32>,
        %get3A_616 = arith.index_cast %add3A_545 : i32 to index
        %get3A_617 = arith.constant 112 : index
        %get3A_618 = tpu.vector_load %arg18[%get3A_616, %get3A_617] {strides = array<i32>} : memref<128x128xf32, #tpu.memory_space<vmem>>, vector<1x16xf32>,
        %get3A_619 = vector.shape_cast %get3A_618 : vector<1x16xf32> to vector<16xf32>
        %mul3A_620 = arith.mulf %get3A_619, %gather3A_541 : vector<16xf32>
        %swap3A_621 = arith.index_cast %add3A_545 : i32 to index
        %swap3A_622 = arith.constant 112 : index
        %swap3A_623 = tpu.vector_load %arg18[%swap3A_621, %swap3A_622] {strides = array<i32>} : memref<128x128xf32, #tpu.memory_space<vmem>>, vector<1x16xf32>,
        %swap3A_624 = vector.shape_cast %swap3A_623 : vector<1x16xf32> to vector<16xf32>
        %swap3A_625 = vector.shape_cast %mul3A_620 : vector<16xf32> to vector<1x16xf32>
        tpu.vector_store %arg18[%swap3A_621, %swap3A_622], %swap3A_625 {strides = array<i32>} : memref<128x128xf32, #tpu.memory_space<vmem>>, vector<1x16xf32>,
        %broadcast_in_dim3A_626 = arith.constant 5 : i32
        %broadcast_in_dim3A_627 = vector.broadcast %broadcast_in_dim3A_626 : i32 to vector<16x1xi32>
        %gather3A_628 = vector.shape_cast %broadcast_in_dim3A_627 : vector<16x1xi32> to vector<16xi32>
        %gather3A_629 = tpu.dynamic_gather %get3A_187[%gather3A_628] in [0] : vector<16xf32>, vector<16xi32> -> vector<16xf32>
        %mul3A_630 = arith.constant 16 : i32
        %mul3A_631 = arith.muli %scan3A_182, %mul3A_630 : i32
        %add3A_632 = arith.constant 5 : i32
        %add3A_633 = arith.addi %mul3A_631, %add3A_632 : i32
        %get3A_634 = arith.index_cast %add3A_633 : i32 to index
        %get3A_635 = arith.constant 0 : index
        %get3A_636 = tpu.vector_load %arg18[%get3A_634, %get3A_635] {strides = array<i32>} : memref<128x128xf32, #tpu.memory_space<vmem>>, vector<1x16xf32>,
        %get3A_637 = vector.shape_cast %get3A_636 : vector<1x16xf32> to vector<16xf32>
        %mul3A_638 = arith.mulf %get3A_637, %gather3A_629 : vector<16xf32>
        %swap3A_639 = arith.index_cast %add3A_633 : i32 to index
        %swap3A_640 = arith.constant 0 : index
        %swap3A_641 = tpu.vector_load %arg18[%swap3A_639, %swap3A_640] {strides = array<i32>} : memref<128x128xf32, #tpu.memory_space<vmem>>, vector<1x16xf32>,
        %swap3A_642 = vector.shape_cast %swap3A_641 : vector<1x16xf32> to vector<16xf32>
        %swap3A_643 = vector.shape_cast %mul3A_638 : vector<16xf32> to vector<1x16xf32>
        tpu.vector_store %arg18[%swap3A_639, %swap3A_640], %swap3A_643 {strides = array<i32>} : memref<128x128xf32, #tpu.memory_space<vmem>>, vector<1x16xf32>,
        %get3A_644 = arith.index_cast %add3A_633 : i32 to index
        %get3A_645 = arith.constant 16 : index
        %get3A_646 = tpu.vector_load %arg18[%get3A_644, %get3A_645] {strides = array<i32>} : memref<128x128xf32, #tpu.memory_space<vmem>>, vector<1x16xf32>,
        %get3A_647 = vector.shape_cast %get3A_646 : vector<1x16xf32> to vector<16xf32>
        %mul3A_648 = arith.mulf %get3A_647, %gather3A_629 : vector<16xf32>
        %swap3A_649 = arith.index_cast %add3A_633 : i32 to index
        %swap3A_650 = arith.constant 16 : index
        %swap3A_651 = tpu.vector_load %arg18[%swap3A_649, %swap3A_650] {strides = array<i32>} : memref<128x128xf32, #tpu.memory_space<vmem>>, vector<1x16xf32>,
        %swap3A_652 = vector.shape_cast %swap3A_651 : vector<1x16xf32> to vector<16xf32>
        %swap3A_653 = vector.shape_cast %mul3A_648 : vector<16xf32> to vector<1x16xf32>
        tpu.vector_store %arg18[%swap3A_649, %swap3A_650], %swap3A_653 {strides = array<i32>} : memref<128x128xf32, #tpu.memory_space<vmem>>, vector<1x16xf32>,
        %get3A_654 = arith.index_cast %add3A_633 : i32 to index
        %get3A_655 = arith.constant 32 : index
        %get3A_656 = tpu.vector_load %arg18[%get3A_654, %get3A_655] {strides = array<i32>} : memref<128x128xf32, #tpu.memory_space<vmem>>, vector<1x16xf32>,
        %get3A_657 = vector.shape_cast %get3A_656 : vector<1x16xf32> to vector<16xf32>
        %mul3A_658 = arith.mulf %get3A_657, %gather3A_629 : vector<16xf32>
        %swap3A_659 = arith.index_cast %add3A_633 : i32 to index
        %swap3A_660 = arith.constant 32 : index
        %swap3A_661 = tpu.vector_load %arg18[%swap3A_659, %swap3A_660] {strides = array<i32>} : memref<128x128xf32, #tpu.memory_space<vmem>>, vector<1x16xf32>,
        %swap3A_662 = vector.shape_cast %swap3A_661 : vector<1x16xf32> to vector<16xf32>
        %swap3A_663 = vector.shape_cast %mul3A_658 : vector<16xf32> to vector<1x16xf32>
        tpu.vector_store %arg18[%swap3A_659, %swap3A_660], %swap3A_663 {strides = array<i32>} : memref<128x128xf32, #tpu.memory_space<vmem>>, vector<1x16xf32>,
        %get3A_664 = arith.index_cast %add3A_633 : i32 to index
        %get3A_665 = arith.constant 48 : index
        %get3A_666 = tpu.vector_load %arg18[%get3A_664, %get3A_665] {strides = array<i32>} : memref<128x128xf32, #tpu.memory_space<vmem>>, vector<1x16xf32>,
        %get3A_667 = vector.shape_cast %get3A_666 : vector<1x16xf32> to vector<16xf32>
        %mul3A_668 = arith.mulf %get3A_667, %gather3A_629 : vector<16xf32>
        %swap3A_669 = arith.index_cast %add3A_633 : i32 to index
        %swap3A_670 = arith.constant 48 : index
        %swap3A_671 = tpu.vector_load %arg18[%swap3A_669, %swap3A_670] {strides = array<i32>} : memref<128x128xf32, #tpu.memory_space<vmem>>, vector<1x16xf32>,
        %swap3A_672 = vector.shape_cast %swap3A_671 : vector<1x16xf32> to vector<16xf32>
        %swap3A_673 = vector.shape_cast %mul3A_668 : vector<16xf32> to vector<1x16xf32>
        tpu.vector_store %arg18[%swap3A_669, %swap3A_670], %swap3A_673 {strides = array<i32>} : memref<128x128xf32, #tpu.memory_space<vmem>>, vector<1x16xf32>,
        %get3A_674 = arith.index_cast %add3A_633 : i32 to index
        %get3A_675 = arith.constant 64 : index
        %get3A_676 = tpu.vector_load %arg18[%get3A_674, %get3A_675] {strides = array<i32>} : memref<128x128xf32, #tpu.memory_space<vmem>>, vector<1x16xf32>,
        %get3A_677 = vector.shape_cast %get3A_676 : vector<1x16xf32> to vector<16xf32>
        %mul3A_678 = arith.mulf %get3A_677, %gather3A_629 : vector<16xf32>
        %swap3A_679 = arith.index_cast %add3A_633 : i32 to index
        %swap3A_680 = arith.constant 64 : index
        %swap3A_681 = tpu.vector_load %arg18[%swap3A_679, %swap3A_680] {strides = array<i32>} : memref<128x128xf32, #tpu.memory_space<vmem>>, vector<1x16xf32>,
        %swap3A_682 = vector.shape_cast %swap3A_681 : vector<1x16xf32> to vector<16xf32>
        %swap3A_683 = vector.shape_cast %mul3A_678 : vector<16xf32> to vector<1x16xf32>
        tpu.vector_store %arg18[%swap3A_679, %swap3A_680], %swap3A_683 {strides = array<i32>} : memref<128x128xf32, #tpu.memory_space<vmem>>, vector<1x16xf32>,
        %get3A_684 = arith.index_cast %add3A_633 : i32 to index
        %get3A_685 = arith.constant 80 : index
        %get3A_686 = tpu.vector_load %arg18[%get3A_684, %get3A_685] {strides = array<i32>} : memref<128x128xf32, #tpu.memory_space<vmem>>, vector<1x16xf32>,
        %get3A_687 = vector.shape_cast %get3A_686 : vector<1x16xf32> to vector<16xf32>
        %mul3A_688 = arith.mulf %get3A_687, %gather3A_629 : vector<16xf32>
        %swap3A_689 = arith.index_cast %add3A_633 : i32 to index
        %swap3A_690 = arith.constant 80 : index
        %swap3A_691 = tpu.vector_load %arg18[%swap3A_689, %swap3A_690] {strides = array<i32>} : memref<128x128xf32, #tpu.memory_space<vmem>>, vector<1x16xf32>,
        %swap3A_692 = vector.shape_cast %swap3A_691 : vector<1x16xf32> to vector<16xf32>
        %swap3A_693 = vector.shape_cast %mul3A_688 : vector<16xf32> to vector<1x16xf32>
        tpu.vector_store %arg18[%swap3A_689, %swap3A_690], %swap3A_693 {strides = array<i32>} : memref<128x128xf32, #tpu.memory_space<vmem>>, vector<1x16xf32>,
        %get3A_694 = arith.index_cast %add3A_633 : i32 to index
        %get3A_695 = arith.constant 96 : index
        %get3A_696 = tpu.vector_load %arg18[%get3A_694, %get3A_695] {strides = array<i32>} : memref<128x128xf32, #tpu.memory_space<vmem>>, vector<1x16xf32>,
        %get3A_697 = vector.shape_cast %get3A_696 : vector<1x16xf32> to vector<16xf32>
        %mul3A_698 = arith.mulf %get3A_697, %gather3A_629 : vector<16xf32>
        %swap3A_699 = arith.index_cast %add3A_633 : i32 to index
        %swap3A_700 = arith.constant 96 : index
        %swap3A_701 = tpu.vector_load %arg18[%swap3A_699, %swap3A_700] {strides = array<i32>} : memref<128x128xf32, #tpu.memory_space<vmem>>, vector<1x16xf32>,
        %swap3A_702 = vector.shape_cast %swap3A_701 : vector<1x16xf32> to vector<16xf32>
        %swap3A_703 = vector.shape_cast %mul3A_698 : vector<16xf32> to vector<1x16xf32>
        tpu.vector_store %arg18[%swap3A_699, %swap3A_700], %swap3A_703 {strides = array<i32>} : memref<128x128xf32, #tpu.memory_space<vmem>>, vector<1x16xf32>,
        %get3A_704 = arith.index_cast %add3A_633 : i32 to index
        %get3A_705 = arith.constant 112 : index
        %get3A_706 = tpu.vector_load %arg18[%get3A_704, %get3A_705] {strides = array<i32>} : memref<128x128xf32, #tpu.memory_space<vmem>>, vector<1x16xf32>,
        %get3A_707 = vector.shape_cast %get3A_706 : vector<1x16xf32> to vector<16xf32>
        %mul3A_708 = arith.mulf %get3A_707, %gather3A_629 : vector<16xf32>
        %swap3A_709 = arith.index_cast %add3A_633 : i32 to index
        %swap3A_710 = arith.constant 112 : index
        %swap3A_711 = tpu.vector_load %arg18[%swap3A_709, %swap3A_710] {strides = array<i32>} : memref<128x128xf32, #tpu.memory_space<vmem>>, vector<1x16xf32>,
        %swap3A_712 = vector.shape_cast %swap3A_711 : vector<1x16xf32> to vector<16xf32>
        %swap3A_713 = vector.shape_cast %mul3A_708 : vector<16xf32> to vector<1x16xf32>
        tpu.vector_store %arg18[%swap3A_709, %swap3A_710], %swap3A_713 {strides = array<i32>} : memref<128x128xf32, #tpu.memory_space<vmem>>, vector<1x16xf32>,
        %broadcast_in_dim3A_714 = arith.constant 6 : i32
        %broadcast_in_dim3A_715 = vector.broadcast %broadcast_in_dim3A_714 : i32 to vector<16x1xi32>
        %gather3A_716 = vector.shape_cast %broadcast_in_dim3A_715 : vector<16x1xi32> to vector<16xi32>
        %gather3A_717 = tpu.dynamic_gather %get3A_187[%gather3A_716] in [0] : vector<16xf32>, vector<16xi32> -> vector<16xf32>
        %mul3A_718 = arith.constant 16 : i32
        %mul3A_719 = arith.muli %scan3A_182, %mul3A_718 : i32
        %add3A_720 = arith.constant 6 : i32
        %add3A_721 = arith.addi %mul3A_719, %add3A_720 : i32
        %get3A_722 = arith.index_cast %add3A_721 : i32 to index
        %get3A_723 = arith.constant 0 : index
        %get3A_724 = tpu.vector_load %arg18[%get3A_722, %get3A_723] {strides = array<i32>} : memref<128x128xf32, #tpu.memory_space<vmem>>, vector<1x16xf32>,
        %get3A_725 = vector.shape_cast %get3A_724 : vector<1x16xf32> to vector<16xf32>
        %mul3A_726 = arith.mulf %get3A_725, %gather3A_717 : vector<16xf32>
        %swap3A_727 = arith.index_cast %add3A_721 : i32 to index
        %swap3A_728 = arith.constant 0 : index
        %swap3A_729 = tpu.vector_load %arg18[%swap3A_727, %swap3A_728] {strides = array<i32>} : memref<128x128xf32, #tpu.memory_space<vmem>>, vector<1x16xf32>,
        %swap3A_730 = vector.shape_cast %swap3A_729 : vector<1x16xf32> to vector<16xf32>
        %swap3A_731 = vector.shape_cast %mul3A_726 : vector<16xf32> to vector<1x16xf32>
        tpu.vector_store %arg18[%swap3A_727, %swap3A_728], %swap3A_731 {strides = array<i32>} : memref<128x128xf32, #tpu.memory_space<vmem>>, vector<1x16xf32>,
        %get3A_732 = arith.index_cast %add3A_721 : i32 to index
        %get3A_733 = arith.constant 16 : index
        %get3A_734 = tpu.vector_load %arg18[%get3A_732, %get3A_733] {strides = array<i32>} : memref<128x128xf32, #tpu.memory_space<vmem>>, vector<1x16xf32>,
        %get3A_735 = vector.shape_cast %get3A_734 : vector<1x16xf32> to vector<16xf32>
        %mul3A_736 = arith.mulf %get3A_735, %gather3A_717 : vector<16xf32>
        %swap3A_737 = arith.index_cast %add3A_721 : i32 to index
        %swap3A_738 = arith.constant 16 : index
        %swap3A_739 = tpu.vector_load %arg18[%swap3A_737, %swap3A_738] {strides = array<i32>} : memref<128x128xf32, #tpu.memory_space<vmem>>, vector<1x16xf32>,
        %swap3A_740 = vector.shape_cast %swap3A_739 : vector<1x16xf32> to vector<16xf32>
        %swap3A_741 = vector.shape_cast %mul3A_736 : vector<16xf32> to vector<1x16xf32>
        tpu.vector_store %arg18[%swap3A_737, %swap3A_738], %swap3A_741 {strides = array<i32>} : memref<128x128xf32, #tpu.memory_space<vmem>>, vector<1x16xf32>,
        %get3A_742 = arith.index_cast %add3A_721 : i32 to index
        %get3A_743 = arith.constant 32 : index
        %get3A_744 = tpu.vector_load %arg18[%get3A_742, %get3A_743] {strides = array<i32>} : memref<128x128xf32, #tpu.memory_space<vmem>>, vector<1x16xf32>,
        %get3A_745 = vector.shape_cast %get3A_744 : vector<1x16xf32> to vector<16xf32>
        %mul3A_746 = arith.mulf %get3A_745, %gather3A_717 : vector<16xf32>
        %swap3A_747 = arith.index_cast %add3A_721 : i32 to index
        %swap3A_748 = arith.constant 32 : index
        %swap3A_749 = tpu.vector_load %arg18[%swap3A_747, %swap3A_748] {strides = array<i32>} : memref<128x128xf32, #tpu.memory_space<vmem>>, vector<1x16xf32>,
        %swap3A_750 = vector.shape_cast %swap3A_749 : vector<1x16xf32> to vector<16xf32>
        %swap3A_751 = vector.shape_cast %mul3A_746 : vector<16xf32> to vector<1x16xf32>
        tpu.vector_store %arg18[%swap3A_747, %swap3A_748], %swap3A_751 {strides = array<i32>} : memref<128x128xf32, #tpu.memory_space<vmem>>, vector<1x16xf32>,
        %get3A_752 = arith.index_cast %add3A_721 : i32 to index
        %get3A_753 = arith.constant 48 : index
        %get3A_754 = tpu.vector_load %arg18[%get3A_752, %get3A_753] {strides = array<i32>} : memref<128x128xf32, #tpu.memory_space<vmem>>, vector<1x16xf32>,
        %get3A_755 = vector.shape_cast %get3A_754 : vector<1x16xf32> to vector<16xf32>
        %mul3A_756 = arith.mulf %get3A_755, %gather3A_717 : vector<16xf32>
        %swap3A_757 = arith.index_cast %add3A_721 : i32 to index
        %swap3A_758 = arith.constant 48 : index
        %swap3A_759 = tpu.vector_load %arg18[%swap3A_757, %swap3A_758] {strides = array<i32>} : memref<128x128xf32, #tpu.memory_space<vmem>>, vector<1x16xf32>,
        %swap3A_760 = vector.shape_cast %swap3A_759 : vector<1x16xf32> to vector<16xf32>
        %swap3A_761 = vector.shape_cast %mul3A_756 : vector<16xf32> to vector<1x16xf32>
        tpu.vector_store %arg18[%swap3A_757, %swap3A_758], %swap3A_761 {strides = array<i32>} : memref<128x128xf32, #tpu.memory_space<vmem>>, vector<1x16xf32>,
        %get3A_762 = arith.index_cast %add3A_721 : i32 to index
        %get3A_763 = arith.constant 64 : index
        %get3A_764 = tpu.vector_load %arg18[%get3A_762, %get3A_763] {strides = array<i32>} : memref<128x128xf32, #tpu.memory_space<vmem>>, vector<1x16xf32>,
        %get3A_765 = vector.shape_cast %get3A_764 : vector<1x16xf32> to vector<16xf32>
        %mul3A_766 = arith.mulf %get3A_765, %gather3A_717 : vector<16xf32>
        %swap3A_767 = arith.index_cast %add3A_721 : i32 to index
        %swap3A_768 = arith.constant 64 : index
        %swap3A_769 = tpu.vector_load %arg18[%swap3A_767, %swap3A_768] {strides = array<i32>} : memref<128x128xf32, #tpu.memory_space<vmem>>, vector<1x16xf32>,
        %swap3A_770 = vector.shape_cast %swap3A_769 : vector<1x16xf32> to vector<16xf32>
        %swap3A_771 = vector.shape_cast %mul3A_766 : vector<16xf32> to vector<1x16xf32>
        tpu.vector_store %arg18[%swap3A_767, %swap3A_768], %swap3A_771 {strides = array<i32>} : memref<128x128xf32, #tpu.memory_space<vmem>>, vector<1x16xf32>,
        %get3A_772 = arith.index_cast %add3A_721 : i32 to index
        %get3A_773 = arith.constant 80 : index
        %get3A_774 = tpu.vector_load %arg18[%get3A_772, %get3A_773] {strides = array<i32>} : memref<128x128xf32, #tpu.memory_space<vmem>>, vector<1x16xf32>,
        %get3A_775 = vector.shape_cast %get3A_774 : vector<1x16xf32> to vector<16xf32>
        %mul3A_776 = arith.mulf %get3A_775, %gather3A_717 : vector<16xf32>
        %swap3A_777 = arith.index_cast %add3A_721 : i32 to index
        %swap3A_778 = arith.constant 80 : index
        %swap3A_779 = tpu.vector_load %arg18[%swap3A_777, %swap3A_778] {strides = array<i32>} : memref<128x128xf32, #tpu.memory_space<vmem>>, vector<1x16xf32>,
        %swap3A_780 = vector.shape_cast %swap3A_779 : vector<1x16xf32> to vector<16xf32>
        %swap3A_781 = vector.shape_cast %mul3A_776 : vector<16xf32> to vector<1x16xf32>
        tpu.vector_store %arg18[%swap3A_777, %swap3A_778], %swap3A_781 {strides = array<i32>} : memref<128x128xf32, #tpu.memory_space<vmem>>, vector<1x16xf32>,
        %get3A_782 = arith.index_cast %add3A_721 : i32 to index
        %get3A_783 = arith.constant 96 : index
        %get3A_784 = tpu.vector_load %arg18[%get3A_782, %get3A_783] {strides = array<i32>} : memref<128x128xf32, #tpu.memory_space<vmem>>, vector<1x16xf32>,
        %get3A_785 = vector.shape_cast %get3A_784 : vector<1x16xf32> to vector<16xf32>
        %mul3A_786 = arith.mulf %get3A_785, %gather3A_717 : vector<16xf32>
        %swap3A_787 = arith.index_cast %add3A_721 : i32 to index
        %swap3A_788 = arith.constant 96 : index
        %swap3A_789 = tpu.vector_load %arg18[%swap3A_787, %swap3A_788] {strides = array<i32>} : memref<128x128xf32, #tpu.memory_space<vmem>>, vector<1x16xf32>,
        %swap3A_790 = vector.shape_cast %swap3A_789 : vector<1x16xf32> to vector<16xf32>
        %swap3A_791 = vector.shape_cast %mul3A_786 : vector<16xf32> to vector<1x16xf32>
        tpu.vector_store %arg18[%swap3A_787, %swap3A_788], %swap3A_791 {strides = array<i32>} : memref<128x128xf32, #tpu.memory_space<vmem>>, vector<1x16xf32>,
        %get3A_792 = arith.index_cast %add3A_721 : i32 to index
        %get3A_793 = arith.constant 112 : index
        %get3A_794 = tpu.vector_load %arg18[%get3A_792, %get3A_793] {strides = array<i32>} : memref<128x128xf32, #tpu.memory_space<vmem>>, vector<1x16xf32>,
        %get3A_795 = vector.shape_cast %get3A_794 : vector<1x16xf32> to vector<16xf32>
        %mul3A_796 = arith.mulf %get3A_795, %gather3A_717 : vector<16xf32>
        %swap3A_797 = arith.index_cast %add3A_721 : i32 to index
        %swap3A_798 = arith.constant 112 : index
        %swap3A_799 = tpu.vector_load %arg18[%swap3A_797, %swap3A_798] {strides = array<i32>} : memref<128x128xf32, #tpu.memory_space<vmem>>, vector<1x16xf32>,
        %swap3A_800 = vector.shape_cast %swap3A_799 : vector<1x16xf32> to vector<16xf32>
        %swap3A_801 = vector.shape_cast %mul3A_796 : vector<16xf32> to vector<1x16xf32>
        tpu.vector_store %arg18[%swap3A_797, %swap3A_798], %swap3A_801 {strides = array<i32>} : memref<128x128xf32, #tpu.memory_space<vmem>>, vector<1x16xf32>,
        %broadcast_in_dim3A_802 = arith.constant 7 : i32
        %broadcast_in_dim3A_803 = vector.broadcast %broadcast_in_dim3A_802 : i32 to vector<16x1xi32>
        %gather3A_804 = vector.shape_cast %broadcast_in_dim3A_803 : vector<16x1xi32> to vector<16xi32>
        %gather3A_805 = tpu.dynamic_gather %get3A_187[%gather3A_804] in [0] : vector<16xf32>, vector<16xi32> -> vector<16xf32>
        %mul3A_806 = arith.constant 16 : i32
        %mul3A_807 = arith.muli %scan3A_182, %mul3A_806 : i32
        %add3A_808 = arith.constant 7 : i32
        %add3A_809 = arith.addi %mul3A_807, %add3A_808 : i32
        %get3A_810 = arith.index_cast %add3A_809 : i32 to index
        %get3A_811 = arith.constant 0 : index
        %get3A_812 = tpu.vector_load %arg18[%get3A_810, %get3A_811] {strides = array<i32>} : memref<128x128xf32, #tpu.memory_space<vmem>>, vector<1x16xf32>,
        %get3A_813 = vector.shape_cast %get3A_812 : vector<1x16xf32> to vector<16xf32>
        %mul3A_814 = arith.mulf %get3A_813, %gather3A_805 : vector<16xf32>
        %swap3A_815 = arith.index_cast %add3A_809 : i32 to index
        %swap3A_816 = arith.constant 0 : index
        %swap3A_817 = tpu.vector_load %arg18[%swap3A_815, %swap3A_816] {strides = array<i32>} : memref<128x128xf32, #tpu.memory_space<vmem>>, vector<1x16xf32>,
        %swap3A_818 = vector.shape_cast %swap3A_817 : vector<1x16xf32> to vector<16xf32>
        %swap3A_819 = vector.shape_cast %mul3A_814 : vector<16xf32> to vector<1x16xf32>
        tpu.vector_store %arg18[%swap3A_815, %swap3A_816], %swap3A_819 {strides = array<i32>} : memref<128x128xf32, #tpu.memory_space<vmem>>, vector<1x16xf32>,
        %get3A_820 = arith.index_cast %add3A_809 : i32 to index
        %get3A_821 = arith.constant 16 : index
        %get3A_822 = tpu.vector_load %arg18[%get3A_820, %get3A_821] {strides = array<i32>} : memref<128x128xf32, #tpu.memory_space<vmem>>, vector<1x16xf32>,
        %get3A_823 = vector.shape_cast %get3A_822 : vector<1x16xf32> to vector<16xf32>
        %mul3A_824 = arith.mulf %get3A_823, %gather3A_805 : vector<16xf32>
        %swap3A_825 = arith.index_cast %add3A_809 : i32 to index
        %swap3A_826 = arith.constant 16 : index
        %swap3A_827 = tpu.vector_load %arg18[%swap3A_825, %swap3A_826] {strides = array<i32>} : memref<128x128xf32, #tpu.memory_space<vmem>>, vector<1x16xf32>,
        %swap3A_828 = vector.shape_cast %swap3A_827 : vector<1x16xf32> to vector<16xf32>
        %swap3A_829 = vector.shape_cast %mul3A_824 : vector<16xf32> to vector<1x16xf32>
        tpu.vector_store %arg18[%swap3A_825, %swap3A_826], %swap3A_829 {strides = array<i32>} : memref<128x128xf32, #tpu.memory_space<vmem>>, vector<1x16xf32>,
        %get3A_830 = arith.index_cast %add3A_809 : i32 to index
        %get3A_831 = arith.constant 32 : index
        %get3A_832 = tpu.vector_load %arg18[%get3A_830, %get3A_831] {strides = array<i32>} : memref<128x128xf32, #tpu.memory_space<vmem>>, vector<1x16xf32>,
        %get3A_833 = vector.shape_cast %get3A_832 : vector<1x16xf32> to vector<16xf32>
        %mul3A_834 = arith.mulf %get3A_833, %gather3A_805 : vector<16xf32>
        %swap3A_835 = arith.index_cast %add3A_809 : i32 to index
        %swap3A_836 = arith.constant 32 : index
        %swap3A_837 = tpu.vector_load %arg18[%swap3A_835, %swap3A_836] {strides = array<i32>} : memref<128x128xf32, #tpu.memory_space<vmem>>, vector<1x16xf32>,
        %swap3A_838 = vector.shape_cast %swap3A_837 : vector<1x16xf32> to vector<16xf32>
        %swap3A_839 = vector.shape_cast %mul3A_834 : vector<16xf32> to vector<1x16xf32>
        tpu.vector_store %arg18[%swap3A_835, %swap3A_836], %swap3A_839 {strides = array<i32>} : memref<128x128xf32, #tpu.memory_space<vmem>>, vector<1x16xf32>,
        %get3A_840 = arith.index_cast %add3A_809 : i32 to index
        %get3A_841 = arith.constant 48 : index
        %get3A_842 = tpu.vector_load %arg18[%get3A_840, %get3A_841] {strides = array<i32>} : memref<128x128xf32, #tpu.memory_space<vmem>>, vector<1x16xf32>,
        %get3A_843 = vector.shape_cast %get3A_842 : vector<1x16xf32> to vector<16xf32>
        %mul3A_844 = arith.mulf %get3A_843, %gather3A_805 : vector<16xf32>
        %swap3A_845 = arith.index_cast %add3A_809 : i32 to index
        %swap3A_846 = arith.constant 48 : index
        %swap3A_847 = tpu.vector_load %arg18[%swap3A_845, %swap3A_846] {strides = array<i32>} : memref<128x128xf32, #tpu.memory_space<vmem>>, vector<1x16xf32>,
        %swap3A_848 = vector.shape_cast %swap3A_847 : vector<1x16xf32> to vector<16xf32>
        %swap3A_849 = vector.shape_cast %mul3A_844 : vector<16xf32> to vector<1x16xf32>
        tpu.vector_store %arg18[%swap3A_845, %swap3A_846], %swap3A_849 {strides = array<i32>} : memref<128x128xf32, #tpu.memory_space<vmem>>, vector<1x16xf32>,
        %get3A_850 = arith.index_cast %add3A_809 : i32 to index
        %get3A_851 = arith.constant 64 : index
        %get3A_852 = tpu.vector_load %arg18[%get3A_850, %get3A_851] {strides = array<i32>} : memref<128x128xf32, #tpu.memory_space<vmem>>, vector<1x16xf32>,
        %get3A_853 = vector.shape_cast %get3A_852 : vector<1x16xf32> to vector<16xf32>
        %mul3A_854 = arith.mulf %get3A_853, %gather3A_805 : vector<16xf32>
        %swap3A_855 = arith.index_cast %add3A_809 : i32 to index
        %swap3A_856 = arith.constant 64 : index
        %swap3A_857 = tpu.vector_load %arg18[%swap3A_855, %swap3A_856] {strides = array<i32>} : memref<128x128xf32, #tpu.memory_space<vmem>>, vector<1x16xf32>,
        %swap3A_858 = vector.shape_cast %swap3A_857 : vector<1x16xf32> to vector<16xf32>
        %swap3A_859 = vector.shape_cast %mul3A_854 : vector<16xf32> to vector<1x16xf32>
        tpu.vector_store %arg18[%swap3A_855, %swap3A_856], %swap3A_859 {strides = array<i32>} : memref<128x128xf32, #tpu.memory_space<vmem>>, vector<1x16xf32>,
        %get3A_860 = arith.index_cast %add3A_809 : i32 to index
        %get3A_861 = arith.constant 80 : index
        %get3A_862 = tpu.vector_load %arg18[%get3A_860, %get3A_861] {strides = array<i32>} : memref<128x128xf32, #tpu.memory_space<vmem>>, vector<1x16xf32>,
        %get3A_863 = vector.shape_cast %get3A_862 : vector<1x16xf32> to vector<16xf32>
        %mul3A_864 = arith.mulf %get3A_863, %gather3A_805 : vector<16xf32>
        %swap3A_865 = arith.index_cast %add3A_809 : i32 to index
        %swap3A_866 = arith.constant 80 : index
        %swap3A_867 = tpu.vector_load %arg18[%swap3A_865, %swap3A_866] {strides = array<i32>} : memref<128x128xf32, #tpu.memory_space<vmem>>, vector<1x16xf32>,
        %swap3A_868 = vector.shape_cast %swap3A_867 : vector<1x16xf32> to vector<16xf32>
        %swap3A_869 = vector.shape_cast %mul3A_864 : vector<16xf32> to vector<1x16xf32>
        tpu.vector_store %arg18[%swap3A_865, %swap3A_866], %swap3A_869 {strides = array<i32>} : memref<128x128xf32, #tpu.memory_space<vmem>>, vector<1x16xf32>,
        %get3A_870 = arith.index_cast %add3A_809 : i32 to index
        %get3A_871 = arith.constant 96 : index
        %get3A_872 = tpu.vector_load %arg18[%get3A_870, %get3A_871] {strides = array<i32>} : memref<128x128xf32, #tpu.memory_space<vmem>>, vector<1x16xf32>,
        %get3A_873 = vector.shape_cast %get3A_872 : vector<1x16xf32> to vector<16xf32>
        %mul3A_874 = arith.mulf %get3A_873, %gather3A_805 : vector<16xf32>
        %swap3A_875 = arith.index_cast %add3A_809 : i32 to index
        %swap3A_876 = arith.constant 96 : index
        %swap3A_877 = tpu.vector_load %arg18[%swap3A_875, %swap3A_876] {strides = array<i32>} : memref<128x128xf32, #tpu.memory_space<vmem>>, vector<1x16xf32>,
        %swap3A_878 = vector.shape_cast %swap3A_877 : vector<1x16xf32> to vector<16xf32>
        %swap3A_879 = vector.shape_cast %mul3A_874 : vector<16xf32> to vector<1x16xf32>
        tpu.vector_store %arg18[%swap3A_875, %swap3A_876], %swap3A_879 {strides = array<i32>} : memref<128x128xf32, #tpu.memory_space<vmem>>, vector<1x16xf32>,
        %get3A_880 = arith.index_cast %add3A_809 : i32 to index
        %get3A_881 = arith.constant 112 : index
        %get3A_882 = tpu.vector_load %arg18[%get3A_880, %get3A_881] {strides = array<i32>} : memref<128x128xf32, #tpu.memory_space<vmem>>, vector<1x16xf32>,
        %get3A_883 = vector.shape_cast %get3A_882 : vector<1x16xf32> to vector<16xf32>
        %mul3A_884 = arith.mulf %get3A_883, %gather3A_805 : vector<16xf32>
        %swap3A_885 = arith.index_cast %add3A_809 : i32 to index
        %swap3A_886 = arith.constant 112 : index
        %swap3A_887 = tpu.vector_load %arg18[%swap3A_885, %swap3A_886] {strides = array<i32>} : memref<128x128xf32, #tpu.memory_space<vmem>>, vector<1x16xf32>,
        %swap3A_888 = vector.shape_cast %swap3A_887 : vector<1x16xf32> to vector<16xf32>
        %swap3A_889 = vector.shape_cast %mul3A_884 : vector<16xf32> to vector<1x16xf32>
        tpu.vector_store %arg18[%swap3A_885, %swap3A_886], %swap3A_889 {strides = array<i32>} : memref<128x128xf32, #tpu.memory_space<vmem>>, vector<1x16xf32>,
        %broadcast_in_dim3A_890 = arith.constant 8 : i32
        %broadcast_in_dim3A_891 = vector.broadcast %broadcast_in_dim3A_890 : i32 to vector<16x1xi32>
        %gather3A_892 = vector.shape_cast %broadcast_in_dim3A_891 : vector<16x1xi32> to vector<16xi32>
        %gather3A_893 = tpu.dynamic_gather %get3A_187[%gather3A_892] in [0] : vector<16xf32>, vector<16xi32> -> vector<16xf32>
        %mul3A_894 = arith.constant 16 : i32
        %mul3A_895 = arith.muli %scan3A_182, %mul3A_894 : i32
        %add3A_896 = arith.constant 8 : i32
        %add3A_897 = arith.addi %mul3A_895, %add3A_896 : i32
        %get3A_898 = arith.index_cast %add3A_897 : i32 to index
        %get3A_899 = arith.constant 0 : index
        %get3A_900 = tpu.vector_load %arg18[%get3A_898, %get3A_899] {strides = array<i32>} : memref<128x128xf32, #tpu.memory_space<vmem>>, vector<1x16xf32>,
        %get3A_901 = vector.shape_cast %get3A_900 : vector<1x16xf32> to vector<16xf32>
        %mul3A_902 = arith.mulf %get3A_901, %gather3A_893 : vector<16xf32>
        %swap3A_903 = arith.index_cast %add3A_897 : i32 to index
        %swap3A_904 = arith.constant 0 : index
        %swap3A_905 = tpu.vector_load %arg18[%swap3A_903, %swap3A_904] {strides = array<i32>} : memref<128x128xf32, #tpu.memory_space<vmem>>, vector<1x16xf32>,
        %swap3A_906 = vector.shape_cast %swap3A_905 : vector<1x16xf32> to vector<16xf32>
        %swap3A_907 = vector.shape_cast %mul3A_902 : vector<16xf32> to vector<1x16xf32>
        tpu.vector_store %arg18[%swap3A_903, %swap3A_904], %swap3A_907 {strides = array<i32>} : memref<128x128xf32, #tpu.memory_space<vmem>>, vector<1x16xf32>,
        %get3A_908 = arith.index_cast %add3A_897 : i32 to index
        %get3A_909 = arith.constant 16 : index
        %get3A_910 = tpu.vector_load %arg18[%get3A_908, %get3A_909] {strides = array<i32>} : memref<128x128xf32, #tpu.memory_space<vmem>>, vector<1x16xf32>,
        %get3A_911 = vector.shape_cast %get3A_910 : vector<1x16xf32> to vector<16xf32>
        %mul3A_912 = arith.mulf %get3A_911, %gather3A_893 : vector<16xf32>
        %swap3A_913 = arith.index_cast %add3A_897 : i32 to index
        %swap3A_914 = arith.constant 16 : index
        %swap3A_915 = tpu.vector_load %arg18[%swap3A_913, %swap3A_914] {strides = array<i32>} : memref<128x128xf32, #tpu.memory_space<vmem>>, vector<1x16xf32>,
        %swap3A_916 = vector.shape_cast %swap3A_915 : vector<1x16xf32> to vector<16xf32>
        %swap3A_917 = vector.shape_cast %mul3A_912 : vector<16xf32> to vector<1x16xf32>
        tpu.vector_store %arg18[%swap3A_913, %swap3A_914], %swap3A_917 {strides = array<i32>} : memref<128x128xf32, #tpu.memory_space<vmem>>, vector<1x16xf32>,
        %get3A_918 = arith.index_cast %add3A_897 : i32 to index
        %get3A_919 = arith.constant 32 : index
        %get3A_920 = tpu.vector_load %arg18[%get3A_918, %get3A_919] {strides = array<i32>} : memref<128x128xf32, #tpu.memory_space<vmem>>, vector<1x16xf32>,
        %get3A_921 = vector.shape_cast %get3A_920 : vector<1x16xf32> to vector<16xf32>
        %mul3A_922 = arith.mulf %get3A_921, %gather3A_893 : vector<16xf32>
        %swap3A_923 = arith.index_cast %add3A_897 : i32 to index
        %swap3A_924 = arith.constant 32 : index
        %swap3A_925 = tpu.vector_load %arg18[%swap3A_923, %swap3A_924] {strides = array<i32>} : memref<128x128xf32, #tpu.memory_space<vmem>>, vector<1x16xf32>,
        %swap3A_926 = vector.shape_cast %swap3A_925 : vector<1x16xf32> to vector<16xf32>
        %swap3A_927 = vector.shape_cast %mul3A_922 : vector<16xf32> to vector<1x16xf32>
        tpu.vector_store %arg18[%swap3A_923, %swap3A_924], %swap3A_927 {strides = array<i32>} : memref<128x128xf32, #tpu.memory_space<vmem>>, vector<1x16xf32>,
        %get3A_928 = arith.index_cast %add3A_897 : i32 to index
        %get3A_929 = arith.constant 48 : index
        %get3A_930 = tpu.vector_load %arg18[%get3A_928, %get3A_929] {strides = array<i32>} : memref<128x128xf32, #tpu.memory_space<vmem>>, vector<1x16xf32>,
        %get3A_931 = vector.shape_cast %get3A_930 : vector<1x16xf32> to vector<16xf32>
        %mul3A_932 = arith.mulf %get3A_931, %gather3A_893 : vector<16xf32>
        %swap3A_933 = arith.index_cast %add3A_897 : i32 to index
        %swap3A_934 = arith.constant 48 : index
        %swap3A_935 = tpu.vector_load %arg18[%swap3A_933, %swap3A_934] {strides = array<i32>} : memref<128x128xf32, #tpu.memory_space<vmem>>, vector<1x16xf32>,
        %swap3A_936 = vector.shape_cast %swap3A_935 : vector<1x16xf32> to vector<16xf32>
        %swap3A_937 = vector.shape_cast %mul3A_932 : vector<16xf32> to vector<1x16xf32>
        tpu.vector_store %arg18[%swap3A_933, %swap3A_934], %swap3A_937 {strides = array<i32>} : memref<128x128xf32, #tpu.memory_space<vmem>>, vector<1x16xf32>,
        %get3A_938 = arith.index_cast %add3A_897 : i32 to index
        %get3A_939 = arith.constant 64 : index
        %get3A_940 = tpu.vector_load %arg18[%get3A_938, %get3A_939] {strides = array<i32>} : memref<128x128xf32, #tpu.memory_space<vmem>>, vector<1x16xf32>,
        %get3A_941 = vector.shape_cast %get3A_940 : vector<1x16xf32> to vector<16xf32>
        %mul3A_942 = arith.mulf %get3A_941, %gather3A_893 : vector<16xf32>
        %swap3A_943 = arith.index_cast %add3A_897 : i32 to index
        %swap3A_944 = arith.constant 64 : index
        %swap3A_945 = tpu.vector_load %arg18[%swap3A_943, %swap3A_944] {strides = array<i32>} : memref<128x128xf32, #tpu.memory_space<vmem>>, vector<1x16xf32>,
        %swap3A_946 = vector.shape_cast %swap3A_945 : vector<1x16xf32> to vector<16xf32>
        %swap3A_947 = vector.shape_cast %mul3A_942 : vector<16xf32> to vector<1x16xf32>
        tpu.vector_store %arg18[%swap3A_943, %swap3A_944], %swap3A_947 {strides = array<i32>} : memref<128x128xf32, #tpu.memory_space<vmem>>, vector<1x16xf32>,
        %get3A_948 = arith.index_cast %add3A_897 : i32 to index
        %get3A_949 = arith.constant 80 : index
        %get3A_950 = tpu.vector_load %arg18[%get3A_948, %get3A_949] {strides = array<i32>} : memref<128x128xf32, #tpu.memory_space<vmem>>, vector<1x16xf32>,
        %get3A_951 = vector.shape_cast %get3A_950 : vector<1x16xf32> to vector<16xf32>
        %mul3A_952 = arith.mulf %get3A_951, %gather3A_893 : vector<16xf32>
        %swap3A_953 = arith.index_cast %add3A_897 : i32 to index
        %swap3A_954 = arith.constant 80 : index
        %swap3A_955 = tpu.vector_load %arg18[%swap3A_953, %swap3A_954] {strides = array<i32>} : memref<128x128xf32, #tpu.memory_space<vmem>>, vector<1x16xf32>,
        %swap3A_956 = vector.shape_cast %swap3A_955 : vector<1x16xf32> to vector<16xf32>
        %swap3A_957 = vector.shape_cast %mul3A_952 : vector<16xf32> to vector<1x16xf32>
        tpu.vector_store %arg18[%swap3A_953, %swap3A_954], %swap3A_957 {strides = array<i32>} : memref<128x128xf32, #tpu.memory_space<vmem>>, vector<1x16xf32>,
        %get3A_958 = arith.index_cast %add3A_897 : i32 to index
        %get3A_959 = arith.constant 96 : index
        %get3A_960 = tpu.vector_load %arg18[%get3A_958, %get3A_959] {strides = array<i32>} : memref<128x128xf32, #tpu.memory_space<vmem>>, vector<1x16xf32>,
        %get3A_961 = vector.shape_cast %get3A_960 : vector<1x16xf32> to vector<16xf32>
        %mul3A_962 = arith.mulf %get3A_961, %gather3A_893 : vector<16xf32>
        %swap3A_963 = arith.index_cast %add3A_897 : i32 to index
        %swap3A_964 = arith.constant 96 : index
        %swap3A_965 = tpu.vector_load %arg18[%swap3A_963, %swap3A_964] {strides = array<i32>} : memref<128x128xf32, #tpu.memory_space<vmem>>, vector<1x16xf32>,
        %swap3A_966 = vector.shape_cast %swap3A_965 : vector<1x16xf32> to vector<16xf32>
        %swap3A_967 = vector.shape_cast %mul3A_962 : vector<16xf32> to vector<1x16xf32>
        tpu.vector_store %arg18[%swap3A_963, %swap3A_964], %swap3A_967 {strides = array<i32>} : memref<128x128xf32, #tpu.memory_space<vmem>>, vector<1x16xf32>,
        %get3A_968 = arith.index_cast %add3A_897 : i32 to index
        %get3A_969 = arith.constant 112 : index
        %get3A_970 = tpu.vector_load %arg18[%get3A_968, %get3A_969] {strides = array<i32>} : memref<128x128xf32, #tpu.memory_space<vmem>>, vector<1x16xf32>,
        %get3A_971 = vector.shape_cast %get3A_970 : vector<1x16xf32> to vector<16xf32>
        %mul3A_972 = arith.mulf %get3A_971, %gather3A_893 : vector<16xf32>
        %swap3A_973 = arith.index_cast %add3A_897 : i32 to index
        %swap3A_974 = arith.constant 112 : index
        %swap3A_975 = tpu.vector_load %arg18[%swap3A_973, %swap3A_974] {strides = array<i32>} : memref<128x128xf32, #tpu.memory_space<vmem>>, vector<1x16xf32>,
        %swap3A_976 = vector.shape_cast %swap3A_975 : vector<1x16xf32> to vector<16xf32>
        %swap3A_977 = vector.shape_cast %mul3A_972 : vector<16xf32> to vector<1x16xf32>
        tpu.vector_store %arg18[%swap3A_973, %swap3A_974], %swap3A_977 {strides = array<i32>} : memref<128x128xf32, #tpu.memory_space<vmem>>, vector<1x16xf32>,
        %broadcast_in_dim3A_978 = arith.constant 9 : i32
        %broadcast_in_dim3A_979 = vector.broadcast %broadcast_in_dim3A_978 : i32 to vector<16x1xi32>
        %gather3A_980 = vector.shape_cast %broadcast_in_dim3A_979 : vector<16x1xi32> to vector<16xi32>
        %gather3A_981 = tpu.dynamic_gather %get3A_187[%gather3A_980] in [0] : vector<16xf32>, vector<16xi32> -> vector<16xf32>
        %mul3A_982 = arith.constant 16 : i32
        %mul3A_983 = arith.muli %scan3A_182, %mul3A_982 : i32
        %add3A_984 = arith.constant 9 : i32
        %add3A_985 = arith.addi %mul3A_983, %add3A_984 : i32
        %get3A_986 = arith.index_cast %add3A_985 : i32 to index
        %get3A_987 = arith.constant 0 : index
        %get3A_988 = tpu.vector_load %arg18[%get3A_986, %get3A_987] {strides = array<i32>} : memref<128x128xf32, #tpu.memory_space<vmem>>, vector<1x16xf32>,
        %get3A_989 = vector.shape_cast %get3A_988 : vector<1x16xf32> to vector<16xf32>
        %mul3A_990 = arith.mulf %get3A_989, %gather3A_981 : vector<16xf32>
        %swap3A_991 = arith.index_cast %add3A_985 : i32 to index
        %swap3A_992 = arith.constant 0 : index
        %swap3A_993 = tpu.vector_load %arg18[%swap3A_991, %swap3A_992] {strides = array<i32>} : memref<128x128xf32, #tpu.memory_space<vmem>>, vector<1x16xf32>,
        %swap3A_994 = vector.shape_cast %swap3A_993 : vector<1x16xf32> to vector<16xf32>
        %swap3A_995 = vector.shape_cast %mul3A_990 : vector<16xf32> to vector<1x16xf32>
        tpu.vector_store %arg18[%swap3A_991, %swap3A_992], %swap3A_995 {strides = array<i32>} : memref<128x128xf32, #tpu.memory_space<vmem>>, vector<1x16xf32>,
        %get3A_996 = arith.index_cast %add3A_985 : i32 to index
        %get3A_997 = arith.constant 16 : index
        %get3A_998 = tpu.vector_load %arg18[%get3A_996, %get3A_997] {strides = array<i32>} : memref<128x128xf32, #tpu.memory_space<vmem>>, vector<1x16xf32>,
        %get3A_999 = vector.shape_cast %get3A_998 : vector<1x16xf32> to vector<16xf32>
        %mul3A_1000 = arith.mulf %get3A_999, %gather3A_981 : vector<16xf32>
        %swap3A_1001 = arith.index_cast %add3A_985 : i32 to index
        %swap3A_1002 = arith.constant 16 : index
        %swap3A_1003 = tpu.vector_load %arg18[%swap3A_1001, %swap3A_1002] {strides = array<i32>} : memref<128x128xf32, #tpu.memory_space<vmem>>, vector<1x16xf32>,
        %swap3A_1004 = vector.shape_cast %swap3A_1003 : vector<1x16xf32> to vector<16xf32>
        %swap3A_1005 = vector.shape_cast %mul3A_1000 : vector<16xf32> to vector<1x16xf32>
        tpu.vector_store %arg18[%swap3A_1001, %swap3A_1002], %swap3A_1005 {strides = array<i32>} : memref<128x128xf32, #tpu.memory_space<vmem>>, vector<1x16xf32>,
        %get3A_1006 = arith.index_cast %add3A_985 : i32 to index
        %get3A_1007 = arith.constant 32 : index
        %get3A_1008 = tpu.vector_load %arg18[%get3A_1006, %get3A_1007] {strides = array<i32>} : memref<128x128xf32, #tpu.memory_space<vmem>>, vector<1x16xf32>,
        %get3A_1009 = vector.shape_cast %get3A_1008 : vector<1x16xf32> to vector<16xf32>
        %mul3A_1010 = arith.mulf %get3A_1009, %gather3A_981 : vector<16xf32>
        %swap3A_1011 = arith.index_cast %add3A_985 : i32 to index
        %swap3A_1012 = arith.constant 32 : index
        %swap3A_1013 = tpu.vector_load %arg18[%swap3A_1011, %swap3A_1012] {strides = array<i32>} : memref<128x128xf32, #tpu.memory_space<vmem>>, vector<1x16xf32>,
        %swap3A_1014 = vector.shape_cast %swap3A_1013 : vector<1x16xf32> to vector<16xf32>
        %swap3A_1015 = vector.shape_cast %mul3A_1010 : vector<16xf32> to vector<1x16xf32>
        tpu.vector_store %arg18[%swap3A_1011, %swap3A_1012], %swap3A_1015 {strides = array<i32>} : memref<128x128xf32, #tpu.memory_space<vmem>>, vector<1x16xf32>,
        %get3A_1016 = arith.index_cast %add3A_985 : i32 to index
        %get3A_1017 = arith.constant 48 : index
        %get3A_1018 = tpu.vector_load %arg18[%get3A_1016, %get3A_1017] {strides = array<i32>} : memref<128x128xf32, #tpu.memory_space<vmem>>, vector<1x16xf32>,
        %get3A_1019 = vector.shape_cast %get3A_1018 : vector<1x16xf32> to vector<16xf32>
        %mul3A_1020 = arith.mulf %get3A_1019, %gather3A_981 : vector<16xf32>
        %swap3A_1021 = arith.index_cast %add3A_985 : i32 to index
        %swap3A_1022 = arith.constant 48 : index
        %swap3A_1023 = tpu.vector_load %arg18[%swap3A_1021, %swap3A_1022] {strides = array<i32>} : memref<128x128xf32, #tpu.memory_space<vmem>>, vector<1x16xf32>,
        %swap3A_1024 = vector.shape_cast %swap3A_1023 : vector<1x16xf32> to vector<16xf32>
        %swap3A_1025 = vector.shape_cast %mul3A_1020 : vector<16xf32> to vector<1x16xf32>
        tpu.vector_store %arg18[%swap3A_1021, %swap3A_1022], %swap3A_1025 {strides = array<i32>} : memref<128x128xf32, #tpu.memory_space<vmem>>, vector<1x16xf32>,
        %get3A_1026 = arith.index_cast %add3A_985 : i32 to index
        %get3A_1027 = arith.constant 64 : index
        %get3A_1028 = tpu.vector_load %arg18[%get3A_1026, %get3A_1027] {strides = array<i32>} : memref<128x128xf32, #tpu.memory_space<vmem>>, vector<1x16xf32>,
        %get3A_1029 = vector.shape_cast %get3A_1028 : vector<1x16xf32> to vector<16xf32>
        %mul3A_1030 = arith.mulf %get3A_1029, %gather3A_981 : vector<16xf32>
        %swap3A_1031 = arith.index_cast %add3A_985 : i32 to index
        %swap3A_1032 = arith.constant 64 : index
        %swap3A_1033 = tpu.vector_load %arg18[%swap3A_1031, %swap3A_1032] {strides = array<i32>} : memref<128x128xf32, #tpu.memory_space<vmem>>, vector<1x16xf32>,
        %swap3A_1034 = vector.shape_cast %swap3A_1033 : vector<1x16xf32> to vector<16xf32>
        %swap3A_1035 = vector.shape_cast %mul3A_1030 : vector<16xf32> to vector<1x16xf32>
        tpu.vector_store %arg18[%swap3A_1031, %swap3A_1032], %swap3A_1035 {strides = array<i32>} : memref<128x128xf32, #tpu.memory_space<vmem>>, vector<1x16xf32>,
        %get3A_1036 = arith.index_cast %add3A_985 : i32 to index
        %get3A_1037 = arith.constant 80 : index
        %get3A_1038 = tpu.vector_load %arg18[%get3A_1036, %get3A_1037] {strides = array<i32>} : memref<128x128xf32, #tpu.memory_space<vmem>>, vector<1x16xf32>,
        %get3A_1039 = vector.shape_cast %get3A_1038 : vector<1x16xf32> to vector<16xf32>
        %mul3A_1040 = arith.mulf %get3A_1039, %gather3A_981 : vector<16xf32>
        %swap3A_1041 = arith.index_cast %add3A_985 : i32 to index
        %swap3A_1042 = arith.constant 80 : index
        %swap3A_1043 = tpu.vector_load %arg18[%swap3A_1041, %swap3A_1042] {strides = array<i32>} : memref<128x128xf32, #tpu.memory_space<vmem>>, vector<1x16xf32>,
        %swap3A_1044 = vector.shape_cast %swap3A_1043 : vector<1x16xf32> to vector<16xf32>
        %swap3A_1045 = vector.shape_cast %mul3A_1040 : vector<16xf32> to vector<1x16xf32>
        tpu.vector_store %arg18[%swap3A_1041, %swap3A_1042], %swap3A_1045 {strides = array<i32>} : memref<128x128xf32, #tpu.memory_space<vmem>>, vector<1x16xf32>,
        %get3A_1046 = arith.index_cast %add3A_985 : i32 to index
        %get3A_1047 = arith.constant 96 : index
        %get3A_1048 = tpu.vector_load %arg18[%get3A_1046, %get3A_1047] {strides = array<i32>} : memref<128x128xf32, #tpu.memory_space<vmem>>, vector<1x16xf32>,
        %get3A_1049 = vector.shape_cast %get3A_1048 : vector<1x16xf32> to vector<16xf32>
        %mul3A_1050 = arith.mulf %get3A_1049, %gather3A_981 : vector<16xf32>
        %swap3A_1051 = arith.index_cast %add3A_985 : i32 to index
        %swap3A_1052 = arith.constant 96 : index
        %swap3A_1053 = tpu.vector_load %arg18[%swap3A_1051, %swap3A_1052] {strides = array<i32>} : memref<128x128xf32, #tpu.memory_space<vmem>>, vector<1x16xf32>,
        %swap3A_1054 = vector.shape_cast %swap3A_1053 : vector<1x16xf32> to vector<16xf32>
        %swap3A_1055 = vector.shape_cast %mul3A_1050 : vector<16xf32> to vector<1x16xf32>
        tpu.vector_store %arg18[%swap3A_1051, %swap3A_1052], %swap3A_1055 {strides = array<i32>} : memref<128x128xf32, #tpu.memory_space<vmem>>, vector<1x16xf32>,
        %get3A_1056 = arith.index_cast %add3A_985 : i32 to index
        %get3A_1057 = arith.constant 112 : index
        %get3A_1058 = tpu.vector_load %arg18[%get3A_1056, %get3A_1057] {strides = array<i32>} : memref<128x128xf32, #tpu.memory_space<vmem>>, vector<1x16xf32>,
        %get3A_1059 = vector.shape_cast %get3A_1058 : vector<1x16xf32> to vector<16xf32>
        %mul3A_1060 = arith.mulf %get3A_1059, %gather3A_981 : vector<16xf32>
        %swap3A_1061 = arith.index_cast %add3A_985 : i32 to index
        %swap3A_1062 = arith.constant 112 : index
        %swap3A_1063 = tpu.vector_load %arg18[%swap3A_1061, %swap3A_1062] {strides = array<i32>} : memref<128x128xf32, #tpu.memory_space<vmem>>, vector<1x16xf32>,
        %swap3A_1064 = vector.shape_cast %swap3A_1063 : vector<1x16xf32> to vector<16xf32>
        %swap3A_1065 = vector.shape_cast %mul3A_1060 : vector<16xf32> to vector<1x16xf32>
        tpu.vector_store %arg18[%swap3A_1061, %swap3A_1062], %swap3A_1065 {strides = array<i32>} : memref<128x128xf32, #tpu.memory_space<vmem>>, vector<1x16xf32>,
        %broadcast_in_dim3A_1066 = arith.constant 10 : i32
        %broadcast_in_dim3A_1067 = vector.broadcast %broadcast_in_dim3A_1066 : i32 to vector<16x1xi32>
        %gather3A_1068 = vector.shape_cast %broadcast_in_dim3A_1067 : vector<16x1xi32> to vector<16xi32>
        %gather3A_1069 = tpu.dynamic_gather %get3A_187[%gather3A_1068] in [0] : vector<16xf32>, vector<16xi32> -> vector<16xf32>
        %mul3A_1070 = arith.constant 16 : i32
        %mul3A_1071 = arith.muli %scan3A_182, %mul3A_1070 : i32
        %add3A_1072 = arith.constant 10 : i32
        %add3A_1073 = arith.addi %mul3A_1071, %add3A_1072 : i32
        %get3A_1074 = arith.index_cast %add3A_1073 : i32 to index
        %get3A_1075 = arith.constant 0 : index
        %get3A_1076 = tpu.vector_load %arg18[%get3A_1074, %get3A_1075] {strides = array<i32>} : memref<128x128xf32, #tpu.memory_space<vmem>>, vector<1x16xf32>,
        %get3A_1077 = vector.shape_cast %get3A_1076 : vector<1x16xf32> to vector<16xf32>
        %mul3A_1078 = arith.mulf %get3A_1077, %gather3A_1069 : vector<16xf32>
        %swap3A_1079 = arith.index_cast %add3A_1073 : i32 to index
        %swap3A_1080 = arith.constant 0 : index
        %swap3A_1081 = tpu.vector_load %arg18[%swap3A_1079, %swap3A_1080] {strides = array<i32>} : memref<128x128xf32, #tpu.memory_space<vmem>>, vector<1x16xf32>,
        %swap3A_1082 = vector.shape_cast %swap3A_1081 : vector<1x16xf32> to vector<16xf32>
        %swap3A_1083 = vector.shape_cast %mul3A_1078 : vector<16xf32> to vector<1x16xf32>
        tpu.vector_store %arg18[%swap3A_1079, %swap3A_1080], %swap3A_1083 {strides = array<i32>} : memref<128x128xf32, #tpu.memory_space<vmem>>, vector<1x16xf32>,
        %get3A_1084 = arith.index_cast %add3A_1073 : i32 to index
        %get3A_1085 = arith.constant 16 : index
        %get3A_1086 = tpu.vector_load %arg18[%get3A_1084, %get3A_1085] {strides = array<i32>} : memref<128x128xf32, #tpu.memory_space<vmem>>, vector<1x16xf32>,
        %get3A_1087 = vector.shape_cast %get3A_1086 : vector<1x16xf32> to vector<16xf32>
        %mul3A_1088 = arith.mulf %get3A_1087, %gather3A_1069 : vector<16xf32>
        %swap3A_1089 = arith.index_cast %add3A_1073 : i32 to index
        %swap3A_1090 = arith.constant 16 : index
        %swap3A_1091 = tpu.vector_load %arg18[%swap3A_1089, %swap3A_1090] {strides = array<i32>} : memref<128x128xf32, #tpu.memory_space<vmem>>, vector<1x16xf32>,
        %swap3A_1092 = vector.shape_cast %swap3A_1091 : vector<1x16xf32> to vector<16xf32>
        %swap3A_1093 = vector.shape_cast %mul3A_1088 : vector<16xf32> to vector<1x16xf32>
        tpu.vector_store %arg18[%swap3A_1089, %swap3A_1090], %swap3A_1093 {strides = array<i32>} : memref<128x128xf32, #tpu.memory_space<vmem>>, vector<1x16xf32>,
        %get3A_1094 = arith.index_cast %add3A_1073 : i32 to index
        %get3A_1095 = arith.constant 32 : index
        %get3A_1096 = tpu.vector_load %arg18[%get3A_1094, %get3A_1095] {strides = array<i32>} : memref<128x128xf32, #tpu.memory_space<vmem>>, vector<1x16xf32>,
        %get3A_1097 = vector.shape_cast %get3A_1096 : vector<1x16xf32> to vector<16xf32>
        %mul3A_1098 = arith.mulf %get3A_1097, %gather3A_1069 : vector<16xf32>
        %swap3A_1099 = arith.index_cast %add3A_1073 : i32 to index
        %swap3A_1100 = arith.constant 32 : index
        %swap3A_1101 = tpu.vector_load %arg18[%swap3A_1099, %swap3A_1100] {strides = array<i32>} : memref<128x128xf32, #tpu.memory_space<vmem>>, vector<1x16xf32>,
        %swap3A_1102 = vector.shape_cast %swap3A_1101 : vector<1x16xf32> to vector<16xf32>
        %swap3A_1103 = vector.shape_cast %mul3A_1098 : vector<16xf32> to vector<1x16xf32>
        tpu.vector_store %arg18[%swap3A_1099, %swap3A_1100], %swap3A_1103 {strides = array<i32>} : memref<128x128xf32, #tpu.memory_space<vmem>>, vector<1x16xf32>,
        %get3A_1104 = arith.index_cast %add3A_1073 : i32 to index
        %get3A_1105 = arith.constant 48 : index
        %get3A_1106 = tpu.vector_load %arg18[%get3A_1104, %get3A_1105] {strides = array<i32>} : memref<128x128xf32, #tpu.memory_space<vmem>>, vector<1x16xf32>,
        %get3A_1107 = vector.shape_cast %get3A_1106 : vector<1x16xf32> to vector<16xf32>
        %mul3A_1108 = arith.mulf %get3A_1107, %gather3A_1069 : vector<16xf32>
        %swap3A_1109 = arith.index_cast %add3A_1073 : i32 to index
        %swap3A_1110 = arith.constant 48 : index
        %swap3A_1111 = tpu.vector_load %arg18[%swap3A_1109, %swap3A_1110] {strides = array<i32>} : memref<128x128xf32, #tpu.memory_space<vmem>>, vector<1x16xf32>,
        %swap3A_1112 = vector.shape_cast %swap3A_1111 : vector<1x16xf32> to vector<16xf32>
        %swap3A_1113 = vector.shape_cast %mul3A_1108 : vector<16xf32> to vector<1x16xf32>
        tpu.vector_store %arg18[%swap3A_1109, %swap3A_1110], %swap3A_1113 {strides = array<i32>} : memref<128x128xf32, #tpu.memory_space<vmem>>, vector<1x16xf32>,
        %get3A_1114 = arith.index_cast %add3A_1073 : i32 to index
        %get3A_1115 = arith.constant 64 : index
        %get3A_1116 = tpu.vector_load %arg18[%get3A_1114, %get3A_1115] {strides = array<i32>} : memref<128x128xf32, #tpu.memory_space<vmem>>, vector<1x16xf32>,
        %get3A_1117 = vector.shape_cast %get3A_1116 : vector<1x16xf32> to vector<16xf32>
        %mul3A_1118 = arith.mulf %get3A_1117, %gather3A_1069 : vector<16xf32>
        %swap3A_1119 = arith.index_cast %add3A_1073 : i32 to index
        %swap3A_1120 = arith.constant 64 : index
        %swap3A_1121 = tpu.vector_load %arg18[%swap3A_1119, %swap3A_1120] {strides = array<i32>} : memref<128x128xf32, #tpu.memory_space<vmem>>, vector<1x16xf32>,
        %swap3A_1122 = vector.shape_cast %swap3A_1121 : vector<1x16xf32> to vector<16xf32>
        %swap3A_1123 = vector.shape_cast %mul3A_1118 : vector<16xf32> to vector<1x16xf32>
        tpu.vector_store %arg18[%swap3A_1119, %swap3A_1120], %swap3A_1123 {strides = array<i32>} : memref<128x128xf32, #tpu.memory_space<vmem>>, vector<1x16xf32>,
        %get3A_1124 = arith.index_cast %add3A_1073 : i32 to index
        %get3A_1125 = arith.constant 80 : index
        %get3A_1126 = tpu.vector_load %arg18[%get3A_1124, %get3A_1125] {strides = array<i32>} : memref<128x128xf32, #tpu.memory_space<vmem>>, vector<1x16xf32>,
        %get3A_1127 = vector.shape_cast %get3A_1126 : vector<1x16xf32> to vector<16xf32>
        %mul3A_1128 = arith.mulf %get3A_1127, %gather3A_1069 : vector<16xf32>
        %swap3A_1129 = arith.index_cast %add3A_1073 : i32 to index
        %swap3A_1130 = arith.constant 80 : index
        %swap3A_1131 = tpu.vector_load %arg18[%swap3A_1129, %swap3A_1130] {strides = array<i32>} : memref<128x128xf32, #tpu.memory_space<vmem>>, vector<1x16xf32>,
        %swap3A_1132 = vector.shape_cast %swap3A_1131 : vector<1x16xf32> to vector<16xf32>
        %swap3A_1133 = vector.shape_cast %mul3A_1128 : vector<16xf32> to vector<1x16xf32>
        tpu.vector_store %arg18[%swap3A_1129, %swap3A_1130], %swap3A_1133 {strides = array<i32>} : memref<128x128xf32, #tpu.memory_space<vmem>>, vector<1x16xf32>,
        %get3A_1134 = arith.index_cast %add3A_1073 : i32 to index
        %get3A_1135 = arith.constant 96 : index
        %get3A_1136 = tpu.vector_load %arg18[%get3A_1134, %get3A_1135] {strides = array<i32>} : memref<128x128xf32, #tpu.memory_space<vmem>>, vector<1x16xf32>,
        %get3A_1137 = vector.shape_cast %get3A_1136 : vector<1x16xf32> to vector<16xf32>
        %mul3A_1138 = arith.mulf %get3A_1137, %gather3A_1069 : vector<16xf32>
        %swap3A_1139 = arith.index_cast %add3A_1073 : i32 to index
        %swap3A_1140 = arith.constant 96 : index
        %swap3A_1141 = tpu.vector_load %arg18[%swap3A_1139, %swap3A_1140] {strides = array<i32>} : memref<128x128xf32, #tpu.memory_space<vmem>>, vector<1x16xf32>,
        %swap3A_1142 = vector.shape_cast %swap3A_1141 : vector<1x16xf32> to vector<16xf32>
        %swap3A_1143 = vector.shape_cast %mul3A_1138 : vector<16xf32> to vector<1x16xf32>
        tpu.vector_store %arg18[%swap3A_1139, %swap3A_1140], %swap3A_1143 {strides = array<i32>} : memref<128x128xf32, #tpu.memory_space<vmem>>, vector<1x16xf32>,
        %get3A_1144 = arith.index_cast %add3A_1073 : i32 to index
        %get3A_1145 = arith.constant 112 : index
        %get3A_1146 = tpu.vector_load %arg18[%get3A_1144, %get3A_1145] {strides = array<i32>} : memref<128x128xf32, #tpu.memory_space<vmem>>, vector<1x16xf32>,
        %get3A_1147 = vector.shape_cast %get3A_1146 : vector<1x16xf32> to vector<16xf32>
        %mul3A_1148 = arith.mulf %get3A_1147, %gather3A_1069 : vector<16xf32>
        %swap3A_1149 = arith.index_cast %add3A_1073 : i32 to index
        %swap3A_1150 = arith.constant 112 : index
        %swap3A_1151 = tpu.vector_load %arg18[%swap3A_1149, %swap3A_1150] {strides = array<i32>} : memref<128x128xf32, #tpu.memory_space<vmem>>, vector<1x16xf32>,
        %swap3A_1152 = vector.shape_cast %swap3A_1151 : vector<1x16xf32> to vector<16xf32>
        %swap3A_1153 = vector.shape_cast %mul3A_1148 : vector<16xf32> to vector<1x16xf32>
        tpu.vector_store %arg18[%swap3A_1149, %swap3A_1150], %swap3A_1153 {strides = array<i32>} : memref<128x128xf32, #tpu.memory_space<vmem>>, vector<1x16xf32>,
        %broadcast_in_dim3A_1154 = arith.constant 11 : i32
        %broadcast_in_dim3A_1155 = vector.broadcast %broadcast_in_dim3A_1154 : i32 to vector<16x1xi32>
        %gather3A_1156 = vector.shape_cast %broadcast_in_dim3A_1155 : vector<16x1xi32> to vector<16xi32>
        %gather3A_1157 = tpu.dynamic_gather %get3A_187[%gather3A_1156] in [0] : vector<16xf32>, vector<16xi32> -> vector<16xf32>
        %mul3A_1158 = arith.constant 16 : i32
        %mul3A_1159 = arith.muli %scan3A_182, %mul3A_1158 : i32
        %add3A_1160 = arith.constant 11 : i32
        %add3A_1161 = arith.addi %mul3A_1159, %add3A_1160 : i32
        %get3A_1162 = arith.index_cast %add3A_1161 : i32 to index
        %get3A_1163 = arith.constant 0 : index
        %get3A_1164 = tpu.vector_load %arg18[%get3A_1162, %get3A_1163] {strides = array<i32>} : memref<128x128xf32, #tpu.memory_space<vmem>>, vector<1x16xf32>,
        %get3A_1165 = vector.shape_cast %get3A_1164 : vector<1x16xf32> to vector<16xf32>
        %mul3A_1166 = arith.mulf %get3A_1165, %gather3A_1157 : vector<16xf32>
        %swap3A_1167 = arith.index_cast %add3A_1161 : i32 to index
        %swap3A_1168 = arith.constant 0 : index
        %swap3A_1169 = tpu.vector_load %arg18[%swap3A_1167, %swap3A_1168] {strides = array<i32>} : memref<128x128xf32, #tpu.memory_space<vmem>>, vector<1x16xf32>,
        %swap3A_1170 = vector.shape_cast %swap3A_1169 : vector<1x16xf32> to vector<16xf32>
        %swap3A_1171 = vector.shape_cast %mul3A_1166 : vector<16xf32> to vector<1x16xf32>
        tpu.vector_store %arg18[%swap3A_1167, %swap3A_1168], %swap3A_1171 {strides = array<i32>} : memref<128x128xf32, #tpu.memory_space<vmem>>, vector<1x16xf32>,
        %get3A_1172 = arith.index_cast %add3A_1161 : i32 to index
        %get3A_1173 = arith.constant 16 : index
        %get3A_1174 = tpu.vector_load %arg18[%get3A_1172, %get3A_1173] {strides = array<i32>} : memref<128x128xf32, #tpu.memory_space<vmem>>, vector<1x16xf32>,
        %get3A_1175 = vector.shape_cast %get3A_1174 : vector<1x16xf32> to vector<16xf32>
        %mul3A_1176 = arith.mulf %get3A_1175, %gather3A_1157 : vector<16xf32>
        %swap3A_1177 = arith.index_cast %add3A_1161 : i32 to index
        %swap3A_1178 = arith.constant 16 : index
        %swap3A_1179 = tpu.vector_load %arg18[%swap3A_1177, %swap3A_1178] {strides = array<i32>} : memref<128x128xf32, #tpu.memory_space<vmem>>, vector<1x16xf32>,
        %swap3A_1180 = vector.shape_cast %swap3A_1179 : vector<1x16xf32> to vector<16xf32>
        %swap3A_1181 = vector.shape_cast %mul3A_1176 : vector<16xf32> to vector<1x16xf32>
        tpu.vector_store %arg18[%swap3A_1177, %swap3A_1178], %swap3A_1181 {strides = array<i32>} : memref<128x128xf32, #tpu.memory_space<vmem>>, vector<1x16xf32>,
        %get3A_1182 = arith.index_cast %add3A_1161 : i32 to index
        %get3A_1183 = arith.constant 32 : index
        %get3A_1184 = tpu.vector_load %arg18[%get3A_1182, %get3A_1183] {strides = array<i32>} : memref<128x128xf32, #tpu.memory_space<vmem>>, vector<1x16xf32>,
        %get3A_1185 = vector.shape_cast %get3A_1184 : vector<1x16xf32> to vector<16xf32>
        %mul3A_1186 = arith.mulf %get3A_1185, %gather3A_1157 : vector<16xf32>
        %swap3A_1187 = arith.index_cast %add3A_1161 : i32 to index
        %swap3A_1188 = arith.constant 32 : index
        %swap3A_1189 = tpu.vector_load %arg18[%swap3A_1187, %swap3A_1188] {strides = array<i32>} : memref<128x128xf32, #tpu.memory_space<vmem>>, vector<1x16xf32>,
        %swap3A_1190 = vector.shape_cast %swap3A_1189 : vector<1x16xf32> to vector<16xf32>
        %swap3A_1191 = vector.shape_cast %mul3A_1186 : vector<16xf32> to vector<1x16xf32>
        tpu.vector_store %arg18[%swap3A_1187, %swap3A_1188], %swap3A_1191 {strides = array<i32>} : memref<128x128xf32, #tpu.memory_space<vmem>>, vector<1x16xf32>,
        %get3A_1192 = arith.index_cast %add3A_1161 : i32 to index
        %get3A_1193 = arith.constant 48 : index
        %get3A_1194 = tpu.vector_load %arg18[%get3A_1192, %get3A_1193] {strides = array<i32>} : memref<128x128xf32, #tpu.memory_space<vmem>>, vector<1x16xf32>,
        %get3A_1195 = vector.shape_cast %get3A_1194 : vector<1x16xf32> to vector<16xf32>
        %mul3A_1196 = arith.mulf %get3A_1195, %gather3A_1157 : vector<16xf32>
        %swap3A_1197 = arith.index_cast %add3A_1161 : i32 to index
        %swap3A_1198 = arith.constant 48 : index
        %swap3A_1199 = tpu.vector_load %arg18[%swap3A_1197, %swap3A_1198] {strides = array<i32>} : memref<128x128xf32, #tpu.memory_space<vmem>>, vector<1x16xf32>,
        %swap3A_1200 = vector.shape_cast %swap3A_1199 : vector<1x16xf32> to vector<16xf32>
        %swap3A_1201 = vector.shape_cast %mul3A_1196 : vector<16xf32> to vector<1x16xf32>
        tpu.vector_store %arg18[%swap3A_1197, %swap3A_1198], %swap3A_1201 {strides = array<i32>} : memref<128x128xf32, #tpu.memory_space<vmem>>, vector<1x16xf32>,
        %get3A_1202 = arith.index_cast %add3A_1161 : i32 to index
        %get3A_1203 = arith.constant 64 : index
        %get3A_1204 = tpu.vector_load %arg18[%get3A_1202, %get3A_1203] {strides = array<i32>} : memref<128x128xf32, #tpu.memory_space<vmem>>, vector<1x16xf32>,
        %get3A_1205 = vector.shape_cast %get3A_1204 : vector<1x16xf32> to vector<16xf32>
        %mul3A_1206 = arith.mulf %get3A_1205, %gather3A_1157 : vector<16xf32>
        %swap3A_1207 = arith.index_cast %add3A_1161 : i32 to index
        %swap3A_1208 = arith.constant 64 : index
        %swap3A_1209 = tpu.vector_load %arg18[%swap3A_1207, %swap3A_1208] {strides = array<i32>} : memref<128x128xf32, #tpu.memory_space<vmem>>, vector<1x16xf32>,
        %swap3A_1210 = vector.shape_cast %swap3A_1209 : vector<1x16xf32> to vector<16xf32>
        %swap3A_1211 = vector.shape_cast %mul3A_1206 : vector<16xf32> to vector<1x16xf32>
        tpu.vector_store %arg18[%swap3A_1207, %swap3A_1208], %swap3A_1211 {strides = array<i32>} : memref<128x128xf32, #tpu.memory_space<vmem>>, vector<1x16xf32>,
        %get3A_1212 = arith.index_cast %add3A_1161 : i32 to index
        %get3A_1213 = arith.constant 80 : index
        %get3A_1214 = tpu.vector_load %arg18[%get3A_1212, %get3A_1213] {strides = array<i32>} : memref<128x128xf32, #tpu.memory_space<vmem>>, vector<1x16xf32>,
        %get3A_1215 = vector.shape_cast %get3A_1214 : vector<1x16xf32> to vector<16xf32>
        %mul3A_1216 = arith.mulf %get3A_1215, %gather3A_1157 : vector<16xf32>
        %swap3A_1217 = arith.index_cast %add3A_1161 : i32 to index
        %swap3A_1218 = arith.constant 80 : index
        %swap3A_1219 = tpu.vector_load %arg18[%swap3A_1217, %swap3A_1218] {strides = array<i32>} : memref<128x128xf32, #tpu.memory_space<vmem>>, vector<1x16xf32>,
        %swap3A_1220 = vector.shape_cast %swap3A_1219 : vector<1x16xf32> to vector<16xf32>
        %swap3A_1221 = vector.shape_cast %mul3A_1216 : vector<16xf32> to vector<1x16xf32>
        tpu.vector_store %arg18[%swap3A_1217, %swap3A_1218], %swap3A_1221 {strides = array<i32>} : memref<128x128xf32, #tpu.memory_space<vmem>>, vector<1x16xf32>,
        %get3A_1222 = arith.index_cast %add3A_1161 : i32 to index
        %get3A_1223 = arith.constant 96 : index
        %get3A_1224 = tpu.vector_load %arg18[%get3A_1222, %get3A_1223] {strides = array<i32>} : memref<128x128xf32, #tpu.memory_space<vmem>>, vector<1x16xf32>,
        %get3A_1225 = vector.shape_cast %get3A_1224 : vector<1x16xf32> to vector<16xf32>
        %mul3A_1226 = arith.mulf %get3A_1225, %gather3A_1157 : vector<16xf32>
        %swap3A_1227 = arith.index_cast %add3A_1161 : i32 to index
        %swap3A_1228 = arith.constant 96 : index
        %swap3A_1229 = tpu.vector_load %arg18[%swap3A_1227, %swap3A_1228] {strides = array<i32>} : memref<128x128xf32, #tpu.memory_space<vmem>>, vector<1x16xf32>,
        %swap3A_1230 = vector.shape_cast %swap3A_1229 : vector<1x16xf32> to vector<16xf32>
        %swap3A_1231 = vector.shape_cast %mul3A_1226 : vector<16xf32> to vector<1x16xf32>
        tpu.vector_store %arg18[%swap3A_1227, %swap3A_1228], %swap3A_1231 {strides = array<i32>} : memref<128x128xf32, #tpu.memory_space<vmem>>, vector<1x16xf32>,
        %get3A_1232 = arith.index_cast %add3A_1161 : i32 to index
        %get3A_1233 = arith.constant 112 : index
        %get3A_1234 = tpu.vector_load %arg18[%get3A_1232, %get3A_1233] {strides = array<i32>} : memref<128x128xf32, #tpu.memory_space<vmem>>, vector<1x16xf32>,
        %get3A_1235 = vector.shape_cast %get3A_1234 : vector<1x16xf32> to vector<16xf32>
        %mul3A_1236 = arith.mulf %get3A_1235, %gather3A_1157 : vector<16xf32>
        %swap3A_1237 = arith.index_cast %add3A_1161 : i32 to index
        %swap3A_1238 = arith.constant 112 : index
        %swap3A_1239 = tpu.vector_load %arg18[%swap3A_1237, %swap3A_1238] {strides = array<i32>} : memref<128x128xf32, #tpu.memory_space<vmem>>, vector<1x16xf32>,
        %swap3A_1240 = vector.shape_cast %swap3A_1239 : vector<1x16xf32> to vector<16xf32>
        %swap3A_1241 = vector.shape_cast %mul3A_1236 : vector<16xf32> to vector<1x16xf32>
        tpu.vector_store %arg18[%swap3A_1237, %swap3A_1238], %swap3A_1241 {strides = array<i32>} : memref<128x128xf32, #tpu.memory_space<vmem>>, vector<1x16xf32>,
        %broadcast_in_dim3A_1242 = arith.constant 12 : i32
        %broadcast_in_dim3A_1243 = vector.broadcast %broadcast_in_dim3A_1242 : i32 to vector<16x1xi32>
        %gather3A_1244 = vector.shape_cast %broadcast_in_dim3A_1243 : vector<16x1xi32> to vector<16xi32>
        %gather3A_1245 = tpu.dynamic_gather %get3A_187[%gather3A_1244] in [0] : vector<16xf32>, vector<16xi32> -> vector<16xf32>
        %mul3A_1246 = arith.constant 16 : i32
        %mul3A_1247 = arith.muli %scan3A_182, %mul3A_1246 : i32
        %add3A_1248 = arith.constant 12 : i32
        %add3A_1249 = arith.addi %mul3A_1247, %add3A_1248 : i32
        %get3A_1250 = arith.index_cast %add3A_1249 : i32 to index
        %get3A_1251 = arith.constant 0 : index
        %get3A_1252 = tpu.vector_load %arg18[%get3A_1250, %get3A_1251] {strides = array<i32>} : memref<128x128xf32, #tpu.memory_space<vmem>>, vector<1x16xf32>,
        %get3A_1253 = vector.shape_cast %get3A_1252 : vector<1x16xf32> to vector<16xf32>
        %mul3A_1254 = arith.mulf %get3A_1253, %gather3A_1245 : vector<16xf32>
        %swap3A_1255 = arith.index_cast %add3A_1249 : i32 to index
        %swap3A_1256 = arith.constant 0 : index
        %swap3A_1257 = tpu.vector_load %arg18[%swap3A_1255, %swap3A_1256] {strides = array<i32>} : memref<128x128xf32, #tpu.memory_space<vmem>>, vector<1x16xf32>,
        %swap3A_1258 = vector.shape_cast %swap3A_1257 : vector<1x16xf32> to vector<16xf32>
        %swap3A_1259 = vector.shape_cast %mul3A_1254 : vector<16xf32> to vector<1x16xf32>
        tpu.vector_store %arg18[%swap3A_1255, %swap3A_1256], %swap3A_1259 {strides = array<i32>} : memref<128x128xf32, #tpu.memory_space<vmem>>, vector<1x16xf32>,
        %get3A_1260 = arith.index_cast %add3A_1249 : i32 to index
        %get3A_1261 = arith.constant 16 : index
        %get3A_1262 = tpu.vector_load %arg18[%get3A_1260, %get3A_1261] {strides = array<i32>} : memref<128x128xf32, #tpu.memory_space<vmem>>, vector<1x16xf32>,
        %get3A_1263 = vector.shape_cast %get3A_1262 : vector<1x16xf32> to vector<16xf32>
        %mul3A_1264 = arith.mulf %get3A_1263, %gather3A_1245 : vector<16xf32>
        %swap3A_1265 = arith.index_cast %add3A_1249 : i32 to index
        %swap3A_1266 = arith.constant 16 : index
        %swap3A_1267 = tpu.vector_load %arg18[%swap3A_1265, %swap3A_1266] {strides = array<i32>} : memref<128x128xf32, #tpu.memory_space<vmem>>, vector<1x16xf32>,
        %swap3A_1268 = vector.shape_cast %swap3A_1267 : vector<1x16xf32> to vector<16xf32>
        %swap3A_1269 = vector.shape_cast %mul3A_1264 : vector<16xf32> to vector<1x16xf32>
        tpu.vector_store %arg18[%swap3A_1265, %swap3A_1266], %swap3A_1269 {strides = array<i32>} : memref<128x128xf32, #tpu.memory_space<vmem>>, vector<1x16xf32>,
        %get3A_1270 = arith.index_cast %add3A_1249 : i32 to index
        %get3A_1271 = arith.constant 32 : index
        %get3A_1272 = tpu.vector_load %arg18[%get3A_1270, %get3A_1271] {strides = array<i32>} : memref<128x128xf32, #tpu.memory_space<vmem>>, vector<1x16xf32>,
        %get3A_1273 = vector.shape_cast %get3A_1272 : vector<1x16xf32> to vector<16xf32>
        %mul3A_1274 = arith.mulf %get3A_1273, %gather3A_1245 : vector<16xf32>
        %swap3A_1275 = arith.index_cast %add3A_1249 : i32 to index
        %swap3A_1276 = arith.constant 32 : index
        %swap3A_1277 = tpu.vector_load %arg18[%swap3A_1275, %swap3A_1276] {strides = array<i32>} : memref<128x128xf32, #tpu.memory_space<vmem>>, vector<1x16xf32>,
        %swap3A_1278 = vector.shape_cast %swap3A_1277 : vector<1x16xf32> to vector<16xf32>
        %swap3A_1279 = vector.shape_cast %mul3A_1274 : vector<16xf32> to vector<1x16xf32>
        tpu.vector_store %arg18[%swap3A_1275, %swap3A_1276], %swap3A_1279 {strides = array<i32>} : memref<128x128xf32, #tpu.memory_space<vmem>>, vector<1x16xf32>,
        %get3A_1280 = arith.index_cast %add3A_1249 : i32 to index
        %get3A_1281 = arith.constant 48 : index
        %get3A_1282 = tpu.vector_load %arg18[%get3A_1280, %get3A_1281] {strides = array<i32>} : memref<128x128xf32, #tpu.memory_space<vmem>>, vector<1x16xf32>,
        %get3A_1283 = vector.shape_cast %get3A_1282 : vector<1x16xf32> to vector<16xf32>
        %mul3A_1284 = arith.mulf %get3A_1283, %gather3A_1245 : vector<16xf32>
        %swap3A_1285 = arith.index_cast %add3A_1249 : i32 to index
        %swap3A_1286 = arith.constant 48 : index
        %swap3A_1287 = tpu.vector_load %arg18[%swap3A_1285, %swap3A_1286] {strides = array<i32>} : memref<128x128xf32, #tpu.memory_space<vmem>>, vector<1x16xf32>,
        %swap3A_1288 = vector.shape_cast %swap3A_1287 : vector<1x16xf32> to vector<16xf32>
        %swap3A_1289 = vector.shape_cast %mul3A_1284 : vector<16xf32> to vector<1x16xf32>
        tpu.vector_store %arg18[%swap3A_1285, %swap3A_1286], %swap3A_1289 {strides = array<i32>} : memref<128x128xf32, #tpu.memory_space<vmem>>, vector<1x16xf32>,
        %get3A_1290 = arith.index_cast %add3A_1249 : i32 to index
        %get3A_1291 = arith.constant 64 : index
        %get3A_1292 = tpu.vector_load %arg18[%get3A_1290, %get3A_1291] {strides = array<i32>} : memref<128x128xf32, #tpu.memory_space<vmem>>, vector<1x16xf32>,
        %get3A_1293 = vector.shape_cast %get3A_1292 : vector<1x16xf32> to vector<16xf32>
        %mul3A_1294 = arith.mulf %get3A_1293, %gather3A_1245 : vector<16xf32>
        %swap3A_1295 = arith.index_cast %add3A_1249 : i32 to index
        %swap3A_1296 = arith.constant 64 : index
        %swap3A_1297 = tpu.vector_load %arg18[%swap3A_1295, %swap3A_1296] {strides = array<i32>} : memref<128x128xf32, #tpu.memory_space<vmem>>, vector<1x16xf32>,
        %swap3A_1298 = vector.shape_cast %swap3A_1297 : vector<1x16xf32> to vector<16xf32>
        %swap3A_1299 = vector.shape_cast %mul3A_1294 : vector<16xf32> to vector<1x16xf32>
        tpu.vector_store %arg18[%swap3A_1295, %swap3A_1296], %swap3A_1299 {strides = array<i32>} : memref<128x128xf32, #tpu.memory_space<vmem>>, vector<1x16xf32>,
        %get3A_1300 = arith.index_cast %add3A_1249 : i32 to index
        %get3A_1301 = arith.constant 80 : index
        %get3A_1302 = tpu.vector_load %arg18[%get3A_1300, %get3A_1301] {strides = array<i32>} : memref<128x128xf32, #tpu.memory_space<vmem>>, vector<1x16xf32>,
        %get3A_1303 = vector.shape_cast %get3A_1302 : vector<1x16xf32> to vector<16xf32>
        %mul3A_1304 = arith.mulf %get3A_1303, %gather3A_1245 : vector<16xf32>
        %swap3A_1305 = arith.index_cast %add3A_1249 : i32 to index
        %swap3A_1306 = arith.constant 80 : index
        %swap3A_1307 = tpu.vector_load %arg18[%swap3A_1305, %swap3A_1306] {strides = array<i32>} : memref<128x128xf32, #tpu.memory_space<vmem>>, vector<1x16xf32>,
        %swap3A_1308 = vector.shape_cast %swap3A_1307 : vector<1x16xf32> to vector<16xf32>
        %swap3A_1309 = vector.shape_cast %mul3A_1304 : vector<16xf32> to vector<1x16xf32>
        tpu.vector_store %arg18[%swap3A_1305, %swap3A_1306], %swap3A_1309 {strides = array<i32>} : memref<128x128xf32, #tpu.memory_space<vmem>>, vector<1x16xf32>,
        %get3A_1310 = arith.index_cast %add3A_1249 : i32 to index
        %get3A_1311 = arith.constant 96 : index
        %get3A_1312 = tpu.vector_load %arg18[%get3A_1310, %get3A_1311] {strides = array<i32>} : memref<128x128xf32, #tpu.memory_space<vmem>>, vector<1x16xf32>,
        %get3A_1313 = vector.shape_cast %get3A_1312 : vector<1x16xf32> to vector<16xf32>
        %mul3A_1314 = arith.mulf %get3A_1313, %gather3A_1245 : vector<16xf32>
        %swap3A_1315 = arith.index_cast %add3A_1249 : i32 to index
        %swap3A_1316 = arith.constant 96 : index
        %swap3A_1317 = tpu.vector_load %arg18[%swap3A_1315, %swap3A_1316] {strides = array<i32>} : memref<128x128xf32, #tpu.memory_space<vmem>>, vector<1x16xf32>,
        %swap3A_1318 = vector.shape_cast %swap3A_1317 : vector<1x16xf32> to vector<16xf32>
        %swap3A_1319 = vector.shape_cast %mul3A_1314 : vector<16xf32> to vector<1x16xf32>
        tpu.vector_store %arg18[%swap3A_1315, %swap3A_1316], %swap3A_1319 {strides = array<i32>} : memref<128x128xf32, #tpu.memory_space<vmem>>, vector<1x16xf32>,
        %get3A_1320 = arith.index_cast %add3A_1249 : i32 to index
        %get3A_1321 = arith.constant 112 : index
        %get3A_1322 = tpu.vector_load %arg18[%get3A_1320, %get3A_1321] {strides = array<i32>} : memref<128x128xf32, #tpu.memory_space<vmem>>, vector<1x16xf32>,
        %get3A_1323 = vector.shape_cast %get3A_1322 : vector<1x16xf32> to vector<16xf32>
        %mul3A_1324 = arith.mulf %get3A_1323, %gather3A_1245 : vector<16xf32>
        %swap3A_1325 = arith.index_cast %add3A_1249 : i32 to index
        %swap3A_1326 = arith.constant 112 : index
        %swap3A_1327 = tpu.vector_load %arg18[%swap3A_1325, %swap3A_1326] {strides = array<i32>} : memref<128x128xf32, #tpu.memory_space<vmem>>, vector<1x16xf32>,
        %swap3A_1328 = vector.shape_cast %swap3A_1327 : vector<1x16xf32> to vector<16xf32>
        %swap3A_1329 = vector.shape_cast %mul3A_1324 : vector<16xf32> to vector<1x16xf32>
        tpu.vector_store %arg18[%swap3A_1325, %swap3A_1326], %swap3A_1329 {strides = array<i32>} : memref<128x128xf32, #tpu.memory_space<vmem>>, vector<1x16xf32>,
        %broadcast_in_dim3A_1330 = arith.constant 13 : i32
        %broadcast_in_dim3A_1331 = vector.broadcast %broadcast_in_dim3A_1330 : i32 to vector<16x1xi32>
        %gather3A_1332 = vector.shape_cast %broadcast_in_dim3A_1331 : vector<16x1xi32> to vector<16xi32>
        %gather3A_1333 = tpu.dynamic_gather %get3A_187[%gather3A_1332] in [0] : vector<16xf32>, vector<16xi32> -> vector<16xf32>
        %mul3A_1334 = arith.constant 16 : i32
        %mul3A_1335 = arith.muli %scan3A_182, %mul3A_1334 : i32
        %add3A_1336 = arith.constant 13 : i32
        %add3A_1337 = arith.addi %mul3A_1335, %add3A_1336 : i32
        %get3A_1338 = arith.index_cast %add3A_1337 : i32 to index
        %get3A_1339 = arith.constant 0 : index
        %get3A_1340 = tpu.vector_load %arg18[%get3A_1338, %get3A_1339] {strides = array<i32>} : memref<128x128xf32, #tpu.memory_space<vmem>>, vector<1x16xf32>,
        %get3A_1341 = vector.shape_cast %get3A_1340 : vector<1x16xf32> to vector<16xf32>
        %mul3A_1342 = arith.mulf %get3A_1341, %gather3A_1333 : vector<16xf32>
        %swap3A_1343 = arith.index_cast %add3A_1337 : i32 to index
        %swap3A_1344 = arith.constant 0 : index
        %swap3A_1345 = tpu.vector_load %arg18[%swap3A_1343, %swap3A_1344] {strides = array<i32>} : memref<128x128xf32, #tpu.memory_space<vmem>>, vector<1x16xf32>,
        %swap3A_1346 = vector.shape_cast %swap3A_1345 : vector<1x16xf32> to vector<16xf32>
        %swap3A_1347 = vector.shape_cast %mul3A_1342 : vector<16xf32> to vector<1x16xf32>
        tpu.vector_store %arg18[%swap3A_1343, %swap3A_1344], %swap3A_1347 {strides = array<i32>} : memref<128x128xf32, #tpu.memory_space<vmem>>, vector<1x16xf32>,
        %get3A_1348 = arith.index_cast %add3A_1337 : i32 to index
        %get3A_1349 = arith.constant 16 : index
        %get3A_1350 = tpu.vector_load %arg18[%get3A_1348, %get3A_1349] {strides = array<i32>} : memref<128x128xf32, #tpu.memory_space<vmem>>, vector<1x16xf32>,
        %get3A_1351 = vector.shape_cast %get3A_1350 : vector<1x16xf32> to vector<16xf32>
        %mul3A_1352 = arith.mulf %get3A_1351, %gather3A_1333 : vector<16xf32>
        %swap3A_1353 = arith.index_cast %add3A_1337 : i32 to index
        %swap3A_1354 = arith.constant 16 : index
        %swap3A_1355 = tpu.vector_load %arg18[%swap3A_1353, %swap3A_1354] {strides = array<i32>} : memref<128x128xf32, #tpu.memory_space<vmem>>, vector<1x16xf32>,
        %swap3A_1356 = vector.shape_cast %swap3A_1355 : vector<1x16xf32> to vector<16xf32>
        %swap3A_1357 = vector.shape_cast %mul3A_1352 : vector<16xf32> to vector<1x16xf32>
        tpu.vector_store %arg18[%swap3A_1353, %swap3A_1354], %swap3A_1357 {strides = array<i32>} : memref<128x128xf32, #tpu.memory_space<vmem>>, vector<1x16xf32>,
        %get3A_1358 = arith.index_cast %add3A_1337 : i32 to index
        %get3A_1359 = arith.constant 32 : index
        %get3A_1360 = tpu.vector_load %arg18[%get3A_1358, %get3A_1359] {strides = array<i32>} : memref<128x128xf32, #tpu.memory_space<vmem>>, vector<1x16xf32>,
        %get3A_1361 = vector.shape_cast %get3A_1360 : vector<1x16xf32> to vector<16xf32>
        %mul3A_1362 = arith.mulf %get3A_1361, %gather3A_1333 : vector<16xf32>
        %swap3A_1363 = arith.index_cast %add3A_1337 : i32 to index
        %swap3A_1364 = arith.constant 32 : index
        %swap3A_1365 = tpu.vector_load %arg18[%swap3A_1363, %swap3A_1364] {strides = array<i32>} : memref<128x128xf32, #tpu.memory_space<vmem>>, vector<1x16xf32>,
        %swap3A_1366 = vector.shape_cast %swap3A_1365 : vector<1x16xf32> to vector<16xf32>
        %swap3A_1367 = vector.shape_cast %mul3A_1362 : vector<16xf32> to vector<1x16xf32>
        tpu.vector_store %arg18[%swap3A_1363, %swap3A_1364], %swap3A_1367 {strides = array<i32>} : memref<128x128xf32, #tpu.memory_space<vmem>>, vector<1x16xf32>,
        %get3A_1368 = arith.index_cast %add3A_1337 : i32 to index
        %get3A_1369 = arith.constant 48 : index
        %get3A_1370 = tpu.vector_load %arg18[%get3A_1368, %get3A_1369] {strides = array<i32>} : memref<128x128xf32, #tpu.memory_space<vmem>>, vector<1x16xf32>,
        %get3A_1371 = vector.shape_cast %get3A_1370 : vector<1x16xf32> to vector<16xf32>
        %mul3A_1372 = arith.mulf %get3A_1371, %gather3A_1333 : vector<16xf32>
        %swap3A_1373 = arith.index_cast %add3A_1337 : i32 to index
        %swap3A_1374 = arith.constant 48 : index
        %swap3A_1375 = tpu.vector_load %arg18[%swap3A_1373, %swap3A_1374] {strides = array<i32>} : memref<128x128xf32, #tpu.memory_space<vmem>>, vector<1x16xf32>,
        %swap3A_1376 = vector.shape_cast %swap3A_1375 : vector<1x16xf32> to vector<16xf32>
        %swap3A_1377 = vector.shape_cast %mul3A_1372 : vector<16xf32> to vector<1x16xf32>
        tpu.vector_store %arg18[%swap3A_1373, %swap3A_1374], %swap3A_1377 {strides = array<i32>} : memref<128x128xf32, #tpu.memory_space<vmem>>, vector<1x16xf32>,
        %get3A_1378 = arith.index_cast %add3A_1337 : i32 to index
        %get3A_1379 = arith.constant 64 : index
        %get3A_1380 = tpu.vector_load %arg18[%get3A_1378, %get3A_1379] {strides = array<i32>} : memref<128x128xf32, #tpu.memory_space<vmem>>, vector<1x16xf32>,
        %get3A_1381 = vector.shape_cast %get3A_1380 : vector<1x16xf32> to vector<16xf32>
        %mul3A_1382 = arith.mulf %get3A_1381, %gather3A_1333 : vector<16xf32>
        %swap3A_1383 = arith.index_cast %add3A_1337 : i32 to index
        %swap3A_1384 = arith.constant 64 : index
        %swap3A_1385 = tpu.vector_load %arg18[%swap3A_1383, %swap3A_1384] {strides = array<i32>} : memref<128x128xf32, #tpu.memory_space<vmem>>, vector<1x16xf32>,
        %swap3A_1386 = vector.shape_cast %swap3A_1385 : vector<1x16xf32> to vector<16xf32>
        %swap3A_1387 = vector.shape_cast %mul3A_1382 : vector<16xf32> to vector<1x16xf32>
        tpu.vector_store %arg18[%swap3A_1383, %swap3A_1384], %swap3A_1387 {strides = array<i32>} : memref<128x128xf32, #tpu.memory_space<vmem>>, vector<1x16xf32>,
        %get3A_1388 = arith.index_cast %add3A_1337 : i32 to index
        %get3A_1389 = arith.constant 80 : index
        %get3A_1390 = tpu.vector_load %arg18[%get3A_1388, %get3A_1389] {strides = array<i32>} : memref<128x128xf32, #tpu.memory_space<vmem>>, vector<1x16xf32>,
        %get3A_1391 = vector.shape_cast %get3A_1390 : vector<1x16xf32> to vector<16xf32>
        %mul3A_1392 = arith.mulf %get3A_1391, %gather3A_1333 : vector<16xf32>
        %swap3A_1393 = arith.index_cast %add3A_1337 : i32 to index
        %swap3A_1394 = arith.constant 80 : index
        %swap3A_1395 = tpu.vector_load %arg18[%swap3A_1393, %swap3A_1394] {strides = array<i32>} : memref<128x128xf32, #tpu.memory_space<vmem>>, vector<1x16xf32>,
        %swap3A_1396 = vector.shape_cast %swap3A_1395 : vector<1x16xf32> to vector<16xf32>
        %swap3A_1397 = vector.shape_cast %mul3A_1392 : vector<16xf32> to vector<1x16xf32>
        tpu.vector_store %arg18[%swap3A_1393, %swap3A_1394], %swap3A_1397 {strides = array<i32>} : memref<128x128xf32, #tpu.memory_space<vmem>>, vector<1x16xf32>,
        %get3A_1398 = arith.index_cast %add3A_1337 : i32 to index
        %get3A_1399 = arith.constant 96 : index
        %get3A_1400 = tpu.vector_load %arg18[%get3A_1398, %get3A_1399] {strides = array<i32>} : memref<128x128xf32, #tpu.memory_space<vmem>>, vector<1x16xf32>,
        %get3A_1401 = vector.shape_cast %get3A_1400 : vector<1x16xf32> to vector<16xf32>
        %mul3A_1402 = arith.mulf %get3A_1401, %gather3A_1333 : vector<16xf32>
        %swap3A_1403 = arith.index_cast %add3A_1337 : i32 to index
        %swap3A_1404 = arith.constant 96 : index
        %swap3A_1405 = tpu.vector_load %arg18[%swap3A_1403, %swap3A_1404] {strides = array<i32>} : memref<128x128xf32, #tpu.memory_space<vmem>>, vector<1x16xf32>,
        %swap3A_1406 = vector.shape_cast %swap3A_1405 : vector<1x16xf32> to vector<16xf32>
        %swap3A_1407 = vector.shape_cast %mul3A_1402 : vector<16xf32> to vector<1x16xf32>
        tpu.vector_store %arg18[%swap3A_1403, %swap3A_1404], %swap3A_1407 {strides = array<i32>} : memref<128x128xf32, #tpu.memory_space<vmem>>, vector<1x16xf32>,
        %get3A_1408 = arith.index_cast %add3A_1337 : i32 to index
        %get3A_1409 = arith.constant 112 : index
        %get3A_1410 = tpu.vector_load %arg18[%get3A_1408, %get3A_1409] {strides = array<i32>} : memref<128x128xf32, #tpu.memory_space<vmem>>, vector<1x16xf32>,
        %get3A_1411 = vector.shape_cast %get3A_1410 : vector<1x16xf32> to vector<16xf32>
        %mul3A_1412 = arith.mulf %get3A_1411, %gather3A_1333 : vector<16xf32>
        %swap3A_1413 = arith.index_cast %add3A_1337 : i32 to index
        %swap3A_1414 = arith.constant 112 : index
        %swap3A_1415 = tpu.vector_load %arg18[%swap3A_1413, %swap3A_1414] {strides = array<i32>} : memref<128x128xf32, #tpu.memory_space<vmem>>, vector<1x16xf32>,
        %swap3A_1416 = vector.shape_cast %swap3A_1415 : vector<1x16xf32> to vector<16xf32>
        %swap3A_1417 = vector.shape_cast %mul3A_1412 : vector<16xf32> to vector<1x16xf32>
        tpu.vector_store %arg18[%swap3A_1413, %swap3A_1414], %swap3A_1417 {strides = array<i32>} : memref<128x128xf32, #tpu.memory_space<vmem>>, vector<1x16xf32>,
        %broadcast_in_dim3A_1418 = arith.constant 14 : i32
        %broadcast_in_dim3A_1419 = vector.broadcast %broadcast_in_dim3A_1418 : i32 to vector<16x1xi32>
        %gather3A_1420 = vector.shape_cast %broadcast_in_dim3A_1419 : vector<16x1xi32> to vector<16xi32>
        %gather3A_1421 = tpu.dynamic_gather %get3A_187[%gather3A_1420] in [0] : vector<16xf32>, vector<16xi32> -> vector<16xf32>
        %mul3A_1422 = arith.constant 16 : i32
        %mul3A_1423 = arith.muli %scan3A_182, %mul3A_1422 : i32
        %add3A_1424 = arith.constant 14 : i32
        %add3A_1425 = arith.addi %mul3A_1423, %add3A_1424 : i32
        %get3A_1426 = arith.index_cast %add3A_1425 : i32 to index
        %get3A_1427 = arith.constant 0 : index
        %get3A_1428 = tpu.vector_load %arg18[%get3A_1426, %get3A_1427] {strides = array<i32>} : memref<128x128xf32, #tpu.memory_space<vmem>>, vector<1x16xf32>,
        %get3A_1429 = vector.shape_cast %get3A_1428 : vector<1x16xf32> to vector<16xf32>
        %mul3A_1430 = arith.mulf %get3A_1429, %gather3A_1421 : vector<16xf32>
        %swap3A_1431 = arith.index_cast %add3A_1425 : i32 to index
        %swap3A_1432 = arith.constant 0 : index
        %swap3A_1433 = tpu.vector_load %arg18[%swap3A_1431, %swap3A_1432] {strides = array<i32>} : memref<128x128xf32, #tpu.memory_space<vmem>>, vector<1x16xf32>,
        %swap3A_1434 = vector.shape_cast %swap3A_1433 : vector<1x16xf32> to vector<16xf32>
        %swap3A_1435 = vector.shape_cast %mul3A_1430 : vector<16xf32> to vector<1x16xf32>
        tpu.vector_store %arg18[%swap3A_1431, %swap3A_1432], %swap3A_1435 {strides = array<i32>} : memref<128x128xf32, #tpu.memory_space<vmem>>, vector<1x16xf32>,
        %get3A_1436 = arith.index_cast %add3A_1425 : i32 to index
        %get3A_1437 = arith.constant 16 : index
        %get3A_1438 = tpu.vector_load %arg18[%get3A_1436, %get3A_1437] {strides = array<i32>} : memref<128x128xf32, #tpu.memory_space<vmem>>, vector<1x16xf32>,
        %get3A_1439 = vector.shape_cast %get3A_1438 : vector<1x16xf32> to vector<16xf32>
        %mul3A_1440 = arith.mulf %get3A_1439, %gather3A_1421 : vector<16xf32>
        %swap3A_1441 = arith.index_cast %add3A_1425 : i32 to index
        %swap3A_1442 = arith.constant 16 : index
        %swap3A_1443 = tpu.vector_load %arg18[%swap3A_1441, %swap3A_1442] {strides = array<i32>} : memref<128x128xf32, #tpu.memory_space<vmem>>, vector<1x16xf32>,
        %swap3A_1444 = vector.shape_cast %swap3A_1443 : vector<1x16xf32> to vector<16xf32>
        %swap3A_1445 = vector.shape_cast %mul3A_1440 : vector<16xf32> to vector<1x16xf32>
        tpu.vector_store %arg18[%swap3A_1441, %swap3A_1442], %swap3A_1445 {strides = array<i32>} : memref<128x128xf32, #tpu.memory_space<vmem>>, vector<1x16xf32>,
        %get3A_1446 = arith.index_cast %add3A_1425 : i32 to index
        %get3A_1447 = arith.constant 32 : index
        %get3A_1448 = tpu.vector_load %arg18[%get3A_1446, %get3A_1447] {strides = array<i32>} : memref<128x128xf32, #tpu.memory_space<vmem>>, vector<1x16xf32>,
        %get3A_1449 = vector.shape_cast %get3A_1448 : vector<1x16xf32> to vector<16xf32>
        %mul3A_1450 = arith.mulf %get3A_1449, %gather3A_1421 : vector<16xf32>
        %swap3A_1451 = arith.index_cast %add3A_1425 : i32 to index
        %swap3A_1452 = arith.constant 32 : index
        %swap3A_1453 = tpu.vector_load %arg18[%swap3A_1451, %swap3A_1452] {strides = array<i32>} : memref<128x128xf32, #tpu.memory_space<vmem>>, vector<1x16xf32>,
        %swap3A_1454 = vector.shape_cast %swap3A_1453 : vector<1x16xf32> to vector<16xf32>
        %swap3A_1455 = vector.shape_cast %mul3A_1450 : vector<16xf32> to vector<1x16xf32>
        tpu.vector_store %arg18[%swap3A_1451, %swap3A_1452], %swap3A_1455 {strides = array<i32>} : memref<128x128xf32, #tpu.memory_space<vmem>>, vector<1x16xf32>,
        %get3A_1456 = arith.index_cast %add3A_1425 : i32 to index
        %get3A_1457 = arith.constant 48 : index
        %get3A_1458 = tpu.vector_load %arg18[%get3A_1456, %get3A_1457] {strides = array<i32>} : memref<128x128xf32, #tpu.memory_space<vmem>>, vector<1x16xf32>,
        %get3A_1459 = vector.shape_cast %get3A_1458 : vector<1x16xf32> to vector<16xf32>
        %mul3A_1460 = arith.mulf %get3A_1459, %gather3A_1421 : vector<16xf32>
        %swap3A_1461 = arith.index_cast %add3A_1425 : i32 to index
        %swap3A_1462 = arith.constant 48 : index
        %swap3A_1463 = tpu.vector_load %arg18[%swap3A_1461, %swap3A_1462] {strides = array<i32>} : memref<128x128xf32, #tpu.memory_space<vmem>>, vector<1x16xf32>,
        %swap3A_1464 = vector.shape_cast %swap3A_1463 : vector<1x16xf32> to vector<16xf32>
        %swap3A_1465 = vector.shape_cast %mul3A_1460 : vector<16xf32> to vector<1x16xf32>
        tpu.vector_store %arg18[%swap3A_1461, %swap3A_1462], %swap3A_1465 {strides = array<i32>} : memref<128x128xf32, #tpu.memory_space<vmem>>, vector<1x16xf32>,
        %get3A_1466 = arith.index_cast %add3A_1425 : i32 to index
        %get3A_1467 = arith.constant 64 : index
        %get3A_1468 = tpu.vector_load %arg18[%get3A_1466, %get3A_1467] {strides = array<i32>} : memref<128x128xf32, #tpu.memory_space<vmem>>, vector<1x16xf32>,
        %get3A_1469 = vector.shape_cast %get3A_1468 : vector<1x16xf32> to vector<16xf32>
        %mul3A_1470 = arith.mulf %get3A_1469, %gather3A_1421 : vector<16xf32>
        %swap3A_1471 = arith.index_cast %add3A_1425 : i32 to index
        %swap3A_1472 = arith.constant 64 : index
        %swap3A_1473 = tpu.vector_load %arg18[%swap3A_1471, %swap3A_1472] {strides = array<i32>} : memref<128x128xf32, #tpu.memory_space<vmem>>, vector<1x16xf32>,
        %swap3A_1474 = vector.shape_cast %swap3A_1473 : vector<1x16xf32> to vector<16xf32>
        %swap3A_1475 = vector.shape_cast %mul3A_1470 : vector<16xf32> to vector<1x16xf32>
        tpu.vector_store %arg18[%swap3A_1471, %swap3A_1472], %swap3A_1475 {strides = array<i32>} : memref<128x128xf32, #tpu.memory_space<vmem>>, vector<1x16xf32>,
        %get3A_1476 = arith.index_cast %add3A_1425 : i32 to index
        %get3A_1477 = arith.constant 80 : index
        %get3A_1478 = tpu.vector_load %arg18[%get3A_1476, %get3A_1477] {strides = array<i32>} : memref<128x128xf32, #tpu.memory_space<vmem>>, vector<1x16xf32>,
        %get3A_1479 = vector.shape_cast %get3A_1478 : vector<1x16xf32> to vector<16xf32>
        %mul3A_1480 = arith.mulf %get3A_1479, %gather3A_1421 : vector<16xf32>
        %swap3A_1481 = arith.index_cast %add3A_1425 : i32 to index
        %swap3A_1482 = arith.constant 80 : index
        %swap3A_1483 = tpu.vector_load %arg18[%swap3A_1481, %swap3A_1482] {strides = array<i32>} : memref<128x128xf32, #tpu.memory_space<vmem>>, vector<1x16xf32>,
        %swap3A_1484 = vector.shape_cast %swap3A_1483 : vector<1x16xf32> to vector<16xf32>
        %swap3A_1485 = vector.shape_cast %mul3A_1480 : vector<16xf32> to vector<1x16xf32>
        tpu.vector_store %arg18[%swap3A_1481, %swap3A_1482], %swap3A_1485 {strides = array<i32>} : memref<128x128xf32, #tpu.memory_space<vmem>>, vector<1x16xf32>,
        %get3A_1486 = arith.index_cast %add3A_1425 : i32 to index
        %get3A_1487 = arith.constant 96 : index
        %get3A_1488 = tpu.vector_load %arg18[%get3A_1486, %get3A_1487] {strides = array<i32>} : memref<128x128xf32, #tpu.memory_space<vmem>>, vector<1x16xf32>,
        %get3A_1489 = vector.shape_cast %get3A_1488 : vector<1x16xf32> to vector<16xf32>
        %mul3A_1490 = arith.mulf %get3A_1489, %gather3A_1421 : vector<16xf32>
        %swap3A_1491 = arith.index_cast %add3A_1425 : i32 to index
        %swap3A_1492 = arith.constant 96 : index
        %swap3A_1493 = tpu.vector_load %arg18[%swap3A_1491, %swap3A_1492] {strides = array<i32>} : memref<128x128xf32, #tpu.memory_space<vmem>>, vector<1x16xf32>,
        %swap3A_1494 = vector.shape_cast %swap3A_1493 : vector<1x16xf32> to vector<16xf32>
        %swap3A_1495 = vector.shape_cast %mul3A_1490 : vector<16xf32> to vector<1x16xf32>
        tpu.vector_store %arg18[%swap3A_1491, %swap3A_1492], %swap3A_1495 {strides = array<i32>} : memref<128x128xf32, #tpu.memory_space<vmem>>, vector<1x16xf32>,
        %get3A_1496 = arith.index_cast %add3A_1425 : i32 to index
        %get3A_1497 = arith.constant 112 : index
        %get3A_1498 = tpu.vector_load %arg18[%get3A_1496, %get3A_1497] {strides = array<i32>} : memref<128x128xf32, #tpu.memory_space<vmem>>, vector<1x16xf32>,
        %get3A_1499 = vector.shape_cast %get3A_1498 : vector<1x16xf32> to vector<16xf32>
        %mul3A_1500 = arith.mulf %get3A_1499, %gather3A_1421 : vector<16xf32>
        %swap3A_1501 = arith.index_cast %add3A_1425 : i32 to index
        %swap3A_1502 = arith.constant 112 : index
        %swap3A_1503 = tpu.vector_load %arg18[%swap3A_1501, %swap3A_1502] {strides = array<i32>} : memref<128x128xf32, #tpu.memory_space<vmem>>, vector<1x16xf32>,
        %swap3A_1504 = vector.shape_cast %swap3A_1503 : vector<1x16xf32> to vector<16xf32>
        %swap3A_1505 = vector.shape_cast %mul3A_1500 : vector<16xf32> to vector<1x16xf32>
        tpu.vector_store %arg18[%swap3A_1501, %swap3A_1502], %swap3A_1505 {strides = array<i32>} : memref<128x128xf32, #tpu.memory_space<vmem>>, vector<1x16xf32>,
        %broadcast_in_dim3A_1506 = arith.constant 15 : i32
        %broadcast_in_dim3A_1507 = vector.broadcast %broadcast_in_dim3A_1506 : i32 to vector<16x1xi32>
        %gather3A_1508 = vector.shape_cast %broadcast_in_dim3A_1507 : vector<16x1xi32> to vector<16xi32>
        %gather3A_1509 = tpu.dynamic_gather %get3A_187[%gather3A_1508] in [0] : vector<16xf32>, vector<16xi32> -> vector<16xf32>
        %mul3A_1510 = arith.constant 16 : i32
        %mul3A_1511 = arith.muli %scan3A_182, %mul3A_1510 : i32
        %add3A_1512 = arith.constant 15 : i32
        %add3A_1513 = arith.addi %mul3A_1511, %add3A_1512 : i32
        %get3A_1514 = arith.index_cast %add3A_1513 : i32 to index
        %get3A_1515 = arith.constant 0 : index
        %get3A_1516 = tpu.vector_load %arg18[%get3A_1514, %get3A_1515] {strides = array<i32>} : memref<128x128xf32, #tpu.memory_space<vmem>>, vector<1x16xf32>,
        %get3A_1517 = vector.shape_cast %get3A_1516 : vector<1x16xf32> to vector<16xf32>
        %mul3A_1518 = arith.mulf %get3A_1517, %gather3A_1509 : vector<16xf32>
        %swap3A_1519 = arith.index_cast %add3A_1513 : i32 to index
        %swap3A_1520 = arith.constant 0 : index
        %swap3A_1521 = tpu.vector_load %arg18[%swap3A_1519, %swap3A_1520] {strides = array<i32>} : memref<128x128xf32, #tpu.memory_space<vmem>>, vector<1x16xf32>,
        %swap3A_1522 = vector.shape_cast %swap3A_1521 : vector<1x16xf32> to vector<16xf32>
        %swap3A_1523 = vector.shape_cast %mul3A_1518 : vector<16xf32> to vector<1x16xf32>
        tpu.vector_store %arg18[%swap3A_1519, %swap3A_1520], %swap3A_1523 {strides = array<i32>} : memref<128x128xf32, #tpu.memory_space<vmem>>, vector<1x16xf32>,
        %get3A_1524 = arith.index_cast %add3A_1513 : i32 to index
        %get3A_1525 = arith.constant 16 : index
        %get3A_1526 = tpu.vector_load %arg18[%get3A_1524, %get3A_1525] {strides = array<i32>} : memref<128x128xf32, #tpu.memory_space<vmem>>, vector<1x16xf32>,
        %get3A_1527 = vector.shape_cast %get3A_1526 : vector<1x16xf32> to vector<16xf32>
        %mul3A_1528 = arith.mulf %get3A_1527, %gather3A_1509 : vector<16xf32>
        %swap3A_1529 = arith.index_cast %add3A_1513 : i32 to index
        %swap3A_1530 = arith.constant 16 : index
        %swap3A_1531 = tpu.vector_load %arg18[%swap3A_1529, %swap3A_1530] {strides = array<i32>} : memref<128x128xf32, #tpu.memory_space<vmem>>, vector<1x16xf32>,
        %swap3A_1532 = vector.shape_cast %swap3A_1531 : vector<1x16xf32> to vector<16xf32>
        %swap3A_1533 = vector.shape_cast %mul3A_1528 : vector<16xf32> to vector<1x16xf32>
        tpu.vector_store %arg18[%swap3A_1529, %swap3A_1530], %swap3A_1533 {strides = array<i32>} : memref<128x128xf32, #tpu.memory_space<vmem>>, vector<1x16xf32>,
        %get3A_1534 = arith.index_cast %add3A_1513 : i32 to index
        %get3A_1535 = arith.constant 32 : index
        %get3A_1536 = tpu.vector_load %arg18[%get3A_1534, %get3A_1535] {strides = array<i32>} : memref<128x128xf32, #tpu.memory_space<vmem>>, vector<1x16xf32>,
        %get3A_1537 = vector.shape_cast %get3A_1536 : vector<1x16xf32> to vector<16xf32>
        %mul3A_1538 = arith.mulf %get3A_1537, %gather3A_1509 : vector<16xf32>
        %swap3A_1539 = arith.index_cast %add3A_1513 : i32 to index
        %swap3A_1540 = arith.constant 32 : index
        %swap3A_1541 = tpu.vector_load %arg18[%swap3A_1539, %swap3A_1540] {strides = array<i32>} : memref<128x128xf32, #tpu.memory_space<vmem>>, vector<1x16xf32>,
        %swap3A_1542 = vector.shape_cast %swap3A_1541 : vector<1x16xf32> to vector<16xf32>
        %swap3A_1543 = vector.shape_cast %mul3A_1538 : vector<16xf32> to vector<1x16xf32>
        tpu.vector_store %arg18[%swap3A_1539, %swap3A_1540], %swap3A_1543 {strides = array<i32>} : memref<128x128xf32, #tpu.memory_space<vmem>>, vector<1x16xf32>,
        %get3A_1544 = arith.index_cast %add3A_1513 : i32 to index
        %get3A_1545 = arith.constant 48 : index
        %get3A_1546 = tpu.vector_load %arg18[%get3A_1544, %get3A_1545] {strides = array<i32>} : memref<128x128xf32, #tpu.memory_space<vmem>>, vector<1x16xf32>,
        %get3A_1547 = vector.shape_cast %get3A_1546 : vector<1x16xf32> to vector<16xf32>
        %mul3A_1548 = arith.mulf %get3A_1547, %gather3A_1509 : vector<16xf32>
        %swap3A_1549 = arith.index_cast %add3A_1513 : i32 to index
        %swap3A_1550 = arith.constant 48 : index
        %swap3A_1551 = tpu.vector_load %arg18[%swap3A_1549, %swap3A_1550] {strides = array<i32>} : memref<128x128xf32, #tpu.memory_space<vmem>>, vector<1x16xf32>,
        %swap3A_1552 = vector.shape_cast %swap3A_1551 : vector<1x16xf32> to vector<16xf32>
        %swap3A_1553 = vector.shape_cast %mul3A_1548 : vector<16xf32> to vector<1x16xf32>
        tpu.vector_store %arg18[%swap3A_1549, %swap3A_1550], %swap3A_1553 {strides = array<i32>} : memref<128x128xf32, #tpu.memory_space<vmem>>, vector<1x16xf32>,
        %get3A_1554 = arith.index_cast %add3A_1513 : i32 to index
        %get3A_1555 = arith.constant 64 : index
        %get3A_1556 = tpu.vector_load %arg18[%get3A_1554, %get3A_1555] {strides = array<i32>} : memref<128x128xf32, #tpu.memory_space<vmem>>, vector<1x16xf32>,
        %get3A_1557 = vector.shape_cast %get3A_1556 : vector<1x16xf32> to vector<16xf32>
        %mul3A_1558 = arith.mulf %get3A_1557, %gather3A_1509 : vector<16xf32>
        %swap3A_1559 = arith.index_cast %add3A_1513 : i32 to index
        %swap3A_1560 = arith.constant 64 : index
        %swap3A_1561 = tpu.vector_load %arg18[%swap3A_1559, %swap3A_1560] {strides = array<i32>} : memref<128x128xf32, #tpu.memory_space<vmem>>, vector<1x16xf32>,
        %swap3A_1562 = vector.shape_cast %swap3A_1561 : vector<1x16xf32> to vector<16xf32>
        %swap3A_1563 = vector.shape_cast %mul3A_1558 : vector<16xf32> to vector<1x16xf32>
        tpu.vector_store %arg18[%swap3A_1559, %swap3A_1560], %swap3A_1563 {strides = array<i32>} : memref<128x128xf32, #tpu.memory_space<vmem>>, vector<1x16xf32>,
        %get3A_1564 = arith.index_cast %add3A_1513 : i32 to index
        %get3A_1565 = arith.constant 80 : index
        %get3A_1566 = tpu.vector_load %arg18[%get3A_1564, %get3A_1565] {strides = array<i32>} : memref<128x128xf32, #tpu.memory_space<vmem>>, vector<1x16xf32>,
        %get3A_1567 = vector.shape_cast %get3A_1566 : vector<1x16xf32> to vector<16xf32>
        %mul3A_1568 = arith.mulf %get3A_1567, %gather3A_1509 : vector<16xf32>
        %swap3A_1569 = arith.index_cast %add3A_1513 : i32 to index
        %swap3A_1570 = arith.constant 80 : index
        %swap3A_1571 = tpu.vector_load %arg18[%swap3A_1569, %swap3A_1570] {strides = array<i32>} : memref<128x128xf32, #tpu.memory_space<vmem>>, vector<1x16xf32>,
        %swap3A_1572 = vector.shape_cast %swap3A_1571 : vector<1x16xf32> to vector<16xf32>
        %swap3A_1573 = vector.shape_cast %mul3A_1568 : vector<16xf32> to vector<1x16xf32>
        tpu.vector_store %arg18[%swap3A_1569, %swap3A_1570], %swap3A_1573 {strides = array<i32>} : memref<128x128xf32, #tpu.memory_space<vmem>>, vector<1x16xf32>,
        %get3A_1574 = arith.index_cast %add3A_1513 : i32 to index
        %get3A_1575 = arith.constant 96 : index
        %get3A_1576 = tpu.vector_load %arg18[%get3A_1574, %get3A_1575] {strides = array<i32>} : memref<128x128xf32, #tpu.memory_space<vmem>>, vector<1x16xf32>,
        %get3A_1577 = vector.shape_cast %get3A_1576 : vector<1x16xf32> to vector<16xf32>
        %mul3A_1578 = arith.mulf %get3A_1577, %gather3A_1509 : vector<16xf32>
        %swap3A_1579 = arith.index_cast %add3A_1513 : i32 to index
        %swap3A_1580 = arith.constant 96 : index
        %swap3A_1581 = tpu.vector_load %arg18[%swap3A_1579, %swap3A_1580] {strides = array<i32>} : memref<128x128xf32, #tpu.memory_space<vmem>>, vector<1x16xf32>,
        %swap3A_1582 = vector.shape_cast %swap3A_1581 : vector<1x16xf32> to vector<16xf32>
        %swap3A_1583 = vector.shape_cast %mul3A_1578 : vector<16xf32> to vector<1x16xf32>
        tpu.vector_store %arg18[%swap3A_1579, %swap3A_1580], %swap3A_1583 {strides = array<i32>} : memref<128x128xf32, #tpu.memory_space<vmem>>, vector<1x16xf32>,
        %get3A_1584 = arith.index_cast %add3A_1513 : i32 to index
        %get3A_1585 = arith.constant 112 : index
        %get3A_1586 = tpu.vector_load %arg18[%get3A_1584, %get3A_1585] {strides = array<i32>} : memref<128x128xf32, #tpu.memory_space<vmem>>, vector<1x16xf32>,
        %get3A_1587 = vector.shape_cast %get3A_1586 : vector<1x16xf32> to vector<16xf32>
        %mul3A_1588 = arith.mulf %get3A_1587, %gather3A_1509 : vector<16xf32>
        %swap3A_1589 = arith.index_cast %add3A_1513 : i32 to index
        %swap3A_1590 = arith.constant 112 : index
        %swap3A_1591 = tpu.vector_load %arg18[%swap3A_1589, %swap3A_1590] {strides = array<i32>} : memref<128x128xf32, #tpu.memory_space<vmem>>, vector<1x16xf32>,
        %swap3A_1592 = vector.shape_cast %swap3A_1591 : vector<1x16xf32> to vector<16xf32>
        %swap3A_1593 = vector.shape_cast %mul3A_1588 : vector<16xf32> to vector<1x16xf32>
        tpu.vector_store %arg18[%swap3A_1589, %swap3A_1590], %swap3A_1593 {strides = array<i32>} : memref<128x128xf32, #tpu.memory_space<vmem>>, vector<1x16xf32>,
      }
      %scan3A_181 = arith.constant 8 : i32
      "tpu.region"() ({
        %run_scoped3A = tpu.sem_alloc : memref<!tpu.dma_semaphore, #tpu.memory_space<semaphore_mem>>
        %dma_start3A_182 = arith.constant 0 : i32
        %dma_start3A_183 = arith.constant 0 : i32
        %dma_start3A_184 = tpu.memref_slice %arg19[%dma_start3A_182, %dma_start3A_183] : memref<10240x128xf32, #tpu.memory_space<vmem_shared>> -> memref<10240x128xf32, #tpu.memory_space<vmem_shared>>
        tpu.enqueue_indirect_dma source(%arg18 : memref<128x128xf32, #tpu.memory_space<vmem>>) target(%dma_start3A_184 : memref<10240x128xf32, #tpu.memory_space<vmem_shared>>) offsets(%arg13 : memref<128xi32, #tpu.memory_space<vmem>>) semaphore(%run_scoped3A : memref<!tpu.dma_semaphore, #tpu.memory_space<semaphore_mem>>) {add = true}
        %dma_wait3A_185 = arith.constant 0 : i32
        %dma_wait3A_186 = arith.constant 0 : i32
        %dma_wait3A_187 = tpu.memref_slice %arg19[%dma_wait3A_185, %dma_wait3A_186] : memref<10240x128xf32, #tpu.memory_space<vmem_shared>> -> memref<10240x128xf32, #tpu.memory_space<vmem_shared>>
        tpu.wait_indirect_dma semaphore(%run_scoped3A : memref<!tpu.dma_semaphore, #tpu.memory_space<semaphore_mem>>) src(%arg18 : memref<128x128xf32, #tpu.memory_space<vmem>>) dst(%dma_wait3A_187 : memref<10240x128xf32, #tpu.memory_space<vmem_shared>>)
        tpu.yield
      }) : () -> ()
    }
    %scan3A_7 = arith.constant 79 : i32
    %barrier3A_8 = arith.constant 0 : index
    tpu.barrier barrier_id(%barrier3A_8)
    %mul3A_9 = arith.constant 640 : i32
    %mul3A_10 = arith.muli %arg1, %mul3A_9 : i32
    %eq3A = arith.constant 0 : i32
    %eq3A_11 = arith.cmpi eq, %arg0, %eq3A : i32
    %convert_element_type3A = arith.extui %eq3A_11 : i1 to i32
    %cond3A = arith.constant 0 : i32
    %cond3A_12 = arith.cmpi ne, %convert_element_type3A, %cond3A : i32
    scf.if %cond3A_12 {
      "tpu.region"() ({
        %run_scoped3A = tpu.sem_alloc : memref<!tpu.dma_semaphore, #tpu.memory_space<semaphore_mem>>
        %dma_start3A = arith.constant 0 : i32
        %dma_start3A_18 = tpu.memref_slice %arg9[%mul3A_10, %dma_start3A] : memref<10240x128xf32, #tpu.memory_space<hbm>> -> memref<640x128xf32, #tpu.memory_space<hbm>>
        %dma_start3A_19 = arith.constant 0 : i32
        %dma_start3A_20 = tpu.memref_slice %arg19[%mul3A_10, %dma_start3A_19] : memref<10240x128xf32, #tpu.memory_space<vmem_shared>> -> memref<640x128xf32, #tpu.memory_space<vmem_shared>>
        tpu.enqueue_dma source(%dma_start3A_20 : memref<640x128xf32, #tpu.memory_space<vmem_shared>>) target(%dma_start3A_18 : memref<640x128xf32, #tpu.memory_space<hbm>>) target_semaphore(%run_scoped3A : memref<!tpu.dma_semaphore, #tpu.memory_space<semaphore_mem>>)
        %dma_wait3A = arith.constant 0 : i32
        %dma_wait3A_21 = tpu.memref_slice %arg9[%mul3A_10, %dma_wait3A] : memref<10240x128xf32, #tpu.memory_space<hbm>> -> memref<640x128xf32, #tpu.memory_space<hbm>>
        %dma_wait3A_22 = arith.constant 0 : i32
        %dma_wait3A_23 = tpu.memref_slice %arg19[%mul3A_10, %dma_wait3A_22] : memref<10240x128xf32, #tpu.memory_space<vmem_shared>> -> memref<640x128xf32, #tpu.memory_space<vmem_shared>>
        tpu.wait_dma2 semaphore(%run_scoped3A : memref<!tpu.dma_semaphore, #tpu.memory_space<semaphore_mem>>) src(%dma_wait3A_23 : memref<640x128xf32, #tpu.memory_space<vmem_shared>>) dst(%dma_wait3A_21 : memref<640x128xf32, #tpu.memory_space<hbm>>)
        tpu.yield
      }) : () -> ()
    } else {
    }
    %eq3A_13 = arith.constant 1 : i32
    %eq3A_14 = arith.cmpi eq, %arg0, %eq3A_13 : i32
    %convert_element_type3A_15 = arith.extui %eq3A_14 : i1 to i32
    %cond3A_16 = arith.constant 0 : i32
    %cond3A_17 = arith.cmpi ne, %convert_element_type3A_15, %cond3A_16 : i32
    scf.if %cond3A_17 {
      "tpu.region"() ({
        %run_scoped3A = tpu.sem_alloc : memref<!tpu.dma_semaphore, #tpu.memory_space<semaphore_mem>>
        %dma_start3A = arith.constant 0 : i32
        %dma_start3A_18 = tpu.memref_slice %arg10[%mul3A_10, %dma_start3A] : memref<10240x128xf32, #tpu.memory_space<hbm>> -> memref<640x128xf32, #tpu.memory_space<hbm>>
        %dma_start3A_19 = arith.constant 0 : i32
        %dma_start3A_20 = tpu.memref_slice %arg19[%mul3A_10, %dma_start3A_19] : memref<10240x128xf32, #tpu.memory_space<vmem_shared>> -> memref<640x128xf32, #tpu.memory_space<vmem_shared>>
        tpu.enqueue_dma source(%dma_start3A_20 : memref<640x128xf32, #tpu.memory_space<vmem_shared>>) target(%dma_start3A_18 : memref<640x128xf32, #tpu.memory_space<hbm>>) target_semaphore(%run_scoped3A : memref<!tpu.dma_semaphore, #tpu.memory_space<semaphore_mem>>)
        %dma_wait3A = arith.constant 0 : i32
        %dma_wait3A_21 = tpu.memref_slice %arg10[%mul3A_10, %dma_wait3A] : memref<10240x128xf32, #tpu.memory_space<hbm>> -> memref<640x128xf32, #tpu.memory_space<hbm>>
        %dma_wait3A_22 = arith.constant 0 : i32
        %dma_wait3A_23 = tpu.memref_slice %arg19[%mul3A_10, %dma_wait3A_22] : memref<10240x128xf32, #tpu.memory_space<vmem_shared>> -> memref<640x128xf32, #tpu.memory_space<vmem_shared>>
        tpu.wait_dma2 semaphore(%run_scoped3A : memref<!tpu.dma_semaphore, #tpu.memory_space<semaphore_mem>>) src(%dma_wait3A_23 : memref<640x128xf32, #tpu.memory_space<vmem_shared>>) dst(%dma_wait3A_21 : memref<640x128xf32, #tpu.memory_space<hbm>>)
        tpu.yield
      }) : () -> ()
    } else {
    }
    return
  }
}

#map = affine_map<(d0, d1) -> (0, 0)>
#map1 = affine_map<(d0, d1) -> (0)>
module attributes {stable_mosaic.version = 14 : i64} {
  func.func @_spmm2_body(%arg0: i32, %arg1: i32, %arg2: memref<10240x128xf32, #tpu.memory_space<hbm>>, %arg3: memref<323584xi32, #tpu.memory_space<hbm>>, %arg4: memref<323584xi32, #tpu.memory_space<hbm>>, %arg5: memref<323584xf32, #tpu.memory_space<hbm>>, %arg6: memref<640x128xf32, #tpu.memory_space<hbm>>, %arg7: memref<10240x128xf32, #tpu.memory_space<hbm>>, %arg8: memref<10240x128xf32, #tpu.memory_space<hbm>>, %arg9: memref<128xi32, #tpu.memory_space<vmem>>, %arg10: memref<128xi32, #tpu.memory_space<vmem>>, %arg11: memref<128xf32, #tpu.memory_space<vmem>>, %arg12: memref<128x128xf32, #tpu.memory_space<vmem>>, %arg13: memref<10240x128xf32, #tpu.memory_space<vmem_shared>>, %arg14: memref<!tpu.dma_semaphore, #tpu.memory_space<semaphore_mem>>) attributes {dimension_semantics = [#tpu.dimension_semantics<core_parallel>, #tpu.dimension_semantics<subcore_parallel>], iteration_bounds = array<i64: 2, 16>, scalar_prefetch = 0 : i64, scratch_operands = 6 : i64, tpu.core_type = #tpu.core_type<sc_vector_subcore>, window_params = [{transform_indices = #map}, {transform_indices = #map1}, {transform_indices = #map1}, {transform_indices = #map1}, {transform_indices = #map}, {transform_indices = #map}, {transform_indices = #map}]} {
    %mul3A = arith.constant 2 : i32
    %mul3A_0 = arith.muli %arg1, %mul3A : i32
    %add3A = arith.addi %mul3A_0, %arg0 : i32
    %mul3A_1 = arith.constant 640 : i32
    %mul3A_2 = arith.muli %arg1, %mul3A_1 : i32
    "tpu.region"() ({
      %run_scoped3A = tpu.sem_alloc : memref<!tpu.dma_semaphore, #tpu.memory_space<semaphore_mem>>
      %dma_start3A = arith.constant 0 : i32
      %dma_start3A_18 = tpu.memref_slice %arg13[%mul3A_2, %dma_start3A] : memref<10240x128xf32, #tpu.memory_space<vmem_shared>> -> memref<640x128xf32, #tpu.memory_space<vmem_shared>>
      %dma_start3A_19 = arith.constant 0 : i32
      %dma_start3A_20 = arith.constant 0 : i32
      %dma_start3A_21 = tpu.memref_slice %arg6[%dma_start3A_19, %dma_start3A_20] : memref<640x128xf32, #tpu.memory_space<hbm>> -> memref<640x128xf32, #tpu.memory_space<hbm>>
      tpu.enqueue_dma source(%dma_start3A_21 : memref<640x128xf32, #tpu.memory_space<hbm>>) target(%dma_start3A_18 : memref<640x128xf32, #tpu.memory_space<vmem_shared>>) target_semaphore(%run_scoped3A : memref<!tpu.dma_semaphore, #tpu.memory_space<semaphore_mem>>)
      %dma_wait3A = arith.constant 0 : i32
      %dma_wait3A_22 = tpu.memref_slice %arg13[%mul3A_2, %dma_wait3A] : memref<10240x128xf32, #tpu.memory_space<vmem_shared>> -> memref<640x128xf32, #tpu.memory_space<vmem_shared>>
      %dma_wait3A_23 = arith.constant 0 : i32
      %dma_wait3A_24 = arith.constant 0 : i32
      %dma_wait3A_25 = tpu.memref_slice %arg6[%dma_wait3A_23, %dma_wait3A_24] : memref<640x128xf32, #tpu.memory_space<hbm>> -> memref<640x128xf32, #tpu.memory_space<hbm>>
      tpu.wait_dma2 semaphore(%run_scoped3A : memref<!tpu.dma_semaphore, #tpu.memory_space<semaphore_mem>>) src(%dma_wait3A_25 : memref<640x128xf32, #tpu.memory_space<hbm>>) dst(%dma_wait3A_22 : memref<640x128xf32, #tpu.memory_space<vmem_shared>>)
      tpu.yield
    }) : () -> ()
    %barrier3A = arith.constant 0 : index
    tpu.barrier barrier_id(%barrier3A)
    %scan3A = arith.constant 0 : i32
    %scan3A_3 = arith.constant 0 : i32
    %scan3A_4 = arith.constant 79 : i32
    %scan3A_5 = arith.addi %scan3A_3, %scan3A_4 : i32
    %scan3A_6 = arith.constant 1 : i32
    scf.for %scan3A_18 = %scan3A_3 to %scan3A_5 step %scan3A_6  : i32 {
      %mul3A_19 = arith.constant 10112 : i32
      %mul3A_20 = arith.muli %add3A, %mul3A_19 : i32
      %mul3A_21 = arith.constant 128 : i32
      %mul3A_22 = arith.muli %scan3A_18, %mul3A_21 : i32
      %add3A_23 = arith.addi %mul3A_20, %mul3A_22 : i32
      "tpu.region"() ({
        %run_scoped3A = tpu.sem_alloc : memref<!tpu.dma_semaphore, #tpu.memory_space<semaphore_mem>>
        %dma_start3A_34 = tpu.memref_slice %arg3[%add3A_23] : memref<323584xi32, #tpu.memory_space<hbm>> -> memref<128xi32, #tpu.memory_space<hbm>>
        %dma_start3A_35 = tpu.memref_slice %arg3[%add3A_23] : memref<323584xi32, #tpu.memory_space<hbm>> -> memref<128xi32, #tpu.memory_space<hbm>>
        tpu.enqueue_dma source(%dma_start3A_35 : memref<128xi32, #tpu.memory_space<hbm>>) target(%arg9 : memref<128xi32, #tpu.memory_space<vmem>>) target_semaphore(%run_scoped3A : memref<!tpu.dma_semaphore, #tpu.memory_space<semaphore_mem>>)
        %dma_wait3A_36 = tpu.memref_slice %arg3[%add3A_23] : memref<323584xi32, #tpu.memory_space<hbm>> -> memref<128xi32, #tpu.memory_space<hbm>>
        %dma_wait3A_37 = tpu.memref_slice %arg3[%add3A_23] : memref<323584xi32, #tpu.memory_space<hbm>> -> memref<128xi32, #tpu.memory_space<hbm>>
        tpu.wait_dma2 semaphore(%run_scoped3A : memref<!tpu.dma_semaphore, #tpu.memory_space<semaphore_mem>>) src(%dma_wait3A_37 : memref<128xi32, #tpu.memory_space<hbm>>) dst(%arg9 : memref<128xi32, #tpu.memory_space<vmem>>)
        tpu.yield
      }) : () -> ()
      "tpu.region"() ({
        %run_scoped3A = tpu.sem_alloc : memref<!tpu.dma_semaphore, #tpu.memory_space<semaphore_mem>>
        %dma_start3A_34 = tpu.memref_slice %arg4[%add3A_23] : memref<323584xi32, #tpu.memory_space<hbm>> -> memref<128xi32, #tpu.memory_space<hbm>>
        %dma_start3A_35 = tpu.memref_slice %arg4[%add3A_23] : memref<323584xi32, #tpu.memory_space<hbm>> -> memref<128xi32, #tpu.memory_space<hbm>>
        tpu.enqueue_dma source(%dma_start3A_35 : memref<128xi32, #tpu.memory_space<hbm>>) target(%arg10 : memref<128xi32, #tpu.memory_space<vmem>>) target_semaphore(%run_scoped3A : memref<!tpu.dma_semaphore, #tpu.memory_space<semaphore_mem>>)
        %dma_wait3A_36 = tpu.memref_slice %arg4[%add3A_23] : memref<323584xi32, #tpu.memory_space<hbm>> -> memref<128xi32, #tpu.memory_space<hbm>>
        %dma_wait3A_37 = tpu.memref_slice %arg4[%add3A_23] : memref<323584xi32, #tpu.memory_space<hbm>> -> memref<128xi32, #tpu.memory_space<hbm>>
        tpu.wait_dma2 semaphore(%run_scoped3A : memref<!tpu.dma_semaphore, #tpu.memory_space<semaphore_mem>>) src(%dma_wait3A_37 : memref<128xi32, #tpu.memory_space<hbm>>) dst(%arg10 : memref<128xi32, #tpu.memory_space<vmem>>)
        tpu.yield
      }) : () -> ()
      "tpu.region"() ({
        %run_scoped3A = tpu.sem_alloc : memref<!tpu.dma_semaphore, #tpu.memory_space<semaphore_mem>>
        %dma_start3A_34 = tpu.memref_slice %arg5[%add3A_23] : memref<323584xf32, #tpu.memory_space<hbm>> -> memref<128xf32, #tpu.memory_space<hbm>>
        %dma_start3A_35 = tpu.memref_slice %arg5[%add3A_23] : memref<323584xf32, #tpu.memory_space<hbm>> -> memref<128xf32, #tpu.memory_space<hbm>>
        tpu.enqueue_dma source(%dma_start3A_35 : memref<128xf32, #tpu.memory_space<hbm>>) target(%arg11 : memref<128xf32, #tpu.memory_space<vmem>>) target_semaphore(%run_scoped3A : memref<!tpu.dma_semaphore, #tpu.memory_space<semaphore_mem>>)
        %dma_wait3A_36 = tpu.memref_slice %arg5[%add3A_23] : memref<323584xf32, #tpu.memory_space<hbm>> -> memref<128xf32, #tpu.memory_space<hbm>>
        %dma_wait3A_37 = tpu.memref_slice %arg5[%add3A_23] : memref<323584xf32, #tpu.memory_space<hbm>> -> memref<128xf32, #tpu.memory_space<hbm>>
        tpu.wait_dma2 semaphore(%run_scoped3A : memref<!tpu.dma_semaphore, #tpu.memory_space<semaphore_mem>>) src(%dma_wait3A_37 : memref<128xf32, #tpu.memory_space<hbm>>) dst(%arg11 : memref<128xf32, #tpu.memory_space<vmem>>)
        tpu.yield
      }) : () -> ()
      %dma_start3A = arith.constant 0 : i32
      %dma_start3A_24 = arith.constant 0 : i32
      %dma_start3A_25 = tpu.memref_slice %arg2[%dma_start3A, %dma_start3A_24] : memref<10240x128xf32, #tpu.memory_space<hbm>> -> memref<10240x128xf32, #tpu.memory_space<hbm>>
      tpu.enqueue_indirect_dma source(%dma_start3A_25 : memref<10240x128xf32, #tpu.memory_space<hbm>>) target(%arg12 : memref<128x128xf32, #tpu.memory_space<vmem>>) offsets(%arg9 : memref<128xi32, #tpu.memory_space<vmem>>) semaphore(%arg14 : memref<!tpu.dma_semaphore, #tpu.memory_space<semaphore_mem>>)
      %dma_wait3A = arith.constant 0 : i32
      %dma_wait3A_26 = arith.constant 0 : i32
      %dma_wait3A_27 = tpu.memref_slice %arg2[%dma_wait3A, %dma_wait3A_26] : memref<10240x128xf32, #tpu.memory_space<hbm>> -> memref<10240x128xf32, #tpu.memory_space<hbm>>
      tpu.wait_indirect_dma semaphore(%arg14 : memref<!tpu.dma_semaphore, #tpu.memory_space<semaphore_mem>>) src(%dma_wait3A_27 : memref<10240x128xf32, #tpu.memory_space<hbm>>) dst(%arg12 : memref<128x128xf32, #tpu.memory_space<vmem>>)
      %scan3A_28 = arith.constant 0 : i32
      %scan3A_29 = arith.constant 0 : i32
      %scan3A_30 = arith.constant 8 : i32
      %scan3A_31 = arith.addi %scan3A_29, %scan3A_30 : i32
      %scan3A_32 = arith.constant 1 : i32
      scf.for %scan3A_34 = %scan3A_29 to %scan3A_31 step %scan3A_32  : i32 {
        %mul3A_35 = arith.constant 16 : i32
        %mul3A_36 = arith.muli %scan3A_34, %mul3A_35 : i32
        %get3A = arith.index_cast %mul3A_36 : i32 to index
        %get3A_37 = tpu.vector_load %arg11[%get3A] {strides = array<i32>} : memref<128xf32, #tpu.memory_space<vmem>>, vector<16xf32>,
        %get3A_38 = vector.shape_cast %get3A_37 : vector<16xf32> to vector<16xf32>
        %broadcast_in_dim3A = arith.constant 0 : i32
        %broadcast_in_dim3A_39 = vector.broadcast %broadcast_in_dim3A : i32 to vector<16x1xi32>
        %gather3A = vector.shape_cast %broadcast_in_dim3A_39 : vector<16x1xi32> to vector<16xi32>
        %gather3A_40 = tpu.dynamic_gather %get3A_38[%gather3A] in [0] : vector<16xf32>, vector<16xi32> -> vector<16xf32>
        %mul3A_41 = arith.constant 16 : i32
        %mul3A_42 = arith.muli %scan3A_34, %mul3A_41 : i32
        %add3A_43 = arith.constant 0 : i32
        %add3A_44 = arith.addi %mul3A_42, %add3A_43 : i32
        %get3A_45 = arith.index_cast %add3A_44 : i32 to index
        %get3A_46 = arith.constant 0 : index
        %get3A_47 = tpu.vector_load %arg12[%get3A_45, %get3A_46] {strides = array<i32>} : memref<128x128xf32, #tpu.memory_space<vmem>>, vector<1x16xf32>,
        %get3A_48 = vector.shape_cast %get3A_47 : vector<1x16xf32> to vector<16xf32>
        %mul3A_49 = arith.mulf %get3A_48, %gather3A_40 : vector<16xf32>
        %swap3A = arith.index_cast %add3A_44 : i32 to index
        %swap3A_50 = arith.constant 0 : index
        %swap3A_51 = tpu.vector_load %arg12[%swap3A, %swap3A_50] {strides = array<i32>} : memref<128x128xf32, #tpu.memory_space<vmem>>, vector<1x16xf32>,
        %swap3A_52 = vector.shape_cast %swap3A_51 : vector<1x16xf32> to vector<16xf32>
        %swap3A_53 = vector.shape_cast %mul3A_49 : vector<16xf32> to vector<1x16xf32>
        tpu.vector_store %arg12[%swap3A, %swap3A_50], %swap3A_53 {strides = array<i32>} : memref<128x128xf32, #tpu.memory_space<vmem>>, vector<1x16xf32>,
        %get3A_54 = arith.index_cast %add3A_44 : i32 to index
        %get3A_55 = arith.constant 16 : index
        %get3A_56 = tpu.vector_load %arg12[%get3A_54, %get3A_55] {strides = array<i32>} : memref<128x128xf32, #tpu.memory_space<vmem>>, vector<1x16xf32>,
        %get3A_57 = vector.shape_cast %get3A_56 : vector<1x16xf32> to vector<16xf32>
        %mul3A_58 = arith.mulf %get3A_57, %gather3A_40 : vector<16xf32>
        %swap3A_59 = arith.index_cast %add3A_44 : i32 to index
        %swap3A_60 = arith.constant 16 : index
        %swap3A_61 = tpu.vector_load %arg12[%swap3A_59, %swap3A_60] {strides = array<i32>} : memref<128x128xf32, #tpu.memory_space<vmem>>, vector<1x16xf32>,
        %swap3A_62 = vector.shape_cast %swap3A_61 : vector<1x16xf32> to vector<16xf32>
        %swap3A_63 = vector.shape_cast %mul3A_58 : vector<16xf32> to vector<1x16xf32>
        tpu.vector_store %arg12[%swap3A_59, %swap3A_60], %swap3A_63 {strides = array<i32>} : memref<128x128xf32, #tpu.memory_space<vmem>>, vector<1x16xf32>,
        %get3A_64 = arith.index_cast %add3A_44 : i32 to index
        %get3A_65 = arith.constant 32 : index
        %get3A_66 = tpu.vector_load %arg12[%get3A_64, %get3A_65] {strides = array<i32>} : memref<128x128xf32, #tpu.memory_space<vmem>>, vector<1x16xf32>,
        %get3A_67 = vector.shape_cast %get3A_66 : vector<1x16xf32> to vector<16xf32>
        %mul3A_68 = arith.mulf %get3A_67, %gather3A_40 : vector<16xf32>
        %swap3A_69 = arith.index_cast %add3A_44 : i32 to index
        %swap3A_70 = arith.constant 32 : index
        %swap3A_71 = tpu.vector_load %arg12[%swap3A_69, %swap3A_70] {strides = array<i32>} : memref<128x128xf32, #tpu.memory_space<vmem>>, vector<1x16xf32>,
        %swap3A_72 = vector.shape_cast %swap3A_71 : vector<1x16xf32> to vector<16xf32>
        %swap3A_73 = vector.shape_cast %mul3A_68 : vector<16xf32> to vector<1x16xf32>
        tpu.vector_store %arg12[%swap3A_69, %swap3A_70], %swap3A_73 {strides = array<i32>} : memref<128x128xf32, #tpu.memory_space<vmem>>, vector<1x16xf32>,
        %get3A_74 = arith.index_cast %add3A_44 : i32 to index
        %get3A_75 = arith.constant 48 : index
        %get3A_76 = tpu.vector_load %arg12[%get3A_74, %get3A_75] {strides = array<i32>} : memref<128x128xf32, #tpu.memory_space<vmem>>, vector<1x16xf32>,
        %get3A_77 = vector.shape_cast %get3A_76 : vector<1x16xf32> to vector<16xf32>
        %mul3A_78 = arith.mulf %get3A_77, %gather3A_40 : vector<16xf32>
        %swap3A_79 = arith.index_cast %add3A_44 : i32 to index
        %swap3A_80 = arith.constant 48 : index
        %swap3A_81 = tpu.vector_load %arg12[%swap3A_79, %swap3A_80] {strides = array<i32>} : memref<128x128xf32, #tpu.memory_space<vmem>>, vector<1x16xf32>,
        %swap3A_82 = vector.shape_cast %swap3A_81 : vector<1x16xf32> to vector<16xf32>
        %swap3A_83 = vector.shape_cast %mul3A_78 : vector<16xf32> to vector<1x16xf32>
        tpu.vector_store %arg12[%swap3A_79, %swap3A_80], %swap3A_83 {strides = array<i32>} : memref<128x128xf32, #tpu.memory_space<vmem>>, vector<1x16xf32>,
        %get3A_84 = arith.index_cast %add3A_44 : i32 to index
        %get3A_85 = arith.constant 64 : index
        %get3A_86 = tpu.vector_load %arg12[%get3A_84, %get3A_85] {strides = array<i32>} : memref<128x128xf32, #tpu.memory_space<vmem>>, vector<1x16xf32>,
        %get3A_87 = vector.shape_cast %get3A_86 : vector<1x16xf32> to vector<16xf32>
        %mul3A_88 = arith.mulf %get3A_87, %gather3A_40 : vector<16xf32>
        %swap3A_89 = arith.index_cast %add3A_44 : i32 to index
        %swap3A_90 = arith.constant 64 : index
        %swap3A_91 = tpu.vector_load %arg12[%swap3A_89, %swap3A_90] {strides = array<i32>} : memref<128x128xf32, #tpu.memory_space<vmem>>, vector<1x16xf32>,
        %swap3A_92 = vector.shape_cast %swap3A_91 : vector<1x16xf32> to vector<16xf32>
        %swap3A_93 = vector.shape_cast %mul3A_88 : vector<16xf32> to vector<1x16xf32>
        tpu.vector_store %arg12[%swap3A_89, %swap3A_90], %swap3A_93 {strides = array<i32>} : memref<128x128xf32, #tpu.memory_space<vmem>>, vector<1x16xf32>,
        %get3A_94 = arith.index_cast %add3A_44 : i32 to index
        %get3A_95 = arith.constant 80 : index
        %get3A_96 = tpu.vector_load %arg12[%get3A_94, %get3A_95] {strides = array<i32>} : memref<128x128xf32, #tpu.memory_space<vmem>>, vector<1x16xf32>,
        %get3A_97 = vector.shape_cast %get3A_96 : vector<1x16xf32> to vector<16xf32>
        %mul3A_98 = arith.mulf %get3A_97, %gather3A_40 : vector<16xf32>
        %swap3A_99 = arith.index_cast %add3A_44 : i32 to index
        %swap3A_100 = arith.constant 80 : index
        %swap3A_101 = tpu.vector_load %arg12[%swap3A_99, %swap3A_100] {strides = array<i32>} : memref<128x128xf32, #tpu.memory_space<vmem>>, vector<1x16xf32>,
        %swap3A_102 = vector.shape_cast %swap3A_101 : vector<1x16xf32> to vector<16xf32>
        %swap3A_103 = vector.shape_cast %mul3A_98 : vector<16xf32> to vector<1x16xf32>
        tpu.vector_store %arg12[%swap3A_99, %swap3A_100], %swap3A_103 {strides = array<i32>} : memref<128x128xf32, #tpu.memory_space<vmem>>, vector<1x16xf32>,
        %get3A_104 = arith.index_cast %add3A_44 : i32 to index
        %get3A_105 = arith.constant 96 : index
        %get3A_106 = tpu.vector_load %arg12[%get3A_104, %get3A_105] {strides = array<i32>} : memref<128x128xf32, #tpu.memory_space<vmem>>, vector<1x16xf32>,
        %get3A_107 = vector.shape_cast %get3A_106 : vector<1x16xf32> to vector<16xf32>
        %mul3A_108 = arith.mulf %get3A_107, %gather3A_40 : vector<16xf32>
        %swap3A_109 = arith.index_cast %add3A_44 : i32 to index
        %swap3A_110 = arith.constant 96 : index
        %swap3A_111 = tpu.vector_load %arg12[%swap3A_109, %swap3A_110] {strides = array<i32>} : memref<128x128xf32, #tpu.memory_space<vmem>>, vector<1x16xf32>,
        %swap3A_112 = vector.shape_cast %swap3A_111 : vector<1x16xf32> to vector<16xf32>
        %swap3A_113 = vector.shape_cast %mul3A_108 : vector<16xf32> to vector<1x16xf32>
        tpu.vector_store %arg12[%swap3A_109, %swap3A_110], %swap3A_113 {strides = array<i32>} : memref<128x128xf32, #tpu.memory_space<vmem>>, vector<1x16xf32>,
        %get3A_114 = arith.index_cast %add3A_44 : i32 to index
        %get3A_115 = arith.constant 112 : index
        %get3A_116 = tpu.vector_load %arg12[%get3A_114, %get3A_115] {strides = array<i32>} : memref<128x128xf32, #tpu.memory_space<vmem>>, vector<1x16xf32>,
        %get3A_117 = vector.shape_cast %get3A_116 : vector<1x16xf32> to vector<16xf32>
        %mul3A_118 = arith.mulf %get3A_117, %gather3A_40 : vector<16xf32>
        %swap3A_119 = arith.index_cast %add3A_44 : i32 to index
        %swap3A_120 = arith.constant 112 : index
        %swap3A_121 = tpu.vector_load %arg12[%swap3A_119, %swap3A_120] {strides = array<i32>} : memref<128x128xf32, #tpu.memory_space<vmem>>, vector<1x16xf32>,
        %swap3A_122 = vector.shape_cast %swap3A_121 : vector<1x16xf32> to vector<16xf32>
        %swap3A_123 = vector.shape_cast %mul3A_118 : vector<16xf32> to vector<1x16xf32>
        tpu.vector_store %arg12[%swap3A_119, %swap3A_120], %swap3A_123 {strides = array<i32>} : memref<128x128xf32, #tpu.memory_space<vmem>>, vector<1x16xf32>,
        %broadcast_in_dim3A_124 = arith.constant 1 : i32
        %broadcast_in_dim3A_125 = vector.broadcast %broadcast_in_dim3A_124 : i32 to vector<16x1xi32>
        %gather3A_126 = vector.shape_cast %broadcast_in_dim3A_125 : vector<16x1xi32> to vector<16xi32>
        %gather3A_127 = tpu.dynamic_gather %get3A_38[%gather3A_126] in [0] : vector<16xf32>, vector<16xi32> -> vector<16xf32>
        %mul3A_128 = arith.constant 16 : i32
        %mul3A_129 = arith.muli %scan3A_34, %mul3A_128 : i32
        %add3A_130 = arith.constant 1 : i32
        %add3A_131 = arith.addi %mul3A_129, %add3A_130 : i32
        %get3A_132 = arith.index_cast %add3A_131 : i32 to index
        %get3A_133 = arith.constant 0 : index
        %get3A_134 = tpu.vector_load %arg12[%get3A_132, %get3A_133] {strides = array<i32>} : memref<128x128xf32, #tpu.memory_space<vmem>>, vector<1x16xf32>,
        %get3A_135 = vector.shape_cast %get3A_134 : vector<1x16xf32> to vector<16xf32>
        %mul3A_136 = arith.mulf %get3A_135, %gather3A_127 : vector<16xf32>
        %swap3A_137 = arith.index_cast %add3A_131 : i32 to index
        %swap3A_138 = arith.constant 0 : index
        %swap3A_139 = tpu.vector_load %arg12[%swap3A_137, %swap3A_138] {strides = array<i32>} : memref<128x128xf32, #tpu.memory_space<vmem>>, vector<1x16xf32>,
        %swap3A_140 = vector.shape_cast %swap3A_139 : vector<1x16xf32> to vector<16xf32>
        %swap3A_141 = vector.shape_cast %mul3A_136 : vector<16xf32> to vector<1x16xf32>
        tpu.vector_store %arg12[%swap3A_137, %swap3A_138], %swap3A_141 {strides = array<i32>} : memref<128x128xf32, #tpu.memory_space<vmem>>, vector<1x16xf32>,
        %get3A_142 = arith.index_cast %add3A_131 : i32 to index
        %get3A_143 = arith.constant 16 : index
        %get3A_144 = tpu.vector_load %arg12[%get3A_142, %get3A_143] {strides = array<i32>} : memref<128x128xf32, #tpu.memory_space<vmem>>, vector<1x16xf32>,
        %get3A_145 = vector.shape_cast %get3A_144 : vector<1x16xf32> to vector<16xf32>
        %mul3A_146 = arith.mulf %get3A_145, %gather3A_127 : vector<16xf32>
        %swap3A_147 = arith.index_cast %add3A_131 : i32 to index
        %swap3A_148 = arith.constant 16 : index
        %swap3A_149 = tpu.vector_load %arg12[%swap3A_147, %swap3A_148] {strides = array<i32>} : memref<128x128xf32, #tpu.memory_space<vmem>>, vector<1x16xf32>,
        %swap3A_150 = vector.shape_cast %swap3A_149 : vector<1x16xf32> to vector<16xf32>
        %swap3A_151 = vector.shape_cast %mul3A_146 : vector<16xf32> to vector<1x16xf32>
        tpu.vector_store %arg12[%swap3A_147, %swap3A_148], %swap3A_151 {strides = array<i32>} : memref<128x128xf32, #tpu.memory_space<vmem>>, vector<1x16xf32>,
        %get3A_152 = arith.index_cast %add3A_131 : i32 to index
        %get3A_153 = arith.constant 32 : index
        %get3A_154 = tpu.vector_load %arg12[%get3A_152, %get3A_153] {strides = array<i32>} : memref<128x128xf32, #tpu.memory_space<vmem>>, vector<1x16xf32>,
        %get3A_155 = vector.shape_cast %get3A_154 : vector<1x16xf32> to vector<16xf32>
        %mul3A_156 = arith.mulf %get3A_155, %gather3A_127 : vector<16xf32>
        %swap3A_157 = arith.index_cast %add3A_131 : i32 to index
        %swap3A_158 = arith.constant 32 : index
        %swap3A_159 = tpu.vector_load %arg12[%swap3A_157, %swap3A_158] {strides = array<i32>} : memref<128x128xf32, #tpu.memory_space<vmem>>, vector<1x16xf32>,
        %swap3A_160 = vector.shape_cast %swap3A_159 : vector<1x16xf32> to vector<16xf32>
        %swap3A_161 = vector.shape_cast %mul3A_156 : vector<16xf32> to vector<1x16xf32>
        tpu.vector_store %arg12[%swap3A_157, %swap3A_158], %swap3A_161 {strides = array<i32>} : memref<128x128xf32, #tpu.memory_space<vmem>>, vector<1x16xf32>,
        %get3A_162 = arith.index_cast %add3A_131 : i32 to index
        %get3A_163 = arith.constant 48 : index
        %get3A_164 = tpu.vector_load %arg12[%get3A_162, %get3A_163] {strides = array<i32>} : memref<128x128xf32, #tpu.memory_space<vmem>>, vector<1x16xf32>,
        %get3A_165 = vector.shape_cast %get3A_164 : vector<1x16xf32> to vector<16xf32>
        %mul3A_166 = arith.mulf %get3A_165, %gather3A_127 : vector<16xf32>
        %swap3A_167 = arith.index_cast %add3A_131 : i32 to index
        %swap3A_168 = arith.constant 48 : index
        %swap3A_169 = tpu.vector_load %arg12[%swap3A_167, %swap3A_168] {strides = array<i32>} : memref<128x128xf32, #tpu.memory_space<vmem>>, vector<1x16xf32>,
        %swap3A_170 = vector.shape_cast %swap3A_169 : vector<1x16xf32> to vector<16xf32>
        %swap3A_171 = vector.shape_cast %mul3A_166 : vector<16xf32> to vector<1x16xf32>
        tpu.vector_store %arg12[%swap3A_167, %swap3A_168], %swap3A_171 {strides = array<i32>} : memref<128x128xf32, #tpu.memory_space<vmem>>, vector<1x16xf32>,
        %get3A_172 = arith.index_cast %add3A_131 : i32 to index
        %get3A_173 = arith.constant 64 : index
        %get3A_174 = tpu.vector_load %arg12[%get3A_172, %get3A_173] {strides = array<i32>} : memref<128x128xf32, #tpu.memory_space<vmem>>, vector<1x16xf32>,
        %get3A_175 = vector.shape_cast %get3A_174 : vector<1x16xf32> to vector<16xf32>
        %mul3A_176 = arith.mulf %get3A_175, %gather3A_127 : vector<16xf32>
        %swap3A_177 = arith.index_cast %add3A_131 : i32 to index
        %swap3A_178 = arith.constant 64 : index
        %swap3A_179 = tpu.vector_load %arg12[%swap3A_177, %swap3A_178] {strides = array<i32>} : memref<128x128xf32, #tpu.memory_space<vmem>>, vector<1x16xf32>,
        %swap3A_180 = vector.shape_cast %swap3A_179 : vector<1x16xf32> to vector<16xf32>
        %swap3A_181 = vector.shape_cast %mul3A_176 : vector<16xf32> to vector<1x16xf32>
        tpu.vector_store %arg12[%swap3A_177, %swap3A_178], %swap3A_181 {strides = array<i32>} : memref<128x128xf32, #tpu.memory_space<vmem>>, vector<1x16xf32>,
        %get3A_182 = arith.index_cast %add3A_131 : i32 to index
        %get3A_183 = arith.constant 80 : index
        %get3A_184 = tpu.vector_load %arg12[%get3A_182, %get3A_183] {strides = array<i32>} : memref<128x128xf32, #tpu.memory_space<vmem>>, vector<1x16xf32>,
        %get3A_185 = vector.shape_cast %get3A_184 : vector<1x16xf32> to vector<16xf32>
        %mul3A_186 = arith.mulf %get3A_185, %gather3A_127 : vector<16xf32>
        %swap3A_187 = arith.index_cast %add3A_131 : i32 to index
        %swap3A_188 = arith.constant 80 : index
        %swap3A_189 = tpu.vector_load %arg12[%swap3A_187, %swap3A_188] {strides = array<i32>} : memref<128x128xf32, #tpu.memory_space<vmem>>, vector<1x16xf32>,
        %swap3A_190 = vector.shape_cast %swap3A_189 : vector<1x16xf32> to vector<16xf32>
        %swap3A_191 = vector.shape_cast %mul3A_186 : vector<16xf32> to vector<1x16xf32>
        tpu.vector_store %arg12[%swap3A_187, %swap3A_188], %swap3A_191 {strides = array<i32>} : memref<128x128xf32, #tpu.memory_space<vmem>>, vector<1x16xf32>,
        %get3A_192 = arith.index_cast %add3A_131 : i32 to index
        %get3A_193 = arith.constant 96 : index
        %get3A_194 = tpu.vector_load %arg12[%get3A_192, %get3A_193] {strides = array<i32>} : memref<128x128xf32, #tpu.memory_space<vmem>>, vector<1x16xf32>,
        %get3A_195 = vector.shape_cast %get3A_194 : vector<1x16xf32> to vector<16xf32>
        %mul3A_196 = arith.mulf %get3A_195, %gather3A_127 : vector<16xf32>
        %swap3A_197 = arith.index_cast %add3A_131 : i32 to index
        %swap3A_198 = arith.constant 96 : index
        %swap3A_199 = tpu.vector_load %arg12[%swap3A_197, %swap3A_198] {strides = array<i32>} : memref<128x128xf32, #tpu.memory_space<vmem>>, vector<1x16xf32>,
        %swap3A_200 = vector.shape_cast %swap3A_199 : vector<1x16xf32> to vector<16xf32>
        %swap3A_201 = vector.shape_cast %mul3A_196 : vector<16xf32> to vector<1x16xf32>
        tpu.vector_store %arg12[%swap3A_197, %swap3A_198], %swap3A_201 {strides = array<i32>} : memref<128x128xf32, #tpu.memory_space<vmem>>, vector<1x16xf32>,
        %get3A_202 = arith.index_cast %add3A_131 : i32 to index
        %get3A_203 = arith.constant 112 : index
        %get3A_204 = tpu.vector_load %arg12[%get3A_202, %get3A_203] {strides = array<i32>} : memref<128x128xf32, #tpu.memory_space<vmem>>, vector<1x16xf32>,
        %get3A_205 = vector.shape_cast %get3A_204 : vector<1x16xf32> to vector<16xf32>
        %mul3A_206 = arith.mulf %get3A_205, %gather3A_127 : vector<16xf32>
        %swap3A_207 = arith.index_cast %add3A_131 : i32 to index
        %swap3A_208 = arith.constant 112 : index
        %swap3A_209 = tpu.vector_load %arg12[%swap3A_207, %swap3A_208] {strides = array<i32>} : memref<128x128xf32, #tpu.memory_space<vmem>>, vector<1x16xf32>,
        %swap3A_210 = vector.shape_cast %swap3A_209 : vector<1x16xf32> to vector<16xf32>
        %swap3A_211 = vector.shape_cast %mul3A_206 : vector<16xf32> to vector<1x16xf32>
        tpu.vector_store %arg12[%swap3A_207, %swap3A_208], %swap3A_211 {strides = array<i32>} : memref<128x128xf32, #tpu.memory_space<vmem>>, vector<1x16xf32>,
        %broadcast_in_dim3A_212 = arith.constant 2 : i32
        %broadcast_in_dim3A_213 = vector.broadcast %broadcast_in_dim3A_212 : i32 to vector<16x1xi32>
        %gather3A_214 = vector.shape_cast %broadcast_in_dim3A_213 : vector<16x1xi32> to vector<16xi32>
        %gather3A_215 = tpu.dynamic_gather %get3A_38[%gather3A_214] in [0] : vector<16xf32>, vector<16xi32> -> vector<16xf32>
        %mul3A_216 = arith.constant 16 : i32
        %mul3A_217 = arith.muli %scan3A_34, %mul3A_216 : i32
        %add3A_218 = arith.constant 2 : i32
        %add3A_219 = arith.addi %mul3A_217, %add3A_218 : i32
        %get3A_220 = arith.index_cast %add3A_219 : i32 to index
        %get3A_221 = arith.constant 0 : index
        %get3A_222 = tpu.vector_load %arg12[%get3A_220, %get3A_221] {strides = array<i32>} : memref<128x128xf32, #tpu.memory_space<vmem>>, vector<1x16xf32>,
        %get3A_223 = vector.shape_cast %get3A_222 : vector<1x16xf32> to vector<16xf32>
        %mul3A_224 = arith.mulf %get3A_223, %gather3A_215 : vector<16xf32>
        %swap3A_225 = arith.index_cast %add3A_219 : i32 to index
        %swap3A_226 = arith.constant 0 : index
        %swap3A_227 = tpu.vector_load %arg12[%swap3A_225, %swap3A_226] {strides = array<i32>} : memref<128x128xf32, #tpu.memory_space<vmem>>, vector<1x16xf32>,
        %swap3A_228 = vector.shape_cast %swap3A_227 : vector<1x16xf32> to vector<16xf32>
        %swap3A_229 = vector.shape_cast %mul3A_224 : vector<16xf32> to vector<1x16xf32>
        tpu.vector_store %arg12[%swap3A_225, %swap3A_226], %swap3A_229 {strides = array<i32>} : memref<128x128xf32, #tpu.memory_space<vmem>>, vector<1x16xf32>,
        %get3A_230 = arith.index_cast %add3A_219 : i32 to index
        %get3A_231 = arith.constant 16 : index
        %get3A_232 = tpu.vector_load %arg12[%get3A_230, %get3A_231] {strides = array<i32>} : memref<128x128xf32, #tpu.memory_space<vmem>>, vector<1x16xf32>,
        %get3A_233 = vector.shape_cast %get3A_232 : vector<1x16xf32> to vector<16xf32>
        %mul3A_234 = arith.mulf %get3A_233, %gather3A_215 : vector<16xf32>
        %swap3A_235 = arith.index_cast %add3A_219 : i32 to index
        %swap3A_236 = arith.constant 16 : index
        %swap3A_237 = tpu.vector_load %arg12[%swap3A_235, %swap3A_236] {strides = array<i32>} : memref<128x128xf32, #tpu.memory_space<vmem>>, vector<1x16xf32>,
        %swap3A_238 = vector.shape_cast %swap3A_237 : vector<1x16xf32> to vector<16xf32>
        %swap3A_239 = vector.shape_cast %mul3A_234 : vector<16xf32> to vector<1x16xf32>
        tpu.vector_store %arg12[%swap3A_235, %swap3A_236], %swap3A_239 {strides = array<i32>} : memref<128x128xf32, #tpu.memory_space<vmem>>, vector<1x16xf32>,
        %get3A_240 = arith.index_cast %add3A_219 : i32 to index
        %get3A_241 = arith.constant 32 : index
        %get3A_242 = tpu.vector_load %arg12[%get3A_240, %get3A_241] {strides = array<i32>} : memref<128x128xf32, #tpu.memory_space<vmem>>, vector<1x16xf32>,
        %get3A_243 = vector.shape_cast %get3A_242 : vector<1x16xf32> to vector<16xf32>
        %mul3A_244 = arith.mulf %get3A_243, %gather3A_215 : vector<16xf32>
        %swap3A_245 = arith.index_cast %add3A_219 : i32 to index
        %swap3A_246 = arith.constant 32 : index
        %swap3A_247 = tpu.vector_load %arg12[%swap3A_245, %swap3A_246] {strides = array<i32>} : memref<128x128xf32, #tpu.memory_space<vmem>>, vector<1x16xf32>,
        %swap3A_248 = vector.shape_cast %swap3A_247 : vector<1x16xf32> to vector<16xf32>
        %swap3A_249 = vector.shape_cast %mul3A_244 : vector<16xf32> to vector<1x16xf32>
        tpu.vector_store %arg12[%swap3A_245, %swap3A_246], %swap3A_249 {strides = array<i32>} : memref<128x128xf32, #tpu.memory_space<vmem>>, vector<1x16xf32>,
        %get3A_250 = arith.index_cast %add3A_219 : i32 to index
        %get3A_251 = arith.constant 48 : index
        %get3A_252 = tpu.vector_load %arg12[%get3A_250, %get3A_251] {strides = array<i32>} : memref<128x128xf32, #tpu.memory_space<vmem>>, vector<1x16xf32>,
        %get3A_253 = vector.shape_cast %get3A_252 : vector<1x16xf32> to vector<16xf32>
        %mul3A_254 = arith.mulf %get3A_253, %gather3A_215 : vector<16xf32>
        %swap3A_255 = arith.index_cast %add3A_219 : i32 to index
        %swap3A_256 = arith.constant 48 : index
        %swap3A_257 = tpu.vector_load %arg12[%swap3A_255, %swap3A_256] {strides = array<i32>} : memref<128x128xf32, #tpu.memory_space<vmem>>, vector<1x16xf32>,
        %swap3A_258 = vector.shape_cast %swap3A_257 : vector<1x16xf32> to vector<16xf32>
        %swap3A_259 = vector.shape_cast %mul3A_254 : vector<16xf32> to vector<1x16xf32>
        tpu.vector_store %arg12[%swap3A_255, %swap3A_256], %swap3A_259 {strides = array<i32>} : memref<128x128xf32, #tpu.memory_space<vmem>>, vector<1x16xf32>,
        %get3A_260 = arith.index_cast %add3A_219 : i32 to index
        %get3A_261 = arith.constant 64 : index
        %get3A_262 = tpu.vector_load %arg12[%get3A_260, %get3A_261] {strides = array<i32>} : memref<128x128xf32, #tpu.memory_space<vmem>>, vector<1x16xf32>,
        %get3A_263 = vector.shape_cast %get3A_262 : vector<1x16xf32> to vector<16xf32>
        %mul3A_264 = arith.mulf %get3A_263, %gather3A_215 : vector<16xf32>
        %swap3A_265 = arith.index_cast %add3A_219 : i32 to index
        %swap3A_266 = arith.constant 64 : index
        %swap3A_267 = tpu.vector_load %arg12[%swap3A_265, %swap3A_266] {strides = array<i32>} : memref<128x128xf32, #tpu.memory_space<vmem>>, vector<1x16xf32>,
        %swap3A_268 = vector.shape_cast %swap3A_267 : vector<1x16xf32> to vector<16xf32>
        %swap3A_269 = vector.shape_cast %mul3A_264 : vector<16xf32> to vector<1x16xf32>
        tpu.vector_store %arg12[%swap3A_265, %swap3A_266], %swap3A_269 {strides = array<i32>} : memref<128x128xf32, #tpu.memory_space<vmem>>, vector<1x16xf32>,
        %get3A_270 = arith.index_cast %add3A_219 : i32 to index
        %get3A_271 = arith.constant 80 : index
        %get3A_272 = tpu.vector_load %arg12[%get3A_270, %get3A_271] {strides = array<i32>} : memref<128x128xf32, #tpu.memory_space<vmem>>, vector<1x16xf32>,
        %get3A_273 = vector.shape_cast %get3A_272 : vector<1x16xf32> to vector<16xf32>
        %mul3A_274 = arith.mulf %get3A_273, %gather3A_215 : vector<16xf32>
        %swap3A_275 = arith.index_cast %add3A_219 : i32 to index
        %swap3A_276 = arith.constant 80 : index
        %swap3A_277 = tpu.vector_load %arg12[%swap3A_275, %swap3A_276] {strides = array<i32>} : memref<128x128xf32, #tpu.memory_space<vmem>>, vector<1x16xf32>,
        %swap3A_278 = vector.shape_cast %swap3A_277 : vector<1x16xf32> to vector<16xf32>
        %swap3A_279 = vector.shape_cast %mul3A_274 : vector<16xf32> to vector<1x16xf32>
        tpu.vector_store %arg12[%swap3A_275, %swap3A_276], %swap3A_279 {strides = array<i32>} : memref<128x128xf32, #tpu.memory_space<vmem>>, vector<1x16xf32>,
        %get3A_280 = arith.index_cast %add3A_219 : i32 to index
        %get3A_281 = arith.constant 96 : index
        %get3A_282 = tpu.vector_load %arg12[%get3A_280, %get3A_281] {strides = array<i32>} : memref<128x128xf32, #tpu.memory_space<vmem>>, vector<1x16xf32>,
        %get3A_283 = vector.shape_cast %get3A_282 : vector<1x16xf32> to vector<16xf32>
        %mul3A_284 = arith.mulf %get3A_283, %gather3A_215 : vector<16xf32>
        %swap3A_285 = arith.index_cast %add3A_219 : i32 to index
        %swap3A_286 = arith.constant 96 : index
        %swap3A_287 = tpu.vector_load %arg12[%swap3A_285, %swap3A_286] {strides = array<i32>} : memref<128x128xf32, #tpu.memory_space<vmem>>, vector<1x16xf32>,
        %swap3A_288 = vector.shape_cast %swap3A_287 : vector<1x16xf32> to vector<16xf32>
        %swap3A_289 = vector.shape_cast %mul3A_284 : vector<16xf32> to vector<1x16xf32>
        tpu.vector_store %arg12[%swap3A_285, %swap3A_286], %swap3A_289 {strides = array<i32>} : memref<128x128xf32, #tpu.memory_space<vmem>>, vector<1x16xf32>,
        %get3A_290 = arith.index_cast %add3A_219 : i32 to index
        %get3A_291 = arith.constant 112 : index
        %get3A_292 = tpu.vector_load %arg12[%get3A_290, %get3A_291] {strides = array<i32>} : memref<128x128xf32, #tpu.memory_space<vmem>>, vector<1x16xf32>,
        %get3A_293 = vector.shape_cast %get3A_292 : vector<1x16xf32> to vector<16xf32>
        %mul3A_294 = arith.mulf %get3A_293, %gather3A_215 : vector<16xf32>
        %swap3A_295 = arith.index_cast %add3A_219 : i32 to index
        %swap3A_296 = arith.constant 112 : index
        %swap3A_297 = tpu.vector_load %arg12[%swap3A_295, %swap3A_296] {strides = array<i32>} : memref<128x128xf32, #tpu.memory_space<vmem>>, vector<1x16xf32>,
        %swap3A_298 = vector.shape_cast %swap3A_297 : vector<1x16xf32> to vector<16xf32>
        %swap3A_299 = vector.shape_cast %mul3A_294 : vector<16xf32> to vector<1x16xf32>
        tpu.vector_store %arg12[%swap3A_295, %swap3A_296], %swap3A_299 {strides = array<i32>} : memref<128x128xf32, #tpu.memory_space<vmem>>, vector<1x16xf32>,
        %broadcast_in_dim3A_300 = arith.constant 3 : i32
        %broadcast_in_dim3A_301 = vector.broadcast %broadcast_in_dim3A_300 : i32 to vector<16x1xi32>
        %gather3A_302 = vector.shape_cast %broadcast_in_dim3A_301 : vector<16x1xi32> to vector<16xi32>
        %gather3A_303 = tpu.dynamic_gather %get3A_38[%gather3A_302] in [0] : vector<16xf32>, vector<16xi32> -> vector<16xf32>
        %mul3A_304 = arith.constant 16 : i32
        %mul3A_305 = arith.muli %scan3A_34, %mul3A_304 : i32
        %add3A_306 = arith.constant 3 : i32
        %add3A_307 = arith.addi %mul3A_305, %add3A_306 : i32
        %get3A_308 = arith.index_cast %add3A_307 : i32 to index
        %get3A_309 = arith.constant 0 : index
        %get3A_310 = tpu.vector_load %arg12[%get3A_308, %get3A_309] {strides = array<i32>} : memref<128x128xf32, #tpu.memory_space<vmem>>, vector<1x16xf32>,
        %get3A_311 = vector.shape_cast %get3A_310 : vector<1x16xf32> to vector<16xf32>
        %mul3A_312 = arith.mulf %get3A_311, %gather3A_303 : vector<16xf32>
        %swap3A_313 = arith.index_cast %add3A_307 : i32 to index
        %swap3A_314 = arith.constant 0 : index
        %swap3A_315 = tpu.vector_load %arg12[%swap3A_313, %swap3A_314] {strides = array<i32>} : memref<128x128xf32, #tpu.memory_space<vmem>>, vector<1x16xf32>,
        %swap3A_316 = vector.shape_cast %swap3A_315 : vector<1x16xf32> to vector<16xf32>
        %swap3A_317 = vector.shape_cast %mul3A_312 : vector<16xf32> to vector<1x16xf32>
        tpu.vector_store %arg12[%swap3A_313, %swap3A_314], %swap3A_317 {strides = array<i32>} : memref<128x128xf32, #tpu.memory_space<vmem>>, vector<1x16xf32>,
        %get3A_318 = arith.index_cast %add3A_307 : i32 to index
        %get3A_319 = arith.constant 16 : index
        %get3A_320 = tpu.vector_load %arg12[%get3A_318, %get3A_319] {strides = array<i32>} : memref<128x128xf32, #tpu.memory_space<vmem>>, vector<1x16xf32>,
        %get3A_321 = vector.shape_cast %get3A_320 : vector<1x16xf32> to vector<16xf32>
        %mul3A_322 = arith.mulf %get3A_321, %gather3A_303 : vector<16xf32>
        %swap3A_323 = arith.index_cast %add3A_307 : i32 to index
        %swap3A_324 = arith.constant 16 : index
        %swap3A_325 = tpu.vector_load %arg12[%swap3A_323, %swap3A_324] {strides = array<i32>} : memref<128x128xf32, #tpu.memory_space<vmem>>, vector<1x16xf32>,
        %swap3A_326 = vector.shape_cast %swap3A_325 : vector<1x16xf32> to vector<16xf32>
        %swap3A_327 = vector.shape_cast %mul3A_322 : vector<16xf32> to vector<1x16xf32>
        tpu.vector_store %arg12[%swap3A_323, %swap3A_324], %swap3A_327 {strides = array<i32>} : memref<128x128xf32, #tpu.memory_space<vmem>>, vector<1x16xf32>,
        %get3A_328 = arith.index_cast %add3A_307 : i32 to index
        %get3A_329 = arith.constant 32 : index
        %get3A_330 = tpu.vector_load %arg12[%get3A_328, %get3A_329] {strides = array<i32>} : memref<128x128xf32, #tpu.memory_space<vmem>>, vector<1x16xf32>,
        %get3A_331 = vector.shape_cast %get3A_330 : vector<1x16xf32> to vector<16xf32>
        %mul3A_332 = arith.mulf %get3A_331, %gather3A_303 : vector<16xf32>
        %swap3A_333 = arith.index_cast %add3A_307 : i32 to index
        %swap3A_334 = arith.constant 32 : index
        %swap3A_335 = tpu.vector_load %arg12[%swap3A_333, %swap3A_334] {strides = array<i32>} : memref<128x128xf32, #tpu.memory_space<vmem>>, vector<1x16xf32>,
        %swap3A_336 = vector.shape_cast %swap3A_335 : vector<1x16xf32> to vector<16xf32>
        %swap3A_337 = vector.shape_cast %mul3A_332 : vector<16xf32> to vector<1x16xf32>
        tpu.vector_store %arg12[%swap3A_333, %swap3A_334], %swap3A_337 {strides = array<i32>} : memref<128x128xf32, #tpu.memory_space<vmem>>, vector<1x16xf32>,
        %get3A_338 = arith.index_cast %add3A_307 : i32 to index
        %get3A_339 = arith.constant 48 : index
        %get3A_340 = tpu.vector_load %arg12[%get3A_338, %get3A_339] {strides = array<i32>} : memref<128x128xf32, #tpu.memory_space<vmem>>, vector<1x16xf32>,
        %get3A_341 = vector.shape_cast %get3A_340 : vector<1x16xf32> to vector<16xf32>
        %mul3A_342 = arith.mulf %get3A_341, %gather3A_303 : vector<16xf32>
        %swap3A_343 = arith.index_cast %add3A_307 : i32 to index
        %swap3A_344 = arith.constant 48 : index
        %swap3A_345 = tpu.vector_load %arg12[%swap3A_343, %swap3A_344] {strides = array<i32>} : memref<128x128xf32, #tpu.memory_space<vmem>>, vector<1x16xf32>,
        %swap3A_346 = vector.shape_cast %swap3A_345 : vector<1x16xf32> to vector<16xf32>
        %swap3A_347 = vector.shape_cast %mul3A_342 : vector<16xf32> to vector<1x16xf32>
        tpu.vector_store %arg12[%swap3A_343, %swap3A_344], %swap3A_347 {strides = array<i32>} : memref<128x128xf32, #tpu.memory_space<vmem>>, vector<1x16xf32>,
        %get3A_348 = arith.index_cast %add3A_307 : i32 to index
        %get3A_349 = arith.constant 64 : index
        %get3A_350 = tpu.vector_load %arg12[%get3A_348, %get3A_349] {strides = array<i32>} : memref<128x128xf32, #tpu.memory_space<vmem>>, vector<1x16xf32>,
        %get3A_351 = vector.shape_cast %get3A_350 : vector<1x16xf32> to vector<16xf32>
        %mul3A_352 = arith.mulf %get3A_351, %gather3A_303 : vector<16xf32>
        %swap3A_353 = arith.index_cast %add3A_307 : i32 to index
        %swap3A_354 = arith.constant 64 : index
        %swap3A_355 = tpu.vector_load %arg12[%swap3A_353, %swap3A_354] {strides = array<i32>} : memref<128x128xf32, #tpu.memory_space<vmem>>, vector<1x16xf32>,
        %swap3A_356 = vector.shape_cast %swap3A_355 : vector<1x16xf32> to vector<16xf32>
        %swap3A_357 = vector.shape_cast %mul3A_352 : vector<16xf32> to vector<1x16xf32>
        tpu.vector_store %arg12[%swap3A_353, %swap3A_354], %swap3A_357 {strides = array<i32>} : memref<128x128xf32, #tpu.memory_space<vmem>>, vector<1x16xf32>,
        %get3A_358 = arith.index_cast %add3A_307 : i32 to index
        %get3A_359 = arith.constant 80 : index
        %get3A_360 = tpu.vector_load %arg12[%get3A_358, %get3A_359] {strides = array<i32>} : memref<128x128xf32, #tpu.memory_space<vmem>>, vector<1x16xf32>,
        %get3A_361 = vector.shape_cast %get3A_360 : vector<1x16xf32> to vector<16xf32>
        %mul3A_362 = arith.mulf %get3A_361, %gather3A_303 : vector<16xf32>
        %swap3A_363 = arith.index_cast %add3A_307 : i32 to index
        %swap3A_364 = arith.constant 80 : index
        %swap3A_365 = tpu.vector_load %arg12[%swap3A_363, %swap3A_364] {strides = array<i32>} : memref<128x128xf32, #tpu.memory_space<vmem>>, vector<1x16xf32>,
        %swap3A_366 = vector.shape_cast %swap3A_365 : vector<1x16xf32> to vector<16xf32>
        %swap3A_367 = vector.shape_cast %mul3A_362 : vector<16xf32> to vector<1x16xf32>
        tpu.vector_store %arg12[%swap3A_363, %swap3A_364], %swap3A_367 {strides = array<i32>} : memref<128x128xf32, #tpu.memory_space<vmem>>, vector<1x16xf32>,
        %get3A_368 = arith.index_cast %add3A_307 : i32 to index
        %get3A_369 = arith.constant 96 : index
        %get3A_370 = tpu.vector_load %arg12[%get3A_368, %get3A_369] {strides = array<i32>} : memref<128x128xf32, #tpu.memory_space<vmem>>, vector<1x16xf32>,
        %get3A_371 = vector.shape_cast %get3A_370 : vector<1x16xf32> to vector<16xf32>
        %mul3A_372 = arith.mulf %get3A_371, %gather3A_303 : vector<16xf32>
        %swap3A_373 = arith.index_cast %add3A_307 : i32 to index
        %swap3A_374 = arith.constant 96 : index
        %swap3A_375 = tpu.vector_load %arg12[%swap3A_373, %swap3A_374] {strides = array<i32>} : memref<128x128xf32, #tpu.memory_space<vmem>>, vector<1x16xf32>,
        %swap3A_376 = vector.shape_cast %swap3A_375 : vector<1x16xf32> to vector<16xf32>
        %swap3A_377 = vector.shape_cast %mul3A_372 : vector<16xf32> to vector<1x16xf32>
        tpu.vector_store %arg12[%swap3A_373, %swap3A_374], %swap3A_377 {strides = array<i32>} : memref<128x128xf32, #tpu.memory_space<vmem>>, vector<1x16xf32>,
        %get3A_378 = arith.index_cast %add3A_307 : i32 to index
        %get3A_379 = arith.constant 112 : index
        %get3A_380 = tpu.vector_load %arg12[%get3A_378, %get3A_379] {strides = array<i32>} : memref<128x128xf32, #tpu.memory_space<vmem>>, vector<1x16xf32>,
        %get3A_381 = vector.shape_cast %get3A_380 : vector<1x16xf32> to vector<16xf32>
        %mul3A_382 = arith.mulf %get3A_381, %gather3A_303 : vector<16xf32>
        %swap3A_383 = arith.index_cast %add3A_307 : i32 to index
        %swap3A_384 = arith.constant 112 : index
        %swap3A_385 = tpu.vector_load %arg12[%swap3A_383, %swap3A_384] {strides = array<i32>} : memref<128x128xf32, #tpu.memory_space<vmem>>, vector<1x16xf32>,
        %swap3A_386 = vector.shape_cast %swap3A_385 : vector<1x16xf32> to vector<16xf32>
        %swap3A_387 = vector.shape_cast %mul3A_382 : vector<16xf32> to vector<1x16xf32>
        tpu.vector_store %arg12[%swap3A_383, %swap3A_384], %swap3A_387 {strides = array<i32>} : memref<128x128xf32, #tpu.memory_space<vmem>>, vector<1x16xf32>,
        %broadcast_in_dim3A_388 = arith.constant 4 : i32
        %broadcast_in_dim3A_389 = vector.broadcast %broadcast_in_dim3A_388 : i32 to vector<16x1xi32>
        %gather3A_390 = vector.shape_cast %broadcast_in_dim3A_389 : vector<16x1xi32> to vector<16xi32>
        %gather3A_391 = tpu.dynamic_gather %get3A_38[%gather3A_390] in [0] : vector<16xf32>, vector<16xi32> -> vector<16xf32>
        %mul3A_392 = arith.constant 16 : i32
        %mul3A_393 = arith.muli %scan3A_34, %mul3A_392 : i32
        %add3A_394 = arith.constant 4 : i32
        %add3A_395 = arith.addi %mul3A_393, %add3A_394 : i32
        %get3A_396 = arith.index_cast %add3A_395 : i32 to index
        %get3A_397 = arith.constant 0 : index
        %get3A_398 = tpu.vector_load %arg12[%get3A_396, %get3A_397] {strides = array<i32>} : memref<128x128xf32, #tpu.memory_space<vmem>>, vector<1x16xf32>,
        %get3A_399 = vector.shape_cast %get3A_398 : vector<1x16xf32> to vector<16xf32>
        %mul3A_400 = arith.mulf %get3A_399, %gather3A_391 : vector<16xf32>
        %swap3A_401 = arith.index_cast %add3A_395 : i32 to index
        %swap3A_402 = arith.constant 0 : index
        %swap3A_403 = tpu.vector_load %arg12[%swap3A_401, %swap3A_402] {strides = array<i32>} : memref<128x128xf32, #tpu.memory_space<vmem>>, vector<1x16xf32>,
        %swap3A_404 = vector.shape_cast %swap3A_403 : vector<1x16xf32> to vector<16xf32>
        %swap3A_405 = vector.shape_cast %mul3A_400 : vector<16xf32> to vector<1x16xf32>
        tpu.vector_store %arg12[%swap3A_401, %swap3A_402], %swap3A_405 {strides = array<i32>} : memref<128x128xf32, #tpu.memory_space<vmem>>, vector<1x16xf32>,
        %get3A_406 = arith.index_cast %add3A_395 : i32 to index
        %get3A_407 = arith.constant 16 : index
        %get3A_408 = tpu.vector_load %arg12[%get3A_406, %get3A_407] {strides = array<i32>} : memref<128x128xf32, #tpu.memory_space<vmem>>, vector<1x16xf32>,
        %get3A_409 = vector.shape_cast %get3A_408 : vector<1x16xf32> to vector<16xf32>
        %mul3A_410 = arith.mulf %get3A_409, %gather3A_391 : vector<16xf32>
        %swap3A_411 = arith.index_cast %add3A_395 : i32 to index
        %swap3A_412 = arith.constant 16 : index
        %swap3A_413 = tpu.vector_load %arg12[%swap3A_411, %swap3A_412] {strides = array<i32>} : memref<128x128xf32, #tpu.memory_space<vmem>>, vector<1x16xf32>,
        %swap3A_414 = vector.shape_cast %swap3A_413 : vector<1x16xf32> to vector<16xf32>
        %swap3A_415 = vector.shape_cast %mul3A_410 : vector<16xf32> to vector<1x16xf32>
        tpu.vector_store %arg12[%swap3A_411, %swap3A_412], %swap3A_415 {strides = array<i32>} : memref<128x128xf32, #tpu.memory_space<vmem>>, vector<1x16xf32>,
        %get3A_416 = arith.index_cast %add3A_395 : i32 to index
        %get3A_417 = arith.constant 32 : index
        %get3A_418 = tpu.vector_load %arg12[%get3A_416, %get3A_417] {strides = array<i32>} : memref<128x128xf32, #tpu.memory_space<vmem>>, vector<1x16xf32>,
        %get3A_419 = vector.shape_cast %get3A_418 : vector<1x16xf32> to vector<16xf32>
        %mul3A_420 = arith.mulf %get3A_419, %gather3A_391 : vector<16xf32>
        %swap3A_421 = arith.index_cast %add3A_395 : i32 to index
        %swap3A_422 = arith.constant 32 : index
        %swap3A_423 = tpu.vector_load %arg12[%swap3A_421, %swap3A_422] {strides = array<i32>} : memref<128x128xf32, #tpu.memory_space<vmem>>, vector<1x16xf32>,
        %swap3A_424 = vector.shape_cast %swap3A_423 : vector<1x16xf32> to vector<16xf32>
        %swap3A_425 = vector.shape_cast %mul3A_420 : vector<16xf32> to vector<1x16xf32>
        tpu.vector_store %arg12[%swap3A_421, %swap3A_422], %swap3A_425 {strides = array<i32>} : memref<128x128xf32, #tpu.memory_space<vmem>>, vector<1x16xf32>,
        %get3A_426 = arith.index_cast %add3A_395 : i32 to index
        %get3A_427 = arith.constant 48 : index
        %get3A_428 = tpu.vector_load %arg12[%get3A_426, %get3A_427] {strides = array<i32>} : memref<128x128xf32, #tpu.memory_space<vmem>>, vector<1x16xf32>,
        %get3A_429 = vector.shape_cast %get3A_428 : vector<1x16xf32> to vector<16xf32>
        %mul3A_430 = arith.mulf %get3A_429, %gather3A_391 : vector<16xf32>
        %swap3A_431 = arith.index_cast %add3A_395 : i32 to index
        %swap3A_432 = arith.constant 48 : index
        %swap3A_433 = tpu.vector_load %arg12[%swap3A_431, %swap3A_432] {strides = array<i32>} : memref<128x128xf32, #tpu.memory_space<vmem>>, vector<1x16xf32>,
        %swap3A_434 = vector.shape_cast %swap3A_433 : vector<1x16xf32> to vector<16xf32>
        %swap3A_435 = vector.shape_cast %mul3A_430 : vector<16xf32> to vector<1x16xf32>
        tpu.vector_store %arg12[%swap3A_431, %swap3A_432], %swap3A_435 {strides = array<i32>} : memref<128x128xf32, #tpu.memory_space<vmem>>, vector<1x16xf32>,
        %get3A_436 = arith.index_cast %add3A_395 : i32 to index
        %get3A_437 = arith.constant 64 : index
        %get3A_438 = tpu.vector_load %arg12[%get3A_436, %get3A_437] {strides = array<i32>} : memref<128x128xf32, #tpu.memory_space<vmem>>, vector<1x16xf32>,
        %get3A_439 = vector.shape_cast %get3A_438 : vector<1x16xf32> to vector<16xf32>
        %mul3A_440 = arith.mulf %get3A_439, %gather3A_391 : vector<16xf32>
        %swap3A_441 = arith.index_cast %add3A_395 : i32 to index
        %swap3A_442 = arith.constant 64 : index
        %swap3A_443 = tpu.vector_load %arg12[%swap3A_441, %swap3A_442] {strides = array<i32>} : memref<128x128xf32, #tpu.memory_space<vmem>>, vector<1x16xf32>,
        %swap3A_444 = vector.shape_cast %swap3A_443 : vector<1x16xf32> to vector<16xf32>
        %swap3A_445 = vector.shape_cast %mul3A_440 : vector<16xf32> to vector<1x16xf32>
        tpu.vector_store %arg12[%swap3A_441, %swap3A_442], %swap3A_445 {strides = array<i32>} : memref<128x128xf32, #tpu.memory_space<vmem>>, vector<1x16xf32>,
        %get3A_446 = arith.index_cast %add3A_395 : i32 to index
        %get3A_447 = arith.constant 80 : index
        %get3A_448 = tpu.vector_load %arg12[%get3A_446, %get3A_447] {strides = array<i32>} : memref<128x128xf32, #tpu.memory_space<vmem>>, vector<1x16xf32>,
        %get3A_449 = vector.shape_cast %get3A_448 : vector<1x16xf32> to vector<16xf32>
        %mul3A_450 = arith.mulf %get3A_449, %gather3A_391 : vector<16xf32>
        %swap3A_451 = arith.index_cast %add3A_395 : i32 to index
        %swap3A_452 = arith.constant 80 : index
        %swap3A_453 = tpu.vector_load %arg12[%swap3A_451, %swap3A_452] {strides = array<i32>} : memref<128x128xf32, #tpu.memory_space<vmem>>, vector<1x16xf32>,
        %swap3A_454 = vector.shape_cast %swap3A_453 : vector<1x16xf32> to vector<16xf32>
        %swap3A_455 = vector.shape_cast %mul3A_450 : vector<16xf32> to vector<1x16xf32>
        tpu.vector_store %arg12[%swap3A_451, %swap3A_452], %swap3A_455 {strides = array<i32>} : memref<128x128xf32, #tpu.memory_space<vmem>>, vector<1x16xf32>,
        %get3A_456 = arith.index_cast %add3A_395 : i32 to index
        %get3A_457 = arith.constant 96 : index
        %get3A_458 = tpu.vector_load %arg12[%get3A_456, %get3A_457] {strides = array<i32>} : memref<128x128xf32, #tpu.memory_space<vmem>>, vector<1x16xf32>,
        %get3A_459 = vector.shape_cast %get3A_458 : vector<1x16xf32> to vector<16xf32>
        %mul3A_460 = arith.mulf %get3A_459, %gather3A_391 : vector<16xf32>
        %swap3A_461 = arith.index_cast %add3A_395 : i32 to index
        %swap3A_462 = arith.constant 96 : index
        %swap3A_463 = tpu.vector_load %arg12[%swap3A_461, %swap3A_462] {strides = array<i32>} : memref<128x128xf32, #tpu.memory_space<vmem>>, vector<1x16xf32>,
        %swap3A_464 = vector.shape_cast %swap3A_463 : vector<1x16xf32> to vector<16xf32>
        %swap3A_465 = vector.shape_cast %mul3A_460 : vector<16xf32> to vector<1x16xf32>
        tpu.vector_store %arg12[%swap3A_461, %swap3A_462], %swap3A_465 {strides = array<i32>} : memref<128x128xf32, #tpu.memory_space<vmem>>, vector<1x16xf32>,
        %get3A_466 = arith.index_cast %add3A_395 : i32 to index
        %get3A_467 = arith.constant 112 : index
        %get3A_468 = tpu.vector_load %arg12[%get3A_466, %get3A_467] {strides = array<i32>} : memref<128x128xf32, #tpu.memory_space<vmem>>, vector<1x16xf32>,
        %get3A_469 = vector.shape_cast %get3A_468 : vector<1x16xf32> to vector<16xf32>
        %mul3A_470 = arith.mulf %get3A_469, %gather3A_391 : vector<16xf32>
        %swap3A_471 = arith.index_cast %add3A_395 : i32 to index
        %swap3A_472 = arith.constant 112 : index
        %swap3A_473 = tpu.vector_load %arg12[%swap3A_471, %swap3A_472] {strides = array<i32>} : memref<128x128xf32, #tpu.memory_space<vmem>>, vector<1x16xf32>,
        %swap3A_474 = vector.shape_cast %swap3A_473 : vector<1x16xf32> to vector<16xf32>
        %swap3A_475 = vector.shape_cast %mul3A_470 : vector<16xf32> to vector<1x16xf32>
        tpu.vector_store %arg12[%swap3A_471, %swap3A_472], %swap3A_475 {strides = array<i32>} : memref<128x128xf32, #tpu.memory_space<vmem>>, vector<1x16xf32>,
        %broadcast_in_dim3A_476 = arith.constant 5 : i32
        %broadcast_in_dim3A_477 = vector.broadcast %broadcast_in_dim3A_476 : i32 to vector<16x1xi32>
        %gather3A_478 = vector.shape_cast %broadcast_in_dim3A_477 : vector<16x1xi32> to vector<16xi32>
        %gather3A_479 = tpu.dynamic_gather %get3A_38[%gather3A_478] in [0] : vector<16xf32>, vector<16xi32> -> vector<16xf32>
        %mul3A_480 = arith.constant 16 : i32
        %mul3A_481 = arith.muli %scan3A_34, %mul3A_480 : i32
        %add3A_482 = arith.constant 5 : i32
        %add3A_483 = arith.addi %mul3A_481, %add3A_482 : i32
        %get3A_484 = arith.index_cast %add3A_483 : i32 to index
        %get3A_485 = arith.constant 0 : index
        %get3A_486 = tpu.vector_load %arg12[%get3A_484, %get3A_485] {strides = array<i32>} : memref<128x128xf32, #tpu.memory_space<vmem>>, vector<1x16xf32>,
        %get3A_487 = vector.shape_cast %get3A_486 : vector<1x16xf32> to vector<16xf32>
        %mul3A_488 = arith.mulf %get3A_487, %gather3A_479 : vector<16xf32>
        %swap3A_489 = arith.index_cast %add3A_483 : i32 to index
        %swap3A_490 = arith.constant 0 : index
        %swap3A_491 = tpu.vector_load %arg12[%swap3A_489, %swap3A_490] {strides = array<i32>} : memref<128x128xf32, #tpu.memory_space<vmem>>, vector<1x16xf32>,
        %swap3A_492 = vector.shape_cast %swap3A_491 : vector<1x16xf32> to vector<16xf32>
        %swap3A_493 = vector.shape_cast %mul3A_488 : vector<16xf32> to vector<1x16xf32>
        tpu.vector_store %arg12[%swap3A_489, %swap3A_490], %swap3A_493 {strides = array<i32>} : memref<128x128xf32, #tpu.memory_space<vmem>>, vector<1x16xf32>,
        %get3A_494 = arith.index_cast %add3A_483 : i32 to index
        %get3A_495 = arith.constant 16 : index
        %get3A_496 = tpu.vector_load %arg12[%get3A_494, %get3A_495] {strides = array<i32>} : memref<128x128xf32, #tpu.memory_space<vmem>>, vector<1x16xf32>,
        %get3A_497 = vector.shape_cast %get3A_496 : vector<1x16xf32> to vector<16xf32>
        %mul3A_498 = arith.mulf %get3A_497, %gather3A_479 : vector<16xf32>
        %swap3A_499 = arith.index_cast %add3A_483 : i32 to index
        %swap3A_500 = arith.constant 16 : index
        %swap3A_501 = tpu.vector_load %arg12[%swap3A_499, %swap3A_500] {strides = array<i32>} : memref<128x128xf32, #tpu.memory_space<vmem>>, vector<1x16xf32>,
        %swap3A_502 = vector.shape_cast %swap3A_501 : vector<1x16xf32> to vector<16xf32>
        %swap3A_503 = vector.shape_cast %mul3A_498 : vector<16xf32> to vector<1x16xf32>
        tpu.vector_store %arg12[%swap3A_499, %swap3A_500], %swap3A_503 {strides = array<i32>} : memref<128x128xf32, #tpu.memory_space<vmem>>, vector<1x16xf32>,
        %get3A_504 = arith.index_cast %add3A_483 : i32 to index
        %get3A_505 = arith.constant 32 : index
        %get3A_506 = tpu.vector_load %arg12[%get3A_504, %get3A_505] {strides = array<i32>} : memref<128x128xf32, #tpu.memory_space<vmem>>, vector<1x16xf32>,
        %get3A_507 = vector.shape_cast %get3A_506 : vector<1x16xf32> to vector<16xf32>
        %mul3A_508 = arith.mulf %get3A_507, %gather3A_479 : vector<16xf32>
        %swap3A_509 = arith.index_cast %add3A_483 : i32 to index
        %swap3A_510 = arith.constant 32 : index
        %swap3A_511 = tpu.vector_load %arg12[%swap3A_509, %swap3A_510] {strides = array<i32>} : memref<128x128xf32, #tpu.memory_space<vmem>>, vector<1x16xf32>,
        %swap3A_512 = vector.shape_cast %swap3A_511 : vector<1x16xf32> to vector<16xf32>
        %swap3A_513 = vector.shape_cast %mul3A_508 : vector<16xf32> to vector<1x16xf32>
        tpu.vector_store %arg12[%swap3A_509, %swap3A_510], %swap3A_513 {strides = array<i32>} : memref<128x128xf32, #tpu.memory_space<vmem>>, vector<1x16xf32>,
        %get3A_514 = arith.index_cast %add3A_483 : i32 to index
        %get3A_515 = arith.constant 48 : index
        %get3A_516 = tpu.vector_load %arg12[%get3A_514, %get3A_515] {strides = array<i32>} : memref<128x128xf32, #tpu.memory_space<vmem>>, vector<1x16xf32>,
        %get3A_517 = vector.shape_cast %get3A_516 : vector<1x16xf32> to vector<16xf32>
        %mul3A_518 = arith.mulf %get3A_517, %gather3A_479 : vector<16xf32>
        %swap3A_519 = arith.index_cast %add3A_483 : i32 to index
        %swap3A_520 = arith.constant 48 : index
        %swap3A_521 = tpu.vector_load %arg12[%swap3A_519, %swap3A_520] {strides = array<i32>} : memref<128x128xf32, #tpu.memory_space<vmem>>, vector<1x16xf32>,
        %swap3A_522 = vector.shape_cast %swap3A_521 : vector<1x16xf32> to vector<16xf32>
        %swap3A_523 = vector.shape_cast %mul3A_518 : vector<16xf32> to vector<1x16xf32>
        tpu.vector_store %arg12[%swap3A_519, %swap3A_520], %swap3A_523 {strides = array<i32>} : memref<128x128xf32, #tpu.memory_space<vmem>>, vector<1x16xf32>,
        %get3A_524 = arith.index_cast %add3A_483 : i32 to index
        %get3A_525 = arith.constant 64 : index
        %get3A_526 = tpu.vector_load %arg12[%get3A_524, %get3A_525] {strides = array<i32>} : memref<128x128xf32, #tpu.memory_space<vmem>>, vector<1x16xf32>,
        %get3A_527 = vector.shape_cast %get3A_526 : vector<1x16xf32> to vector<16xf32>
        %mul3A_528 = arith.mulf %get3A_527, %gather3A_479 : vector<16xf32>
        %swap3A_529 = arith.index_cast %add3A_483 : i32 to index
        %swap3A_530 = arith.constant 64 : index
        %swap3A_531 = tpu.vector_load %arg12[%swap3A_529, %swap3A_530] {strides = array<i32>} : memref<128x128xf32, #tpu.memory_space<vmem>>, vector<1x16xf32>,
        %swap3A_532 = vector.shape_cast %swap3A_531 : vector<1x16xf32> to vector<16xf32>
        %swap3A_533 = vector.shape_cast %mul3A_528 : vector<16xf32> to vector<1x16xf32>
        tpu.vector_store %arg12[%swap3A_529, %swap3A_530], %swap3A_533 {strides = array<i32>} : memref<128x128xf32, #tpu.memory_space<vmem>>, vector<1x16xf32>,
        %get3A_534 = arith.index_cast %add3A_483 : i32 to index
        %get3A_535 = arith.constant 80 : index
        %get3A_536 = tpu.vector_load %arg12[%get3A_534, %get3A_535] {strides = array<i32>} : memref<128x128xf32, #tpu.memory_space<vmem>>, vector<1x16xf32>,
        %get3A_537 = vector.shape_cast %get3A_536 : vector<1x16xf32> to vector<16xf32>
        %mul3A_538 = arith.mulf %get3A_537, %gather3A_479 : vector<16xf32>
        %swap3A_539 = arith.index_cast %add3A_483 : i32 to index
        %swap3A_540 = arith.constant 80 : index
        %swap3A_541 = tpu.vector_load %arg12[%swap3A_539, %swap3A_540] {strides = array<i32>} : memref<128x128xf32, #tpu.memory_space<vmem>>, vector<1x16xf32>,
        %swap3A_542 = vector.shape_cast %swap3A_541 : vector<1x16xf32> to vector<16xf32>
        %swap3A_543 = vector.shape_cast %mul3A_538 : vector<16xf32> to vector<1x16xf32>
        tpu.vector_store %arg12[%swap3A_539, %swap3A_540], %swap3A_543 {strides = array<i32>} : memref<128x128xf32, #tpu.memory_space<vmem>>, vector<1x16xf32>,
        %get3A_544 = arith.index_cast %add3A_483 : i32 to index
        %get3A_545 = arith.constant 96 : index
        %get3A_546 = tpu.vector_load %arg12[%get3A_544, %get3A_545] {strides = array<i32>} : memref<128x128xf32, #tpu.memory_space<vmem>>, vector<1x16xf32>,
        %get3A_547 = vector.shape_cast %get3A_546 : vector<1x16xf32> to vector<16xf32>
        %mul3A_548 = arith.mulf %get3A_547, %gather3A_479 : vector<16xf32>
        %swap3A_549 = arith.index_cast %add3A_483 : i32 to index
        %swap3A_550 = arith.constant 96 : index
        %swap3A_551 = tpu.vector_load %arg12[%swap3A_549, %swap3A_550] {strides = array<i32>} : memref<128x128xf32, #tpu.memory_space<vmem>>, vector<1x16xf32>,
        %swap3A_552 = vector.shape_cast %swap3A_551 : vector<1x16xf32> to vector<16xf32>
        %swap3A_553 = vector.shape_cast %mul3A_548 : vector<16xf32> to vector<1x16xf32>
        tpu.vector_store %arg12[%swap3A_549, %swap3A_550], %swap3A_553 {strides = array<i32>} : memref<128x128xf32, #tpu.memory_space<vmem>>, vector<1x16xf32>,
        %get3A_554 = arith.index_cast %add3A_483 : i32 to index
        %get3A_555 = arith.constant 112 : index
        %get3A_556 = tpu.vector_load %arg12[%get3A_554, %get3A_555] {strides = array<i32>} : memref<128x128xf32, #tpu.memory_space<vmem>>, vector<1x16xf32>,
        %get3A_557 = vector.shape_cast %get3A_556 : vector<1x16xf32> to vector<16xf32>
        %mul3A_558 = arith.mulf %get3A_557, %gather3A_479 : vector<16xf32>
        %swap3A_559 = arith.index_cast %add3A_483 : i32 to index
        %swap3A_560 = arith.constant 112 : index
        %swap3A_561 = tpu.vector_load %arg12[%swap3A_559, %swap3A_560] {strides = array<i32>} : memref<128x128xf32, #tpu.memory_space<vmem>>, vector<1x16xf32>,
        %swap3A_562 = vector.shape_cast %swap3A_561 : vector<1x16xf32> to vector<16xf32>
        %swap3A_563 = vector.shape_cast %mul3A_558 : vector<16xf32> to vector<1x16xf32>
        tpu.vector_store %arg12[%swap3A_559, %swap3A_560], %swap3A_563 {strides = array<i32>} : memref<128x128xf32, #tpu.memory_space<vmem>>, vector<1x16xf32>,
        %broadcast_in_dim3A_564 = arith.constant 6 : i32
        %broadcast_in_dim3A_565 = vector.broadcast %broadcast_in_dim3A_564 : i32 to vector<16x1xi32>
        %gather3A_566 = vector.shape_cast %broadcast_in_dim3A_565 : vector<16x1xi32> to vector<16xi32>
        %gather3A_567 = tpu.dynamic_gather %get3A_38[%gather3A_566] in [0] : vector<16xf32>, vector<16xi32> -> vector<16xf32>
        %mul3A_568 = arith.constant 16 : i32
        %mul3A_569 = arith.muli %scan3A_34, %mul3A_568 : i32
        %add3A_570 = arith.constant 6 : i32
        %add3A_571 = arith.addi %mul3A_569, %add3A_570 : i32
        %get3A_572 = arith.index_cast %add3A_571 : i32 to index
        %get3A_573 = arith.constant 0 : index
        %get3A_574 = tpu.vector_load %arg12[%get3A_572, %get3A_573] {strides = array<i32>} : memref<128x128xf32, #tpu.memory_space<vmem>>, vector<1x16xf32>,
        %get3A_575 = vector.shape_cast %get3A_574 : vector<1x16xf32> to vector<16xf32>
        %mul3A_576 = arith.mulf %get3A_575, %gather3A_567 : vector<16xf32>
        %swap3A_577 = arith.index_cast %add3A_571 : i32 to index
        %swap3A_578 = arith.constant 0 : index
        %swap3A_579 = tpu.vector_load %arg12[%swap3A_577, %swap3A_578] {strides = array<i32>} : memref<128x128xf32, #tpu.memory_space<vmem>>, vector<1x16xf32>,
        %swap3A_580 = vector.shape_cast %swap3A_579 : vector<1x16xf32> to vector<16xf32>
        %swap3A_581 = vector.shape_cast %mul3A_576 : vector<16xf32> to vector<1x16xf32>
        tpu.vector_store %arg12[%swap3A_577, %swap3A_578], %swap3A_581 {strides = array<i32>} : memref<128x128xf32, #tpu.memory_space<vmem>>, vector<1x16xf32>,
        %get3A_582 = arith.index_cast %add3A_571 : i32 to index
        %get3A_583 = arith.constant 16 : index
        %get3A_584 = tpu.vector_load %arg12[%get3A_582, %get3A_583] {strides = array<i32>} : memref<128x128xf32, #tpu.memory_space<vmem>>, vector<1x16xf32>,
        %get3A_585 = vector.shape_cast %get3A_584 : vector<1x16xf32> to vector<16xf32>
        %mul3A_586 = arith.mulf %get3A_585, %gather3A_567 : vector<16xf32>
        %swap3A_587 = arith.index_cast %add3A_571 : i32 to index
        %swap3A_588 = arith.constant 16 : index
        %swap3A_589 = tpu.vector_load %arg12[%swap3A_587, %swap3A_588] {strides = array<i32>} : memref<128x128xf32, #tpu.memory_space<vmem>>, vector<1x16xf32>,
        %swap3A_590 = vector.shape_cast %swap3A_589 : vector<1x16xf32> to vector<16xf32>
        %swap3A_591 = vector.shape_cast %mul3A_586 : vector<16xf32> to vector<1x16xf32>
        tpu.vector_store %arg12[%swap3A_587, %swap3A_588], %swap3A_591 {strides = array<i32>} : memref<128x128xf32, #tpu.memory_space<vmem>>, vector<1x16xf32>,
        %get3A_592 = arith.index_cast %add3A_571 : i32 to index
        %get3A_593 = arith.constant 32 : index
        %get3A_594 = tpu.vector_load %arg12[%get3A_592, %get3A_593] {strides = array<i32>} : memref<128x128xf32, #tpu.memory_space<vmem>>, vector<1x16xf32>,
        %get3A_595 = vector.shape_cast %get3A_594 : vector<1x16xf32> to vector<16xf32>
        %mul3A_596 = arith.mulf %get3A_595, %gather3A_567 : vector<16xf32>
        %swap3A_597 = arith.index_cast %add3A_571 : i32 to index
        %swap3A_598 = arith.constant 32 : index
        %swap3A_599 = tpu.vector_load %arg12[%swap3A_597, %swap3A_598] {strides = array<i32>} : memref<128x128xf32, #tpu.memory_space<vmem>>, vector<1x16xf32>,
        %swap3A_600 = vector.shape_cast %swap3A_599 : vector<1x16xf32> to vector<16xf32>
        %swap3A_601 = vector.shape_cast %mul3A_596 : vector<16xf32> to vector<1x16xf32>
        tpu.vector_store %arg12[%swap3A_597, %swap3A_598], %swap3A_601 {strides = array<i32>} : memref<128x128xf32, #tpu.memory_space<vmem>>, vector<1x16xf32>,
        %get3A_602 = arith.index_cast %add3A_571 : i32 to index
        %get3A_603 = arith.constant 48 : index
        %get3A_604 = tpu.vector_load %arg12[%get3A_602, %get3A_603] {strides = array<i32>} : memref<128x128xf32, #tpu.memory_space<vmem>>, vector<1x16xf32>,
        %get3A_605 = vector.shape_cast %get3A_604 : vector<1x16xf32> to vector<16xf32>
        %mul3A_606 = arith.mulf %get3A_605, %gather3A_567 : vector<16xf32>
        %swap3A_607 = arith.index_cast %add3A_571 : i32 to index
        %swap3A_608 = arith.constant 48 : index
        %swap3A_609 = tpu.vector_load %arg12[%swap3A_607, %swap3A_608] {strides = array<i32>} : memref<128x128xf32, #tpu.memory_space<vmem>>, vector<1x16xf32>,
        %swap3A_610 = vector.shape_cast %swap3A_609 : vector<1x16xf32> to vector<16xf32>
        %swap3A_611 = vector.shape_cast %mul3A_606 : vector<16xf32> to vector<1x16xf32>
        tpu.vector_store %arg12[%swap3A_607, %swap3A_608], %swap3A_611 {strides = array<i32>} : memref<128x128xf32, #tpu.memory_space<vmem>>, vector<1x16xf32>,
        %get3A_612 = arith.index_cast %add3A_571 : i32 to index
        %get3A_613 = arith.constant 64 : index
        %get3A_614 = tpu.vector_load %arg12[%get3A_612, %get3A_613] {strides = array<i32>} : memref<128x128xf32, #tpu.memory_space<vmem>>, vector<1x16xf32>,
        %get3A_615 = vector.shape_cast %get3A_614 : vector<1x16xf32> to vector<16xf32>
        %mul3A_616 = arith.mulf %get3A_615, %gather3A_567 : vector<16xf32>
        %swap3A_617 = arith.index_cast %add3A_571 : i32 to index
        %swap3A_618 = arith.constant 64 : index
        %swap3A_619 = tpu.vector_load %arg12[%swap3A_617, %swap3A_618] {strides = array<i32>} : memref<128x128xf32, #tpu.memory_space<vmem>>, vector<1x16xf32>,
        %swap3A_620 = vector.shape_cast %swap3A_619 : vector<1x16xf32> to vector<16xf32>
        %swap3A_621 = vector.shape_cast %mul3A_616 : vector<16xf32> to vector<1x16xf32>
        tpu.vector_store %arg12[%swap3A_617, %swap3A_618], %swap3A_621 {strides = array<i32>} : memref<128x128xf32, #tpu.memory_space<vmem>>, vector<1x16xf32>,
        %get3A_622 = arith.index_cast %add3A_571 : i32 to index
        %get3A_623 = arith.constant 80 : index
        %get3A_624 = tpu.vector_load %arg12[%get3A_622, %get3A_623] {strides = array<i32>} : memref<128x128xf32, #tpu.memory_space<vmem>>, vector<1x16xf32>,
        %get3A_625 = vector.shape_cast %get3A_624 : vector<1x16xf32> to vector<16xf32>
        %mul3A_626 = arith.mulf %get3A_625, %gather3A_567 : vector<16xf32>
        %swap3A_627 = arith.index_cast %add3A_571 : i32 to index
        %swap3A_628 = arith.constant 80 : index
        %swap3A_629 = tpu.vector_load %arg12[%swap3A_627, %swap3A_628] {strides = array<i32>} : memref<128x128xf32, #tpu.memory_space<vmem>>, vector<1x16xf32>,
        %swap3A_630 = vector.shape_cast %swap3A_629 : vector<1x16xf32> to vector<16xf32>
        %swap3A_631 = vector.shape_cast %mul3A_626 : vector<16xf32> to vector<1x16xf32>
        tpu.vector_store %arg12[%swap3A_627, %swap3A_628], %swap3A_631 {strides = array<i32>} : memref<128x128xf32, #tpu.memory_space<vmem>>, vector<1x16xf32>,
        %get3A_632 = arith.index_cast %add3A_571 : i32 to index
        %get3A_633 = arith.constant 96 : index
        %get3A_634 = tpu.vector_load %arg12[%get3A_632, %get3A_633] {strides = array<i32>} : memref<128x128xf32, #tpu.memory_space<vmem>>, vector<1x16xf32>,
        %get3A_635 = vector.shape_cast %get3A_634 : vector<1x16xf32> to vector<16xf32>
        %mul3A_636 = arith.mulf %get3A_635, %gather3A_567 : vector<16xf32>
        %swap3A_637 = arith.index_cast %add3A_571 : i32 to index
        %swap3A_638 = arith.constant 96 : index
        %swap3A_639 = tpu.vector_load %arg12[%swap3A_637, %swap3A_638] {strides = array<i32>} : memref<128x128xf32, #tpu.memory_space<vmem>>, vector<1x16xf32>,
        %swap3A_640 = vector.shape_cast %swap3A_639 : vector<1x16xf32> to vector<16xf32>
        %swap3A_641 = vector.shape_cast %mul3A_636 : vector<16xf32> to vector<1x16xf32>
        tpu.vector_store %arg12[%swap3A_637, %swap3A_638], %swap3A_641 {strides = array<i32>} : memref<128x128xf32, #tpu.memory_space<vmem>>, vector<1x16xf32>,
        %get3A_642 = arith.index_cast %add3A_571 : i32 to index
        %get3A_643 = arith.constant 112 : index
        %get3A_644 = tpu.vector_load %arg12[%get3A_642, %get3A_643] {strides = array<i32>} : memref<128x128xf32, #tpu.memory_space<vmem>>, vector<1x16xf32>,
        %get3A_645 = vector.shape_cast %get3A_644 : vector<1x16xf32> to vector<16xf32>
        %mul3A_646 = arith.mulf %get3A_645, %gather3A_567 : vector<16xf32>
        %swap3A_647 = arith.index_cast %add3A_571 : i32 to index
        %swap3A_648 = arith.constant 112 : index
        %swap3A_649 = tpu.vector_load %arg12[%swap3A_647, %swap3A_648] {strides = array<i32>} : memref<128x128xf32, #tpu.memory_space<vmem>>, vector<1x16xf32>,
        %swap3A_650 = vector.shape_cast %swap3A_649 : vector<1x16xf32> to vector<16xf32>
        %swap3A_651 = vector.shape_cast %mul3A_646 : vector<16xf32> to vector<1x16xf32>
        tpu.vector_store %arg12[%swap3A_647, %swap3A_648], %swap3A_651 {strides = array<i32>} : memref<128x128xf32, #tpu.memory_space<vmem>>, vector<1x16xf32>,
        %broadcast_in_dim3A_652 = arith.constant 7 : i32
        %broadcast_in_dim3A_653 = vector.broadcast %broadcast_in_dim3A_652 : i32 to vector<16x1xi32>
        %gather3A_654 = vector.shape_cast %broadcast_in_dim3A_653 : vector<16x1xi32> to vector<16xi32>
        %gather3A_655 = tpu.dynamic_gather %get3A_38[%gather3A_654] in [0] : vector<16xf32>, vector<16xi32> -> vector<16xf32>
        %mul3A_656 = arith.constant 16 : i32
        %mul3A_657 = arith.muli %scan3A_34, %mul3A_656 : i32
        %add3A_658 = arith.constant 7 : i32
        %add3A_659 = arith.addi %mul3A_657, %add3A_658 : i32
        %get3A_660 = arith.index_cast %add3A_659 : i32 to index
        %get3A_661 = arith.constant 0 : index
        %get3A_662 = tpu.vector_load %arg12[%get3A_660, %get3A_661] {strides = array<i32>} : memref<128x128xf32, #tpu.memory_space<vmem>>, vector<1x16xf32>,
        %get3A_663 = vector.shape_cast %get3A_662 : vector<1x16xf32> to vector<16xf32>
        %mul3A_664 = arith.mulf %get3A_663, %gather3A_655 : vector<16xf32>
        %swap3A_665 = arith.index_cast %add3A_659 : i32 to index
        %swap3A_666 = arith.constant 0 : index
        %swap3A_667 = tpu.vector_load %arg12[%swap3A_665, %swap3A_666] {strides = array<i32>} : memref<128x128xf32, #tpu.memory_space<vmem>>, vector<1x16xf32>,
        %swap3A_668 = vector.shape_cast %swap3A_667 : vector<1x16xf32> to vector<16xf32>
        %swap3A_669 = vector.shape_cast %mul3A_664 : vector<16xf32> to vector<1x16xf32>
        tpu.vector_store %arg12[%swap3A_665, %swap3A_666], %swap3A_669 {strides = array<i32>} : memref<128x128xf32, #tpu.memory_space<vmem>>, vector<1x16xf32>,
        %get3A_670 = arith.index_cast %add3A_659 : i32 to index
        %get3A_671 = arith.constant 16 : index
        %get3A_672 = tpu.vector_load %arg12[%get3A_670, %get3A_671] {strides = array<i32>} : memref<128x128xf32, #tpu.memory_space<vmem>>, vector<1x16xf32>,
        %get3A_673 = vector.shape_cast %get3A_672 : vector<1x16xf32> to vector<16xf32>
        %mul3A_674 = arith.mulf %get3A_673, %gather3A_655 : vector<16xf32>
        %swap3A_675 = arith.index_cast %add3A_659 : i32 to index
        %swap3A_676 = arith.constant 16 : index
        %swap3A_677 = tpu.vector_load %arg12[%swap3A_675, %swap3A_676] {strides = array<i32>} : memref<128x128xf32, #tpu.memory_space<vmem>>, vector<1x16xf32>,
        %swap3A_678 = vector.shape_cast %swap3A_677 : vector<1x16xf32> to vector<16xf32>
        %swap3A_679 = vector.shape_cast %mul3A_674 : vector<16xf32> to vector<1x16xf32>
        tpu.vector_store %arg12[%swap3A_675, %swap3A_676], %swap3A_679 {strides = array<i32>} : memref<128x128xf32, #tpu.memory_space<vmem>>, vector<1x16xf32>,
        %get3A_680 = arith.index_cast %add3A_659 : i32 to index
        %get3A_681 = arith.constant 32 : index
        %get3A_682 = tpu.vector_load %arg12[%get3A_680, %get3A_681] {strides = array<i32>} : memref<128x128xf32, #tpu.memory_space<vmem>>, vector<1x16xf32>,
        %get3A_683 = vector.shape_cast %get3A_682 : vector<1x16xf32> to vector<16xf32>
        %mul3A_684 = arith.mulf %get3A_683, %gather3A_655 : vector<16xf32>
        %swap3A_685 = arith.index_cast %add3A_659 : i32 to index
        %swap3A_686 = arith.constant 32 : index
        %swap3A_687 = tpu.vector_load %arg12[%swap3A_685, %swap3A_686] {strides = array<i32>} : memref<128x128xf32, #tpu.memory_space<vmem>>, vector<1x16xf32>,
        %swap3A_688 = vector.shape_cast %swap3A_687 : vector<1x16xf32> to vector<16xf32>
        %swap3A_689 = vector.shape_cast %mul3A_684 : vector<16xf32> to vector<1x16xf32>
        tpu.vector_store %arg12[%swap3A_685, %swap3A_686], %swap3A_689 {strides = array<i32>} : memref<128x128xf32, #tpu.memory_space<vmem>>, vector<1x16xf32>,
        %get3A_690 = arith.index_cast %add3A_659 : i32 to index
        %get3A_691 = arith.constant 48 : index
        %get3A_692 = tpu.vector_load %arg12[%get3A_690, %get3A_691] {strides = array<i32>} : memref<128x128xf32, #tpu.memory_space<vmem>>, vector<1x16xf32>,
        %get3A_693 = vector.shape_cast %get3A_692 : vector<1x16xf32> to vector<16xf32>
        %mul3A_694 = arith.mulf %get3A_693, %gather3A_655 : vector<16xf32>
        %swap3A_695 = arith.index_cast %add3A_659 : i32 to index
        %swap3A_696 = arith.constant 48 : index
        %swap3A_697 = tpu.vector_load %arg12[%swap3A_695, %swap3A_696] {strides = array<i32>} : memref<128x128xf32, #tpu.memory_space<vmem>>, vector<1x16xf32>,
        %swap3A_698 = vector.shape_cast %swap3A_697 : vector<1x16xf32> to vector<16xf32>
        %swap3A_699 = vector.shape_cast %mul3A_694 : vector<16xf32> to vector<1x16xf32>
        tpu.vector_store %arg12[%swap3A_695, %swap3A_696], %swap3A_699 {strides = array<i32>} : memref<128x128xf32, #tpu.memory_space<vmem>>, vector<1x16xf32>,
        %get3A_700 = arith.index_cast %add3A_659 : i32 to index
        %get3A_701 = arith.constant 64 : index
        %get3A_702 = tpu.vector_load %arg12[%get3A_700, %get3A_701] {strides = array<i32>} : memref<128x128xf32, #tpu.memory_space<vmem>>, vector<1x16xf32>,
        %get3A_703 = vector.shape_cast %get3A_702 : vector<1x16xf32> to vector<16xf32>
        %mul3A_704 = arith.mulf %get3A_703, %gather3A_655 : vector<16xf32>
        %swap3A_705 = arith.index_cast %add3A_659 : i32 to index
        %swap3A_706 = arith.constant 64 : index
        %swap3A_707 = tpu.vector_load %arg12[%swap3A_705, %swap3A_706] {strides = array<i32>} : memref<128x128xf32, #tpu.memory_space<vmem>>, vector<1x16xf32>,
        %swap3A_708 = vector.shape_cast %swap3A_707 : vector<1x16xf32> to vector<16xf32>
        %swap3A_709 = vector.shape_cast %mul3A_704 : vector<16xf32> to vector<1x16xf32>
        tpu.vector_store %arg12[%swap3A_705, %swap3A_706], %swap3A_709 {strides = array<i32>} : memref<128x128xf32, #tpu.memory_space<vmem>>, vector<1x16xf32>,
        %get3A_710 = arith.index_cast %add3A_659 : i32 to index
        %get3A_711 = arith.constant 80 : index
        %get3A_712 = tpu.vector_load %arg12[%get3A_710, %get3A_711] {strides = array<i32>} : memref<128x128xf32, #tpu.memory_space<vmem>>, vector<1x16xf32>,
        %get3A_713 = vector.shape_cast %get3A_712 : vector<1x16xf32> to vector<16xf32>
        %mul3A_714 = arith.mulf %get3A_713, %gather3A_655 : vector<16xf32>
        %swap3A_715 = arith.index_cast %add3A_659 : i32 to index
        %swap3A_716 = arith.constant 80 : index
        %swap3A_717 = tpu.vector_load %arg12[%swap3A_715, %swap3A_716] {strides = array<i32>} : memref<128x128xf32, #tpu.memory_space<vmem>>, vector<1x16xf32>,
        %swap3A_718 = vector.shape_cast %swap3A_717 : vector<1x16xf32> to vector<16xf32>
        %swap3A_719 = vector.shape_cast %mul3A_714 : vector<16xf32> to vector<1x16xf32>
        tpu.vector_store %arg12[%swap3A_715, %swap3A_716], %swap3A_719 {strides = array<i32>} : memref<128x128xf32, #tpu.memory_space<vmem>>, vector<1x16xf32>,
        %get3A_720 = arith.index_cast %add3A_659 : i32 to index
        %get3A_721 = arith.constant 96 : index
        %get3A_722 = tpu.vector_load %arg12[%get3A_720, %get3A_721] {strides = array<i32>} : memref<128x128xf32, #tpu.memory_space<vmem>>, vector<1x16xf32>,
        %get3A_723 = vector.shape_cast %get3A_722 : vector<1x16xf32> to vector<16xf32>
        %mul3A_724 = arith.mulf %get3A_723, %gather3A_655 : vector<16xf32>
        %swap3A_725 = arith.index_cast %add3A_659 : i32 to index
        %swap3A_726 = arith.constant 96 : index
        %swap3A_727 = tpu.vector_load %arg12[%swap3A_725, %swap3A_726] {strides = array<i32>} : memref<128x128xf32, #tpu.memory_space<vmem>>, vector<1x16xf32>,
        %swap3A_728 = vector.shape_cast %swap3A_727 : vector<1x16xf32> to vector<16xf32>
        %swap3A_729 = vector.shape_cast %mul3A_724 : vector<16xf32> to vector<1x16xf32>
        tpu.vector_store %arg12[%swap3A_725, %swap3A_726], %swap3A_729 {strides = array<i32>} : memref<128x128xf32, #tpu.memory_space<vmem>>, vector<1x16xf32>,
        %get3A_730 = arith.index_cast %add3A_659 : i32 to index
        %get3A_731 = arith.constant 112 : index
        %get3A_732 = tpu.vector_load %arg12[%get3A_730, %get3A_731] {strides = array<i32>} : memref<128x128xf32, #tpu.memory_space<vmem>>, vector<1x16xf32>,
        %get3A_733 = vector.shape_cast %get3A_732 : vector<1x16xf32> to vector<16xf32>
        %mul3A_734 = arith.mulf %get3A_733, %gather3A_655 : vector<16xf32>
        %swap3A_735 = arith.index_cast %add3A_659 : i32 to index
        %swap3A_736 = arith.constant 112 : index
        %swap3A_737 = tpu.vector_load %arg12[%swap3A_735, %swap3A_736] {strides = array<i32>} : memref<128x128xf32, #tpu.memory_space<vmem>>, vector<1x16xf32>,
        %swap3A_738 = vector.shape_cast %swap3A_737 : vector<1x16xf32> to vector<16xf32>
        %swap3A_739 = vector.shape_cast %mul3A_734 : vector<16xf32> to vector<1x16xf32>
        tpu.vector_store %arg12[%swap3A_735, %swap3A_736], %swap3A_739 {strides = array<i32>} : memref<128x128xf32, #tpu.memory_space<vmem>>, vector<1x16xf32>,
        %broadcast_in_dim3A_740 = arith.constant 8 : i32
        %broadcast_in_dim3A_741 = vector.broadcast %broadcast_in_dim3A_740 : i32 to vector<16x1xi32>
        %gather3A_742 = vector.shape_cast %broadcast_in_dim3A_741 : vector<16x1xi32> to vector<16xi32>
        %gather3A_743 = tpu.dynamic_gather %get3A_38[%gather3A_742] in [0] : vector<16xf32>, vector<16xi32> -> vector<16xf32>
        %mul3A_744 = arith.constant 16 : i32
        %mul3A_745 = arith.muli %scan3A_34, %mul3A_744 : i32
        %add3A_746 = arith.constant 8 : i32
        %add3A_747 = arith.addi %mul3A_745, %add3A_746 : i32
        %get3A_748 = arith.index_cast %add3A_747 : i32 to index
        %get3A_749 = arith.constant 0 : index
        %get3A_750 = tpu.vector_load %arg12[%get3A_748, %get3A_749] {strides = array<i32>} : memref<128x128xf32, #tpu.memory_space<vmem>>, vector<1x16xf32>,
        %get3A_751 = vector.shape_cast %get3A_750 : vector<1x16xf32> to vector<16xf32>
        %mul3A_752 = arith.mulf %get3A_751, %gather3A_743 : vector<16xf32>
        %swap3A_753 = arith.index_cast %add3A_747 : i32 to index
        %swap3A_754 = arith.constant 0 : index
        %swap3A_755 = tpu.vector_load %arg12[%swap3A_753, %swap3A_754] {strides = array<i32>} : memref<128x128xf32, #tpu.memory_space<vmem>>, vector<1x16xf32>,
        %swap3A_756 = vector.shape_cast %swap3A_755 : vector<1x16xf32> to vector<16xf32>
        %swap3A_757 = vector.shape_cast %mul3A_752 : vector<16xf32> to vector<1x16xf32>
        tpu.vector_store %arg12[%swap3A_753, %swap3A_754], %swap3A_757 {strides = array<i32>} : memref<128x128xf32, #tpu.memory_space<vmem>>, vector<1x16xf32>,
        %get3A_758 = arith.index_cast %add3A_747 : i32 to index
        %get3A_759 = arith.constant 16 : index
        %get3A_760 = tpu.vector_load %arg12[%get3A_758, %get3A_759] {strides = array<i32>} : memref<128x128xf32, #tpu.memory_space<vmem>>, vector<1x16xf32>,
        %get3A_761 = vector.shape_cast %get3A_760 : vector<1x16xf32> to vector<16xf32>
        %mul3A_762 = arith.mulf %get3A_761, %gather3A_743 : vector<16xf32>
        %swap3A_763 = arith.index_cast %add3A_747 : i32 to index
        %swap3A_764 = arith.constant 16 : index
        %swap3A_765 = tpu.vector_load %arg12[%swap3A_763, %swap3A_764] {strides = array<i32>} : memref<128x128xf32, #tpu.memory_space<vmem>>, vector<1x16xf32>,
        %swap3A_766 = vector.shape_cast %swap3A_765 : vector<1x16xf32> to vector<16xf32>
        %swap3A_767 = vector.shape_cast %mul3A_762 : vector<16xf32> to vector<1x16xf32>
        tpu.vector_store %arg12[%swap3A_763, %swap3A_764], %swap3A_767 {strides = array<i32>} : memref<128x128xf32, #tpu.memory_space<vmem>>, vector<1x16xf32>,
        %get3A_768 = arith.index_cast %add3A_747 : i32 to index
        %get3A_769 = arith.constant 32 : index
        %get3A_770 = tpu.vector_load %arg12[%get3A_768, %get3A_769] {strides = array<i32>} : memref<128x128xf32, #tpu.memory_space<vmem>>, vector<1x16xf32>,
        %get3A_771 = vector.shape_cast %get3A_770 : vector<1x16xf32> to vector<16xf32>
        %mul3A_772 = arith.mulf %get3A_771, %gather3A_743 : vector<16xf32>
        %swap3A_773 = arith.index_cast %add3A_747 : i32 to index
        %swap3A_774 = arith.constant 32 : index
        %swap3A_775 = tpu.vector_load %arg12[%swap3A_773, %swap3A_774] {strides = array<i32>} : memref<128x128xf32, #tpu.memory_space<vmem>>, vector<1x16xf32>,
        %swap3A_776 = vector.shape_cast %swap3A_775 : vector<1x16xf32> to vector<16xf32>
        %swap3A_777 = vector.shape_cast %mul3A_772 : vector<16xf32> to vector<1x16xf32>
        tpu.vector_store %arg12[%swap3A_773, %swap3A_774], %swap3A_777 {strides = array<i32>} : memref<128x128xf32, #tpu.memory_space<vmem>>, vector<1x16xf32>,
        %get3A_778 = arith.index_cast %add3A_747 : i32 to index
        %get3A_779 = arith.constant 48 : index
        %get3A_780 = tpu.vector_load %arg12[%get3A_778, %get3A_779] {strides = array<i32>} : memref<128x128xf32, #tpu.memory_space<vmem>>, vector<1x16xf32>,
        %get3A_781 = vector.shape_cast %get3A_780 : vector<1x16xf32> to vector<16xf32>
        %mul3A_782 = arith.mulf %get3A_781, %gather3A_743 : vector<16xf32>
        %swap3A_783 = arith.index_cast %add3A_747 : i32 to index
        %swap3A_784 = arith.constant 48 : index
        %swap3A_785 = tpu.vector_load %arg12[%swap3A_783, %swap3A_784] {strides = array<i32>} : memref<128x128xf32, #tpu.memory_space<vmem>>, vector<1x16xf32>,
        %swap3A_786 = vector.shape_cast %swap3A_785 : vector<1x16xf32> to vector<16xf32>
        %swap3A_787 = vector.shape_cast %mul3A_782 : vector<16xf32> to vector<1x16xf32>
        tpu.vector_store %arg12[%swap3A_783, %swap3A_784], %swap3A_787 {strides = array<i32>} : memref<128x128xf32, #tpu.memory_space<vmem>>, vector<1x16xf32>,
        %get3A_788 = arith.index_cast %add3A_747 : i32 to index
        %get3A_789 = arith.constant 64 : index
        %get3A_790 = tpu.vector_load %arg12[%get3A_788, %get3A_789] {strides = array<i32>} : memref<128x128xf32, #tpu.memory_space<vmem>>, vector<1x16xf32>,
        %get3A_791 = vector.shape_cast %get3A_790 : vector<1x16xf32> to vector<16xf32>
        %mul3A_792 = arith.mulf %get3A_791, %gather3A_743 : vector<16xf32>
        %swap3A_793 = arith.index_cast %add3A_747 : i32 to index
        %swap3A_794 = arith.constant 64 : index
        %swap3A_795 = tpu.vector_load %arg12[%swap3A_793, %swap3A_794] {strides = array<i32>} : memref<128x128xf32, #tpu.memory_space<vmem>>, vector<1x16xf32>,
        %swap3A_796 = vector.shape_cast %swap3A_795 : vector<1x16xf32> to vector<16xf32>
        %swap3A_797 = vector.shape_cast %mul3A_792 : vector<16xf32> to vector<1x16xf32>
        tpu.vector_store %arg12[%swap3A_793, %swap3A_794], %swap3A_797 {strides = array<i32>} : memref<128x128xf32, #tpu.memory_space<vmem>>, vector<1x16xf32>,
        %get3A_798 = arith.index_cast %add3A_747 : i32 to index
        %get3A_799 = arith.constant 80 : index
        %get3A_800 = tpu.vector_load %arg12[%get3A_798, %get3A_799] {strides = array<i32>} : memref<128x128xf32, #tpu.memory_space<vmem>>, vector<1x16xf32>,
        %get3A_801 = vector.shape_cast %get3A_800 : vector<1x16xf32> to vector<16xf32>
        %mul3A_802 = arith.mulf %get3A_801, %gather3A_743 : vector<16xf32>
        %swap3A_803 = arith.index_cast %add3A_747 : i32 to index
        %swap3A_804 = arith.constant 80 : index
        %swap3A_805 = tpu.vector_load %arg12[%swap3A_803, %swap3A_804] {strides = array<i32>} : memref<128x128xf32, #tpu.memory_space<vmem>>, vector<1x16xf32>,
        %swap3A_806 = vector.shape_cast %swap3A_805 : vector<1x16xf32> to vector<16xf32>
        %swap3A_807 = vector.shape_cast %mul3A_802 : vector<16xf32> to vector<1x16xf32>
        tpu.vector_store %arg12[%swap3A_803, %swap3A_804], %swap3A_807 {strides = array<i32>} : memref<128x128xf32, #tpu.memory_space<vmem>>, vector<1x16xf32>,
        %get3A_808 = arith.index_cast %add3A_747 : i32 to index
        %get3A_809 = arith.constant 96 : index
        %get3A_810 = tpu.vector_load %arg12[%get3A_808, %get3A_809] {strides = array<i32>} : memref<128x128xf32, #tpu.memory_space<vmem>>, vector<1x16xf32>,
        %get3A_811 = vector.shape_cast %get3A_810 : vector<1x16xf32> to vector<16xf32>
        %mul3A_812 = arith.mulf %get3A_811, %gather3A_743 : vector<16xf32>
        %swap3A_813 = arith.index_cast %add3A_747 : i32 to index
        %swap3A_814 = arith.constant 96 : index
        %swap3A_815 = tpu.vector_load %arg12[%swap3A_813, %swap3A_814] {strides = array<i32>} : memref<128x128xf32, #tpu.memory_space<vmem>>, vector<1x16xf32>,
        %swap3A_816 = vector.shape_cast %swap3A_815 : vector<1x16xf32> to vector<16xf32>
        %swap3A_817 = vector.shape_cast %mul3A_812 : vector<16xf32> to vector<1x16xf32>
        tpu.vector_store %arg12[%swap3A_813, %swap3A_814], %swap3A_817 {strides = array<i32>} : memref<128x128xf32, #tpu.memory_space<vmem>>, vector<1x16xf32>,
        %get3A_818 = arith.index_cast %add3A_747 : i32 to index
        %get3A_819 = arith.constant 112 : index
        %get3A_820 = tpu.vector_load %arg12[%get3A_818, %get3A_819] {strides = array<i32>} : memref<128x128xf32, #tpu.memory_space<vmem>>, vector<1x16xf32>,
        %get3A_821 = vector.shape_cast %get3A_820 : vector<1x16xf32> to vector<16xf32>
        %mul3A_822 = arith.mulf %get3A_821, %gather3A_743 : vector<16xf32>
        %swap3A_823 = arith.index_cast %add3A_747 : i32 to index
        %swap3A_824 = arith.constant 112 : index
        %swap3A_825 = tpu.vector_load %arg12[%swap3A_823, %swap3A_824] {strides = array<i32>} : memref<128x128xf32, #tpu.memory_space<vmem>>, vector<1x16xf32>,
        %swap3A_826 = vector.shape_cast %swap3A_825 : vector<1x16xf32> to vector<16xf32>
        %swap3A_827 = vector.shape_cast %mul3A_822 : vector<16xf32> to vector<1x16xf32>
        tpu.vector_store %arg12[%swap3A_823, %swap3A_824], %swap3A_827 {strides = array<i32>} : memref<128x128xf32, #tpu.memory_space<vmem>>, vector<1x16xf32>,
        %broadcast_in_dim3A_828 = arith.constant 9 : i32
        %broadcast_in_dim3A_829 = vector.broadcast %broadcast_in_dim3A_828 : i32 to vector<16x1xi32>
        %gather3A_830 = vector.shape_cast %broadcast_in_dim3A_829 : vector<16x1xi32> to vector<16xi32>
        %gather3A_831 = tpu.dynamic_gather %get3A_38[%gather3A_830] in [0] : vector<16xf32>, vector<16xi32> -> vector<16xf32>
        %mul3A_832 = arith.constant 16 : i32
        %mul3A_833 = arith.muli %scan3A_34, %mul3A_832 : i32
        %add3A_834 = arith.constant 9 : i32
        %add3A_835 = arith.addi %mul3A_833, %add3A_834 : i32
        %get3A_836 = arith.index_cast %add3A_835 : i32 to index
        %get3A_837 = arith.constant 0 : index
        %get3A_838 = tpu.vector_load %arg12[%get3A_836, %get3A_837] {strides = array<i32>} : memref<128x128xf32, #tpu.memory_space<vmem>>, vector<1x16xf32>,
        %get3A_839 = vector.shape_cast %get3A_838 : vector<1x16xf32> to vector<16xf32>
        %mul3A_840 = arith.mulf %get3A_839, %gather3A_831 : vector<16xf32>
        %swap3A_841 = arith.index_cast %add3A_835 : i32 to index
        %swap3A_842 = arith.constant 0 : index
        %swap3A_843 = tpu.vector_load %arg12[%swap3A_841, %swap3A_842] {strides = array<i32>} : memref<128x128xf32, #tpu.memory_space<vmem>>, vector<1x16xf32>,
        %swap3A_844 = vector.shape_cast %swap3A_843 : vector<1x16xf32> to vector<16xf32>
        %swap3A_845 = vector.shape_cast %mul3A_840 : vector<16xf32> to vector<1x16xf32>
        tpu.vector_store %arg12[%swap3A_841, %swap3A_842], %swap3A_845 {strides = array<i32>} : memref<128x128xf32, #tpu.memory_space<vmem>>, vector<1x16xf32>,
        %get3A_846 = arith.index_cast %add3A_835 : i32 to index
        %get3A_847 = arith.constant 16 : index
        %get3A_848 = tpu.vector_load %arg12[%get3A_846, %get3A_847] {strides = array<i32>} : memref<128x128xf32, #tpu.memory_space<vmem>>, vector<1x16xf32>,
        %get3A_849 = vector.shape_cast %get3A_848 : vector<1x16xf32> to vector<16xf32>
        %mul3A_850 = arith.mulf %get3A_849, %gather3A_831 : vector<16xf32>
        %swap3A_851 = arith.index_cast %add3A_835 : i32 to index
        %swap3A_852 = arith.constant 16 : index
        %swap3A_853 = tpu.vector_load %arg12[%swap3A_851, %swap3A_852] {strides = array<i32>} : memref<128x128xf32, #tpu.memory_space<vmem>>, vector<1x16xf32>,
        %swap3A_854 = vector.shape_cast %swap3A_853 : vector<1x16xf32> to vector<16xf32>
        %swap3A_855 = vector.shape_cast %mul3A_850 : vector<16xf32> to vector<1x16xf32>
        tpu.vector_store %arg12[%swap3A_851, %swap3A_852], %swap3A_855 {strides = array<i32>} : memref<128x128xf32, #tpu.memory_space<vmem>>, vector<1x16xf32>,
        %get3A_856 = arith.index_cast %add3A_835 : i32 to index
        %get3A_857 = arith.constant 32 : index
        %get3A_858 = tpu.vector_load %arg12[%get3A_856, %get3A_857] {strides = array<i32>} : memref<128x128xf32, #tpu.memory_space<vmem>>, vector<1x16xf32>,
        %get3A_859 = vector.shape_cast %get3A_858 : vector<1x16xf32> to vector<16xf32>
        %mul3A_860 = arith.mulf %get3A_859, %gather3A_831 : vector<16xf32>
        %swap3A_861 = arith.index_cast %add3A_835 : i32 to index
        %swap3A_862 = arith.constant 32 : index
        %swap3A_863 = tpu.vector_load %arg12[%swap3A_861, %swap3A_862] {strides = array<i32>} : memref<128x128xf32, #tpu.memory_space<vmem>>, vector<1x16xf32>,
        %swap3A_864 = vector.shape_cast %swap3A_863 : vector<1x16xf32> to vector<16xf32>
        %swap3A_865 = vector.shape_cast %mul3A_860 : vector<16xf32> to vector<1x16xf32>
        tpu.vector_store %arg12[%swap3A_861, %swap3A_862], %swap3A_865 {strides = array<i32>} : memref<128x128xf32, #tpu.memory_space<vmem>>, vector<1x16xf32>,
        %get3A_866 = arith.index_cast %add3A_835 : i32 to index
        %get3A_867 = arith.constant 48 : index
        %get3A_868 = tpu.vector_load %arg12[%get3A_866, %get3A_867] {strides = array<i32>} : memref<128x128xf32, #tpu.memory_space<vmem>>, vector<1x16xf32>,
        %get3A_869 = vector.shape_cast %get3A_868 : vector<1x16xf32> to vector<16xf32>
        %mul3A_870 = arith.mulf %get3A_869, %gather3A_831 : vector<16xf32>
        %swap3A_871 = arith.index_cast %add3A_835 : i32 to index
        %swap3A_872 = arith.constant 48 : index
        %swap3A_873 = tpu.vector_load %arg12[%swap3A_871, %swap3A_872] {strides = array<i32>} : memref<128x128xf32, #tpu.memory_space<vmem>>, vector<1x16xf32>,
        %swap3A_874 = vector.shape_cast %swap3A_873 : vector<1x16xf32> to vector<16xf32>
        %swap3A_875 = vector.shape_cast %mul3A_870 : vector<16xf32> to vector<1x16xf32>
        tpu.vector_store %arg12[%swap3A_871, %swap3A_872], %swap3A_875 {strides = array<i32>} : memref<128x128xf32, #tpu.memory_space<vmem>>, vector<1x16xf32>,
        %get3A_876 = arith.index_cast %add3A_835 : i32 to index
        %get3A_877 = arith.constant 64 : index
        %get3A_878 = tpu.vector_load %arg12[%get3A_876, %get3A_877] {strides = array<i32>} : memref<128x128xf32, #tpu.memory_space<vmem>>, vector<1x16xf32>,
        %get3A_879 = vector.shape_cast %get3A_878 : vector<1x16xf32> to vector<16xf32>
        %mul3A_880 = arith.mulf %get3A_879, %gather3A_831 : vector<16xf32>
        %swap3A_881 = arith.index_cast %add3A_835 : i32 to index
        %swap3A_882 = arith.constant 64 : index
        %swap3A_883 = tpu.vector_load %arg12[%swap3A_881, %swap3A_882] {strides = array<i32>} : memref<128x128xf32, #tpu.memory_space<vmem>>, vector<1x16xf32>,
        %swap3A_884 = vector.shape_cast %swap3A_883 : vector<1x16xf32> to vector<16xf32>
        %swap3A_885 = vector.shape_cast %mul3A_880 : vector<16xf32> to vector<1x16xf32>
        tpu.vector_store %arg12[%swap3A_881, %swap3A_882], %swap3A_885 {strides = array<i32>} : memref<128x128xf32, #tpu.memory_space<vmem>>, vector<1x16xf32>,
        %get3A_886 = arith.index_cast %add3A_835 : i32 to index
        %get3A_887 = arith.constant 80 : index
        %get3A_888 = tpu.vector_load %arg12[%get3A_886, %get3A_887] {strides = array<i32>} : memref<128x128xf32, #tpu.memory_space<vmem>>, vector<1x16xf32>,
        %get3A_889 = vector.shape_cast %get3A_888 : vector<1x16xf32> to vector<16xf32>
        %mul3A_890 = arith.mulf %get3A_889, %gather3A_831 : vector<16xf32>
        %swap3A_891 = arith.index_cast %add3A_835 : i32 to index
        %swap3A_892 = arith.constant 80 : index
        %swap3A_893 = tpu.vector_load %arg12[%swap3A_891, %swap3A_892] {strides = array<i32>} : memref<128x128xf32, #tpu.memory_space<vmem>>, vector<1x16xf32>,
        %swap3A_894 = vector.shape_cast %swap3A_893 : vector<1x16xf32> to vector<16xf32>
        %swap3A_895 = vector.shape_cast %mul3A_890 : vector<16xf32> to vector<1x16xf32>
        tpu.vector_store %arg12[%swap3A_891, %swap3A_892], %swap3A_895 {strides = array<i32>} : memref<128x128xf32, #tpu.memory_space<vmem>>, vector<1x16xf32>,
        %get3A_896 = arith.index_cast %add3A_835 : i32 to index
        %get3A_897 = arith.constant 96 : index
        %get3A_898 = tpu.vector_load %arg12[%get3A_896, %get3A_897] {strides = array<i32>} : memref<128x128xf32, #tpu.memory_space<vmem>>, vector<1x16xf32>,
        %get3A_899 = vector.shape_cast %get3A_898 : vector<1x16xf32> to vector<16xf32>
        %mul3A_900 = arith.mulf %get3A_899, %gather3A_831 : vector<16xf32>
        %swap3A_901 = arith.index_cast %add3A_835 : i32 to index
        %swap3A_902 = arith.constant 96 : index
        %swap3A_903 = tpu.vector_load %arg12[%swap3A_901, %swap3A_902] {strides = array<i32>} : memref<128x128xf32, #tpu.memory_space<vmem>>, vector<1x16xf32>,
        %swap3A_904 = vector.shape_cast %swap3A_903 : vector<1x16xf32> to vector<16xf32>
        %swap3A_905 = vector.shape_cast %mul3A_900 : vector<16xf32> to vector<1x16xf32>
        tpu.vector_store %arg12[%swap3A_901, %swap3A_902], %swap3A_905 {strides = array<i32>} : memref<128x128xf32, #tpu.memory_space<vmem>>, vector<1x16xf32>,
        %get3A_906 = arith.index_cast %add3A_835 : i32 to index
        %get3A_907 = arith.constant 112 : index
        %get3A_908 = tpu.vector_load %arg12[%get3A_906, %get3A_907] {strides = array<i32>} : memref<128x128xf32, #tpu.memory_space<vmem>>, vector<1x16xf32>,
        %get3A_909 = vector.shape_cast %get3A_908 : vector<1x16xf32> to vector<16xf32>
        %mul3A_910 = arith.mulf %get3A_909, %gather3A_831 : vector<16xf32>
        %swap3A_911 = arith.index_cast %add3A_835 : i32 to index
        %swap3A_912 = arith.constant 112 : index
        %swap3A_913 = tpu.vector_load %arg12[%swap3A_911, %swap3A_912] {strides = array<i32>} : memref<128x128xf32, #tpu.memory_space<vmem>>, vector<1x16xf32>,
        %swap3A_914 = vector.shape_cast %swap3A_913 : vector<1x16xf32> to vector<16xf32>
        %swap3A_915 = vector.shape_cast %mul3A_910 : vector<16xf32> to vector<1x16xf32>
        tpu.vector_store %arg12[%swap3A_911, %swap3A_912], %swap3A_915 {strides = array<i32>} : memref<128x128xf32, #tpu.memory_space<vmem>>, vector<1x16xf32>,
        %broadcast_in_dim3A_916 = arith.constant 10 : i32
        %broadcast_in_dim3A_917 = vector.broadcast %broadcast_in_dim3A_916 : i32 to vector<16x1xi32>
        %gather3A_918 = vector.shape_cast %broadcast_in_dim3A_917 : vector<16x1xi32> to vector<16xi32>
        %gather3A_919 = tpu.dynamic_gather %get3A_38[%gather3A_918] in [0] : vector<16xf32>, vector<16xi32> -> vector<16xf32>
        %mul3A_920 = arith.constant 16 : i32
        %mul3A_921 = arith.muli %scan3A_34, %mul3A_920 : i32
        %add3A_922 = arith.constant 10 : i32
        %add3A_923 = arith.addi %mul3A_921, %add3A_922 : i32
        %get3A_924 = arith.index_cast %add3A_923 : i32 to index
        %get3A_925 = arith.constant 0 : index
        %get3A_926 = tpu.vector_load %arg12[%get3A_924, %get3A_925] {strides = array<i32>} : memref<128x128xf32, #tpu.memory_space<vmem>>, vector<1x16xf32>,
        %get3A_927 = vector.shape_cast %get3A_926 : vector<1x16xf32> to vector<16xf32>
        %mul3A_928 = arith.mulf %get3A_927, %gather3A_919 : vector<16xf32>
        %swap3A_929 = arith.index_cast %add3A_923 : i32 to index
        %swap3A_930 = arith.constant 0 : index
        %swap3A_931 = tpu.vector_load %arg12[%swap3A_929, %swap3A_930] {strides = array<i32>} : memref<128x128xf32, #tpu.memory_space<vmem>>, vector<1x16xf32>,
        %swap3A_932 = vector.shape_cast %swap3A_931 : vector<1x16xf32> to vector<16xf32>
        %swap3A_933 = vector.shape_cast %mul3A_928 : vector<16xf32> to vector<1x16xf32>
        tpu.vector_store %arg12[%swap3A_929, %swap3A_930], %swap3A_933 {strides = array<i32>} : memref<128x128xf32, #tpu.memory_space<vmem>>, vector<1x16xf32>,
        %get3A_934 = arith.index_cast %add3A_923 : i32 to index
        %get3A_935 = arith.constant 16 : index
        %get3A_936 = tpu.vector_load %arg12[%get3A_934, %get3A_935] {strides = array<i32>} : memref<128x128xf32, #tpu.memory_space<vmem>>, vector<1x16xf32>,
        %get3A_937 = vector.shape_cast %get3A_936 : vector<1x16xf32> to vector<16xf32>
        %mul3A_938 = arith.mulf %get3A_937, %gather3A_919 : vector<16xf32>
        %swap3A_939 = arith.index_cast %add3A_923 : i32 to index
        %swap3A_940 = arith.constant 16 : index
        %swap3A_941 = tpu.vector_load %arg12[%swap3A_939, %swap3A_940] {strides = array<i32>} : memref<128x128xf32, #tpu.memory_space<vmem>>, vector<1x16xf32>,
        %swap3A_942 = vector.shape_cast %swap3A_941 : vector<1x16xf32> to vector<16xf32>
        %swap3A_943 = vector.shape_cast %mul3A_938 : vector<16xf32> to vector<1x16xf32>
        tpu.vector_store %arg12[%swap3A_939, %swap3A_940], %swap3A_943 {strides = array<i32>} : memref<128x128xf32, #tpu.memory_space<vmem>>, vector<1x16xf32>,
        %get3A_944 = arith.index_cast %add3A_923 : i32 to index
        %get3A_945 = arith.constant 32 : index
        %get3A_946 = tpu.vector_load %arg12[%get3A_944, %get3A_945] {strides = array<i32>} : memref<128x128xf32, #tpu.memory_space<vmem>>, vector<1x16xf32>,
        %get3A_947 = vector.shape_cast %get3A_946 : vector<1x16xf32> to vector<16xf32>
        %mul3A_948 = arith.mulf %get3A_947, %gather3A_919 : vector<16xf32>
        %swap3A_949 = arith.index_cast %add3A_923 : i32 to index
        %swap3A_950 = arith.constant 32 : index
        %swap3A_951 = tpu.vector_load %arg12[%swap3A_949, %swap3A_950] {strides = array<i32>} : memref<128x128xf32, #tpu.memory_space<vmem>>, vector<1x16xf32>,
        %swap3A_952 = vector.shape_cast %swap3A_951 : vector<1x16xf32> to vector<16xf32>
        %swap3A_953 = vector.shape_cast %mul3A_948 : vector<16xf32> to vector<1x16xf32>
        tpu.vector_store %arg12[%swap3A_949, %swap3A_950], %swap3A_953 {strides = array<i32>} : memref<128x128xf32, #tpu.memory_space<vmem>>, vector<1x16xf32>,
        %get3A_954 = arith.index_cast %add3A_923 : i32 to index
        %get3A_955 = arith.constant 48 : index
        %get3A_956 = tpu.vector_load %arg12[%get3A_954, %get3A_955] {strides = array<i32>} : memref<128x128xf32, #tpu.memory_space<vmem>>, vector<1x16xf32>,
        %get3A_957 = vector.shape_cast %get3A_956 : vector<1x16xf32> to vector<16xf32>
        %mul3A_958 = arith.mulf %get3A_957, %gather3A_919 : vector<16xf32>
        %swap3A_959 = arith.index_cast %add3A_923 : i32 to index
        %swap3A_960 = arith.constant 48 : index
        %swap3A_961 = tpu.vector_load %arg12[%swap3A_959, %swap3A_960] {strides = array<i32>} : memref<128x128xf32, #tpu.memory_space<vmem>>, vector<1x16xf32>,
        %swap3A_962 = vector.shape_cast %swap3A_961 : vector<1x16xf32> to vector<16xf32>
        %swap3A_963 = vector.shape_cast %mul3A_958 : vector<16xf32> to vector<1x16xf32>
        tpu.vector_store %arg12[%swap3A_959, %swap3A_960], %swap3A_963 {strides = array<i32>} : memref<128x128xf32, #tpu.memory_space<vmem>>, vector<1x16xf32>,
        %get3A_964 = arith.index_cast %add3A_923 : i32 to index
        %get3A_965 = arith.constant 64 : index
        %get3A_966 = tpu.vector_load %arg12[%get3A_964, %get3A_965] {strides = array<i32>} : memref<128x128xf32, #tpu.memory_space<vmem>>, vector<1x16xf32>,
        %get3A_967 = vector.shape_cast %get3A_966 : vector<1x16xf32> to vector<16xf32>
        %mul3A_968 = arith.mulf %get3A_967, %gather3A_919 : vector<16xf32>
        %swap3A_969 = arith.index_cast %add3A_923 : i32 to index
        %swap3A_970 = arith.constant 64 : index
        %swap3A_971 = tpu.vector_load %arg12[%swap3A_969, %swap3A_970] {strides = array<i32>} : memref<128x128xf32, #tpu.memory_space<vmem>>, vector<1x16xf32>,
        %swap3A_972 = vector.shape_cast %swap3A_971 : vector<1x16xf32> to vector<16xf32>
        %swap3A_973 = vector.shape_cast %mul3A_968 : vector<16xf32> to vector<1x16xf32>
        tpu.vector_store %arg12[%swap3A_969, %swap3A_970], %swap3A_973 {strides = array<i32>} : memref<128x128xf32, #tpu.memory_space<vmem>>, vector<1x16xf32>,
        %get3A_974 = arith.index_cast %add3A_923 : i32 to index
        %get3A_975 = arith.constant 80 : index
        %get3A_976 = tpu.vector_load %arg12[%get3A_974, %get3A_975] {strides = array<i32>} : memref<128x128xf32, #tpu.memory_space<vmem>>, vector<1x16xf32>,
        %get3A_977 = vector.shape_cast %get3A_976 : vector<1x16xf32> to vector<16xf32>
        %mul3A_978 = arith.mulf %get3A_977, %gather3A_919 : vector<16xf32>
        %swap3A_979 = arith.index_cast %add3A_923 : i32 to index
        %swap3A_980 = arith.constant 80 : index
        %swap3A_981 = tpu.vector_load %arg12[%swap3A_979, %swap3A_980] {strides = array<i32>} : memref<128x128xf32, #tpu.memory_space<vmem>>, vector<1x16xf32>,
        %swap3A_982 = vector.shape_cast %swap3A_981 : vector<1x16xf32> to vector<16xf32>
        %swap3A_983 = vector.shape_cast %mul3A_978 : vector<16xf32> to vector<1x16xf32>
        tpu.vector_store %arg12[%swap3A_979, %swap3A_980], %swap3A_983 {strides = array<i32>} : memref<128x128xf32, #tpu.memory_space<vmem>>, vector<1x16xf32>,
        %get3A_984 = arith.index_cast %add3A_923 : i32 to index
        %get3A_985 = arith.constant 96 : index
        %get3A_986 = tpu.vector_load %arg12[%get3A_984, %get3A_985] {strides = array<i32>} : memref<128x128xf32, #tpu.memory_space<vmem>>, vector<1x16xf32>,
        %get3A_987 = vector.shape_cast %get3A_986 : vector<1x16xf32> to vector<16xf32>
        %mul3A_988 = arith.mulf %get3A_987, %gather3A_919 : vector<16xf32>
        %swap3A_989 = arith.index_cast %add3A_923 : i32 to index
        %swap3A_990 = arith.constant 96 : index
        %swap3A_991 = tpu.vector_load %arg12[%swap3A_989, %swap3A_990] {strides = array<i32>} : memref<128x128xf32, #tpu.memory_space<vmem>>, vector<1x16xf32>,
        %swap3A_992 = vector.shape_cast %swap3A_991 : vector<1x16xf32> to vector<16xf32>
        %swap3A_993 = vector.shape_cast %mul3A_988 : vector<16xf32> to vector<1x16xf32>
        tpu.vector_store %arg12[%swap3A_989, %swap3A_990], %swap3A_993 {strides = array<i32>} : memref<128x128xf32, #tpu.memory_space<vmem>>, vector<1x16xf32>,
        %get3A_994 = arith.index_cast %add3A_923 : i32 to index
        %get3A_995 = arith.constant 112 : index
        %get3A_996 = tpu.vector_load %arg12[%get3A_994, %get3A_995] {strides = array<i32>} : memref<128x128xf32, #tpu.memory_space<vmem>>, vector<1x16xf32>,
        %get3A_997 = vector.shape_cast %get3A_996 : vector<1x16xf32> to vector<16xf32>
        %mul3A_998 = arith.mulf %get3A_997, %gather3A_919 : vector<16xf32>
        %swap3A_999 = arith.index_cast %add3A_923 : i32 to index
        %swap3A_1000 = arith.constant 112 : index
        %swap3A_1001 = tpu.vector_load %arg12[%swap3A_999, %swap3A_1000] {strides = array<i32>} : memref<128x128xf32, #tpu.memory_space<vmem>>, vector<1x16xf32>,
        %swap3A_1002 = vector.shape_cast %swap3A_1001 : vector<1x16xf32> to vector<16xf32>
        %swap3A_1003 = vector.shape_cast %mul3A_998 : vector<16xf32> to vector<1x16xf32>
        tpu.vector_store %arg12[%swap3A_999, %swap3A_1000], %swap3A_1003 {strides = array<i32>} : memref<128x128xf32, #tpu.memory_space<vmem>>, vector<1x16xf32>,
        %broadcast_in_dim3A_1004 = arith.constant 11 : i32
        %broadcast_in_dim3A_1005 = vector.broadcast %broadcast_in_dim3A_1004 : i32 to vector<16x1xi32>
        %gather3A_1006 = vector.shape_cast %broadcast_in_dim3A_1005 : vector<16x1xi32> to vector<16xi32>
        %gather3A_1007 = tpu.dynamic_gather %get3A_38[%gather3A_1006] in [0] : vector<16xf32>, vector<16xi32> -> vector<16xf32>
        %mul3A_1008 = arith.constant 16 : i32
        %mul3A_1009 = arith.muli %scan3A_34, %mul3A_1008 : i32
        %add3A_1010 = arith.constant 11 : i32
        %add3A_1011 = arith.addi %mul3A_1009, %add3A_1010 : i32
        %get3A_1012 = arith.index_cast %add3A_1011 : i32 to index
        %get3A_1013 = arith.constant 0 : index
        %get3A_1014 = tpu.vector_load %arg12[%get3A_1012, %get3A_1013] {strides = array<i32>} : memref<128x128xf32, #tpu.memory_space<vmem>>, vector<1x16xf32>,
        %get3A_1015 = vector.shape_cast %get3A_1014 : vector<1x16xf32> to vector<16xf32>
        %mul3A_1016 = arith.mulf %get3A_1015, %gather3A_1007 : vector<16xf32>
        %swap3A_1017 = arith.index_cast %add3A_1011 : i32 to index
        %swap3A_1018 = arith.constant 0 : index
        %swap3A_1019 = tpu.vector_load %arg12[%swap3A_1017, %swap3A_1018] {strides = array<i32>} : memref<128x128xf32, #tpu.memory_space<vmem>>, vector<1x16xf32>,
        %swap3A_1020 = vector.shape_cast %swap3A_1019 : vector<1x16xf32> to vector<16xf32>
        %swap3A_1021 = vector.shape_cast %mul3A_1016 : vector<16xf32> to vector<1x16xf32>
        tpu.vector_store %arg12[%swap3A_1017, %swap3A_1018], %swap3A_1021 {strides = array<i32>} : memref<128x128xf32, #tpu.memory_space<vmem>>, vector<1x16xf32>,
        %get3A_1022 = arith.index_cast %add3A_1011 : i32 to index
        %get3A_1023 = arith.constant 16 : index
        %get3A_1024 = tpu.vector_load %arg12[%get3A_1022, %get3A_1023] {strides = array<i32>} : memref<128x128xf32, #tpu.memory_space<vmem>>, vector<1x16xf32>,
        %get3A_1025 = vector.shape_cast %get3A_1024 : vector<1x16xf32> to vector<16xf32>
        %mul3A_1026 = arith.mulf %get3A_1025, %gather3A_1007 : vector<16xf32>
        %swap3A_1027 = arith.index_cast %add3A_1011 : i32 to index
        %swap3A_1028 = arith.constant 16 : index
        %swap3A_1029 = tpu.vector_load %arg12[%swap3A_1027, %swap3A_1028] {strides = array<i32>} : memref<128x128xf32, #tpu.memory_space<vmem>>, vector<1x16xf32>,
        %swap3A_1030 = vector.shape_cast %swap3A_1029 : vector<1x16xf32> to vector<16xf32>
        %swap3A_1031 = vector.shape_cast %mul3A_1026 : vector<16xf32> to vector<1x16xf32>
        tpu.vector_store %arg12[%swap3A_1027, %swap3A_1028], %swap3A_1031 {strides = array<i32>} : memref<128x128xf32, #tpu.memory_space<vmem>>, vector<1x16xf32>,
        %get3A_1032 = arith.index_cast %add3A_1011 : i32 to index
        %get3A_1033 = arith.constant 32 : index
        %get3A_1034 = tpu.vector_load %arg12[%get3A_1032, %get3A_1033] {strides = array<i32>} : memref<128x128xf32, #tpu.memory_space<vmem>>, vector<1x16xf32>,
        %get3A_1035 = vector.shape_cast %get3A_1034 : vector<1x16xf32> to vector<16xf32>
        %mul3A_1036 = arith.mulf %get3A_1035, %gather3A_1007 : vector<16xf32>
        %swap3A_1037 = arith.index_cast %add3A_1011 : i32 to index
        %swap3A_1038 = arith.constant 32 : index
        %swap3A_1039 = tpu.vector_load %arg12[%swap3A_1037, %swap3A_1038] {strides = array<i32>} : memref<128x128xf32, #tpu.memory_space<vmem>>, vector<1x16xf32>,
        %swap3A_1040 = vector.shape_cast %swap3A_1039 : vector<1x16xf32> to vector<16xf32>
        %swap3A_1041 = vector.shape_cast %mul3A_1036 : vector<16xf32> to vector<1x16xf32>
        tpu.vector_store %arg12[%swap3A_1037, %swap3A_1038], %swap3A_1041 {strides = array<i32>} : memref<128x128xf32, #tpu.memory_space<vmem>>, vector<1x16xf32>,
        %get3A_1042 = arith.index_cast %add3A_1011 : i32 to index
        %get3A_1043 = arith.constant 48 : index
        %get3A_1044 = tpu.vector_load %arg12[%get3A_1042, %get3A_1043] {strides = array<i32>} : memref<128x128xf32, #tpu.memory_space<vmem>>, vector<1x16xf32>,
        %get3A_1045 = vector.shape_cast %get3A_1044 : vector<1x16xf32> to vector<16xf32>
        %mul3A_1046 = arith.mulf %get3A_1045, %gather3A_1007 : vector<16xf32>
        %swap3A_1047 = arith.index_cast %add3A_1011 : i32 to index
        %swap3A_1048 = arith.constant 48 : index
        %swap3A_1049 = tpu.vector_load %arg12[%swap3A_1047, %swap3A_1048] {strides = array<i32>} : memref<128x128xf32, #tpu.memory_space<vmem>>, vector<1x16xf32>,
        %swap3A_1050 = vector.shape_cast %swap3A_1049 : vector<1x16xf32> to vector<16xf32>
        %swap3A_1051 = vector.shape_cast %mul3A_1046 : vector<16xf32> to vector<1x16xf32>
        tpu.vector_store %arg12[%swap3A_1047, %swap3A_1048], %swap3A_1051 {strides = array<i32>} : memref<128x128xf32, #tpu.memory_space<vmem>>, vector<1x16xf32>,
        %get3A_1052 = arith.index_cast %add3A_1011 : i32 to index
        %get3A_1053 = arith.constant 64 : index
        %get3A_1054 = tpu.vector_load %arg12[%get3A_1052, %get3A_1053] {strides = array<i32>} : memref<128x128xf32, #tpu.memory_space<vmem>>, vector<1x16xf32>,
        %get3A_1055 = vector.shape_cast %get3A_1054 : vector<1x16xf32> to vector<16xf32>
        %mul3A_1056 = arith.mulf %get3A_1055, %gather3A_1007 : vector<16xf32>
        %swap3A_1057 = arith.index_cast %add3A_1011 : i32 to index
        %swap3A_1058 = arith.constant 64 : index
        %swap3A_1059 = tpu.vector_load %arg12[%swap3A_1057, %swap3A_1058] {strides = array<i32>} : memref<128x128xf32, #tpu.memory_space<vmem>>, vector<1x16xf32>,
        %swap3A_1060 = vector.shape_cast %swap3A_1059 : vector<1x16xf32> to vector<16xf32>
        %swap3A_1061 = vector.shape_cast %mul3A_1056 : vector<16xf32> to vector<1x16xf32>
        tpu.vector_store %arg12[%swap3A_1057, %swap3A_1058], %swap3A_1061 {strides = array<i32>} : memref<128x128xf32, #tpu.memory_space<vmem>>, vector<1x16xf32>,
        %get3A_1062 = arith.index_cast %add3A_1011 : i32 to index
        %get3A_1063 = arith.constant 80 : index
        %get3A_1064 = tpu.vector_load %arg12[%get3A_1062, %get3A_1063] {strides = array<i32>} : memref<128x128xf32, #tpu.memory_space<vmem>>, vector<1x16xf32>,
        %get3A_1065 = vector.shape_cast %get3A_1064 : vector<1x16xf32> to vector<16xf32>
        %mul3A_1066 = arith.mulf %get3A_1065, %gather3A_1007 : vector<16xf32>
        %swap3A_1067 = arith.index_cast %add3A_1011 : i32 to index
        %swap3A_1068 = arith.constant 80 : index
        %swap3A_1069 = tpu.vector_load %arg12[%swap3A_1067, %swap3A_1068] {strides = array<i32>} : memref<128x128xf32, #tpu.memory_space<vmem>>, vector<1x16xf32>,
        %swap3A_1070 = vector.shape_cast %swap3A_1069 : vector<1x16xf32> to vector<16xf32>
        %swap3A_1071 = vector.shape_cast %mul3A_1066 : vector<16xf32> to vector<1x16xf32>
        tpu.vector_store %arg12[%swap3A_1067, %swap3A_1068], %swap3A_1071 {strides = array<i32>} : memref<128x128xf32, #tpu.memory_space<vmem>>, vector<1x16xf32>,
        %get3A_1072 = arith.index_cast %add3A_1011 : i32 to index
        %get3A_1073 = arith.constant 96 : index
        %get3A_1074 = tpu.vector_load %arg12[%get3A_1072, %get3A_1073] {strides = array<i32>} : memref<128x128xf32, #tpu.memory_space<vmem>>, vector<1x16xf32>,
        %get3A_1075 = vector.shape_cast %get3A_1074 : vector<1x16xf32> to vector<16xf32>
        %mul3A_1076 = arith.mulf %get3A_1075, %gather3A_1007 : vector<16xf32>
        %swap3A_1077 = arith.index_cast %add3A_1011 : i32 to index
        %swap3A_1078 = arith.constant 96 : index
        %swap3A_1079 = tpu.vector_load %arg12[%swap3A_1077, %swap3A_1078] {strides = array<i32>} : memref<128x128xf32, #tpu.memory_space<vmem>>, vector<1x16xf32>,
        %swap3A_1080 = vector.shape_cast %swap3A_1079 : vector<1x16xf32> to vector<16xf32>
        %swap3A_1081 = vector.shape_cast %mul3A_1076 : vector<16xf32> to vector<1x16xf32>
        tpu.vector_store %arg12[%swap3A_1077, %swap3A_1078], %swap3A_1081 {strides = array<i32>} : memref<128x128xf32, #tpu.memory_space<vmem>>, vector<1x16xf32>,
        %get3A_1082 = arith.index_cast %add3A_1011 : i32 to index
        %get3A_1083 = arith.constant 112 : index
        %get3A_1084 = tpu.vector_load %arg12[%get3A_1082, %get3A_1083] {strides = array<i32>} : memref<128x128xf32, #tpu.memory_space<vmem>>, vector<1x16xf32>,
        %get3A_1085 = vector.shape_cast %get3A_1084 : vector<1x16xf32> to vector<16xf32>
        %mul3A_1086 = arith.mulf %get3A_1085, %gather3A_1007 : vector<16xf32>
        %swap3A_1087 = arith.index_cast %add3A_1011 : i32 to index
        %swap3A_1088 = arith.constant 112 : index
        %swap3A_1089 = tpu.vector_load %arg12[%swap3A_1087, %swap3A_1088] {strides = array<i32>} : memref<128x128xf32, #tpu.memory_space<vmem>>, vector<1x16xf32>,
        %swap3A_1090 = vector.shape_cast %swap3A_1089 : vector<1x16xf32> to vector<16xf32>
        %swap3A_1091 = vector.shape_cast %mul3A_1086 : vector<16xf32> to vector<1x16xf32>
        tpu.vector_store %arg12[%swap3A_1087, %swap3A_1088], %swap3A_1091 {strides = array<i32>} : memref<128x128xf32, #tpu.memory_space<vmem>>, vector<1x16xf32>,
        %broadcast_in_dim3A_1092 = arith.constant 12 : i32
        %broadcast_in_dim3A_1093 = vector.broadcast %broadcast_in_dim3A_1092 : i32 to vector<16x1xi32>
        %gather3A_1094 = vector.shape_cast %broadcast_in_dim3A_1093 : vector<16x1xi32> to vector<16xi32>
        %gather3A_1095 = tpu.dynamic_gather %get3A_38[%gather3A_1094] in [0] : vector<16xf32>, vector<16xi32> -> vector<16xf32>
        %mul3A_1096 = arith.constant 16 : i32
        %mul3A_1097 = arith.muli %scan3A_34, %mul3A_1096 : i32
        %add3A_1098 = arith.constant 12 : i32
        %add3A_1099 = arith.addi %mul3A_1097, %add3A_1098 : i32
        %get3A_1100 = arith.index_cast %add3A_1099 : i32 to index
        %get3A_1101 = arith.constant 0 : index
        %get3A_1102 = tpu.vector_load %arg12[%get3A_1100, %get3A_1101] {strides = array<i32>} : memref<128x128xf32, #tpu.memory_space<vmem>>, vector<1x16xf32>,
        %get3A_1103 = vector.shape_cast %get3A_1102 : vector<1x16xf32> to vector<16xf32>
        %mul3A_1104 = arith.mulf %get3A_1103, %gather3A_1095 : vector<16xf32>
        %swap3A_1105 = arith.index_cast %add3A_1099 : i32 to index
        %swap3A_1106 = arith.constant 0 : index
        %swap3A_1107 = tpu.vector_load %arg12[%swap3A_1105, %swap3A_1106] {strides = array<i32>} : memref<128x128xf32, #tpu.memory_space<vmem>>, vector<1x16xf32>,
        %swap3A_1108 = vector.shape_cast %swap3A_1107 : vector<1x16xf32> to vector<16xf32>
        %swap3A_1109 = vector.shape_cast %mul3A_1104 : vector<16xf32> to vector<1x16xf32>
        tpu.vector_store %arg12[%swap3A_1105, %swap3A_1106], %swap3A_1109 {strides = array<i32>} : memref<128x128xf32, #tpu.memory_space<vmem>>, vector<1x16xf32>,
        %get3A_1110 = arith.index_cast %add3A_1099 : i32 to index
        %get3A_1111 = arith.constant 16 : index
        %get3A_1112 = tpu.vector_load %arg12[%get3A_1110, %get3A_1111] {strides = array<i32>} : memref<128x128xf32, #tpu.memory_space<vmem>>, vector<1x16xf32>,
        %get3A_1113 = vector.shape_cast %get3A_1112 : vector<1x16xf32> to vector<16xf32>
        %mul3A_1114 = arith.mulf %get3A_1113, %gather3A_1095 : vector<16xf32>
        %swap3A_1115 = arith.index_cast %add3A_1099 : i32 to index
        %swap3A_1116 = arith.constant 16 : index
        %swap3A_1117 = tpu.vector_load %arg12[%swap3A_1115, %swap3A_1116] {strides = array<i32>} : memref<128x128xf32, #tpu.memory_space<vmem>>, vector<1x16xf32>,
        %swap3A_1118 = vector.shape_cast %swap3A_1117 : vector<1x16xf32> to vector<16xf32>
        %swap3A_1119 = vector.shape_cast %mul3A_1114 : vector<16xf32> to vector<1x16xf32>
        tpu.vector_store %arg12[%swap3A_1115, %swap3A_1116], %swap3A_1119 {strides = array<i32>} : memref<128x128xf32, #tpu.memory_space<vmem>>, vector<1x16xf32>,
        %get3A_1120 = arith.index_cast %add3A_1099 : i32 to index
        %get3A_1121 = arith.constant 32 : index
        %get3A_1122 = tpu.vector_load %arg12[%get3A_1120, %get3A_1121] {strides = array<i32>} : memref<128x128xf32, #tpu.memory_space<vmem>>, vector<1x16xf32>,
        %get3A_1123 = vector.shape_cast %get3A_1122 : vector<1x16xf32> to vector<16xf32>
        %mul3A_1124 = arith.mulf %get3A_1123, %gather3A_1095 : vector<16xf32>
        %swap3A_1125 = arith.index_cast %add3A_1099 : i32 to index
        %swap3A_1126 = arith.constant 32 : index
        %swap3A_1127 = tpu.vector_load %arg12[%swap3A_1125, %swap3A_1126] {strides = array<i32>} : memref<128x128xf32, #tpu.memory_space<vmem>>, vector<1x16xf32>,
        %swap3A_1128 = vector.shape_cast %swap3A_1127 : vector<1x16xf32> to vector<16xf32>
        %swap3A_1129 = vector.shape_cast %mul3A_1124 : vector<16xf32> to vector<1x16xf32>
        tpu.vector_store %arg12[%swap3A_1125, %swap3A_1126], %swap3A_1129 {strides = array<i32>} : memref<128x128xf32, #tpu.memory_space<vmem>>, vector<1x16xf32>,
        %get3A_1130 = arith.index_cast %add3A_1099 : i32 to index
        %get3A_1131 = arith.constant 48 : index
        %get3A_1132 = tpu.vector_load %arg12[%get3A_1130, %get3A_1131] {strides = array<i32>} : memref<128x128xf32, #tpu.memory_space<vmem>>, vector<1x16xf32>,
        %get3A_1133 = vector.shape_cast %get3A_1132 : vector<1x16xf32> to vector<16xf32>
        %mul3A_1134 = arith.mulf %get3A_1133, %gather3A_1095 : vector<16xf32>
        %swap3A_1135 = arith.index_cast %add3A_1099 : i32 to index
        %swap3A_1136 = arith.constant 48 : index
        %swap3A_1137 = tpu.vector_load %arg12[%swap3A_1135, %swap3A_1136] {strides = array<i32>} : memref<128x128xf32, #tpu.memory_space<vmem>>, vector<1x16xf32>,
        %swap3A_1138 = vector.shape_cast %swap3A_1137 : vector<1x16xf32> to vector<16xf32>
        %swap3A_1139 = vector.shape_cast %mul3A_1134 : vector<16xf32> to vector<1x16xf32>
        tpu.vector_store %arg12[%swap3A_1135, %swap3A_1136], %swap3A_1139 {strides = array<i32>} : memref<128x128xf32, #tpu.memory_space<vmem>>, vector<1x16xf32>,
        %get3A_1140 = arith.index_cast %add3A_1099 : i32 to index
        %get3A_1141 = arith.constant 64 : index
        %get3A_1142 = tpu.vector_load %arg12[%get3A_1140, %get3A_1141] {strides = array<i32>} : memref<128x128xf32, #tpu.memory_space<vmem>>, vector<1x16xf32>,
        %get3A_1143 = vector.shape_cast %get3A_1142 : vector<1x16xf32> to vector<16xf32>
        %mul3A_1144 = arith.mulf %get3A_1143, %gather3A_1095 : vector<16xf32>
        %swap3A_1145 = arith.index_cast %add3A_1099 : i32 to index
        %swap3A_1146 = arith.constant 64 : index
        %swap3A_1147 = tpu.vector_load %arg12[%swap3A_1145, %swap3A_1146] {strides = array<i32>} : memref<128x128xf32, #tpu.memory_space<vmem>>, vector<1x16xf32>,
        %swap3A_1148 = vector.shape_cast %swap3A_1147 : vector<1x16xf32> to vector<16xf32>
        %swap3A_1149 = vector.shape_cast %mul3A_1144 : vector<16xf32> to vector<1x16xf32>
        tpu.vector_store %arg12[%swap3A_1145, %swap3A_1146], %swap3A_1149 {strides = array<i32>} : memref<128x128xf32, #tpu.memory_space<vmem>>, vector<1x16xf32>,
        %get3A_1150 = arith.index_cast %add3A_1099 : i32 to index
        %get3A_1151 = arith.constant 80 : index
        %get3A_1152 = tpu.vector_load %arg12[%get3A_1150, %get3A_1151] {strides = array<i32>} : memref<128x128xf32, #tpu.memory_space<vmem>>, vector<1x16xf32>,
        %get3A_1153 = vector.shape_cast %get3A_1152 : vector<1x16xf32> to vector<16xf32>
        %mul3A_1154 = arith.mulf %get3A_1153, %gather3A_1095 : vector<16xf32>
        %swap3A_1155 = arith.index_cast %add3A_1099 : i32 to index
        %swap3A_1156 = arith.constant 80 : index
        %swap3A_1157 = tpu.vector_load %arg12[%swap3A_1155, %swap3A_1156] {strides = array<i32>} : memref<128x128xf32, #tpu.memory_space<vmem>>, vector<1x16xf32>,
        %swap3A_1158 = vector.shape_cast %swap3A_1157 : vector<1x16xf32> to vector<16xf32>
        %swap3A_1159 = vector.shape_cast %mul3A_1154 : vector<16xf32> to vector<1x16xf32>
        tpu.vector_store %arg12[%swap3A_1155, %swap3A_1156], %swap3A_1159 {strides = array<i32>} : memref<128x128xf32, #tpu.memory_space<vmem>>, vector<1x16xf32>,
        %get3A_1160 = arith.index_cast %add3A_1099 : i32 to index
        %get3A_1161 = arith.constant 96 : index
        %get3A_1162 = tpu.vector_load %arg12[%get3A_1160, %get3A_1161] {strides = array<i32>} : memref<128x128xf32, #tpu.memory_space<vmem>>, vector<1x16xf32>,
        %get3A_1163 = vector.shape_cast %get3A_1162 : vector<1x16xf32> to vector<16xf32>
        %mul3A_1164 = arith.mulf %get3A_1163, %gather3A_1095 : vector<16xf32>
        %swap3A_1165 = arith.index_cast %add3A_1099 : i32 to index
        %swap3A_1166 = arith.constant 96 : index
        %swap3A_1167 = tpu.vector_load %arg12[%swap3A_1165, %swap3A_1166] {strides = array<i32>} : memref<128x128xf32, #tpu.memory_space<vmem>>, vector<1x16xf32>,
        %swap3A_1168 = vector.shape_cast %swap3A_1167 : vector<1x16xf32> to vector<16xf32>
        %swap3A_1169 = vector.shape_cast %mul3A_1164 : vector<16xf32> to vector<1x16xf32>
        tpu.vector_store %arg12[%swap3A_1165, %swap3A_1166], %swap3A_1169 {strides = array<i32>} : memref<128x128xf32, #tpu.memory_space<vmem>>, vector<1x16xf32>,
        %get3A_1170 = arith.index_cast %add3A_1099 : i32 to index
        %get3A_1171 = arith.constant 112 : index
        %get3A_1172 = tpu.vector_load %arg12[%get3A_1170, %get3A_1171] {strides = array<i32>} : memref<128x128xf32, #tpu.memory_space<vmem>>, vector<1x16xf32>,
        %get3A_1173 = vector.shape_cast %get3A_1172 : vector<1x16xf32> to vector<16xf32>
        %mul3A_1174 = arith.mulf %get3A_1173, %gather3A_1095 : vector<16xf32>
        %swap3A_1175 = arith.index_cast %add3A_1099 : i32 to index
        %swap3A_1176 = arith.constant 112 : index
        %swap3A_1177 = tpu.vector_load %arg12[%swap3A_1175, %swap3A_1176] {strides = array<i32>} : memref<128x128xf32, #tpu.memory_space<vmem>>, vector<1x16xf32>,
        %swap3A_1178 = vector.shape_cast %swap3A_1177 : vector<1x16xf32> to vector<16xf32>
        %swap3A_1179 = vector.shape_cast %mul3A_1174 : vector<16xf32> to vector<1x16xf32>
        tpu.vector_store %arg12[%swap3A_1175, %swap3A_1176], %swap3A_1179 {strides = array<i32>} : memref<128x128xf32, #tpu.memory_space<vmem>>, vector<1x16xf32>,
        %broadcast_in_dim3A_1180 = arith.constant 13 : i32
        %broadcast_in_dim3A_1181 = vector.broadcast %broadcast_in_dim3A_1180 : i32 to vector<16x1xi32>
        %gather3A_1182 = vector.shape_cast %broadcast_in_dim3A_1181 : vector<16x1xi32> to vector<16xi32>
        %gather3A_1183 = tpu.dynamic_gather %get3A_38[%gather3A_1182] in [0] : vector<16xf32>, vector<16xi32> -> vector<16xf32>
        %mul3A_1184 = arith.constant 16 : i32
        %mul3A_1185 = arith.muli %scan3A_34, %mul3A_1184 : i32
        %add3A_1186 = arith.constant 13 : i32
        %add3A_1187 = arith.addi %mul3A_1185, %add3A_1186 : i32
        %get3A_1188 = arith.index_cast %add3A_1187 : i32 to index
        %get3A_1189 = arith.constant 0 : index
        %get3A_1190 = tpu.vector_load %arg12[%get3A_1188, %get3A_1189] {strides = array<i32>} : memref<128x128xf32, #tpu.memory_space<vmem>>, vector<1x16xf32>,
        %get3A_1191 = vector.shape_cast %get3A_1190 : vector<1x16xf32> to vector<16xf32>
        %mul3A_1192 = arith.mulf %get3A_1191, %gather3A_1183 : vector<16xf32>
        %swap3A_1193 = arith.index_cast %add3A_1187 : i32 to index
        %swap3A_1194 = arith.constant 0 : index
        %swap3A_1195 = tpu.vector_load %arg12[%swap3A_1193, %swap3A_1194] {strides = array<i32>} : memref<128x128xf32, #tpu.memory_space<vmem>>, vector<1x16xf32>,
        %swap3A_1196 = vector.shape_cast %swap3A_1195 : vector<1x16xf32> to vector<16xf32>
        %swap3A_1197 = vector.shape_cast %mul3A_1192 : vector<16xf32> to vector<1x16xf32>
        tpu.vector_store %arg12[%swap3A_1193, %swap3A_1194], %swap3A_1197 {strides = array<i32>} : memref<128x128xf32, #tpu.memory_space<vmem>>, vector<1x16xf32>,
        %get3A_1198 = arith.index_cast %add3A_1187 : i32 to index
        %get3A_1199 = arith.constant 16 : index
        %get3A_1200 = tpu.vector_load %arg12[%get3A_1198, %get3A_1199] {strides = array<i32>} : memref<128x128xf32, #tpu.memory_space<vmem>>, vector<1x16xf32>,
        %get3A_1201 = vector.shape_cast %get3A_1200 : vector<1x16xf32> to vector<16xf32>
        %mul3A_1202 = arith.mulf %get3A_1201, %gather3A_1183 : vector<16xf32>
        %swap3A_1203 = arith.index_cast %add3A_1187 : i32 to index
        %swap3A_1204 = arith.constant 16 : index
        %swap3A_1205 = tpu.vector_load %arg12[%swap3A_1203, %swap3A_1204] {strides = array<i32>} : memref<128x128xf32, #tpu.memory_space<vmem>>, vector<1x16xf32>,
        %swap3A_1206 = vector.shape_cast %swap3A_1205 : vector<1x16xf32> to vector<16xf32>
        %swap3A_1207 = vector.shape_cast %mul3A_1202 : vector<16xf32> to vector<1x16xf32>
        tpu.vector_store %arg12[%swap3A_1203, %swap3A_1204], %swap3A_1207 {strides = array<i32>} : memref<128x128xf32, #tpu.memory_space<vmem>>, vector<1x16xf32>,
        %get3A_1208 = arith.index_cast %add3A_1187 : i32 to index
        %get3A_1209 = arith.constant 32 : index
        %get3A_1210 = tpu.vector_load %arg12[%get3A_1208, %get3A_1209] {strides = array<i32>} : memref<128x128xf32, #tpu.memory_space<vmem>>, vector<1x16xf32>,
        %get3A_1211 = vector.shape_cast %get3A_1210 : vector<1x16xf32> to vector<16xf32>
        %mul3A_1212 = arith.mulf %get3A_1211, %gather3A_1183 : vector<16xf32>
        %swap3A_1213 = arith.index_cast %add3A_1187 : i32 to index
        %swap3A_1214 = arith.constant 32 : index
        %swap3A_1215 = tpu.vector_load %arg12[%swap3A_1213, %swap3A_1214] {strides = array<i32>} : memref<128x128xf32, #tpu.memory_space<vmem>>, vector<1x16xf32>,
        %swap3A_1216 = vector.shape_cast %swap3A_1215 : vector<1x16xf32> to vector<16xf32>
        %swap3A_1217 = vector.shape_cast %mul3A_1212 : vector<16xf32> to vector<1x16xf32>
        tpu.vector_store %arg12[%swap3A_1213, %swap3A_1214], %swap3A_1217 {strides = array<i32>} : memref<128x128xf32, #tpu.memory_space<vmem>>, vector<1x16xf32>,
        %get3A_1218 = arith.index_cast %add3A_1187 : i32 to index
        %get3A_1219 = arith.constant 48 : index
        %get3A_1220 = tpu.vector_load %arg12[%get3A_1218, %get3A_1219] {strides = array<i32>} : memref<128x128xf32, #tpu.memory_space<vmem>>, vector<1x16xf32>,
        %get3A_1221 = vector.shape_cast %get3A_1220 : vector<1x16xf32> to vector<16xf32>
        %mul3A_1222 = arith.mulf %get3A_1221, %gather3A_1183 : vector<16xf32>
        %swap3A_1223 = arith.index_cast %add3A_1187 : i32 to index
        %swap3A_1224 = arith.constant 48 : index
        %swap3A_1225 = tpu.vector_load %arg12[%swap3A_1223, %swap3A_1224] {strides = array<i32>} : memref<128x128xf32, #tpu.memory_space<vmem>>, vector<1x16xf32>,
        %swap3A_1226 = vector.shape_cast %swap3A_1225 : vector<1x16xf32> to vector<16xf32>
        %swap3A_1227 = vector.shape_cast %mul3A_1222 : vector<16xf32> to vector<1x16xf32>
        tpu.vector_store %arg12[%swap3A_1223, %swap3A_1224], %swap3A_1227 {strides = array<i32>} : memref<128x128xf32, #tpu.memory_space<vmem>>, vector<1x16xf32>,
        %get3A_1228 = arith.index_cast %add3A_1187 : i32 to index
        %get3A_1229 = arith.constant 64 : index
        %get3A_1230 = tpu.vector_load %arg12[%get3A_1228, %get3A_1229] {strides = array<i32>} : memref<128x128xf32, #tpu.memory_space<vmem>>, vector<1x16xf32>,
        %get3A_1231 = vector.shape_cast %get3A_1230 : vector<1x16xf32> to vector<16xf32>
        %mul3A_1232 = arith.mulf %get3A_1231, %gather3A_1183 : vector<16xf32>
        %swap3A_1233 = arith.index_cast %add3A_1187 : i32 to index
        %swap3A_1234 = arith.constant 64 : index
        %swap3A_1235 = tpu.vector_load %arg12[%swap3A_1233, %swap3A_1234] {strides = array<i32>} : memref<128x128xf32, #tpu.memory_space<vmem>>, vector<1x16xf32>,
        %swap3A_1236 = vector.shape_cast %swap3A_1235 : vector<1x16xf32> to vector<16xf32>
        %swap3A_1237 = vector.shape_cast %mul3A_1232 : vector<16xf32> to vector<1x16xf32>
        tpu.vector_store %arg12[%swap3A_1233, %swap3A_1234], %swap3A_1237 {strides = array<i32>} : memref<128x128xf32, #tpu.memory_space<vmem>>, vector<1x16xf32>,
        %get3A_1238 = arith.index_cast %add3A_1187 : i32 to index
        %get3A_1239 = arith.constant 80 : index
        %get3A_1240 = tpu.vector_load %arg12[%get3A_1238, %get3A_1239] {strides = array<i32>} : memref<128x128xf32, #tpu.memory_space<vmem>>, vector<1x16xf32>,
        %get3A_1241 = vector.shape_cast %get3A_1240 : vector<1x16xf32> to vector<16xf32>
        %mul3A_1242 = arith.mulf %get3A_1241, %gather3A_1183 : vector<16xf32>
        %swap3A_1243 = arith.index_cast %add3A_1187 : i32 to index
        %swap3A_1244 = arith.constant 80 : index
        %swap3A_1245 = tpu.vector_load %arg12[%swap3A_1243, %swap3A_1244] {strides = array<i32>} : memref<128x128xf32, #tpu.memory_space<vmem>>, vector<1x16xf32>,
        %swap3A_1246 = vector.shape_cast %swap3A_1245 : vector<1x16xf32> to vector<16xf32>
        %swap3A_1247 = vector.shape_cast %mul3A_1242 : vector<16xf32> to vector<1x16xf32>
        tpu.vector_store %arg12[%swap3A_1243, %swap3A_1244], %swap3A_1247 {strides = array<i32>} : memref<128x128xf32, #tpu.memory_space<vmem>>, vector<1x16xf32>,
        %get3A_1248 = arith.index_cast %add3A_1187 : i32 to index
        %get3A_1249 = arith.constant 96 : index
        %get3A_1250 = tpu.vector_load %arg12[%get3A_1248, %get3A_1249] {strides = array<i32>} : memref<128x128xf32, #tpu.memory_space<vmem>>, vector<1x16xf32>,
        %get3A_1251 = vector.shape_cast %get3A_1250 : vector<1x16xf32> to vector<16xf32>
        %mul3A_1252 = arith.mulf %get3A_1251, %gather3A_1183 : vector<16xf32>
        %swap3A_1253 = arith.index_cast %add3A_1187 : i32 to index
        %swap3A_1254 = arith.constant 96 : index
        %swap3A_1255 = tpu.vector_load %arg12[%swap3A_1253, %swap3A_1254] {strides = array<i32>} : memref<128x128xf32, #tpu.memory_space<vmem>>, vector<1x16xf32>,
        %swap3A_1256 = vector.shape_cast %swap3A_1255 : vector<1x16xf32> to vector<16xf32>
        %swap3A_1257 = vector.shape_cast %mul3A_1252 : vector<16xf32> to vector<1x16xf32>
        tpu.vector_store %arg12[%swap3A_1253, %swap3A_1254], %swap3A_1257 {strides = array<i32>} : memref<128x128xf32, #tpu.memory_space<vmem>>, vector<1x16xf32>,
        %get3A_1258 = arith.index_cast %add3A_1187 : i32 to index
        %get3A_1259 = arith.constant 112 : index
        %get3A_1260 = tpu.vector_load %arg12[%get3A_1258, %get3A_1259] {strides = array<i32>} : memref<128x128xf32, #tpu.memory_space<vmem>>, vector<1x16xf32>,
        %get3A_1261 = vector.shape_cast %get3A_1260 : vector<1x16xf32> to vector<16xf32>
        %mul3A_1262 = arith.mulf %get3A_1261, %gather3A_1183 : vector<16xf32>
        %swap3A_1263 = arith.index_cast %add3A_1187 : i32 to index
        %swap3A_1264 = arith.constant 112 : index
        %swap3A_1265 = tpu.vector_load %arg12[%swap3A_1263, %swap3A_1264] {strides = array<i32>} : memref<128x128xf32, #tpu.memory_space<vmem>>, vector<1x16xf32>,
        %swap3A_1266 = vector.shape_cast %swap3A_1265 : vector<1x16xf32> to vector<16xf32>
        %swap3A_1267 = vector.shape_cast %mul3A_1262 : vector<16xf32> to vector<1x16xf32>
        tpu.vector_store %arg12[%swap3A_1263, %swap3A_1264], %swap3A_1267 {strides = array<i32>} : memref<128x128xf32, #tpu.memory_space<vmem>>, vector<1x16xf32>,
        %broadcast_in_dim3A_1268 = arith.constant 14 : i32
        %broadcast_in_dim3A_1269 = vector.broadcast %broadcast_in_dim3A_1268 : i32 to vector<16x1xi32>
        %gather3A_1270 = vector.shape_cast %broadcast_in_dim3A_1269 : vector<16x1xi32> to vector<16xi32>
        %gather3A_1271 = tpu.dynamic_gather %get3A_38[%gather3A_1270] in [0] : vector<16xf32>, vector<16xi32> -> vector<16xf32>
        %mul3A_1272 = arith.constant 16 : i32
        %mul3A_1273 = arith.muli %scan3A_34, %mul3A_1272 : i32
        %add3A_1274 = arith.constant 14 : i32
        %add3A_1275 = arith.addi %mul3A_1273, %add3A_1274 : i32
        %get3A_1276 = arith.index_cast %add3A_1275 : i32 to index
        %get3A_1277 = arith.constant 0 : index
        %get3A_1278 = tpu.vector_load %arg12[%get3A_1276, %get3A_1277] {strides = array<i32>} : memref<128x128xf32, #tpu.memory_space<vmem>>, vector<1x16xf32>,
        %get3A_1279 = vector.shape_cast %get3A_1278 : vector<1x16xf32> to vector<16xf32>
        %mul3A_1280 = arith.mulf %get3A_1279, %gather3A_1271 : vector<16xf32>
        %swap3A_1281 = arith.index_cast %add3A_1275 : i32 to index
        %swap3A_1282 = arith.constant 0 : index
        %swap3A_1283 = tpu.vector_load %arg12[%swap3A_1281, %swap3A_1282] {strides = array<i32>} : memref<128x128xf32, #tpu.memory_space<vmem>>, vector<1x16xf32>,
        %swap3A_1284 = vector.shape_cast %swap3A_1283 : vector<1x16xf32> to vector<16xf32>
        %swap3A_1285 = vector.shape_cast %mul3A_1280 : vector<16xf32> to vector<1x16xf32>
        tpu.vector_store %arg12[%swap3A_1281, %swap3A_1282], %swap3A_1285 {strides = array<i32>} : memref<128x128xf32, #tpu.memory_space<vmem>>, vector<1x16xf32>,
        %get3A_1286 = arith.index_cast %add3A_1275 : i32 to index
        %get3A_1287 = arith.constant 16 : index
        %get3A_1288 = tpu.vector_load %arg12[%get3A_1286, %get3A_1287] {strides = array<i32>} : memref<128x128xf32, #tpu.memory_space<vmem>>, vector<1x16xf32>,
        %get3A_1289 = vector.shape_cast %get3A_1288 : vector<1x16xf32> to vector<16xf32>
        %mul3A_1290 = arith.mulf %get3A_1289, %gather3A_1271 : vector<16xf32>
        %swap3A_1291 = arith.index_cast %add3A_1275 : i32 to index
        %swap3A_1292 = arith.constant 16 : index
        %swap3A_1293 = tpu.vector_load %arg12[%swap3A_1291, %swap3A_1292] {strides = array<i32>} : memref<128x128xf32, #tpu.memory_space<vmem>>, vector<1x16xf32>,
        %swap3A_1294 = vector.shape_cast %swap3A_1293 : vector<1x16xf32> to vector<16xf32>
        %swap3A_1295 = vector.shape_cast %mul3A_1290 : vector<16xf32> to vector<1x16xf32>
        tpu.vector_store %arg12[%swap3A_1291, %swap3A_1292], %swap3A_1295 {strides = array<i32>} : memref<128x128xf32, #tpu.memory_space<vmem>>, vector<1x16xf32>,
        %get3A_1296 = arith.index_cast %add3A_1275 : i32 to index
        %get3A_1297 = arith.constant 32 : index
        %get3A_1298 = tpu.vector_load %arg12[%get3A_1296, %get3A_1297] {strides = array<i32>} : memref<128x128xf32, #tpu.memory_space<vmem>>, vector<1x16xf32>,
        %get3A_1299 = vector.shape_cast %get3A_1298 : vector<1x16xf32> to vector<16xf32>
        %mul3A_1300 = arith.mulf %get3A_1299, %gather3A_1271 : vector<16xf32>
        %swap3A_1301 = arith.index_cast %add3A_1275 : i32 to index
        %swap3A_1302 = arith.constant 32 : index
        %swap3A_1303 = tpu.vector_load %arg12[%swap3A_1301, %swap3A_1302] {strides = array<i32>} : memref<128x128xf32, #tpu.memory_space<vmem>>, vector<1x16xf32>,
        %swap3A_1304 = vector.shape_cast %swap3A_1303 : vector<1x16xf32> to vector<16xf32>
        %swap3A_1305 = vector.shape_cast %mul3A_1300 : vector<16xf32> to vector<1x16xf32>
        tpu.vector_store %arg12[%swap3A_1301, %swap3A_1302], %swap3A_1305 {strides = array<i32>} : memref<128x128xf32, #tpu.memory_space<vmem>>, vector<1x16xf32>,
        %get3A_1306 = arith.index_cast %add3A_1275 : i32 to index
        %get3A_1307 = arith.constant 48 : index
        %get3A_1308 = tpu.vector_load %arg12[%get3A_1306, %get3A_1307] {strides = array<i32>} : memref<128x128xf32, #tpu.memory_space<vmem>>, vector<1x16xf32>,
        %get3A_1309 = vector.shape_cast %get3A_1308 : vector<1x16xf32> to vector<16xf32>
        %mul3A_1310 = arith.mulf %get3A_1309, %gather3A_1271 : vector<16xf32>
        %swap3A_1311 = arith.index_cast %add3A_1275 : i32 to index
        %swap3A_1312 = arith.constant 48 : index
        %swap3A_1313 = tpu.vector_load %arg12[%swap3A_1311, %swap3A_1312] {strides = array<i32>} : memref<128x128xf32, #tpu.memory_space<vmem>>, vector<1x16xf32>,
        %swap3A_1314 = vector.shape_cast %swap3A_1313 : vector<1x16xf32> to vector<16xf32>
        %swap3A_1315 = vector.shape_cast %mul3A_1310 : vector<16xf32> to vector<1x16xf32>
        tpu.vector_store %arg12[%swap3A_1311, %swap3A_1312], %swap3A_1315 {strides = array<i32>} : memref<128x128xf32, #tpu.memory_space<vmem>>, vector<1x16xf32>,
        %get3A_1316 = arith.index_cast %add3A_1275 : i32 to index
        %get3A_1317 = arith.constant 64 : index
        %get3A_1318 = tpu.vector_load %arg12[%get3A_1316, %get3A_1317] {strides = array<i32>} : memref<128x128xf32, #tpu.memory_space<vmem>>, vector<1x16xf32>,
        %get3A_1319 = vector.shape_cast %get3A_1318 : vector<1x16xf32> to vector<16xf32>
        %mul3A_1320 = arith.mulf %get3A_1319, %gather3A_1271 : vector<16xf32>
        %swap3A_1321 = arith.index_cast %add3A_1275 : i32 to index
        %swap3A_1322 = arith.constant 64 : index
        %swap3A_1323 = tpu.vector_load %arg12[%swap3A_1321, %swap3A_1322] {strides = array<i32>} : memref<128x128xf32, #tpu.memory_space<vmem>>, vector<1x16xf32>,
        %swap3A_1324 = vector.shape_cast %swap3A_1323 : vector<1x16xf32> to vector<16xf32>
        %swap3A_1325 = vector.shape_cast %mul3A_1320 : vector<16xf32> to vector<1x16xf32>
        tpu.vector_store %arg12[%swap3A_1321, %swap3A_1322], %swap3A_1325 {strides = array<i32>} : memref<128x128xf32, #tpu.memory_space<vmem>>, vector<1x16xf32>,
        %get3A_1326 = arith.index_cast %add3A_1275 : i32 to index
        %get3A_1327 = arith.constant 80 : index
        %get3A_1328 = tpu.vector_load %arg12[%get3A_1326, %get3A_1327] {strides = array<i32>} : memref<128x128xf32, #tpu.memory_space<vmem>>, vector<1x16xf32>,
        %get3A_1329 = vector.shape_cast %get3A_1328 : vector<1x16xf32> to vector<16xf32>
        %mul3A_1330 = arith.mulf %get3A_1329, %gather3A_1271 : vector<16xf32>
        %swap3A_1331 = arith.index_cast %add3A_1275 : i32 to index
        %swap3A_1332 = arith.constant 80 : index
        %swap3A_1333 = tpu.vector_load %arg12[%swap3A_1331, %swap3A_1332] {strides = array<i32>} : memref<128x128xf32, #tpu.memory_space<vmem>>, vector<1x16xf32>,
        %swap3A_1334 = vector.shape_cast %swap3A_1333 : vector<1x16xf32> to vector<16xf32>
        %swap3A_1335 = vector.shape_cast %mul3A_1330 : vector<16xf32> to vector<1x16xf32>
        tpu.vector_store %arg12[%swap3A_1331, %swap3A_1332], %swap3A_1335 {strides = array<i32>} : memref<128x128xf32, #tpu.memory_space<vmem>>, vector<1x16xf32>,
        %get3A_1336 = arith.index_cast %add3A_1275 : i32 to index
        %get3A_1337 = arith.constant 96 : index
        %get3A_1338 = tpu.vector_load %arg12[%get3A_1336, %get3A_1337] {strides = array<i32>} : memref<128x128xf32, #tpu.memory_space<vmem>>, vector<1x16xf32>,
        %get3A_1339 = vector.shape_cast %get3A_1338 : vector<1x16xf32> to vector<16xf32>
        %mul3A_1340 = arith.mulf %get3A_1339, %gather3A_1271 : vector<16xf32>
        %swap3A_1341 = arith.index_cast %add3A_1275 : i32 to index
        %swap3A_1342 = arith.constant 96 : index
        %swap3A_1343 = tpu.vector_load %arg12[%swap3A_1341, %swap3A_1342] {strides = array<i32>} : memref<128x128xf32, #tpu.memory_space<vmem>>, vector<1x16xf32>,
        %swap3A_1344 = vector.shape_cast %swap3A_1343 : vector<1x16xf32> to vector<16xf32>
        %swap3A_1345 = vector.shape_cast %mul3A_1340 : vector<16xf32> to vector<1x16xf32>
        tpu.vector_store %arg12[%swap3A_1341, %swap3A_1342], %swap3A_1345 {strides = array<i32>} : memref<128x128xf32, #tpu.memory_space<vmem>>, vector<1x16xf32>,
        %get3A_1346 = arith.index_cast %add3A_1275 : i32 to index
        %get3A_1347 = arith.constant 112 : index
        %get3A_1348 = tpu.vector_load %arg12[%get3A_1346, %get3A_1347] {strides = array<i32>} : memref<128x128xf32, #tpu.memory_space<vmem>>, vector<1x16xf32>,
        %get3A_1349 = vector.shape_cast %get3A_1348 : vector<1x16xf32> to vector<16xf32>
        %mul3A_1350 = arith.mulf %get3A_1349, %gather3A_1271 : vector<16xf32>
        %swap3A_1351 = arith.index_cast %add3A_1275 : i32 to index
        %swap3A_1352 = arith.constant 112 : index
        %swap3A_1353 = tpu.vector_load %arg12[%swap3A_1351, %swap3A_1352] {strides = array<i32>} : memref<128x128xf32, #tpu.memory_space<vmem>>, vector<1x16xf32>,
        %swap3A_1354 = vector.shape_cast %swap3A_1353 : vector<1x16xf32> to vector<16xf32>
        %swap3A_1355 = vector.shape_cast %mul3A_1350 : vector<16xf32> to vector<1x16xf32>
        tpu.vector_store %arg12[%swap3A_1351, %swap3A_1352], %swap3A_1355 {strides = array<i32>} : memref<128x128xf32, #tpu.memory_space<vmem>>, vector<1x16xf32>,
        %broadcast_in_dim3A_1356 = arith.constant 15 : i32
        %broadcast_in_dim3A_1357 = vector.broadcast %broadcast_in_dim3A_1356 : i32 to vector<16x1xi32>
        %gather3A_1358 = vector.shape_cast %broadcast_in_dim3A_1357 : vector<16x1xi32> to vector<16xi32>
        %gather3A_1359 = tpu.dynamic_gather %get3A_38[%gather3A_1358] in [0] : vector<16xf32>, vector<16xi32> -> vector<16xf32>
        %mul3A_1360 = arith.constant 16 : i32
        %mul3A_1361 = arith.muli %scan3A_34, %mul3A_1360 : i32
        %add3A_1362 = arith.constant 15 : i32
        %add3A_1363 = arith.addi %mul3A_1361, %add3A_1362 : i32
        %get3A_1364 = arith.index_cast %add3A_1363 : i32 to index
        %get3A_1365 = arith.constant 0 : index
        %get3A_1366 = tpu.vector_load %arg12[%get3A_1364, %get3A_1365] {strides = array<i32>} : memref<128x128xf32, #tpu.memory_space<vmem>>, vector<1x16xf32>,
        %get3A_1367 = vector.shape_cast %get3A_1366 : vector<1x16xf32> to vector<16xf32>
        %mul3A_1368 = arith.mulf %get3A_1367, %gather3A_1359 : vector<16xf32>
        %swap3A_1369 = arith.index_cast %add3A_1363 : i32 to index
        %swap3A_1370 = arith.constant 0 : index
        %swap3A_1371 = tpu.vector_load %arg12[%swap3A_1369, %swap3A_1370] {strides = array<i32>} : memref<128x128xf32, #tpu.memory_space<vmem>>, vector<1x16xf32>,
        %swap3A_1372 = vector.shape_cast %swap3A_1371 : vector<1x16xf32> to vector<16xf32>
        %swap3A_1373 = vector.shape_cast %mul3A_1368 : vector<16xf32> to vector<1x16xf32>
        tpu.vector_store %arg12[%swap3A_1369, %swap3A_1370], %swap3A_1373 {strides = array<i32>} : memref<128x128xf32, #tpu.memory_space<vmem>>, vector<1x16xf32>,
        %get3A_1374 = arith.index_cast %add3A_1363 : i32 to index
        %get3A_1375 = arith.constant 16 : index
        %get3A_1376 = tpu.vector_load %arg12[%get3A_1374, %get3A_1375] {strides = array<i32>} : memref<128x128xf32, #tpu.memory_space<vmem>>, vector<1x16xf32>,
        %get3A_1377 = vector.shape_cast %get3A_1376 : vector<1x16xf32> to vector<16xf32>
        %mul3A_1378 = arith.mulf %get3A_1377, %gather3A_1359 : vector<16xf32>
        %swap3A_1379 = arith.index_cast %add3A_1363 : i32 to index
        %swap3A_1380 = arith.constant 16 : index
        %swap3A_1381 = tpu.vector_load %arg12[%swap3A_1379, %swap3A_1380] {strides = array<i32>} : memref<128x128xf32, #tpu.memory_space<vmem>>, vector<1x16xf32>,
        %swap3A_1382 = vector.shape_cast %swap3A_1381 : vector<1x16xf32> to vector<16xf32>
        %swap3A_1383 = vector.shape_cast %mul3A_1378 : vector<16xf32> to vector<1x16xf32>
        tpu.vector_store %arg12[%swap3A_1379, %swap3A_1380], %swap3A_1383 {strides = array<i32>} : memref<128x128xf32, #tpu.memory_space<vmem>>, vector<1x16xf32>,
        %get3A_1384 = arith.index_cast %add3A_1363 : i32 to index
        %get3A_1385 = arith.constant 32 : index
        %get3A_1386 = tpu.vector_load %arg12[%get3A_1384, %get3A_1385] {strides = array<i32>} : memref<128x128xf32, #tpu.memory_space<vmem>>, vector<1x16xf32>,
        %get3A_1387 = vector.shape_cast %get3A_1386 : vector<1x16xf32> to vector<16xf32>
        %mul3A_1388 = arith.mulf %get3A_1387, %gather3A_1359 : vector<16xf32>
        %swap3A_1389 = arith.index_cast %add3A_1363 : i32 to index
        %swap3A_1390 = arith.constant 32 : index
        %swap3A_1391 = tpu.vector_load %arg12[%swap3A_1389, %swap3A_1390] {strides = array<i32>} : memref<128x128xf32, #tpu.memory_space<vmem>>, vector<1x16xf32>,
        %swap3A_1392 = vector.shape_cast %swap3A_1391 : vector<1x16xf32> to vector<16xf32>
        %swap3A_1393 = vector.shape_cast %mul3A_1388 : vector<16xf32> to vector<1x16xf32>
        tpu.vector_store %arg12[%swap3A_1389, %swap3A_1390], %swap3A_1393 {strides = array<i32>} : memref<128x128xf32, #tpu.memory_space<vmem>>, vector<1x16xf32>,
        %get3A_1394 = arith.index_cast %add3A_1363 : i32 to index
        %get3A_1395 = arith.constant 48 : index
        %get3A_1396 = tpu.vector_load %arg12[%get3A_1394, %get3A_1395] {strides = array<i32>} : memref<128x128xf32, #tpu.memory_space<vmem>>, vector<1x16xf32>,
        %get3A_1397 = vector.shape_cast %get3A_1396 : vector<1x16xf32> to vector<16xf32>
        %mul3A_1398 = arith.mulf %get3A_1397, %gather3A_1359 : vector<16xf32>
        %swap3A_1399 = arith.index_cast %add3A_1363 : i32 to index
        %swap3A_1400 = arith.constant 48 : index
        %swap3A_1401 = tpu.vector_load %arg12[%swap3A_1399, %swap3A_1400] {strides = array<i32>} : memref<128x128xf32, #tpu.memory_space<vmem>>, vector<1x16xf32>,
        %swap3A_1402 = vector.shape_cast %swap3A_1401 : vector<1x16xf32> to vector<16xf32>
        %swap3A_1403 = vector.shape_cast %mul3A_1398 : vector<16xf32> to vector<1x16xf32>
        tpu.vector_store %arg12[%swap3A_1399, %swap3A_1400], %swap3A_1403 {strides = array<i32>} : memref<128x128xf32, #tpu.memory_space<vmem>>, vector<1x16xf32>,
        %get3A_1404 = arith.index_cast %add3A_1363 : i32 to index
        %get3A_1405 = arith.constant 64 : index
        %get3A_1406 = tpu.vector_load %arg12[%get3A_1404, %get3A_1405] {strides = array<i32>} : memref<128x128xf32, #tpu.memory_space<vmem>>, vector<1x16xf32>,
        %get3A_1407 = vector.shape_cast %get3A_1406 : vector<1x16xf32> to vector<16xf32>
        %mul3A_1408 = arith.mulf %get3A_1407, %gather3A_1359 : vector<16xf32>
        %swap3A_1409 = arith.index_cast %add3A_1363 : i32 to index
        %swap3A_1410 = arith.constant 64 : index
        %swap3A_1411 = tpu.vector_load %arg12[%swap3A_1409, %swap3A_1410] {strides = array<i32>} : memref<128x128xf32, #tpu.memory_space<vmem>>, vector<1x16xf32>,
        %swap3A_1412 = vector.shape_cast %swap3A_1411 : vector<1x16xf32> to vector<16xf32>
        %swap3A_1413 = vector.shape_cast %mul3A_1408 : vector<16xf32> to vector<1x16xf32>
        tpu.vector_store %arg12[%swap3A_1409, %swap3A_1410], %swap3A_1413 {strides = array<i32>} : memref<128x128xf32, #tpu.memory_space<vmem>>, vector<1x16xf32>,
        %get3A_1414 = arith.index_cast %add3A_1363 : i32 to index
        %get3A_1415 = arith.constant 80 : index
        %get3A_1416 = tpu.vector_load %arg12[%get3A_1414, %get3A_1415] {strides = array<i32>} : memref<128x128xf32, #tpu.memory_space<vmem>>, vector<1x16xf32>,
        %get3A_1417 = vector.shape_cast %get3A_1416 : vector<1x16xf32> to vector<16xf32>
        %mul3A_1418 = arith.mulf %get3A_1417, %gather3A_1359 : vector<16xf32>
        %swap3A_1419 = arith.index_cast %add3A_1363 : i32 to index
        %swap3A_1420 = arith.constant 80 : index
        %swap3A_1421 = tpu.vector_load %arg12[%swap3A_1419, %swap3A_1420] {strides = array<i32>} : memref<128x128xf32, #tpu.memory_space<vmem>>, vector<1x16xf32>,
        %swap3A_1422 = vector.shape_cast %swap3A_1421 : vector<1x16xf32> to vector<16xf32>
        %swap3A_1423 = vector.shape_cast %mul3A_1418 : vector<16xf32> to vector<1x16xf32>
        tpu.vector_store %arg12[%swap3A_1419, %swap3A_1420], %swap3A_1423 {strides = array<i32>} : memref<128x128xf32, #tpu.memory_space<vmem>>, vector<1x16xf32>,
        %get3A_1424 = arith.index_cast %add3A_1363 : i32 to index
        %get3A_1425 = arith.constant 96 : index
        %get3A_1426 = tpu.vector_load %arg12[%get3A_1424, %get3A_1425] {strides = array<i32>} : memref<128x128xf32, #tpu.memory_space<vmem>>, vector<1x16xf32>,
        %get3A_1427 = vector.shape_cast %get3A_1426 : vector<1x16xf32> to vector<16xf32>
        %mul3A_1428 = arith.mulf %get3A_1427, %gather3A_1359 : vector<16xf32>
        %swap3A_1429 = arith.index_cast %add3A_1363 : i32 to index
        %swap3A_1430 = arith.constant 96 : index
        %swap3A_1431 = tpu.vector_load %arg12[%swap3A_1429, %swap3A_1430] {strides = array<i32>} : memref<128x128xf32, #tpu.memory_space<vmem>>, vector<1x16xf32>,
        %swap3A_1432 = vector.shape_cast %swap3A_1431 : vector<1x16xf32> to vector<16xf32>
        %swap3A_1433 = vector.shape_cast %mul3A_1428 : vector<16xf32> to vector<1x16xf32>
        tpu.vector_store %arg12[%swap3A_1429, %swap3A_1430], %swap3A_1433 {strides = array<i32>} : memref<128x128xf32, #tpu.memory_space<vmem>>, vector<1x16xf32>,
        %get3A_1434 = arith.index_cast %add3A_1363 : i32 to index
        %get3A_1435 = arith.constant 112 : index
        %get3A_1436 = tpu.vector_load %arg12[%get3A_1434, %get3A_1435] {strides = array<i32>} : memref<128x128xf32, #tpu.memory_space<vmem>>, vector<1x16xf32>,
        %get3A_1437 = vector.shape_cast %get3A_1436 : vector<1x16xf32> to vector<16xf32>
        %mul3A_1438 = arith.mulf %get3A_1437, %gather3A_1359 : vector<16xf32>
        %swap3A_1439 = arith.index_cast %add3A_1363 : i32 to index
        %swap3A_1440 = arith.constant 112 : index
        %swap3A_1441 = tpu.vector_load %arg12[%swap3A_1439, %swap3A_1440] {strides = array<i32>} : memref<128x128xf32, #tpu.memory_space<vmem>>, vector<1x16xf32>,
        %swap3A_1442 = vector.shape_cast %swap3A_1441 : vector<1x16xf32> to vector<16xf32>
        %swap3A_1443 = vector.shape_cast %mul3A_1438 : vector<16xf32> to vector<1x16xf32>
        tpu.vector_store %arg12[%swap3A_1439, %swap3A_1440], %swap3A_1443 {strides = array<i32>} : memref<128x128xf32, #tpu.memory_space<vmem>>, vector<1x16xf32>,
      }
      %scan3A_33 = arith.constant 8 : i32
      "tpu.region"() ({
        %run_scoped3A = tpu.sem_alloc : memref<!tpu.dma_semaphore, #tpu.memory_space<semaphore_mem>>
        %dma_start3A_34 = arith.constant 0 : i32
        %dma_start3A_35 = arith.constant 0 : i32
        %dma_start3A_36 = tpu.memref_slice %arg13[%dma_start3A_34, %dma_start3A_35] : memref<10240x128xf32, #tpu.memory_space<vmem_shared>> -> memref<10240x128xf32, #tpu.memory_space<vmem_shared>>
        tpu.enqueue_indirect_dma source(%arg12 : memref<128x128xf32, #tpu.memory_space<vmem>>) target(%dma_start3A_36 : memref<10240x128xf32, #tpu.memory_space<vmem_shared>>) offsets(%arg10 : memref<128xi32, #tpu.memory_space<vmem>>) semaphore(%run_scoped3A : memref<!tpu.dma_semaphore, #tpu.memory_space<semaphore_mem>>) {add = true}
        %dma_wait3A_37 = arith.constant 0 : i32
        %dma_wait3A_38 = arith.constant 0 : i32
        %dma_wait3A_39 = tpu.memref_slice %arg13[%dma_wait3A_37, %dma_wait3A_38] : memref<10240x128xf32, #tpu.memory_space<vmem_shared>> -> memref<10240x128xf32, #tpu.memory_space<vmem_shared>>
        tpu.wait_indirect_dma semaphore(%run_scoped3A : memref<!tpu.dma_semaphore, #tpu.memory_space<semaphore_mem>>) src(%arg12 : memref<128x128xf32, #tpu.memory_space<vmem>>) dst(%dma_wait3A_39 : memref<10240x128xf32, #tpu.memory_space<vmem_shared>>)
        tpu.yield
      }) : () -> ()
    }
    %scan3A_7 = arith.constant 79 : i32
    %barrier3A_8 = arith.constant 0 : index
    tpu.barrier barrier_id(%barrier3A_8)
    %mul3A_9 = arith.constant 640 : i32
    %mul3A_10 = arith.muli %arg1, %mul3A_9 : i32
    %eq3A = arith.constant 0 : i32
    %eq3A_11 = arith.cmpi eq, %arg0, %eq3A : i32
    %convert_element_type3A = arith.extui %eq3A_11 : i1 to i32
    %cond3A = arith.constant 0 : i32
    %cond3A_12 = arith.cmpi ne, %convert_element_type3A, %cond3A : i32
    scf.if %cond3A_12 {
      "tpu.region"() ({
        %run_scoped3A = tpu.sem_alloc : memref<!tpu.dma_semaphore, #tpu.memory_space<semaphore_mem>>
        %dma_start3A = arith.constant 0 : i32
        %dma_start3A_18 = tpu.memref_slice %arg7[%mul3A_10, %dma_start3A] : memref<10240x128xf32, #tpu.memory_space<hbm>> -> memref<640x128xf32, #tpu.memory_space<hbm>>
        %dma_start3A_19 = arith.constant 0 : i32
        %dma_start3A_20 = tpu.memref_slice %arg13[%mul3A_10, %dma_start3A_19] : memref<10240x128xf32, #tpu.memory_space<vmem_shared>> -> memref<640x128xf32, #tpu.memory_space<vmem_shared>>
        tpu.enqueue_dma source(%dma_start3A_20 : memref<640x128xf32, #tpu.memory_space<vmem_shared>>) target(%dma_start3A_18 : memref<640x128xf32, #tpu.memory_space<hbm>>) target_semaphore(%run_scoped3A : memref<!tpu.dma_semaphore, #tpu.memory_space<semaphore_mem>>)
        %dma_wait3A = arith.constant 0 : i32
        %dma_wait3A_21 = tpu.memref_slice %arg7[%mul3A_10, %dma_wait3A] : memref<10240x128xf32, #tpu.memory_space<hbm>> -> memref<640x128xf32, #tpu.memory_space<hbm>>
        %dma_wait3A_22 = arith.constant 0 : i32
        %dma_wait3A_23 = tpu.memref_slice %arg13[%mul3A_10, %dma_wait3A_22] : memref<10240x128xf32, #tpu.memory_space<vmem_shared>> -> memref<640x128xf32, #tpu.memory_space<vmem_shared>>
        tpu.wait_dma2 semaphore(%run_scoped3A : memref<!tpu.dma_semaphore, #tpu.memory_space<semaphore_mem>>) src(%dma_wait3A_23 : memref<640x128xf32, #tpu.memory_space<vmem_shared>>) dst(%dma_wait3A_21 : memref<640x128xf32, #tpu.memory_space<hbm>>)
        tpu.yield
      }) : () -> ()
    } else {
    }
    %eq3A_13 = arith.constant 1 : i32
    %eq3A_14 = arith.cmpi eq, %arg0, %eq3A_13 : i32
    %convert_element_type3A_15 = arith.extui %eq3A_14 : i1 to i32
    %cond3A_16 = arith.constant 0 : i32
    %cond3A_17 = arith.cmpi ne, %convert_element_type3A_15, %cond3A_16 : i32
    scf.if %cond3A_17 {
      "tpu.region"() ({
        %run_scoped3A = tpu.sem_alloc : memref<!tpu.dma_semaphore, #tpu.memory_space<semaphore_mem>>
        %dma_start3A = arith.constant 0 : i32
        %dma_start3A_18 = tpu.memref_slice %arg8[%mul3A_10, %dma_start3A] : memref<10240x128xf32, #tpu.memory_space<hbm>> -> memref<640x128xf32, #tpu.memory_space<hbm>>
        %dma_start3A_19 = arith.constant 0 : i32
        %dma_start3A_20 = tpu.memref_slice %arg13[%mul3A_10, %dma_start3A_19] : memref<10240x128xf32, #tpu.memory_space<vmem_shared>> -> memref<640x128xf32, #tpu.memory_space<vmem_shared>>
        tpu.enqueue_dma source(%dma_start3A_20 : memref<640x128xf32, #tpu.memory_space<vmem_shared>>) target(%dma_start3A_18 : memref<640x128xf32, #tpu.memory_space<hbm>>) target_semaphore(%run_scoped3A : memref<!tpu.dma_semaphore, #tpu.memory_space<semaphore_mem>>)
        %dma_wait3A = arith.constant 0 : i32
        %dma_wait3A_21 = tpu.memref_slice %arg8[%mul3A_10, %dma_wait3A] : memref<10240x128xf32, #tpu.memory_space<hbm>> -> memref<640x128xf32, #tpu.memory_space<hbm>>
        %dma_wait3A_22 = arith.constant 0 : i32
        %dma_wait3A_23 = tpu.memref_slice %arg13[%mul3A_10, %dma_wait3A_22] : memref<10240x128xf32, #tpu.memory_space<vmem_shared>> -> memref<640x128xf32, #tpu.memory_space<vmem_shared>>
        tpu.wait_dma2 semaphore(%run_scoped3A : memref<!tpu.dma_semaphore, #tpu.memory_space<semaphore_mem>>) src(%dma_wait3A_23 : memref<640x128xf32, #tpu.memory_space<vmem_shared>>) dst(%dma_wait3A_21 : memref<640x128xf32, #tpu.memory_space<hbm>>)
        tpu.yield
      }) : () -> ()
    } else {
    }
    return
  }
}

module attributes {stable_mosaic.version = 14 : i64} {
  func.func @_mlp_body(%arg0: i32, %arg1: memref<512x128xf32, #tpu.memory_space<vmem>>, %arg2: memref<512x128xf32, #tpu.memory_space<vmem>>, %arg3: memref<512x128xf32, #tpu.memory_space<vmem>>, %arg4: memref<128x256xf32, #tpu.memory_space<vmem>>, %arg5: memref<1x128xf32, #tpu.memory_space<vmem>>, %arg6: memref<512x128xf32, #tpu.memory_space<vmem>>) attributes {dimension_semantics = [#tpu.dimension_semantics<arbitrary>], iteration_bounds = array<i64: 20>, scalar_prefetch = 0 : i64, scratch_operands = 0 : i64, tpu.core_type = #tpu.core_type<tc>, window_params = [{transform_indices = @transform_0, window_bounds = array<i64: 512, 128>}, {transform_indices = @transform_1, window_bounds = array<i64: 512, 128>}, {transform_indices = @transform_2, window_bounds = array<i64: 512, 128>}, {pipeline_mode = #tpu.pipeline_mode<synchronous>, transform_indices = @transform_3, window_bounds = array<i64: 128, 256>}, {pipeline_mode = #tpu.pipeline_mode<synchronous>, transform_indices = @transform_4, window_bounds = array<i64: 1, 128>}, {transform_indices = @transform_5, window_bounds = array<i64: 512, 128>}]} {
    %get3A = arith.constant 0 : index
    %get3A_0 = arith.constant 0 : index
    %get3A_1 = vector.load %arg2[%get3A, %get3A_0] : memref<512x128xf32, #tpu.memory_space<vmem>>, vector<512x128xf32>
    %get3A_2 = arith.constant 0 : index
    %get3A_3 = arith.constant 0 : index
    %get3A_4 = vector.load %arg3[%get3A_2, %get3A_3] : memref<512x128xf32, #tpu.memory_space<vmem>>, vector<512x128xf32>
    %add3A = arith.addf %get3A_1, %get3A_4 : vector<512x128xf32>
    %get3A_5 = arith.constant 0 : index
    %get3A_6 = arith.constant 0 : index
    %get3A_7 = vector.load %arg4[%get3A_5, %get3A_6] : memref<128x256xf32, #tpu.memory_space<vmem>>, vector<128x128xf32>
    %get3A_8 = arith.constant 0 : index
    %get3A_9 = arith.constant 128 : index
    %get3A_10 = vector.load %arg4[%get3A_8, %get3A_9] : memref<128x256xf32, #tpu.memory_space<vmem>>, vector<128x128xf32>
    %get3A_11 = arith.constant 0 : index
    %get3A_12 = arith.constant 0 : index
    %get3A_13 = vector.load %arg1[%get3A_11, %get3A_12] : memref<512x128xf32, #tpu.memory_space<vmem>>, vector<512x128xf32>
    %dot_general3A = arith.constant dense<0.000000e+00> : vector<512x128xf32>
    %dot_general3A_14 = tpu.matmul %get3A_13, %get3A_7, %dot_general3A {dimension_numbers = #tpu.dot_dimension_numbers<[1], [1], [0], [0], [0, 0, 1, 0], [], []>, transpose_lhs_hint = false} : vector<512x128xf32>, vector<128x128xf32>, vector<512x128xf32> -> vector<512x128xf32>
    %dot_general3A_15 = arith.constant dense<0.000000e+00> : vector<512x128xf32>
    %dot_general3A_16 = tpu.matmul %add3A, %get3A_10, %dot_general3A_15 {dimension_numbers = #tpu.dot_dimension_numbers<[1], [1], [0], [0], [0, 0, 1, 0], [], []>, transpose_lhs_hint = false} : vector<512x128xf32>, vector<128x128xf32>, vector<512x128xf32> -> vector<512x128xf32>
    %add3A_17 = arith.addf %dot_general3A_14, %dot_general3A_16 : vector<512x128xf32>
    %get3A_18 = arith.constant 0 : index
    %get3A_19 = arith.constant 0 : index
    %get3A_20 = vector.load %arg5[%get3A_18, %get3A_19] : memref<1x128xf32, #tpu.memory_space<vmem>>, vector<1x128xf32>
    %add3A_21 = vector.broadcast %get3A_20 : vector<1x128xf32> to vector<512x128xf32>
    %add3A_22 = arith.addf %add3A_17, %add3A_21 : vector<512x128xf32>
    %max3A = arith.constant 0.000000e+00 : f32
    %max3A_23 = vector.broadcast %max3A : f32 to vector<512x128xf32>
    %max3A_24 = arith.maximumf %add3A_22, %max3A_23 : vector<512x128xf32>
    %swap3A = arith.constant 0 : index
    %swap3A_25 = arith.constant 0 : index
    %swap3A_26 = vector.load %arg6[%swap3A, %swap3A_25] : memref<512x128xf32, #tpu.memory_space<vmem>>, vector<512x128xf32>
    tpu.vector_store %arg6[%swap3A, %swap3A_25], %max3A_24 {strides = array<i32>} : memref<512x128xf32, #tpu.memory_space<vmem>>, vector<512x128xf32>,
    return
  }
  func.func @transform_0(%arg0: i32) -> (i32, i32) {
    %c0_i32 = arith.constant 0 : i32
    %c0_i32_0 = arith.constant 0 : i32
    return %arg0, %c0_i32 : i32, i32
  }
  func.func @transform_1(%arg0: i32) -> (i32, i32) {
    %c0_i32 = arith.constant 0 : i32
    %c0_i32_0 = arith.constant 0 : i32
    return %arg0, %c0_i32 : i32, i32
  }
  func.func @transform_2(%arg0: i32) -> (i32, i32) {
    %c0_i32 = arith.constant 0 : i32
    %c0_i32_0 = arith.constant 0 : i32
    return %arg0, %c0_i32 : i32, i32
  }
  func.func @transform_3(%arg0: i32) -> (i32, i32) {
    %c0_i32 = arith.constant 0 : i32
    %c0_i32_0 = arith.constant 0 : i32
    %c0_i32_1 = arith.constant 0 : i32
    return %c0_i32, %c0_i32_0 : i32, i32
  }
  func.func @transform_4(%arg0: i32) -> (i32, i32) {
    %c0_i32 = arith.constant 0 : i32
    %c0_i32_0 = arith.constant 0 : i32
    %c0_i32_1 = arith.constant 0 : i32
    return %c0_i32, %c0_i32_0 : i32, i32
  }
  func.func @transform_5(%arg0: i32) -> (i32, i32) {
    %c0_i32 = arith.constant 0 : i32
    %c0_i32_0 = arith.constant 0 : i32
    return %arg0, %c0_i32 : i32, i32
  }
}

module attributes {stable_mosaic.version = 14 : i64} {
  func.func @_mlp_body(%arg0: i32, %arg1: memref<512x128xf32, #tpu.memory_space<vmem>>, %arg2: memref<512x128xf32, #tpu.memory_space<vmem>>, %arg3: memref<512x128xf32, #tpu.memory_space<vmem>>, %arg4: memref<128x256xf32, #tpu.memory_space<vmem>>, %arg5: memref<1x128xf32, #tpu.memory_space<vmem>>, %arg6: memref<512x128xf32, #tpu.memory_space<vmem>>) attributes {dimension_semantics = [#tpu.dimension_semantics<arbitrary>], iteration_bounds = array<i64: 20>, scalar_prefetch = 0 : i64, scratch_operands = 0 : i64, tpu.core_type = #tpu.core_type<tc>, window_params = [{transform_indices = @transform_0, window_bounds = array<i64: 512, 128>}, {transform_indices = @transform_1, window_bounds = array<i64: 512, 128>}, {transform_indices = @transform_2, window_bounds = array<i64: 512, 128>}, {pipeline_mode = #tpu.pipeline_mode<synchronous>, transform_indices = @transform_3, window_bounds = array<i64: 128, 256>}, {pipeline_mode = #tpu.pipeline_mode<synchronous>, transform_indices = @transform_4, window_bounds = array<i64: 1, 128>}, {transform_indices = @transform_5, window_bounds = array<i64: 512, 128>}]} {
    %get3A = arith.constant 0 : index
    %get3A_0 = arith.constant 0 : index
    %get3A_1 = vector.load %arg2[%get3A, %get3A_0] : memref<512x128xf32, #tpu.memory_space<vmem>>, vector<512x128xf32>
    %get3A_2 = arith.constant 0 : index
    %get3A_3 = arith.constant 0 : index
    %get3A_4 = vector.load %arg3[%get3A_2, %get3A_3] : memref<512x128xf32, #tpu.memory_space<vmem>>, vector<512x128xf32>
    %add3A = arith.addf %get3A_1, %get3A_4 : vector<512x128xf32>
    %get3A_5 = arith.constant 0 : index
    %get3A_6 = arith.constant 0 : index
    %get3A_7 = vector.load %arg4[%get3A_5, %get3A_6] : memref<128x256xf32, #tpu.memory_space<vmem>>, vector<128x128xf32>
    %get3A_8 = arith.constant 0 : index
    %get3A_9 = arith.constant 128 : index
    %get3A_10 = vector.load %arg4[%get3A_8, %get3A_9] : memref<128x256xf32, #tpu.memory_space<vmem>>, vector<128x128xf32>
    %get3A_11 = arith.constant 0 : index
    %get3A_12 = arith.constant 0 : index
    %get3A_13 = vector.load %arg1[%get3A_11, %get3A_12] : memref<512x128xf32, #tpu.memory_space<vmem>>, vector<512x128xf32>
    %dot_general3A = arith.constant dense<0.000000e+00> : vector<512x128xf32>
    %dot_general3A_14 = tpu.matmul %get3A_13, %get3A_7, %dot_general3A {dimension_numbers = #tpu.dot_dimension_numbers<[1], [1], [0], [0], [0, 0, 1, 0], [], []>, transpose_lhs_hint = false} : vector<512x128xf32>, vector<128x128xf32>, vector<512x128xf32> -> vector<512x128xf32>
    %dot_general3A_15 = arith.constant dense<0.000000e+00> : vector<512x128xf32>
    %dot_general3A_16 = tpu.matmul %add3A, %get3A_10, %dot_general3A_15 {dimension_numbers = #tpu.dot_dimension_numbers<[1], [1], [0], [0], [0, 0, 1, 0], [], []>, transpose_lhs_hint = false} : vector<512x128xf32>, vector<128x128xf32>, vector<512x128xf32> -> vector<512x128xf32>
    %add3A_17 = arith.addf %dot_general3A_14, %dot_general3A_16 : vector<512x128xf32>
    %get3A_18 = arith.constant 0 : index
    %get3A_19 = arith.constant 0 : index
    %get3A_20 = vector.load %arg5[%get3A_18, %get3A_19] : memref<1x128xf32, #tpu.memory_space<vmem>>, vector<1x128xf32>
    %add3A_21 = vector.broadcast %get3A_20 : vector<1x128xf32> to vector<512x128xf32>
    %add3A_22 = arith.addf %add3A_17, %add3A_21 : vector<512x128xf32>
    %swap3A = arith.constant 0 : index
    %swap3A_23 = arith.constant 0 : index
    %swap3A_24 = vector.load %arg6[%swap3A, %swap3A_23] : memref<512x128xf32, #tpu.memory_space<vmem>>, vector<512x128xf32>
    tpu.vector_store %arg6[%swap3A, %swap3A_23], %add3A_22 {strides = array<i32>} : memref<512x128xf32, #tpu.memory_space<vmem>>, vector<512x128xf32>,
    return
  }
  func.func @transform_0(%arg0: i32) -> (i32, i32) {
    %c0_i32 = arith.constant 0 : i32
    %c0_i32_0 = arith.constant 0 : i32
    return %arg0, %c0_i32 : i32, i32
  }
  func.func @transform_1(%arg0: i32) -> (i32, i32) {
    %c0_i32 = arith.constant 0 : i32
    %c0_i32_0 = arith.constant 0 : i32
    return %arg0, %c0_i32 : i32, i32
  }
  func.func @transform_2(%arg0: i32) -> (i32, i32) {
    %c0_i32 = arith.constant 0 : i32
    %c0_i32_0 = arith.constant 0 : i32
    return %arg0, %c0_i32 : i32, i32
  }
  func.func @transform_3(%arg0: i32) -> (i32, i32) {
    %c0_i32 = arith.constant 0 : i32
    %c0_i32_0 = arith.constant 0 : i32
    %c0_i32_1 = arith.constant 0 : i32
    return %c0_i32, %c0_i32_0 : i32, i32
  }
  func.func @transform_4(%arg0: i32) -> (i32, i32) {
    %c0_i32 = arith.constant 0 : i32
    %c0_i32_0 = arith.constant 0 : i32
    %c0_i32_1 = arith.constant 0 : i32
    return %c0_i32, %c0_i32_0 : i32, i32
  }
  func.func @transform_5(%arg0: i32) -> (i32, i32) {
    %c0_i32 = arith.constant 0 : i32
    %c0_i32_0 = arith.constant 0 : i32
    return %arg0, %c0_i32 : i32, i32
  }
}

</mosaic_0001>

<sc_bundles>
// kernel: kernel.10.cloned.1.call-start
scs
__scs_entry_jumppad:
0x0: {  	(pc) =	sbr.rel $0x88, $3  }
0x1: {  	(tag) =	ssettag $0x0;
	lr =	simm.s32 $0x1  }
0x2: {  	[smem:$0x3F9A] =	sst lr;
	_ =	strace $0xD0000000  }
0x3: {  	_ = 	snop  }
0x4: {  	_ = 	snop  }
0x5: {  	_ = 	snop  }
0x6: {  	_ = 	snop  }
0x7: {  	_ = 	snop  }
__scs_overlays_trampoline_lowered:
0x8: {  	[smem:$0x3FA9] =	sst s0  }
0x9: {  	[smem:$0x3FAA] =	sst s1  }
0xa: {  	[smem:$0x3FAB] =	sst s2  }
0xb: {  	[smem:$0x3FAC] =	sst s3  }
0xc: {  	[smem:$0x3FAD] =	sst s4  }
0xd: {  	[smem:$0x3FAE] =	sst s5  }
0xe: {  	[smem:$0x3FAF] =	sst s6  }
0xf: {  	[smem:$0x3FB0] =	sst s7  }
0x10: {  	[smem:$0x3FB1] =	sst s8  }
0x11: {  	[smem:$0x3FB2] =	sst s9;
	s0 =	simm.s32 @!p0 $0x0  }
0x12: {  	s1 =	sld [smem:$0x3F98];
	s0 =	simm.s32 @p0 $0x1  }
0x13: {  	[smem:$0x3FB3] =	sst s0;
	s0 =	simm.s32 @!p1 $0x0  }
0x14: {  	s2 =	sld [smem:$0x3F97];
	s0 =	simm.s32 @p1 $0x1  }
0x15: {  	[smem:$0x3FB4] =	sst s0;
	s0 =	simm.s32 @!p2 $0x0  }
0x16: {  	s3 =	sld [smem:$0x3FDB];
	s0 =	simm.s32 @p2 $0x1  }
0x17: {  	s4 =	simm.s32 $0x1BF5;
	[smem:$0x3FB6] =	sst s0  }
0x18: {  	s0 =	sld [smem:$0x3F99];
	_ =	swait.ge [sflag:s4], $0x0  }
0x19: {  	s7 =	sld [smem:$0x3F9A]  }
0x1a: {  	s8 =	sadd.s32 $0xFFFFE003, lr  }
0x1b: {  	s9 =	sadd.s32 $0xFFFFFEF7, lr;
	s5 =	simm.s32 $0xFFFFFFFF;
	p2 =	slt.u32 s8, $0xFFFFF086  }
0x1c: {  	p1 =	slt.u32 s9, $0xF7A;
	s5 =	simm.s32 @!p2 $0x0  }
0x1d: {  	s5 =	simm.s32 @p1 $0x1;
	p0 =	seq.s32 s7, s2  }
0x1e: {  	s7 =	smul.u32 @!p0 $0xF7A, s2;
	p2 =	seq.s32 @!p0 s5, $0x0  }
0x1f: {  	s9 =	smul.u32 $0xF7A, s1;
	s8 =	simm.s32 @!p0 $0x1BF5;
	p2 =	por !p2, p0  }
0x20: {  	[sflag:s8] =	ssyncset.s32 @!p0 $0xFFFFF086;
	s6 =	sadd.s32 @!p0 s3, s7;
	s7 =	simm.s32 @!p0 $0x108  }
0x21: {  	s3 =	sadd.s32 s3, s9;
	s6 =	sadd.s32 @!p0 $0x88, s6;
	s7 =	simm.s32 @p2 $0x1082  }
0x22: {  	[simem:s7], [sflag:s8] =	dma.local @!p0 [hbm:s6], $0xF7A  }
0x23: {  	s9 =	sor.u32 $0xD0000000, s2;
	s6 =	simm.s32 $0x108;
	_ =	swait.ge @!p0 [sflag:s8], $0x0  }
0x24: {  	s3 =	sadd.s32 $0x88, s3;
	s6 =	simm.s32 @!p1 $0x1082;
	[sflag:s4] =	ssyncset.s32 $0xFFFFF086  }
0x25: {  	[simem:s6], [sflag:s4] =	dma.local [hbm:s3], $0xF7A  }
0x26: {  	[smem:$0x3F9A] =	sst s1;
	(tag) =	ssettag s2;
	_ =	strace s9  }
0x27: {  	s1 =	sld [smem:$0x3FAA]  }
0x28: {  	s2 =	sld [smem:$0x3FAB]  }
0x29: {  	s4 =	sld [smem:$0x3FAD]  }
0x2a: {  	p0 =	seq.s32 s5, $0x0;
	s5 =	sld [smem:$0x3FAE]  }
0x2b: {  	s6 =	sld [smem:$0x3FAF]  }
0x2c: {  	s7 =	sld [smem:$0x3FB0]  }
0x2d: {  	s3 =	simm.s32 $0x108;
	s8 =	sld [smem:$0x3FB1]  }
0x2e: {  	s3 =	simm.s32 @!p0 $0x1082;
	s9 =	sld [smem:$0x3FB2]  }
0x2f: {  	lr =	sadd.s32 s0, s3;
	s0 =	sld [smem:$0x3FA9]  }
0x30: {  	s3 =	sld [smem:$0x3FAC]  }
0x31: {  	[smem:$0x3FB5] =	sst s10  }
0x32: {  	s10 =	sld [smem:$0x3FB3];
	_ =	sdelay $0x3  }
0x33: {  	p0 =	seq.s32 s10, $0x1;
	s10 =	sld [smem:$0x3FB5];
	_ =	sdelay $0x3  }
0x34: {  	[smem:$0x3FB5] =	sst s10  }
0x35: {  	s10 =	sld [smem:$0x3FB4];
	_ =	sdelay $0x3  }
0x36: {  	p1 =	seq.s32 s10, $0x1;
	s10 =	sld [smem:$0x3FB5];
	_ =	sdelay $0x3  }
0x37: {  	[smem:$0x3FB5] =	sst s10  }
0x38: {  	s10 =	sld [smem:$0x3FB6]  }
0x39: {  	_ = 	snop;
	(pc) =	sbr.ind lr, $3  }
0x3a: {  	_ = 	snop  }
0x3b: {  	_ = 	snop  }
0x3c: {  	p2 =	seq.s32 s10, $0x1;
	s10 =	sld [smem:$0x3FB5]  }
0x3d: {  	_ =	shalt  }
0x3e: {  	_ =	shalt  }
0x3f: {  	_ =	shalt  }
0x40: {  	_ =	shalt  }
0x41: {  	_ =	shalt  }
0x42: {  	_ =	shalt  }
0x43: {  	_ =	shalt  }
0x44: {  	_ =	shalt  }
0x45: {  	_ =	shalt  }
0x46: {  	_ =	shalt  }
0x47: {  	_ =	shalt  }
0x48: {  	_ =	shalt  }
0x49: {  	_ =	shalt  }
0x4a: {  	_ =	shalt  }
0x4b: {  	_ =	shalt  }
0x4c: {  	_ =	shalt  }
0x4d: {  	_ =	shalt  }
0x4e: {  	_ =	shalt  }
0x4f: {  	_ =	shalt  }
0x50: {  	_ =	shalt  }
0x51: {  	_ =	shalt  }
0x52: {  	_ =	shalt  }
0x53: {  	_ =	shalt  }
0x54: {  	_ =	shalt  }
0x55: {  	_ =	shalt  }
0x56: {  	_ =	shalt  }
0x57: {  	_ =	shalt  }
0x58: {  	_ =	shalt  }
0x59: {  	_ =	shalt  }
0x5a: {  	_ =	shalt  }
0x5b: {  	_ =	shalt  }
0x5c: {  	_ =	shalt  }
0x5d: {  	_ =	shalt  }
0x5e: {  	_ =	shalt  }
0x5f: {  	_ =	shalt  }
0x60: {  	_ =	shalt  }
0x61: {  	_ =	shalt  }
0x62: {  	_ =	shalt  }
0x63: {  	_ =	shalt  }
0x64: {  	_ =	shalt  }
0x65: {  	_ =	shalt  }
0x66: {  	_ =	shalt  }
0x67: {  	_ =	shalt  }
0x68: {  	_ =	shalt  }
0x69: {  	_ =	shalt  }
0x6a: {  	_ =	shalt  }
0x6b: {  	_ =	shalt  }
0x6c: {  	_ =	shalt  }
0x6d: {  	_ =	shalt  }
0x6e: {  	_ =	shalt  }
0x6f: {  	_ =	shalt  }
0x70: {  	_ =	shalt  }
0x71: {  	_ =	shalt  }
0x72: {  	_ =	shalt  }
0x73: {  	_ =	shalt  }
0x74: {  	_ =	shalt  }
0x75: {  	_ =	shalt  }
0x76: {  	_ =	shalt  }
0x77: {  	_ =	shalt  }
0x78: {  	_ =	shalt  }
0x79: {  	_ =	shalt  }
0x7a: {  	_ =	shalt  }
0x7b: {  	_ =	shalt  }
0x7c: {  	_ =	shalt  }
0x7d: {  	_ =	shalt  }
0x7e: {  	_ =	shalt  }
0x7f: {  	_ =	shalt  }
0x80: {  	_ =	shalt  }
0x81: {  	_ =	shalt  }
0x82: {  	_ =	shalt  }
0x83: {  	_ =	shalt  }
0x84: {  	_ =	shalt  }
0x85: {  	_ =	shalt  }
0x86: {  	_ =	shalt  }
0x87: {  	_ =	shalt  }
.Lfunc_end0:
.L_simem_size_0:
called_computation.1_lowered:
.L_overlay_start_0:
0x88: {  	s2 =	sld [smem:$0x3FD9]  }
0x89: {  	s3 =	sld [smem:$0x3FFE];
	_ =	sdelay $0x1  }
0x8a: {  	s1 =	srdreg.scid  }
0x8b: {  	s0 =	sand.u32 $0x1, s1  }
0x8c: {  	s17 =	sshll.u32 s0, $0xA;
	s2 =	sadd.s32 s3, s2  }
0x8d: {  	s2 =	sadd.s32 s2, s17  }
0x8e: {  	[smem:$0x3FC1] =	sst s2  }
0x8f: {  	_ = 	snop  }
0x90: {  	s2 =	sld [smem:$0x3FD0];
	(tm) =	ssettm $0x1  }
0x91: {  	s18 =	sld [smem:$0x3FFB];
	_ =	sdelay $0x3  }
0x92: {  	_ =	strace s18  }
0x93: {  	s3 =	sld [smem:$0x3FFC];
	_ =	sdelay $0x3  }
0x94: {  	_ =	strace s3  }
0x95: {  	s3 =	sld [smem:$0x3FFD];
	_ =	sdelay $0x3  }
0x96: {  	_ =	strace s3  }
0x97: {  	_ =	strace $0x8FFFFFFF  }
0x98: {  	s19 =	sld [smem:$0x3FDB];
	_ =	sdelay $0x1  }
0x99: {  	s4 =	simm.s32 $_scs_section_size  }
0x9a: {  	s5 =	simm.s32 $_size__tile_overlayer_lowered;
	s6 =	simm.s32 $_tile_overlayer_lowered  }
0x9b: {  	s22 =	simm.s32 $0x1BFF;
	s21 =	sshll.u32 s6, $0x1;
	s3 =	sadd.s32 s4, s19  }
0x9c: {  	s7 =	simm.s32 $0x0;
	s20 =	sshll.u32 s5, $0x1;
	s5 =	sadd.s32 s21, s3  }
0x9d: {  	[timem:s7], [sflag:s22] =	dma.local [hbm:s5], s20  }
0x9e: {  	_ =	swait.ge [sflag:s22], s20  }
0x9f: {  	s4 =	ssub.s32 $0x0, s20;
	[sflag:s22] =	ssyncset.done $0x0  }
0xa0: {  	[sflag:s22] =	ssyncadd.s32 s4;
	_ =	sdelay $0x1  }
0xa1: {  	s23 =	simm.s32 $0x1B8B  }
0xa2: {  	_ =	swait.ge [sflag:s23], $0x1  }
0xa3: {  	[sflag:s23] =	ssyncset.done $0x0  }
0xa4: {  	s25 =	simm.s32 $0x1B8E;
	s24 =	sld [smem:$0x3FFE];
	[sflag:s23] =	ssyncadd.s32 $0xFFFFFFFF  }
0xa5: {  	s26 =	simm.s32 $execute0_lowered;
	[smem:$0x3FD2] =	sst s25  }
0xa6: {  	s5 =	sshll.u32 s26, $0x1;
	_ =	strace $0x80000049;
	[dreg:$0x1] =	wrdreg $0xFFFFFFFF  }
0xa7: {  	s28 =	simm.s32 $_size_execute0_lowered;
	s3 =	sadd.s32 s3, s5;
	[dreg:$0x0] =	wrdreg $0x0  }
0xa8: {  	s5 =	sshll.u32 s28, $0x1;
	[dreg:$0x2] =	wrdreg s3  }
0xa9: {  	[dreg:$0x3] =	wrdreg s5  }
0xaa: {  	[dreg:$0x4] =	wrdreg $0xC0  }
0xab: {  	_ =	task [dreg:s7], $0x5FFFF  }
0xac: {  	[dreg:$0x1] =	wrdreg $0xFFFFFFFF  }
0xad: {  	[dreg:$0x0] =	wrdreg $0x60  }
0xae: {  	[dreg:$0x2] =	wrdreg s24  }
0xaf: {  	[dreg:$0x3] =	wrdreg s2  }
0xb0: {  	[dreg:$0x4] =	wrdreg $0x43000  }
0xb1: {  	[dreg:$0x5] =	wrdreg $0x9  }
0xb2: {  	_ =	task.clear_ibuf [dreg:s7], $0x6FFFF;
	_ =	strace $0x90000049  }
0xb3: {  	s29 =	simm.s32 $0x9;
	_ =	strace $0x8000004B  }
0xb4: {  	_ =	swait.ge [sflag:s29], $0x1  }
0xb5: {  	[sflag:s29] =	ssyncadd.s32 $0xFFFFFFFF  }
0xb6: {  	_ =	strace $0x9000004B  }
0xb7: {  	_ =	sfence  }
0xb8: {  	s30 =	sld [smem:$0x0];
	_ =	sdelay $0x2  }
0xb9: {  	s31 =	sshll.u32 s1, $0xD;
	s1 =	sshrl.u32 s1, $0x2  }
0xba: {  	s3 =	sand.u32 $0x4000, s31;
	s1 =	sadd.s32 s1, s30  }
0xbb: {  	s0 =	sor.u32 s3, s0;
	s1 =	sshll.u32 s1, $0x11  }
0xbc: {  	s0 =	sor.u32 s1, s0  }
0xbd: {  	s0 =	sadd.s32 $0x8F2B, s0  }
0xbe: {  	[sflag:s0] =	ssyncadd.remote.s32 $0x1  }
0xbf: {  	_ =	sfence.sel $0xFFFF  }
0xc0: {  	[dreg:$0x0] =	wrdreg $0xFFFFFFFF;
	(pc) =	sbr.abs _section_cstart, $3  }
0xc1: {  	[dreg:$0x1] =	wrdreg $0xFFFFFFFF  }
0xc2: {  	_ =	task.clear_ibuf [dreg:s7], $0x2FFFF;
	_ =	strace $0x9FFFFFFF  }
0xc3: {  	(tm) =	ssettm $0x7FFFFFFF  }
tec
execute0_lowered:
.L_overlay_start_1:
0x0: {  	(tag) =	ssettag $0x1  }
0x1: {  	s13 =	rddreg [dreg:$0x0]  }
0x2: {  	s1 =	rddreg [dreg:$0x1]  }
0x3: {  	s2 =	rddreg [dreg:$0x2]  }
0x4: {  	s0 =	rddreg [dreg:$0x3];
	s3 =	simm.s32 $0x0  }
0x5: {  	s7 =	srdreg.scid;
	s19 =	simm.s32 $0x100;
	s20 =	simm.s32 $0x300  }
0x6: {  	s21 =	simm.s32 $0x1;
	s22 =	simm.s32 $0x180;
	s23 =	simm.s32 $0x200  }
0x7: {  	s24 =	simm.s32 $0x280;
	[smem:$0x7FF] =	sst s3;
	s4 =	sadd.s32 $0x18600, s13  }
0x8: {  	s5 =	sadd.s32 $0xDA00, s13;
	s6 =	sadd.s32 $0x3C00, s13;
	s8 =	sadd.s32 $0x17A00, s13  }
0x9: {  	s9 =	sadd.s32 $0x18000, s13;
	s12 =	sand.u32 $0x1, s7;
	s10 =	sadd.s32 $0x40600, s13  }
0xa: {  	s7 =	stileid.u32;
	s11 =	sadd.s32 $0x92E00, s13;
	_ =	strace $0x8000004A  }
0xb: {  	s14 =	ssub.s32 $0x2, s12;
	s16 =	sshll.u32 s7, $0x1;
	s17 =	smul.u32 $0x50000, s7  }
0xc: {  	v0 =	vimm.s32 $0x0;
	p0 =	seq.s32 s12, $0x1;
	s31 =	sshll.u32 s7, $0x6;
	s18 =	smul.u32 $0x2800, s7  }
0xd: {  	v1 =	vimm.s32 $0x1;
	v2 =	vimm.s32 $0x2;
	v3 =	vimm.s32 $0x3;
	s15 =	sshrl.u32 s14, $0x1;
	s29 =	sor.u32 s12, s16;
	s12 =	sor.u32 $0x1C02, s31  }
0xe: {  	v4 =	vimm.s32 $0x4;
	v5 =	vimm.s32 $0x5;
	v6 =	vimm.s32 $0x6;
	s14 =	ssub.s32 s14, s15;
	s30 =	sshrl.u32 s17, $0x2;
	s17 =	simm.s32 $0x6AE00  }
0xf: {  	v7 =	vimm.s32 $0x7;
	v8 =	vimm.s32 $0x8;
	v9 =	vimm.s32 $0x9;
	s17 =	simm.s32 @!p0 $0x42E00;
	s16 =	sadd.s32 s30, s2;
	s14 =	smax.u32 s14, $0x1  }
0x10: {  	v10 =	vimm.s32 $0xA;
	v11 =	vimm.s32 $0xB;
	v12 =	vimm.s32 $0xC;
	s17 =	sadd.s32 s17, s13;
	s13 =	smul.u32 $0x4F, s29;
	s16 =	sshrl.u32 s16, $0x3  }
0x11: {  	v13 =	vimm.s32 $0xD;
	v14 =	vimm.s32 $0xE;
	v15 =	vimm.s32 $0xF;
	s15 =	sadd.s32 s17, s18;
	s17 =	simm.s32 $0x2;
	s18 =	simm.s32 $0x80  }
.LBB2_1:
0x12: {  	[spmem:s16], [sflag:s12] =	dma.local [hbm:s10], $0x2800  }
0x13: {  	_ =	swait.ge [sflag:s17], $0x2800  }
0x14: {  	[sflag:s17] =	ssyncset.done $0x0  }
0x15: {  	[sflag:s17] =	ssyncadd.s32 $0xFFFFD800  }
0x16: {  	s25 =	simm.s32 $0x0;
	[bflag:$0x0] =	sbarrier.arrive $0xFFFF  }
.LBB2_2:
0x17: {  	s26 =	sadd.s32 s13, s25  }
0x18: {  	s28 =	sshll.u32 s26, $0x4  }
0x19: {  	s26 =	simm.s32 $0x0;
	s29 =	sadd.s32 s1, s28  }
0x1a: {  	[tilespmem:s26], [sflag:$0x2] =	stream.linear.gather [hbm4b:s29+s26], $0x80, $0x38;
	[tilespmem:$0x18300] =	vst v63  }
0x1b: {  	_ =	swait.ge [sflag:s17], $0x80  }
0x1c: {  	[sflag:s17] =	ssyncset.done $0x0  }
0x1d: {  	s30 =	sadd.s32 s5, s28;
	[sflag:s17] =	ssyncadd.s32 $0xFFFFFF80  }
0x1e: {  	[tilespmem:s18], [sflag:$0x2] =	stream.linear.gather [hbm4b:s30+s26], $0x80, $0x38;
	[tilespmem:$0x18300] =	vst v63  }
0x1f: {  	_ =	swait.ge [sflag:s17], $0x80  }
0x20: {  	[sflag:s17] =	ssyncset.done $0x0  }
0x21: {  	s31 =	sadd.s32 s6, s28;
	[sflag:s17] =	ssyncadd.s32 $0xFFFFFF80  }
0x22: {  	[tilespmem:s19], [sflag:$0x2] =	stream.linear.gather [hbm4b:s31+s26], $0x80, $0x38;
	[tilespmem:$0x18300] =	vst v63  }
0x23: {  	_ =	swait.ge [sflag:s17], $0x80  }
0x24: {  	[sflag:s17] =	ssyncset.done $0x0  }
0x25: {  	[sflag:s17] =	ssyncadd.s32 $0xFFFFFF80  }
0x26: {  	[tilespmem:s20], [sflag:$0x1] =	stream.indirect.gather [hbm4b:s4+s18], $0x80, s26, s18, $0xb8;
	[tilespmem:$0x18300] =	vst v63  }
0x27: {  	_ =	swait.ge [sflag:s21], $0x4000  }
0x28: {  	[sflag:s21] =	ssyncset.done $0x0  }
0x29: {  	[sflag:s21] =	ssyncadd.s32 $0xFFFFC000  }
0x2a: {  	[tilespmem:s22], [sflag:$0x1] =	stream.indirect.gather [hbm4b:s8+s18], $0x1, s18, s18, $0xb8;
	[tilespmem:$0x18300] =	vst v63  }
0x2b: {  	_ =	swait.ge [sflag:s21], $0x80  }
0x2c: {  	[sflag:s21] =	ssyncset.done $0x0  }
0x2d: {  	[sflag:s21] =	ssyncadd.s32 $0xFFFFFF80  }
0x2e: {  	[tilespmem:s23], [sflag:$0x1] =	stream.indirect.gather [hbm4b:s9+s18], $0x1, s18, s18, $0xb8;
	[tilespmem:$0x18300] =	vst v63  }
0x2f: {  	_ =	swait.ge [sflag:s21], $0x80  }
0x30: {  	[sflag:s21] =	ssyncset.done $0x0  }
0x31: {  	[sflag:s21] =	ssyncadd.s32 $0xFFFFFF80  }
0x32: {  	v16 =	vld [tilespmem:$0x180]  }
0x33: {  	v17 =	vld [tilespmem:$0x200]  }
0x34: {  	v18 =	vld [tilespmem:$0x190]  }
0x35: {  	v19 =	vld [tilespmem:$0x210]  }
0x36: {  	v20 =	vld [tilespmem:$0x1A0]  }
0x37: {  	v21 =	vld [tilespmem:$0x220]  }
0x38: {  	v22 =	vld [tilespmem:$0x1B0]  }
0x39: {  	v23 =	vld [tilespmem:$0x230]  }
0x3a: {  	v24 =	vld [tilespmem:$0x1C0]  }
0x3b: {  	v25 =	vld [tilespmem:$0x240]  }
0x3c: {  	v26 =	vld [tilespmem:$0x1D0]  }
0x3d: {  	v27 =	vld [tilespmem:$0x250]  }
0x3e: {  	v28 =	vld [tilespmem:$0x1E0];
	v16 =	vadd.f32 v17, v16  }
0x3f: {  	v45 =	vld [tilespmem:$0x1F0];
	v18 =	vadd.f32 v19, v18  }
0x40: {  	v17 =	vld [tilespmem:$0x260];
	v16 =	vmax.f32 v16, $9.999999960e-13  }
0x41: {  	v46 =	vld [tilespmem:$0x270];
	v20 =	vadd.f32 v21, v20;
	v18 =	vmax.f32 v18, $9.999999960e-13;
	(erf) = vrcp.f32 v16  }
0x42: {  	v16 =	vadd.f32 v23, v22;
	(erf) = vrcp.f32 v18  }
0x43: {  	v47 =	vadd.f32 v25, v24;
	v20 =	vmax.f32 v20, $9.999999960e-13  }
0x44: {  	v48 =	vadd.f32 v27, v26;
	(erf) = vrcp.f32 v20;
	v16 =	vmax.f32 v16, $9.999999960e-13  }
0x45: {  	v17 =	vadd.f32 v17, v28;
	(erf) = vrcp.f32 v16;
	v16 =	vmax.f32 v47, $9.999999960e-13  }
0x46: {  	v50 =	vld [tilespmem:$0x100];
	v49 =	vadd.f32 v46, v45;
	(erf) = vrcp.f32 v16;
	v16 =	vmax.f32 v48, $9.999999960e-13  }
0x47: {  	(erf) = vrcp.f32 v16;
	v16 =	vmax.f32 v17, $9.999999960e-13;
	v17 =	vld [tilespmem:$0x110]  }
0x48: {  	(erf) = vrcp.f32 v16;
	v16 =	vmax.f32 v49, $9.999999960e-13  }
0x49: {  	v51 =	vld [tilespmem:$0x120];
	(erf) = vrcp.f32 v16  }
0x4a: {  	v16 =	vld [tilespmem:$0x130];
	v52 =	vpop (erf)  }
0x4b: {  	v53 =	vld [tilespmem:$0x140];
	v54 =	vpop (erf)  }
0x4c: {  	v55 =	vld [tilespmem:$0x150];
	v19 =	vmul.f32 v52, v50;
	v17 =	vmul.f32 v54, v17  }
0x4d: {  	v57 =	vld [tilespmem:$0x160];
	v56 =	vpop (erf)  }
0x4e: {  	v59 =	vld [tilespmem:$0x170];
	v58 =	vpop (erf);
	[tilespmem:$0x280] =	vst v19;
	v18 =	vmul.f32 v56, v51  }
0x4f: {  	v60 =	vpop (erf);
	[tilespmem:$0x290] =	vst v17;
	v16 =	vmul.f32 v58, v16  }
0x50: {  	[tilespmem:$0x2A0] =	vst v18;
	v61 =	vmul.f32 v60, v53;
	v17 =	vpop (erf)  }
0x51: {  	[tilespmem:$0x2B0] =	vst v16;
	v62 =	vpop (erf);
	v16 =	vmul.f32 v17, v55  }
0x52: {  	[tilespmem:$0x2C0] =	vst v61;
	v17 =	vmul.f32 v62, v57;
	v63 =	vpop (erf)  }
0x53: {  	[tilespmem:$0x2D0] =	vst v16;
	v16 =	vmul.f32 v63, v59  }
0x54: {  	[tilespmem:$0x2E0] =	vst v17  }
0x55: {  	s28 =	sadd.s32 s11, s28;
	[tilespmem:$0x2F0] =	vst v16  }
0x56: {  	[hbm4b:s28+s26] =	stream.linear.scatter [tilespmem:s24], [sflag:$0x2], $0x80, $0x38;
	[tilespmem:$0x18300] =	vst v63  }
0x57: {  	_ =	swait.ge [sflag:s17], $0x80  }
0x58: {  	[sflag:s17] =	ssyncset.done $0x0  }
0x59: {  	[sflag:s17] =	ssyncadd.s32 $0xFFFFFF80  }
.LBB2_3:
0x5a: {  	s28 =	sshll.u32 s26, $0x4  }
0x5b: {  	s28 =	sand.u32 $0x3FFFFFF0, s28  }
0x5c: {  	s31 =	sshll.u32 s26, $0xB;
	v16 =	vld [tilespmem:s28+$0x280]  }
0x5d: {  	s28 =	sand.u32 $0x3FFFF800, s31  }
0x5e: {  	v17 =	vld [tilespmem:s28+$0x300]  }
0x5f: {  	v18 =	vld [tilespmem:s28+$0x310]  }
0x60: {  	v19 =	vld [tilespmem:s28+$0x320]  }
0x61: {  	v21 =	vld [tilespmem:s28+$0x330];
	v20 =	vperm.xlane v16, v0  }
0x62: {  	v22 =	vld [tilespmem:s28+$0x340]  }
0x63: {  	v23 =	vld [tilespmem:s28+$0x350];
	v17 =	vmul.f32 v17, v20  }
0x64: {  	v24 =	vld [tilespmem:s28+$0x360];
	v18 =	vmul.f32 v18, v20  }
0x65: {  	v48 =	vld [tilespmem:s28+$0x370];
	[tilespmem:s28+$0x300] =	vst v17;
	v17 =	vmul.f32 v19, v20  }
0x66: {  	v50 =	vld [tilespmem:s28+$0x380];
	v49 =	vmul.f32 v21, v20;
	[tilespmem:s28+$0x310] =	vst v18  }
0x67: {  	v51 =	vld [tilespmem:s28+$0x390];
	[tilespmem:s28+$0x320] =	vst v17;
	v17 =	vmul.f32 v22, v20  }
0x68: {  	v53 =	vld [tilespmem:s28+$0x3A0];
	v52 =	vmul.f32 v23, v20;
	[tilespmem:s28+$0x330] =	vst v49  }
0x69: {  	v25 =	vld [tilespmem:s28+$0x3B0];
	v54 =	vperm.xlane v16, v1;
	[tilespmem:s28+$0x340] =	vst v17;
	v17 =	vmul.f32 v24, v20  }
0x6a: {  	v56 =	vld [tilespmem:s28+$0x3C0];
	v55 =	vmul.f32 v48, v20;
	[tilespmem:s28+$0x350] =	vst v52  }
0x6b: {  	v57 =	vld [tilespmem:s28+$0x3D0];
	[tilespmem:s28+$0x360] =	vst v17;
	v17 =	vmul.f32 v50, v54  }
0x6c: {  	v59 =	vld [tilespmem:s28+$0x3E0];
	v58 =	vmul.f32 v51, v54;
	[tilespmem:s28+$0x370] =	vst v55  }
0x6d: {  	v60 =	vld [tilespmem:s28+$0x3F0];
	[tilespmem:s28+$0x380] =	vst v17;
	v17 =	vmul.f32 v53, v54  }
0x6e: {  	v62 =	vld [tilespmem:s28+$0x400];
	v61 =	vmul.f32 v25, v54;
	[tilespmem:s28+$0x390] =	vst v58  }
0x6f: {  	v63 =	vld [tilespmem:s28+$0x410];
	[tilespmem:s28+$0x3A0] =	vst v17;
	v17 =	vmul.f32 v56, v54  }
0x70: {  	v29 =	vld [tilespmem:s28+$0x420];
	v28 =	vmul.f32 v57, v54;
	[tilespmem:s28+$0x3B0] =	vst v61  }
0x71: {  	v31 =	vld [tilespmem:s28+$0x430];
	v30 =	vperm.xlane v16, v2;
	[tilespmem:s28+$0x3C0] =	vst v17;
	v17 =	vmul.f32 v59, v54  }
0x72: {  	v33 =	vld [tilespmem:s28+$0x440];
	v32 =	vmul.f32 v60, v54;
	[tilespmem:s28+$0x3D0] =	vst v28  }
0x73: {  	v34 =	vld [tilespmem:s28+$0x450];
	[tilespmem:s28+$0x3E0] =	vst v17;
	v17 =	vmul.f32 v62, v30  }
0x74: {  	v36 =	vld [tilespmem:s28+$0x460];
	v35 =	vmul.f32 v63, v30;
	[tilespmem:s28+$0x3F0] =	vst v32  }
0x75: {  	v37 =	vld [tilespmem:s28+$0x470];
	[tilespmem:s28+$0x400] =	vst v17;
	v17 =	vmul.f32 v29, v30  }
0x76: {  	v39 =	vld [tilespmem:s28+$0x480];
	v38 =	vmul.f32 v31, v30;
	[tilespmem:s28+$0x410] =	vst v35  }
0x77: {  	v40 =	vld [tilespmem:s28+$0x490];
	[tilespmem:s28+$0x420] =	vst v17;
	v17 =	vmul.f32 v33, v30  }
0x78: {  	v42 =	vld [tilespmem:s28+$0x4A0];
	v41 =	vmul.f32 v34, v30;
	[tilespmem:s28+$0x430] =	vst v38  }
0x79: {  	v44 =	vld [tilespmem:s28+$0x4B0];
	v43 =	vperm.xlane v16, v3;
	[tilespmem:s28+$0x440] =	vst v17;
	v17 =	vmul.f32 v36, v30  }
0x7a: {  	v46 =	vld [tilespmem:s28+$0x4C0];
	v45 =	vmul.f32 v37, v30;
	[tilespmem:s28+$0x450] =	vst v41  }
0x7b: {  	v50 =	vld [tilespmem:s28+$0x4F0];
	[tilespmem:s28+$0x460] =	vst v17;
	v17 =	vmul.f32 v39, v43  }
0x7c: {  	v48 =	vmul.f32 v40, v43;
	[tilespmem:s28+$0x470] =	vst v45;
	v49 =	vld [tilespmem:s28+$0x4E0]  }
0x7d: {  	v47 =	vld [tilespmem:s28+$0x4D0];
	[tilespmem:s28+$0x480] =	vst v17;
	v17 =	vmul.f32 v42, v43  }
0x7e: {  	v51 =	vmul.f32 v44, v43;
	[tilespmem:s28+$0x490] =	vst v48;
	v52 =	vld [tilespmem:s28+$0x500]  }
0x7f: {  	v57 =	vld [tilespmem:s28+$0x530];
	[tilespmem:s28+$0x4A0] =	vst v17;
	v17 =	vmul.f32 v46, v43  }
0x80: {  	[tilespmem:s28+$0x4B0] =	vst v51;
	v55 =	vld [tilespmem:s28+$0x520];
	v58 =	vmul.f32 v50, v43  }
0x81: {  	v60 =	vld [tilespmem:s28+$0x550];
	v56 =	vperm.xlane v16, v4;
	[tilespmem:s28+$0x4C0] =	vst v17;
	v17 =	vmul.f32 v49, v43  }
0x82: {  	v54 =	vmul.f32 v47, v43;
	v59 =	vld [tilespmem:s28+$0x540];
	[tilespmem:s28+$0x4F0] =	vst v58  }
0x83: {  	v63 =	vld [tilespmem:s28+$0x570];
	[tilespmem:s28+$0x4E0] =	vst v17;
	v17 =	vmul.f32 v52, v56  }
0x84: {  	v28 =	vmul.f32 v57, v56;
	[tilespmem:s28+$0x4D0] =	vst v54;
	v62 =	vld [tilespmem:s28+$0x560]  }
0x85: {  	v53 =	vld [tilespmem:s28+$0x510];
	[tilespmem:s28+$0x500] =	vst v17;
	v17 =	vmul.f32 v55, v56  }
0x86: {  	v31 =	vmul.f32 v60, v56;
	[tilespmem:s28+$0x530] =	vst v28;
	v29 =	vld [tilespmem:s28+$0x580]  }
0x87: {  	v34 =	vld [tilespmem:s28+$0x5B0];
	[tilespmem:s28+$0x520] =	vst v17;
	v17 =	vmul.f32 v59, v56  }
0x88: {  	v32 =	vld [tilespmem:s28+$0x5A0];
	v35 =	vmul.f32 v63, v56;
	[tilespmem:s28+$0x550] =	vst v31  }
0x89: {  	v37 =	vld [tilespmem:s28+$0x5D0];
	v33 =	vperm.xlane v16, v5;
	[tilespmem:s28+$0x540] =	vst v17;
	v17 =	vmul.f32 v62, v56  }
0x8a: {  	v61 =	vmul.f32 v53, v56;
	[tilespmem:s28+$0x570] =	vst v35;
	v36 =	vld [tilespmem:s28+$0x5C0]  }
0x8b: {  	v40 =	vld [tilespmem:s28+$0x5F0];
	[tilespmem:s28+$0x560] =	vst v17;
	v17 =	vmul.f32 v29, v33  }
0x8c: {  	[tilespmem:s28+$0x510] =	vst v61;
	v41 =	vmul.f32 v34, v33;
	v39 =	vld [tilespmem:s28+$0x5E0]  }
0x8d: {  	v30 =	vld [tilespmem:s28+$0x590];
	[tilespmem:s28+$0x580] =	vst v17;
	v17 =	vmul.f32 v32, v33  }
0x8e: {  	v44 =	vmul.f32 v37, v33;
	[tilespmem:s28+$0x5B0] =	vst v41;
	v42 =	vld [tilespmem:s28+$0x600]  }
0x8f: {  	v47 =	vld [tilespmem:s28+$0x630];
	[tilespmem:s28+$0x5A0] =	vst v17;
	v17 =	vmul.f32 v36, v33  }
0x90: {  	v45 =	vld [tilespmem:s28+$0x620];
	v48 =	vmul.f32 v40, v33;
	[tilespmem:s28+$0x5D0] =	vst v44  }
0x91: {  	v50 =	vld [tilespmem:s28+$0x650];
	v46 =	vperm.xlane v16, v6;
	[tilespmem:s28+$0x5C0] =	vst v17;
	v17 =	vmul.f32 v39, v33  }
0x92: {  	[tilespmem:s28+$0x5F0] =	vst v48;
	v38 =	vmul.f32 v30, v33;
	v49 =	vld [tilespmem:s28+$0x640]  }
0x93: {  	v53 =	vld [tilespmem:s28+$0x670];
	[tilespmem:s28+$0x5E0] =	vst v17;
	v17 =	vmul.f32 v42, v46  }
0x94: {  	[tilespmem:s28+$0x590] =	vst v38;
	v54 =	vmul.f32 v47, v46;
	v52 =	vld [tilespmem:s28+$0x660]  }
0x95: {  	v43 =	vld [tilespmem:s28+$0x610];
	[tilespmem:s28+$0x600] =	vst v17;
	v17 =	vmul.f32 v45, v46  }
0x96: {  	v57 =	vmul.f32 v50, v46;
	[tilespmem:s28+$0x630] =	vst v54;
	v55 =	vld [tilespmem:s28+$0x680]  }
0x97: {  	v60 =	vld [tilespmem:s28+$0x6B0];
	[tilespmem:s28+$0x620] =	vst v17;
	v17 =	vmul.f32 v49, v46  }
0x98: {  	v58 =	vld [tilespmem:s28+$0x6A0];
	v61 =	vmul.f32 v53, v46;
	[tilespmem:s28+$0x650] =	vst v57  }
0x99: {  	v63 =	vld [tilespmem:s28+$0x6D0];
	v59 =	vperm.xlane v16, v7;
	[tilespmem:s28+$0x640] =	vst v17;
	v17 =	vmul.f32 v52, v46  }
0x9a: {  	[tilespmem:s28+$0x670] =	vst v61;
	v51 =	vmul.f32 v43, v46;
	v62 =	vld [tilespmem:s28+$0x6C0]  }
0x9b: {  	v30 =	vld [tilespmem:s28+$0x6F0];
	[tilespmem:s28+$0x660] =	vst v17;
	v17 =	vmul.f32 v55, v59  }
0x9c: {  	[tilespmem:s28+$0x610] =	vst v51;
	v31 =	vmul.f32 v60, v59;
	v29 =	vld [tilespmem:s28+$0x6E0]  }
0x9d: {  	v56 =	vld [tilespmem:s28+$0x690];
	[tilespmem:s28+$0x680] =	vst v17;
	v17 =	vmul.f32 v58, v59  }
0x9e: {  	v34 =	vmul.f32 v63, v59;
	[tilespmem:s28+$0x6B0] =	vst v31;
	v32 =	vld [tilespmem:s28+$0x700]  }
0x9f: {  	v37 =	vld [tilespmem:s28+$0x730];
	[tilespmem:s28+$0x6A0] =	vst v17;
	v17 =	vmul.f32 v62, v59  }
0xa0: {  	v35 =	vld [tilespmem:s28+$0x720];
	v38 =	vmul.f32 v30, v59;
	[tilespmem:s28+$0x6D0] =	vst v34  }
0xa1: {  	v40 =	vld [tilespmem:s28+$0x750];
	v36 =	vperm.xlane v16, v8;
	[tilespmem:s28+$0x6C0] =	vst v17;
	v17 =	vmul.f32 v29, v59  }
0xa2: {  	[tilespmem:s28+$0x6F0] =	vst v38;
	v28 =	vmul.f32 v56, v59;
	v39 =	vld [tilespmem:s28+$0x740]  }
0xa3: {  	v43 =	vld [tilespmem:s28+$0x770];
	[tilespmem:s28+$0x6E0] =	vst v17;
	v17 =	vmul.f32 v32, v36  }
0xa4: {  	[tilespmem:s28+$0x690] =	vst v28;
	v44 =	vmul.f32 v37, v36;
	v42 =	vld [tilespmem:s28+$0x760]  }
0xa5: {  	v33 =	vld [tilespmem:s28+$0x710];
	[tilespmem:s28+$0x700] =	vst v17;
	v17 =	vmul.f32 v35, v36  }
0xa6: {  	v47 =	vmul.f32 v40, v36;
	[tilespmem:s28+$0x730] =	vst v44;
	v45 =	vld [tilespmem:s28+$0x780]  }
0xa7: {  	v50 =	vld [tilespmem:s28+$0x7B0];
	[tilespmem:s28+$0x720] =	vst v17;
	v17 =	vmul.f32 v39, v36  }
0xa8: {  	v48 =	vld [tilespmem:s28+$0x7A0];
	v51 =	vmul.f32 v43, v36;
	[tilespmem:s28+$0x750] =	vst v47  }
0xa9: {  	v53 =	vld [tilespmem:s28+$0x7D0];
	v49 =	vperm.xlane v16, v9;
	[tilespmem:s28+$0x740] =	vst v17;
	v17 =	vmul.f32 v42, v36  }
0xaa: {  	[tilespmem:s28+$0x770] =	vst v51;
	v41 =	vmul.f32 v33, v36;
	v52 =	vld [tilespmem:s28+$0x7C0]  }
0xab: {  	v56 =	vld [tilespmem:s28+$0x7F0];
	[tilespmem:s28+$0x760] =	vst v17;
	v17 =	vmul.f32 v45, v49  }
0xac: {  	[tilespmem:s28+$0x710] =	vst v41;
	v57 =	vmul.f32 v50, v49;
	v55 =	vld [tilespmem:s28+$0x7E0]  }
0xad: {  	v46 =	vld [tilespmem:s28+$0x790];
	[tilespmem:s28+$0x780] =	vst v17;
	v17 =	vmul.f32 v48, v49  }
0xae: {  	v60 =	vmul.f32 v53, v49;
	[tilespmem:s28+$0x7B0] =	vst v57;
	v58 =	vld [tilespmem:s28+$0x800]  }
0xaf: {  	v63 =	vld [tilespmem:s28+$0x830];
	[tilespmem:s28+$0x7A0] =	vst v17;
	v17 =	vmul.f32 v52, v49  }
0xb0: {  	v61 =	vld [tilespmem:s28+$0x820];
	v28 =	vmul.f32 v56, v49;
	[tilespmem:s28+$0x7D0] =	vst v60  }
0xb1: {  	v30 =	vld [tilespmem:s28+$0x850];
	v62 =	vperm.xlane v16, v10;
	[tilespmem:s28+$0x7C0] =	vst v17;
	v17 =	vmul.f32 v55, v49  }
0xb2: {  	[tilespmem:s28+$0x7F0] =	vst v28;
	v54 =	vmul.f32 v46, v49;
	v29 =	vld [tilespmem:s28+$0x840]  }
0xb3: {  	v33 =	vld [tilespmem:s28+$0x870];
	[tilespmem:s28+$0x7E0] =	vst v17;
	v17 =	vmul.f32 v58, v62  }
0xb4: {  	[tilespmem:s28+$0x790] =	vst v54;
	v34 =	vmul.f32 v63, v62;
	v32 =	vld [tilespmem:s28+$0x860]  }
0xb5: {  	v59 =	vld [tilespmem:s28+$0x810];
	[tilespmem:s28+$0x800] =	vst v17;
	v17 =	vmul.f32 v61, v62  }
0xb6: {  	v37 =	vmul.f32 v30, v62;
	[tilespmem:s28+$0x830] =	vst v34;
	v35 =	vld [tilespmem:s28+$0x880]  }
0xb7: {  	v40 =	vld [tilespmem:s28+$0x8B0];
	[tilespmem:s28+$0x820] =	vst v17;
	v17 =	vmul.f32 v29, v62  }
0xb8: {  	v38 =	vld [tilespmem:s28+$0x8A0];
	v41 =	vmul.f32 v33, v62;
	[tilespmem:s28+$0x850] =	vst v37  }
0xb9: {  	v43 =	vld [tilespmem:s28+$0x8D0];
	v39 =	vperm.xlane v16, v11;
	[tilespmem:s28+$0x840] =	vst v17;
	v17 =	vmul.f32 v32, v62  }
0xba: {  	[tilespmem:s28+$0x870] =	vst v41;
	v31 =	vmul.f32 v59, v62;
	v42 =	vld [tilespmem:s28+$0x8C0]  }
0xbb: {  	v46 =	vld [tilespmem:s28+$0x8F0];
	[tilespmem:s28+$0x860] =	vst v17;
	v17 =	vmul.f32 v35, v39  }
0xbc: {  	[tilespmem:s28+$0x810] =	vst v31;
	v47 =	vmul.f32 v40, v39;
	v45 =	vld [tilespmem:s28+$0x8E0]  }
0xbd: {  	v36 =	vld [tilespmem:s28+$0x890];
	[tilespmem:s28+$0x880] =	vst v17;
	v17 =	vmul.f32 v38, v39  }
0xbe: {  	v50 =	vmul.f32 v43, v39;
	[tilespmem:s28+$0x8B0] =	vst v47;
	v48 =	vld [tilespmem:s28+$0x900]  }
0xbf: {  	v53 =	vld [tilespmem:s28+$0x930];
	[tilespmem:s28+$0x8A0] =	vst v17;
	v17 =	vmul.f32 v42, v39  }
0xc0: {  	v51 =	vld [tilespmem:s28+$0x920];
	v54 =	vmul.f32 v46, v39;
	[tilespmem:s28+$0x8D0] =	vst v50  }
0xc1: {  	v56 =	vld [tilespmem:s28+$0x950];
	v52 =	vperm.xlane v16, v12;
	[tilespmem:s28+$0x8C0] =	vst v17;
	v17 =	vmul.f32 v45, v39  }
0xc2: {  	[tilespmem:s28+$0x8F0] =	vst v54;
	v44 =	vmul.f32 v36, v39;
	v55 =	vld [tilespmem:s28+$0x940]  }
0xc3: {  	v59 =	vld [tilespmem:s28+$0x970];
	[tilespmem:s28+$0x8E0] =	vst v17;
	v17 =	vmul.f32 v48, v52  }
0xc4: {  	[tilespmem:s28+$0x890] =	vst v44;
	v60 =	vmul.f32 v53, v52;
	v58 =	vld [tilespmem:s28+$0x960]  }
0xc5: {  	v49 =	vld [tilespmem:s28+$0x910];
	[tilespmem:s28+$0x900] =	vst v17;
	v17 =	vmul.f32 v51, v52  }
0xc6: {  	v63 =	vmul.f32 v56, v52;
	[tilespmem:s28+$0x930] =	vst v60;
	v61 =	vld [tilespmem:s28+$0x980]  }
0xc7: {  	v30 =	vld [tilespmem:s28+$0x9B0];
	[tilespmem:s28+$0x920] =	vst v17;
	v17 =	vmul.f32 v55, v52  }
0xc8: {  	v28 =	vld [tilespmem:s28+$0x9A0];
	v31 =	vmul.f32 v59, v52;
	[tilespmem:s28+$0x950] =	vst v63  }
0xc9: {  	v33 =	vld [tilespmem:s28+$0x9D0];
	v29 =	vperm.xlane v16, v13;
	[tilespmem:s28+$0x940] =	vst v17;
	v17 =	vmul.f32 v58, v52  }
0xca: {  	[tilespmem:s28+$0x970] =	vst v31;
	v57 =	vmul.f32 v49, v52;
	v32 =	vld [tilespmem:s28+$0x9C0]  }
0xcb: {  	v36 =	vld [tilespmem:s28+$0x9F0];
	[tilespmem:s28+$0x960] =	vst v17;
	v17 =	vmul.f32 v61, v29  }
0xcc: {  	[tilespmem:s28+$0x910] =	vst v57;
	v37 =	vmul.f32 v30, v29;
	v35 =	vld [tilespmem:s28+$0x9E0]  }
0xcd: {  	v62 =	vld [tilespmem:s28+$0x990];
	[tilespmem:s28+$0x980] =	vst v17;
	v17 =	vmul.f32 v28, v29  }
0xce: {  	v40 =	vmul.f32 v33, v29;
	[tilespmem:s28+$0x9B0] =	vst v37;
	v38 =	vld [tilespmem:s28+$0xA00]  }
0xcf: {  	v43 =	vld [tilespmem:s28+$0xA30];
	[tilespmem:s28+$0x9A0] =	vst v17;
	v17 =	vmul.f32 v32, v29  }
0xd0: {  	v41 =	vld [tilespmem:s28+$0xA20];
	v44 =	vmul.f32 v36, v29;
	[tilespmem:s28+$0x9D0] =	vst v40  }
0xd1: {  	v46 =	vld [tilespmem:s28+$0xA50];
	v42 =	vperm.xlane v16, v14;
	[tilespmem:s28+$0x9C0] =	vst v17;
	v17 =	vmul.f32 v35, v29  }
0xd2: {  	[tilespmem:s28+$0x9F0] =	vst v44;
	v34 =	vmul.f32 v62, v29;
	v45 =	vld [tilespmem:s28+$0xA40]  }
0xd3: {  	v49 =	vld [tilespmem:s28+$0xA70];
	[tilespmem:s28+$0x9E0] =	vst v17;
	v17 =	vmul.f32 v38, v42  }
0xd4: {  	[tilespmem:s28+$0x990] =	vst v34;
	v50 =	vmul.f32 v43, v42;
	v48 =	vld [tilespmem:s28+$0xA60]  }
0xd5: {  	v39 =	vld [tilespmem:s28+$0xA10];
	[tilespmem:s28+$0xA00] =	vst v17;
	v17 =	vmul.f32 v41, v42  }
0xd6: {  	v53 =	vmul.f32 v46, v42;
	[tilespmem:s28+$0xA30] =	vst v50;
	v51 =	vld [tilespmem:s28+$0xA80]  }
0xd7: {  	v55 =	vld [tilespmem:s28+$0xAB0];
	[tilespmem:s28+$0xA20] =	vst v17;
	v17 =	vmul.f32 v45, v42  }
0xd8: {  	v54 =	vld [tilespmem:s28+$0xAA0];
	v56 =	vmul.f32 v49, v42;
	[tilespmem:s28+$0xA50] =	vst v53  }
0xd9: {  	v16 =	vperm.xlane v16, v15;
	v52 =	vld [tilespmem:s28+$0xA90];
	[tilespmem:s28+$0xA40] =	vst v17;
	v17 =	vmul.f32 v48, v42  }
0xda: {  	v57 =	vld [tilespmem:s28+$0xAC0];
	[tilespmem:s28+$0xA70] =	vst v56;
	v47 =	vmul.f32 v39, v42  }
0xdb: {  	v58 =	vld [tilespmem:s28+$0xAD0];
	[tilespmem:s28+$0xA60] =	vst v17;
	v17 =	vmul.f32 v51, v16  }
0xdc: {  	v60 =	vld [tilespmem:s28+$0xAE0];
	[tilespmem:s28+$0xA10] =	vst v47;
	v62 =	vmul.f32 v55, v16  }
0xdd: {  	v61 =	vld [tilespmem:s28+$0xAF0];
	[tilespmem:s28+$0xA80] =	vst v17;
	v17 =	vmul.f32 v54, v16  }
0xde: {  	v59 =	vmul.f32 v52, v16;
	[tilespmem:s28+$0xAB0] =	vst v62  }
0xdf: {  	p0 =	sne.s32 s26, $0x7;
	[tilespmem:s28+$0xAA0] =	vst v17;
	v17 =	vmul.f32 v57, v16  }
.Ltmp0:
0xe0: {  	v63 =	vmul.f32 v58, v16;
	[tilespmem:s28+$0xA90] =	vst v59;
	(pc) =	sbr.rel @p0 .LBB2_3-.Ltmp0, $4  }
0xe1: {  	[tilespmem:s28+$0xAC0] =	vst v17;
	v17 =	vmul.f32 v60, v16  }
0xe2: {  	[tilespmem:s28+$0xAD0] =	vst v63;
	v16 =	vmul.f32 v61, v16  }
0xe3: {  	[tilespmem:s28+$0xAE0] =	vst v17  }
0xe4: {  	s26 =	sadd.s32 $0x1, s26;
	[tilespmem:s28+$0xAF0] =	vst v16  }
0xe5: {  	s25 =	sadd.s32 $0x1, s25  }
0xe6: {  	p0 =	sne.s32 s25, $0x4F  }
.Ltmp1:
0xe7: {  	_ = 	snop;
	(pc) =	sbr.rel @p0 .LBB2_2-.Ltmp1, $4  }
0xe8: {  	[spmem:s2] =	stream.indirect.scatter.add.f32 [tilespmem:s20], [sflag:$0x2], $0x80, s18, s18, $0xb8;
	[tilespmem:$0x18300] =	vst v63  }
0xe9: {  	_ =	swait.ge [sflag:s17], $0x4000  }
0xea: {  	[sflag:s17] =	ssyncset.done $0x0  }
0xeb: {  	[sflag:s17] =	ssyncadd.s32 $0xFFFFC000  }
0xec: {  	s3 =	sadd.s32 $0x1, s3  }
0xed: {  	p0 =	sne.s32 s3, s14  }
.Ltmp2:
0xee: {  	[bflag:$0x0] =	sbarrier.arrive $0xFFFF;
	(pc) =	sbr.rel @p0 .LBB2_1-.Ltmp2, $4  }
0xef: {  	[hbm:s15], [sflag:s12] =	dma.local [spmem:s16], $0x2800  }
0xf0: {  	_ =	swait.ge [sflag:s17], $0x2800  }
0xf1: {  	[sflag:s17] =	ssyncset.done $0x0  }
0xf2: {  	[sflag:s17] =	ssyncadd.s32 $0xFFFFD800  }
0xf3: {  	_ =	sfence.sel $0x180000  }
0xf4: {  	[bflag:$0x0] =	sbarrier.arrive $0xFFFF  }
0xf5: {  	p0 =	sne.s32 s7, $0x0;
	_ =	strace $0x9000004A  }
0xf6: {  	s0 =	sadd.s32 @!p0 $0x100000, s0;
	[bflag:$0x2] =	sbarrier.arrive $0xFFFF  }
0xf7: {  	[sflag:s0] =	ssyncadd.tile.s32 @!p0 $0x1;
	_ =	shalt  }
.Lfunc_end2:
_tile_overlayer_lowered:
.L_overlay_start_2:
0xf8: {  	(tag) =	ssettag $0x2  }
0xf9: {  	s0 =	rddreg [dreg:$0x0];
	s2 =	stileid.u32  }
0xfa: {  	s1 =	rddreg [dreg:$0x1];
	p0 =	sne.s32 s2, $0x0  }
0xfb: {  	s3 =	rddreg [dreg:$0x2];
	[bflag:$0x3] =	sbarrier.arrive $0xFFFF;
	s2 =	simm.s32 @!p0 $0x1C02  }
0xfc: {  	[timem:s3], [sflag:s2] =	dma.local @!p0 [hbm:s0], s1  }
0xfd: {  	s0 =	simm.s32 @!p0 $0x2  }
0xfe: {  	_ =	swait.ge @!p0 [sflag:s0], s1  }
0xff: {  	s1 =	ssub.s32 @!p0 $0x0, s1;
	[sflag:s0] =	ssyncset.done @!p0 $0x0  }
0x100: {  	[sflag:s0] =	ssyncadd.s32 @!p0 s1  }
0x101: {  	[bflag:$0x3] =	sbarrier.arrive $0xFFFF  }
0x102: {  	_ =	shalt  }

// kernel: kernel.13.cloned.1.call-start
scs
__scs_entry_jumppad:
0x0: {  	(pc) =	sbr.rel $0x88, $3  }
0x1: {  	(tag) =	ssettag $0x0;
	lr =	simm.s32 $0x1  }
0x2: {  	[smem:$0x3F9A] =	sst lr;
	_ =	strace $0xD0000000  }
0x3: {  	_ = 	snop  }
0x4: {  	_ = 	snop  }
0x5: {  	_ = 	snop  }
0x6: {  	_ = 	snop  }
0x7: {  	_ = 	snop  }
__scs_overlays_trampoline_lowered:
0x8: {  	[smem:$0x3FA9] =	sst s0  }
0x9: {  	[smem:$0x3FAA] =	sst s1  }
0xa: {  	[smem:$0x3FAB] =	sst s2  }
0xb: {  	[smem:$0x3FAC] =	sst s3  }
0xc: {  	[smem:$0x3FAD] =	sst s4  }
0xd: {  	[smem:$0x3FAE] =	sst s5  }
0xe: {  	[smem:$0x3FAF] =	sst s6  }
0xf: {  	[smem:$0x3FB0] =	sst s7  }
0x10: {  	[smem:$0x3FB1] =	sst s8  }
0x11: {  	[smem:$0x3FB2] =	sst s9;
	s0 =	simm.s32 @!p0 $0x0  }
0x12: {  	s1 =	sld [smem:$0x3F98];
	s0 =	simm.s32 @p0 $0x1  }
0x13: {  	[smem:$0x3FB3] =	sst s0;
	s0 =	simm.s32 @!p1 $0x0  }
0x14: {  	s2 =	sld [smem:$0x3F97];
	s0 =	simm.s32 @p1 $0x1  }
0x15: {  	[smem:$0x3FB4] =	sst s0;
	s0 =	simm.s32 @!p2 $0x0  }
0x16: {  	s3 =	sld [smem:$0x3FDB];
	s0 =	simm.s32 @p2 $0x1  }
0x17: {  	s4 =	simm.s32 $0x1BF5;
	[smem:$0x3FB6] =	sst s0  }
0x18: {  	s0 =	sld [smem:$0x3F99];
	_ =	swait.ge [sflag:s4], $0x0  }
0x19: {  	s7 =	sld [smem:$0x3F9A]  }
0x1a: {  	s8 =	sadd.s32 $0xFFFFE003, lr  }
0x1b: {  	s9 =	sadd.s32 $0xFFFFFEF7, lr;
	s5 =	simm.s32 $0xFFFFFFFF;
	p2 =	slt.u32 s8, $0xFFFFF086  }
0x1c: {  	p1 =	slt.u32 s9, $0xF7A;
	s5 =	simm.s32 @!p2 $0x0  }
0x1d: {  	s5 =	simm.s32 @p1 $0x1;
	p0 =	seq.s32 s7, s2  }
0x1e: {  	s7 =	smul.u32 @!p0 $0xF7A, s2;
	p2 =	seq.s32 @!p0 s5, $0x0  }
0x1f: {  	s9 =	smul.u32 $0xF7A, s1;
	s8 =	simm.s32 @!p0 $0x1BF5;
	p2 =	por !p2, p0  }
0x20: {  	[sflag:s8] =	ssyncset.s32 @!p0 $0xFFFFF086;
	s6 =	sadd.s32 @!p0 s3, s7;
	s7 =	simm.s32 @!p0 $0x108  }
0x21: {  	s3 =	sadd.s32 s3, s9;
	s6 =	sadd.s32 @!p0 $0x88, s6;
	s7 =	simm.s32 @p2 $0x1082  }
0x22: {  	[simem:s7], [sflag:s8] =	dma.local @!p0 [hbm:s6], $0xF7A  }
0x23: {  	s9 =	sor.u32 $0xD0000000, s2;
	s6 =	simm.s32 $0x108;
	_ =	swait.ge @!p0 [sflag:s8], $0x0  }
0x24: {  	s3 =	sadd.s32 $0x88, s3;
	s6 =	simm.s32 @!p1 $0x1082;
	[sflag:s4] =	ssyncset.s32 $0xFFFFF086  }
0x25: {  	[simem:s6], [sflag:s4] =	dma.local [hbm:s3], $0xF7A  }
0x26: {  	[smem:$0x3F9A] =	sst s1;
	(tag) =	ssettag s2;
	_ =	strace s9  }
0x27: {  	s1 =	sld [smem:$0x3FAA]  }
0x28: {  	s2 =	sld [smem:$0x3FAB]  }
0x29: {  	s4 =	sld [smem:$0x3FAD]  }
0x2a: {  	p0 =	seq.s32 s5, $0x0;
	s5 =	sld [smem:$0x3FAE]  }
0x2b: {  	s6 =	sld [smem:$0x3FAF]  }
0x2c: {  	s7 =	sld [smem:$0x3FB0]  }
0x2d: {  	s3 =	simm.s32 $0x108;
	s8 =	sld [smem:$0x3FB1]  }
0x2e: {  	s3 =	simm.s32 @!p0 $0x1082;
	s9 =	sld [smem:$0x3FB2]  }
0x2f: {  	lr =	sadd.s32 s0, s3;
	s0 =	sld [smem:$0x3FA9]  }
0x30: {  	s3 =	sld [smem:$0x3FAC]  }
0x31: {  	[smem:$0x3FB5] =	sst s10  }
0x32: {  	s10 =	sld [smem:$0x3FB3];
	_ =	sdelay $0x3  }
0x33: {  	p0 =	seq.s32 s10, $0x1;
	s10 =	sld [smem:$0x3FB5];
	_ =	sdelay $0x3  }
0x34: {  	[smem:$0x3FB5] =	sst s10  }
0x35: {  	s10 =	sld [smem:$0x3FB4];
	_ =	sdelay $0x3  }
0x36: {  	p1 =	seq.s32 s10, $0x1;
	s10 =	sld [smem:$0x3FB5];
	_ =	sdelay $0x3  }
0x37: {  	[smem:$0x3FB5] =	sst s10  }
0x38: {  	s10 =	sld [smem:$0x3FB6]  }
0x39: {  	_ = 	snop;
	(pc) =	sbr.ind lr, $3  }
0x3a: {  	_ = 	snop  }
0x3b: {  	_ = 	snop  }
0x3c: {  	p2 =	seq.s32 s10, $0x1;
	s10 =	sld [smem:$0x3FB5]  }
0x3d: {  	_ =	shalt  }
0x3e: {  	_ =	shalt  }
0x3f: {  	_ =	shalt  }
0x40: {  	_ =	shalt  }
0x41: {  	_ =	shalt  }
0x42: {  	_ =	shalt  }
0x43: {  	_ =	shalt  }
0x44: {  	_ =	shalt  }
0x45: {  	_ =	shalt  }
0x46: {  	_ =	shalt  }
0x47: {  	_ =	shalt  }
0x48: {  	_ =	shalt  }
0x49: {  	_ =	shalt  }
0x4a: {  	_ =	shalt  }
0x4b: {  	_ =	shalt  }
0x4c: {  	_ =	shalt  }
0x4d: {  	_ =	shalt  }
0x4e: {  	_ =	shalt  }
0x4f: {  	_ =	shalt  }
0x50: {  	_ =	shalt  }
0x51: {  	_ =	shalt  }
0x52: {  	_ =	shalt  }
0x53: {  	_ =	shalt  }
0x54: {  	_ =	shalt  }
0x55: {  	_ =	shalt  }
0x56: {  	_ =	shalt  }
0x57: {  	_ =	shalt  }
0x58: {  	_ =	shalt  }
0x59: {  	_ =	shalt  }
0x5a: {  	_ =	shalt  }
0x5b: {  	_ =	shalt  }
0x5c: {  	_ =	shalt  }
0x5d: {  	_ =	shalt  }
0x5e: {  	_ =	shalt  }
0x5f: {  	_ =	shalt  }
0x60: {  	_ =	shalt  }
0x61: {  	_ =	shalt  }
0x62: {  	_ =	shalt  }
0x63: {  	_ =	shalt  }
0x64: {  	_ =	shalt  }
0x65: {  	_ =	shalt  }
0x66: {  	_ =	shalt  }
0x67: {  	_ =	shalt  }
0x68: {  	_ =	shalt  }
0x69: {  	_ =	shalt  }
0x6a: {  	_ =	shalt  }
0x6b: {  	_ =	shalt  }
0x6c: {  	_ =	shalt  }
0x6d: {  	_ =	shalt  }
0x6e: {  	_ =	shalt  }
0x6f: {  	_ =	shalt  }
0x70: {  	_ =	shalt  }
0x71: {  	_ =	shalt  }
0x72: {  	_ =	shalt  }
0x73: {  	_ =	shalt  }
0x74: {  	_ =	shalt  }
0x75: {  	_ =	shalt  }
0x76: {  	_ =	shalt  }
0x77: {  	_ =	shalt  }
0x78: {  	_ =	shalt  }
0x79: {  	_ =	shalt  }
0x7a: {  	_ =	shalt  }
0x7b: {  	_ =	shalt  }
0x7c: {  	_ =	shalt  }
0x7d: {  	_ =	shalt  }
0x7e: {  	_ =	shalt  }
0x7f: {  	_ =	shalt  }
0x80: {  	_ =	shalt  }
0x81: {  	_ =	shalt  }
0x82: {  	_ =	shalt  }
0x83: {  	_ =	shalt  }
0x84: {  	_ =	shalt  }
0x85: {  	_ =	shalt  }
0x86: {  	_ =	shalt  }
0x87: {  	_ =	shalt  }
.Lfunc_end0:
.L_simem_size_0:
called_computation.2_lowered:
.L_overlay_start_0:
0x88: {  	s2 =	sld [smem:$0x3FD9]  }
0x89: {  	s3 =	sld [smem:$0x3FFE];
	_ =	sdelay $0x1  }
0x8a: {  	s1 =	srdreg.scid  }
0x8b: {  	s0 =	sand.u32 $0x1, s1  }
0x8c: {  	s17 =	sshll.u32 s0, $0xA;
	s2 =	sadd.s32 s3, s2  }
0x8d: {  	s2 =	sadd.s32 s2, s17  }
0x8e: {  	[smem:$0x3FC1] =	sst s2  }
0x8f: {  	_ = 	snop  }
0x90: {  	s2 =	sld [smem:$0x3FD0];
	(tm) =	ssettm $0x1  }
0x91: {  	s18 =	sld [smem:$0x3FFB];
	_ =	sdelay $0x3  }
0x92: {  	_ =	strace s18  }
0x93: {  	s3 =	sld [smem:$0x3FFC];
	_ =	sdelay $0x3  }
0x94: {  	_ =	strace s3  }
0x95: {  	s3 =	sld [smem:$0x3FFD];
	_ =	sdelay $0x3  }
0x96: {  	_ =	strace s3  }
0x97: {  	_ =	strace $0x8FFFFFFF  }
0x98: {  	s19 =	sld [smem:$0x3FDB];
	_ =	sdelay $0x1  }
0x99: {  	s4 =	simm.s32 $_scs_section_size  }
0x9a: {  	s5 =	simm.s32 $_size__tile_overlayer_lowered;
	s6 =	simm.s32 $_tile_overlayer_lowered  }
0x9b: {  	s22 =	simm.s32 $0x1BFF;
	s21 =	sshll.u32 s6, $0x1;
	s3 =	sadd.s32 s4, s19  }
0x9c: {  	s7 =	simm.s32 $0x0;
	s20 =	sshll.u32 s5, $0x1;
	s5 =	sadd.s32 s21, s3  }
0x9d: {  	[timem:s7], [sflag:s22] =	dma.local [hbm:s5], s20  }
0x9e: {  	_ =	swait.ge [sflag:s22], s20  }
0x9f: {  	s4 =	ssub.s32 $0x0, s20;
	[sflag:s22] =	ssyncset.done $0x0  }
0xa0: {  	[sflag:s22] =	ssyncadd.s32 s4;
	_ =	sdelay $0x1  }
0xa1: {  	s23 =	simm.s32 $0x1B8B  }
0xa2: {  	_ =	swait.ge [sflag:s23], $0x1  }
0xa3: {  	[sflag:s23] =	ssyncset.done $0x0  }
0xa4: {  	s25 =	simm.s32 $0x1B8E;
	s24 =	sld [smem:$0x3FFE];
	[sflag:s23] =	ssyncadd.s32 $0xFFFFFFFF  }
0xa5: {  	s26 =	simm.s32 $execute0_lowered;
	[smem:$0x3FD2] =	sst s25  }
0xa6: {  	s5 =	sshll.u32 s26, $0x1;
	_ =	strace $0x8000004C;
	[dreg:$0x1] =	wrdreg $0xFFFFFFFF  }
0xa7: {  	s28 =	simm.s32 $_size_execute0_lowered;
	s3 =	sadd.s32 s3, s5;
	[dreg:$0x0] =	wrdreg $0x0  }
0xa8: {  	s5 =	sshll.u32 s28, $0x1;
	[dreg:$0x2] =	wrdreg s3  }
0xa9: {  	[dreg:$0x3] =	wrdreg s5  }
0xaa: {  	[dreg:$0x4] =	wrdreg $0xC0  }
0xab: {  	_ =	task [dreg:s7], $0x5FFFF  }
0xac: {  	[dreg:$0x1] =	wrdreg $0xFFFFFFFF  }
0xad: {  	[dreg:$0x0] =	wrdreg $0x60  }
0xae: {  	[dreg:$0x2] =	wrdreg s24  }
0xaf: {  	[dreg:$0x3] =	wrdreg s2  }
0xb0: {  	[dreg:$0x4] =	wrdreg $0x41800  }
0xb1: {  	[dreg:$0x5] =	wrdreg $0x9  }
0xb2: {  	_ =	task.clear_ibuf [dreg:s7], $0x6FFFF;
	_ =	strace $0x9000004C  }
0xb3: {  	s29 =	simm.s32 $0x9;
	_ =	strace $0x8000004E  }
0xb4: {  	_ =	swait.ge [sflag:s29], $0x1  }
0xb5: {  	[sflag:s29] =	ssyncadd.s32 $0xFFFFFFFF  }
0xb6: {  	_ =	strace $0x9000004E  }
0xb7: {  	_ =	sfence  }
0xb8: {  	s30 =	sld [smem:$0x0];
	_ =	sdelay $0x2  }
0xb9: {  	s31 =	sshll.u32 s1, $0xD;
	s1 =	sshrl.u32 s1, $0x2  }
0xba: {  	s3 =	sand.u32 $0x4000, s31;
	s1 =	sadd.s32 s1, s30  }
0xbb: {  	s0 =	sor.u32 s3, s0;
	s1 =	sshll.u32 s1, $0x11  }
0xbc: {  	s0 =	sor.u32 s1, s0  }
0xbd: {  	s0 =	sadd.s32 $0x8F2B, s0  }
0xbe: {  	[sflag:s0] =	ssyncadd.remote.s32 $0x1  }
0xbf: {  	_ =	sfence.sel $0xFFFF  }
0xc0: {  	[dreg:$0x0] =	wrdreg $0xFFFFFFFF;
	(pc) =	sbr.abs _section_cstart, $3  }
0xc1: {  	[dreg:$0x1] =	wrdreg $0xFFFFFFFF  }
0xc2: {  	_ =	task.clear_ibuf [dreg:s7], $0x2FFFF;
	_ =	strace $0x9FFFFFFF  }
0xc3: {  	(tm) =	ssettm $0x7FFFFFFF  }
tec
execute0_lowered:
.L_overlay_start_1:
0x0: {  	(tag) =	ssettag $0x1  }
0x1: {  	s10 =	rddreg [dreg:$0x0]  }
0x2: {  	s1 =	rddreg [dreg:$0x1]  }
0x3: {  	s2 =	rddreg [dreg:$0x2]  }
0x4: {  	s0 =	rddreg [dreg:$0x3];
	s3 =	simm.s32 $0x0  }
0x5: {  	s4 =	srdreg.scid;
	s16 =	simm.s32 $0x100;
	s17 =	simm.s32 $0x180  }
0x6: {  	s18 =	simm.s32 $0x1;
	[smem:$0x7FF] =	sst s3;
	s5 =	sadd.s32 $0x17800, s10  }
0x7: {  	s6 =	sadd.s32 $0xDA00, s10;
	s9 =	sand.u32 $0x1, s4;
	s7 =	sadd.s32 $0x92E00, s10  }
0x8: {  	s4 =	stileid.u32;
	s8 =	sadd.s32 $0x40600, s10;
	_ =	strace $0x8000004D  }
0x9: {  	s11 =	ssub.s32 $0x2, s9;
	s13 =	sshll.u32 s4, $0x1;
	s14 =	smul.u32 $0x50000, s4  }
0xa: {  	v0 =	vimm.s32 $0x0;
	p0 =	seq.s32 s9, $0x1;
	s31 =	sshll.u32 s4, $0x6;
	s15 =	smul.u32 $0x2800, s4  }
0xb: {  	v1 =	vimm.s32 $0x1;
	v2 =	vimm.s32 $0x2;
	v3 =	vimm.s32 $0x3;
	s12 =	sshrl.u32 s11, $0x1;
	s29 =	sor.u32 s9, s13;
	s9 =	sor.u32 $0x1C02, s31  }
0xc: {  	v4 =	vimm.s32 $0x4;
	v5 =	vimm.s32 $0x5;
	v6 =	vimm.s32 $0x6;
	s11 =	ssub.s32 s11, s12;
	s30 =	sshrl.u32 s14, $0x2;
	s14 =	simm.s32 $0x6AE00  }
0xd: {  	v7 =	vimm.s32 $0x7;
	v8 =	vimm.s32 $0x8;
	v9 =	vimm.s32 $0x9;
	s14 =	simm.s32 @!p0 $0x42E00;
	s13 =	sadd.s32 s30, s2;
	s11 =	smax.u32 s11, $0x1  }
0xe: {  	v10 =	vimm.s32 $0xA;
	v11 =	vimm.s32 $0xB;
	v12 =	vimm.s32 $0xC;
	s14 =	sadd.s32 s14, s10;
	s10 =	smul.u32 $0x4F, s29;
	s13 =	sshrl.u32 s13, $0x3  }
0xf: {  	v13 =	vimm.s32 $0xD;
	v14 =	vimm.s32 $0xE;
	v15 =	vimm.s32 $0xF;
	s12 =	sadd.s32 s14, s15;
	s14 =	simm.s32 $0x2;
	s15 =	simm.s32 $0x80  }
.LBB2_1:
0x10: {  	[spmem:s13], [sflag:s9] =	dma.local [hbm:s8], $0x2800  }
0x11: {  	_ =	swait.ge [sflag:s14], $0x2800  }
0x12: {  	[sflag:s14] =	ssyncset.done $0x0  }
0x13: {  	[sflag:s14] =	ssyncadd.s32 $0xFFFFD800  }
0x14: {  	s19 =	simm.s32 $0x0;
	[bflag:$0x0] =	sbarrier.arrive $0xFFFF  }
.LBB2_2:
0x15: {  	s20 =	sadd.s32 s10, s19  }
0x16: {  	s21 =	sshll.u32 s20, $0x4  }
0x17: {  	s20 =	simm.s32 $0x0;
	s22 =	sadd.s32 s1, s21  }
0x18: {  	[tilespmem:s20], [sflag:$0x2] =	stream.linear.gather [hbm4b:s22+s20], $0x80, $0x38;
	[tilespmem:$0x18180] =	vst v63  }
0x19: {  	_ =	swait.ge [sflag:s14], $0x80  }
0x1a: {  	[sflag:s14] =	ssyncset.done $0x0  }
0x1b: {  	s31 =	sadd.s32 s6, s21;
	[sflag:s14] =	ssyncadd.s32 $0xFFFFFF80  }
0x1c: {  	[tilespmem:s15], [sflag:$0x2] =	stream.linear.gather [hbm4b:s31+s20], $0x80, $0x38;
	[tilespmem:$0x18180] =	vst v63  }
0x1d: {  	_ =	swait.ge [sflag:s14], $0x80  }
0x1e: {  	[sflag:s14] =	ssyncset.done $0x0  }
0x1f: {  	s21 =	sadd.s32 s7, s21;
	[sflag:s14] =	ssyncadd.s32 $0xFFFFFF80  }
0x20: {  	[tilespmem:s16], [sflag:$0x2] =	stream.linear.gather [hbm4b:s21+s20], $0x80, $0x38;
	[tilespmem:$0x18180] =	vst v63  }
0x21: {  	_ =	swait.ge [sflag:s14], $0x80  }
0x22: {  	[sflag:s14] =	ssyncset.done $0x0  }
0x23: {  	[sflag:s14] =	ssyncadd.s32 $0xFFFFFF80  }
0x24: {  	[tilespmem:s17], [sflag:$0x1] =	stream.indirect.gather [hbm4b:s5+s15], $0x80, s20, s15, $0xb8;
	[tilespmem:$0x18180] =	vst v63  }
0x25: {  	_ =	swait.ge [sflag:s18], $0x4000  }
0x26: {  	[sflag:s18] =	ssyncset.done $0x0  }
0x27: {  	[sflag:s18] =	ssyncadd.s32 $0xFFFFC000  }
.LBB2_3:
0x28: {  	s21 =	sshll.u32 s20, $0x4  }
0x29: {  	s21 =	sand.u32 $0x3FFFFFF0, s21  }
0x2a: {  	s31 =	sshll.u32 s20, $0xB;
	v16 =	vld [tilespmem:s21+$0x100]  }
0x2b: {  	s21 =	sand.u32 $0x3FFFF800, s31  }
0x2c: {  	v17 =	vld [tilespmem:s21+$0x180]  }
0x2d: {  	v18 =	vld [tilespmem:s21+$0x190]  }
0x2e: {  	v19 =	vld [tilespmem:s21+$0x1A0]  }
0x2f: {  	v21 =	vld [tilespmem:s21+$0x1B0];
	v20 =	vperm.xlane v16, v0  }
0x30: {  	v22 =	vld [tilespmem:s21+$0x1C0]  }
0x31: {  	v23 =	vld [tilespmem:s21+$0x1D0];
	v17 =	vmul.f32 v17, v20  }
0x32: {  	v24 =	vld [tilespmem:s21+$0x1E0];
	v18 =	vmul.f32 v18, v20  }
0x33: {  	v48 =	vld [tilespmem:s21+$0x1F0];
	[tilespmem:s21+$0x180] =	vst v17;
	v17 =	vmul.f32 v19, v20  }
0x34: {  	v50 =	vld [tilespmem:s21+$0x200];
	v49 =	vmul.f32 v21, v20;
	[tilespmem:s21+$0x190] =	vst v18  }
0x35: {  	v51 =	vld [tilespmem:s21+$0x210];
	[tilespmem:s21+$0x1A0] =	vst v17;
	v17 =	vmul.f32 v22, v20  }
0x36: {  	v53 =	vld [tilespmem:s21+$0x220];
	v52 =	vmul.f32 v23, v20;
	[tilespmem:s21+$0x1B0] =	vst v49  }
0x37: {  	v25 =	vld [tilespmem:s21+$0x230];
	v54 =	vperm.xlane v16, v1;
	[tilespmem:s21+$0x1C0] =	vst v17;
	v17 =	vmul.f32 v24, v20  }
0x38: {  	v56 =	vld [tilespmem:s21+$0x240];
	v55 =	vmul.f32 v48, v20;
	[tilespmem:s21+$0x1D0] =	vst v52  }
0x39: {  	v57 =	vld [tilespmem:s21+$0x250];
	[tilespmem:s21+$0x1E0] =	vst v17;
	v17 =	vmul.f32 v50, v54  }
0x3a: {  	v59 =	vld [tilespmem:s21+$0x260];
	v58 =	vmul.f32 v51, v54;
	[tilespmem:s21+$0x1F0] =	vst v55  }
0x3b: {  	v60 =	vld [tilespmem:s21+$0x270];
	[tilespmem:s21+$0x200] =	vst v17;
	v17 =	vmul.f32 v53, v54  }
0x3c: {  	v62 =	vld [tilespmem:s21+$0x280];
	v61 =	vmul.f32 v25, v54;
	[tilespmem:s21+$0x210] =	vst v58  }
0x3d: {  	v63 =	vld [tilespmem:s21+$0x290];
	[tilespmem:s21+$0x220] =	vst v17;
	v17 =	vmul.f32 v56, v54  }
0x3e: {  	v29 =	vld [tilespmem:s21+$0x2A0];
	v28 =	vmul.f32 v57, v54;
	[tilespmem:s21+$0x230] =	vst v61  }
0x3f: {  	v31 =	vld [tilespmem:s21+$0x2B0];
	v30 =	vperm.xlane v16, v2;
	[tilespmem:s21+$0x240] =	vst v17;
	v17 =	vmul.f32 v59, v54  }
0x40: {  	v33 =	vld [tilespmem:s21+$0x2C0];
	v32 =	vmul.f32 v60, v54;
	[tilespmem:s21+$0x250] =	vst v28  }
0x41: {  	v34 =	vld [tilespmem:s21+$0x2D0];
	[tilespmem:s21+$0x260] =	vst v17;
	v17 =	vmul.f32 v62, v30  }
0x42: {  	v36 =	vld [tilespmem:s21+$0x2E0];
	v35 =	vmul.f32 v63, v30;
	[tilespmem:s21+$0x270] =	vst v32  }
0x43: {  	v37 =	vld [tilespmem:s21+$0x2F0];
	[tilespmem:s21+$0x280] =	vst v17;
	v17 =	vmul.f32 v29, v30  }
0x44: {  	v39 =	vld [tilespmem:s21+$0x300];
	v38 =	vmul.f32 v31, v30;
	[tilespmem:s21+$0x290] =	vst v35  }
0x45: {  	v40 =	vld [tilespmem:s21+$0x310];
	[tilespmem:s21+$0x2A0] =	vst v17;
	v17 =	vmul.f32 v33, v30  }
0x46: {  	v42 =	vld [tilespmem:s21+$0x320];
	v41 =	vmul.f32 v34, v30;
	[tilespmem:s21+$0x2B0] =	vst v38  }
0x47: {  	v44 =	vld [tilespmem:s21+$0x330];
	v43 =	vperm.xlane v16, v3;
	[tilespmem:s21+$0x2C0] =	vst v17;
	v17 =	vmul.f32 v36, v30  }
0x48: {  	v46 =	vld [tilespmem:s21+$0x340];
	v45 =	vmul.f32 v37, v30;
	[tilespmem:s21+$0x2D0] =	vst v41  }
0x49: {  	v50 =	vld [tilespmem:s21+$0x370];
	[tilespmem:s21+$0x2E0] =	vst v17;
	v17 =	vmul.f32 v39, v43  }
0x4a: {  	v48 =	vmul.f32 v40, v43;
	[tilespmem:s21+$0x2F0] =	vst v45;
	v49 =	vld [tilespmem:s21+$0x360]  }
0x4b: {  	v47 =	vld [tilespmem:s21+$0x350];
	[tilespmem:s21+$0x300] =	vst v17;
	v17 =	vmul.f32 v42, v43  }
0x4c: {  	v51 =	vmul.f32 v44, v43;
	[tilespmem:s21+$0x310] =	vst v48;
	v52 =	vld [tilespmem:s21+$0x380]  }
0x4d: {  	v57 =	vld [tilespmem:s21+$0x3B0];
	[tilespmem:s21+$0x320] =	vst v17;
	v17 =	vmul.f32 v46, v43  }
0x4e: {  	[tilespmem:s21+$0x330] =	vst v51;
	v55 =	vld [tilespmem:s21+$0x3A0];
	v58 =	vmul.f32 v50, v43  }
0x4f: {  	v60 =	vld [tilespmem:s21+$0x3D0];
	v56 =	vperm.xlane v16, v4;
	[tilespmem:s21+$0x340] =	vst v17;
	v17 =	vmul.f32 v49, v43  }
0x50: {  	v54 =	vmul.f32 v47, v43;
	v59 =	vld [tilespmem:s21+$0x3C0];
	[tilespmem:s21+$0x370] =	vst v58  }
0x51: {  	v63 =	vld [tilespmem:s21+$0x3F0];
	[tilespmem:s21+$0x360] =	vst v17;
	v17 =	vmul.f32 v52, v56  }
0x52: {  	v28 =	vmul.f32 v57, v56;
	[tilespmem:s21+$0x350] =	vst v54;
	v62 =	vld [tilespmem:s21+$0x3E0]  }
0x53: {  	v53 =	vld [tilespmem:s21+$0x390];
	[tilespmem:s21+$0x380] =	vst v17;
	v17 =	vmul.f32 v55, v56  }
0x54: {  	v31 =	vmul.f32 v60, v56;
	[tilespmem:s21+$0x3B0] =	vst v28;
	v29 =	vld [tilespmem:s21+$0x400]  }
0x55: {  	v34 =	vld [tilespmem:s21+$0x430];
	[tilespmem:s21+$0x3A0] =	vst v17;
	v17 =	vmul.f32 v59, v56  }
0x56: {  	v32 =	vld [tilespmem:s21+$0x420];
	v35 =	vmul.f32 v63, v56;
	[tilespmem:s21+$0x3D0] =	vst v31  }
0x57: {  	v37 =	vld [tilespmem:s21+$0x450];
	v33 =	vperm.xlane v16, v5;
	[tilespmem:s21+$0x3C0] =	vst v17;
	v17 =	vmul.f32 v62, v56  }
0x58: {  	v61 =	vmul.f32 v53, v56;
	[tilespmem:s21+$0x3F0] =	vst v35;
	v36 =	vld [tilespmem:s21+$0x440]  }
0x59: {  	v40 =	vld [tilespmem:s21+$0x470];
	[tilespmem:s21+$0x3E0] =	vst v17;
	v17 =	vmul.f32 v29, v33  }
0x5a: {  	[tilespmem:s21+$0x390] =	vst v61;
	v41 =	vmul.f32 v34, v33;
	v39 =	vld [tilespmem:s21+$0x460]  }
0x5b: {  	v30 =	vld [tilespmem:s21+$0x410];
	[tilespmem:s21+$0x400] =	vst v17;
	v17 =	vmul.f32 v32, v33  }
0x5c: {  	v44 =	vmul.f32 v37, v33;
	[tilespmem:s21+$0x430] =	vst v41;
	v42 =	vld [tilespmem:s21+$0x480]  }
0x5d: {  	v47 =	vld [tilespmem:s21+$0x4B0];
	[tilespmem:s21+$0x420] =	vst v17;
	v17 =	vmul.f32 v36, v33  }
0x5e: {  	v45 =	vld [tilespmem:s21+$0x4A0];
	v48 =	vmul.f32 v40, v33;
	[tilespmem:s21+$0x450] =	vst v44  }
0x5f: {  	v50 =	vld [tilespmem:s21+$0x4D0];
	v46 =	vperm.xlane v16, v6;
	[tilespmem:s21+$0x440] =	vst v17;
	v17 =	vmul.f32 v39, v33  }
0x60: {  	[tilespmem:s21+$0x470] =	vst v48;
	v38 =	vmul.f32 v30, v33;
	v49 =	vld [tilespmem:s21+$0x4C0]  }
0x61: {  	v53 =	vld [tilespmem:s21+$0x4F0];
	[tilespmem:s21+$0x460] =	vst v17;
	v17 =	vmul.f32 v42, v46  }
0x62: {  	[tilespmem:s21+$0x410] =	vst v38;
	v54 =	vmul.f32 v47, v46;
	v52 =	vld [tilespmem:s21+$0x4E0]  }
0x63: {  	v43 =	vld [tilespmem:s21+$0x490];
	[tilespmem:s21+$0x480] =	vst v17;
	v17 =	vmul.f32 v45, v46  }
0x64: {  	v57 =	vmul.f32 v50, v46;
	[tilespmem:s21+$0x4B0] =	vst v54;
	v55 =	vld [tilespmem:s21+$0x500]  }
0x65: {  	v60 =	vld [tilespmem:s21+$0x530];
	[tilespmem:s21+$0x4A0] =	vst v17;
	v17 =	vmul.f32 v49, v46  }
0x66: {  	v58 =	vld [tilespmem:s21+$0x520];
	v61 =	vmul.f32 v53, v46;
	[tilespmem:s21+$0x4D0] =	vst v57  }
0x67: {  	v63 =	vld [tilespmem:s21+$0x550];
	v59 =	vperm.xlane v16, v7;
	[tilespmem:s21+$0x4C0] =	vst v17;
	v17 =	vmul.f32 v52, v46  }
0x68: {  	[tilespmem:s21+$0x4F0] =	vst v61;
	v51 =	vmul.f32 v43, v46;
	v62 =	vld [tilespmem:s21+$0x540]  }
0x69: {  	v30 =	vld [tilespmem:s21+$0x570];
	[tilespmem:s21+$0x4E0] =	vst v17;
	v17 =	vmul.f32 v55, v59  }
0x6a: {  	[tilespmem:s21+$0x490] =	vst v51;
	v31 =	vmul.f32 v60, v59;
	v29 =	vld [tilespmem:s21+$0x560]  }
0x6b: {  	v56 =	vld [tilespmem:s21+$0x510];
	[tilespmem:s21+$0x500] =	vst v17;
	v17 =	vmul.f32 v58, v59  }
0x6c: {  	v34 =	vmul.f32 v63, v59;
	[tilespmem:s21+$0x530] =	vst v31;
	v32 =	vld [tilespmem:s21+$0x580]  }
0x6d: {  	v37 =	vld [tilespmem:s21+$0x5B0];
	[tilespmem:s21+$0x520] =	vst v17;
	v17 =	vmul.f32 v62, v59  }
0x6e: {  	v35 =	vld [tilespmem:s21+$0x5A0];
	v38 =	vmul.f32 v30, v59;
	[tilespmem:s21+$0x550] =	vst v34  }
0x6f: {  	v40 =	vld [tilespmem:s21+$0x5D0];
	v36 =	vperm.xlane v16, v8;
	[tilespmem:s21+$0x540] =	vst v17;
	v17 =	vmul.f32 v29, v59  }
0x70: {  	[tilespmem:s21+$0x570] =	vst v38;
	v28 =	vmul.f32 v56, v59;
	v39 =	vld [tilespmem:s21+$0x5C0]  }
0x71: {  	v43 =	vld [tilespmem:s21+$0x5F0];
	[tilespmem:s21+$0x560] =	vst v17;
	v17 =	vmul.f32 v32, v36  }
0x72: {  	[tilespmem:s21+$0x510] =	vst v28;
	v44 =	vmul.f32 v37, v36;
	v42 =	vld [tilespmem:s21+$0x5E0]  }
0x73: {  	v33 =	vld [tilespmem:s21+$0x590];
	[tilespmem:s21+$0x580] =	vst v17;
	v17 =	vmul.f32 v35, v36  }
0x74: {  	v47 =	vmul.f32 v40, v36;
	[tilespmem:s21+$0x5B0] =	vst v44;
	v45 =	vld [tilespmem:s21+$0x600]  }
0x75: {  	v50 =	vld [tilespmem:s21+$0x630];
	[tilespmem:s21+$0x5A0] =	vst v17;
	v17 =	vmul.f32 v39, v36  }
0x76: {  	v48 =	vld [tilespmem:s21+$0x620];
	v51 =	vmul.f32 v43, v36;
	[tilespmem:s21+$0x5D0] =	vst v47  }
0x77: {  	v53 =	vld [tilespmem:s21+$0x650];
	v49 =	vperm.xlane v16, v9;
	[tilespmem:s21+$0x5C0] =	vst v17;
	v17 =	vmul.f32 v42, v36  }
0x78: {  	[tilespmem:s21+$0x5F0] =	vst v51;
	v41 =	vmul.f32 v33, v36;
	v52 =	vld [tilespmem:s21+$0x640]  }
0x79: {  	v56 =	vld [tilespmem:s21+$0x670];
	[tilespmem:s21+$0x5E0] =	vst v17;
	v17 =	vmul.f32 v45, v49  }
0x7a: {  	[tilespmem:s21+$0x590] =	vst v41;
	v57 =	vmul.f32 v50, v49;
	v55 =	vld [tilespmem:s21+$0x660]  }
0x7b: {  	v46 =	vld [tilespmem:s21+$0x610];
	[tilespmem:s21+$0x600] =	vst v17;
	v17 =	vmul.f32 v48, v49  }
0x7c: {  	v60 =	vmul.f32 v53, v49;
	[tilespmem:s21+$0x630] =	vst v57;
	v58 =	vld [tilespmem:s21+$0x680]  }
0x7d: {  	v63 =	vld [tilespmem:s21+$0x6B0];
	[tilespmem:s21+$0x620] =	vst v17;
	v17 =	vmul.f32 v52, v49  }
0x7e: {  	v61 =	vld [tilespmem:s21+$0x6A0];
	v28 =	vmul.f32 v56, v49;
	[tilespmem:s21+$0x650] =	vst v60  }
0x7f: {  	v30 =	vld [tilespmem:s21+$0x6D0];
	v62 =	vperm.xlane v16, v10;
	[tilespmem:s21+$0x640] =	vst v17;
	v17 =	vmul.f32 v55, v49  }
0x80: {  	[tilespmem:s21+$0x670] =	vst v28;
	v54 =	vmul.f32 v46, v49;
	v29 =	vld [tilespmem:s21+$0x6C0]  }
0x81: {  	v33 =	vld [tilespmem:s21+$0x6F0];
	[tilespmem:s21+$0x660] =	vst v17;
	v17 =	vmul.f32 v58, v62  }
0x82: {  	[tilespmem:s21+$0x610] =	vst v54;
	v34 =	vmul.f32 v63, v62;
	v32 =	vld [tilespmem:s21+$0x6E0]  }
0x83: {  	v59 =	vld [tilespmem:s21+$0x690];
	[tilespmem:s21+$0x680] =	vst v17;
	v17 =	vmul.f32 v61, v62  }
0x84: {  	v37 =	vmul.f32 v30, v62;
	[tilespmem:s21+$0x6B0] =	vst v34;
	v35 =	vld [tilespmem:s21+$0x700]  }
0x85: {  	v40 =	vld [tilespmem:s21+$0x730];
	[tilespmem:s21+$0x6A0] =	vst v17;
	v17 =	vmul.f32 v29, v62  }
0x86: {  	v38 =	vld [tilespmem:s21+$0x720];
	v41 =	vmul.f32 v33, v62;
	[tilespmem:s21+$0x6D0] =	vst v37  }
0x87: {  	v43 =	vld [tilespmem:s21+$0x750];
	v39 =	vperm.xlane v16, v11;
	[tilespmem:s21+$0x6C0] =	vst v17;
	v17 =	vmul.f32 v32, v62  }
0x88: {  	[tilespmem:s21+$0x6F0] =	vst v41;
	v31 =	vmul.f32 v59, v62;
	v42 =	vld [tilespmem:s21+$0x740]  }
0x89: {  	v46 =	vld [tilespmem:s21+$0x770];
	[tilespmem:s21+$0x6E0] =	vst v17;
	v17 =	vmul.f32 v35, v39  }
0x8a: {  	[tilespmem:s21+$0x690] =	vst v31;
	v47 =	vmul.f32 v40, v39;
	v45 =	vld [tilespmem:s21+$0x760]  }
0x8b: {  	v36 =	vld [tilespmem:s21+$0x710];
	[tilespmem:s21+$0x700] =	vst v17;
	v17 =	vmul.f32 v38, v39  }
0x8c: {  	v50 =	vmul.f32 v43, v39;
	[tilespmem:s21+$0x730] =	vst v47;
	v48 =	vld [tilespmem:s21+$0x780]  }
0x8d: {  	v53 =	vld [tilespmem:s21+$0x7B0];
	[tilespmem:s21+$0x720] =	vst v17;
	v17 =	vmul.f32 v42, v39  }
0x8e: {  	v51 =	vld [tilespmem:s21+$0x7A0];
	v54 =	vmul.f32 v46, v39;
	[tilespmem:s21+$0x750] =	vst v50  }
0x8f: {  	v56 =	vld [tilespmem:s21+$0x7D0];
	v52 =	vperm.xlane v16, v12;
	[tilespmem:s21+$0x740] =	vst v17;
	v17 =	vmul.f32 v45, v39  }
0x90: {  	[tilespmem:s21+$0x770] =	vst v54;
	v44 =	vmul.f32 v36, v39;
	v55 =	vld [tilespmem:s21+$0x7C0]  }
0x91: {  	v59 =	vld [tilespmem:s21+$0x7F0];
	[tilespmem:s21+$0x760] =	vst v17;
	v17 =	vmul.f32 v48, v52  }
0x92: {  	[tilespmem:s21+$0x710] =	vst v44;
	v60 =	vmul.f32 v53, v52;
	v58 =	vld [tilespmem:s21+$0x7E0]  }
0x93: {  	v49 =	vld [tilespmem:s21+$0x790];
	[tilespmem:s21+$0x780] =	vst v17;
	v17 =	vmul.f32 v51, v52  }
0x94: {  	v63 =	vmul.f32 v56, v52;
	[tilespmem:s21+$0x7B0] =	vst v60;
	v61 =	vld [tilespmem:s21+$0x800]  }
0x95: {  	v30 =	vld [tilespmem:s21+$0x830];
	[tilespmem:s21+$0x7A0] =	vst v17;
	v17 =	vmul.f32 v55, v52  }
0x96: {  	v28 =	vld [tilespmem:s21+$0x820];
	v31 =	vmul.f32 v59, v52;
	[tilespmem:s21+$0x7D0] =	vst v63  }
0x97: {  	v33 =	vld [tilespmem:s21+$0x850];
	v29 =	vperm.xlane v16, v13;
	[tilespmem:s21+$0x7C0] =	vst v17;
	v17 =	vmul.f32 v58, v52  }
0x98: {  	[tilespmem:s21+$0x7F0] =	vst v31;
	v57 =	vmul.f32 v49, v52;
	v32 =	vld [tilespmem:s21+$0x840]  }
0x99: {  	v36 =	vld [tilespmem:s21+$0x870];
	[tilespmem:s21+$0x7E0] =	vst v17;
	v17 =	vmul.f32 v61, v29  }
0x9a: {  	[tilespmem:s21+$0x790] =	vst v57;
	v37 =	vmul.f32 v30, v29;
	v35 =	vld [tilespmem:s21+$0x860]  }
0x9b: {  	v62 =	vld [tilespmem:s21+$0x810];
	[tilespmem:s21+$0x800] =	vst v17;
	v17 =	vmul.f32 v28, v29  }
0x9c: {  	v40 =	vmul.f32 v33, v29;
	[tilespmem:s21+$0x830] =	vst v37;
	v38 =	vld [tilespmem:s21+$0x880]  }
0x9d: {  	v43 =	vld [tilespmem:s21+$0x8B0];
	[tilespmem:s21+$0x820] =	vst v17;
	v17 =	vmul.f32 v32, v29  }
0x9e: {  	v41 =	vld [tilespmem:s21+$0x8A0];
	v44 =	vmul.f32 v36, v29;
	[tilespmem:s21+$0x850] =	vst v40  }
0x9f: {  	v46 =	vld [tilespmem:s21+$0x8D0];
	v42 =	vperm.xlane v16, v14;
	[tilespmem:s21+$0x840] =	vst v17;
	v17 =	vmul.f32 v35, v29  }
0xa0: {  	[tilespmem:s21+$0x870] =	vst v44;
	v34 =	vmul.f32 v62, v29;
	v45 =	vld [tilespmem:s21+$0x8C0]  }
0xa1: {  	v49 =	vld [tilespmem:s21+$0x8F0];
	[tilespmem:s21+$0x860] =	vst v17;
	v17 =	vmul.f32 v38, v42  }
0xa2: {  	[tilespmem:s21+$0x810] =	vst v34;
	v50 =	vmul.f32 v43, v42;
	v48 =	vld [tilespmem:s21+$0x8E0]  }
0xa3: {  	v39 =	vld [tilespmem:s21+$0x890];
	[tilespmem:s21+$0x880] =	vst v17;
	v17 =	vmul.f32 v41, v42  }
0xa4: {  	v53 =	vmul.f32 v46, v42;
	[tilespmem:s21+$0x8B0] =	vst v50;
	v51 =	vld [tilespmem:s21+$0x900]  }
0xa5: {  	v55 =	vld [tilespmem:s21+$0x930];
	[tilespmem:s21+$0x8A0] =	vst v17;
	v17 =	vmul.f32 v45, v42  }
0xa6: {  	v54 =	vld [tilespmem:s21+$0x920];
	v56 =	vmul.f32 v49, v42;
	[tilespmem:s21+$0x8D0] =	vst v53  }
0xa7: {  	v16 =	vperm.xlane v16, v15;
	v52 =	vld [tilespmem:s21+$0x910];
	[tilespmem:s21+$0x8C0] =	vst v17;
	v17 =	vmul.f32 v48, v42  }
0xa8: {  	v57 =	vld [tilespmem:s21+$0x940];
	[tilespmem:s21+$0x8F0] =	vst v56;
	v47 =	vmul.f32 v39, v42  }
0xa9: {  	v58 =	vld [tilespmem:s21+$0x950];
	[tilespmem:s21+$0x8E0] =	vst v17;
	v17 =	vmul.f32 v51, v16  }
0xaa: {  	v60 =	vld [tilespmem:s21+$0x960];
	[tilespmem:s21+$0x890] =	vst v47;
	v62 =	vmul.f32 v55, v16  }
0xab: {  	v61 =	vld [tilespmem:s21+$0x970];
	[tilespmem:s21+$0x900] =	vst v17;
	v17 =	vmul.f32 v54, v16  }
0xac: {  	v59 =	vmul.f32 v52, v16;
	[tilespmem:s21+$0x930] =	vst v62  }
0xad: {  	p0 =	sne.s32 s20, $0x7;
	[tilespmem:s21+$0x920] =	vst v17;
	v17 =	vmul.f32 v57, v16  }
.Ltmp0:
0xae: {  	v63 =	vmul.f32 v58, v16;
	[tilespmem:s21+$0x910] =	vst v59;
	(pc) =	sbr.rel @p0 .LBB2_3-.Ltmp0, $4  }
0xaf: {  	[tilespmem:s21+$0x940] =	vst v17;
	v17 =	vmul.f32 v60, v16  }
0xb0: {  	[tilespmem:s21+$0x950] =	vst v63;
	v16 =	vmul.f32 v61, v16  }
0xb1: {  	[tilespmem:s21+$0x960] =	vst v17  }
0xb2: {  	s20 =	sadd.s32 $0x1, s20;
	[tilespmem:s21+$0x970] =	vst v16  }
0xb3: {  	s19 =	sadd.s32 $0x1, s19  }
0xb4: {  	p0 =	sne.s32 s19, $0x4F  }
.Ltmp1:
0xb5: {  	_ = 	snop;
	(pc) =	sbr.rel @p0 .LBB2_2-.Ltmp1, $4  }
0xb6: {  	[spmem:s2] =	stream.indirect.scatter.add.f32 [tilespmem:s17], [sflag:$0x2], $0x80, s15, s15, $0xb8;
	[tilespmem:$0x18180] =	vst v63  }
0xb7: {  	_ =	swait.ge [sflag:s14], $0x4000  }
0xb8: {  	[sflag:s14] =	ssyncset.done $0x0  }
0xb9: {  	[sflag:s14] =	ssyncadd.s32 $0xFFFFC000  }
0xba: {  	s3 =	sadd.s32 $0x1, s3  }
0xbb: {  	p0 =	sne.s32 s3, s11  }
.Ltmp2:
0xbc: {  	[bflag:$0x0] =	sbarrier.arrive $0xFFFF;
	(pc) =	sbr.rel @p0 .LBB2_1-.Ltmp2, $4  }
0xbd: {  	[hbm:s12], [sflag:s9] =	dma.local [spmem:s13], $0x2800  }
0xbe: {  	_ =	swait.ge [sflag:s14], $0x2800  }
0xbf: {  	[sflag:s14] =	ssyncset.done $0x0  }
0xc0: {  	[sflag:s14] =	ssyncadd.s32 $0xFFFFD800  }
0xc1: {  	_ =	sfence.sel $0x180000  }
0xc2: {  	[bflag:$0x0] =	sbarrier.arrive $0xFFFF  }
0xc3: {  	p0 =	sne.s32 s4, $0x0;
	_ =	strace $0x9000004D  }
0xc4: {  	s0 =	sadd.s32 @!p0 $0x100000, s0;
	[bflag:$0x2] =	sbarrier.arrive $0xFFFF  }
0xc5: {  	[sflag:s0] =	ssyncadd.tile.s32 @!p0 $0x1;
	_ =	shalt  }
.Lfunc_end2:
_tile_overlayer_lowered:
.L_overlay_start_2:
0xc6: {  	(tag) =	ssettag $0x2  }
0xc7: {  	s0 =	rddreg [dreg:$0x0];
	s2 =	stileid.u32  }
0xc8: {  	s1 =	rddreg [dreg:$0x1];
	p0 =	sne.s32 s2, $0x0  }
0xc9: {  	s3 =	rddreg [dreg:$0x2];
	[bflag:$0x3] =	sbarrier.arrive $0xFFFF;
	s2 =	simm.s32 @!p0 $0x1C02  }
0xca: {  	[timem:s3], [sflag:s2] =	dma.local @!p0 [hbm:s0], s1  }
0xcb: {  	s0 =	simm.s32 @!p0 $0x2  }
0xcc: {  	_ =	swait.ge @!p0 [sflag:s0], s1  }
0xcd: {  	s1 =	ssub.s32 @!p0 $0x0, s1;
	[sflag:s0] =	ssyncset.done @!p0 $0x0  }
0xce: {  	[sflag:s0] =	ssyncadd.s32 @!p0 s1  }
0xcf: {  	[bflag:$0x3] =	sbarrier.arrive $0xFFFF  }
0xd0: {  	_ =	shalt  }

// kernel: kernel.7.cloned.1.call-start
scs
__scs_entry_jumppad:
0x0: {  	(pc) =	sbr.rel $0x88, $3  }
0x1: {  	(tag) =	ssettag $0x0;
	lr =	simm.s32 $0x1  }
0x2: {  	[smem:$0x3F9A] =	sst lr;
	_ =	strace $0xD0000000  }
0x3: {  	_ = 	snop  }
0x4: {  	_ = 	snop  }
0x5: {  	_ = 	snop  }
0x6: {  	_ = 	snop  }
0x7: {  	_ = 	snop  }
__scs_overlays_trampoline_lowered:
0x8: {  	[smem:$0x3FA9] =	sst s0  }
0x9: {  	[smem:$0x3FAA] =	sst s1  }
0xa: {  	[smem:$0x3FAB] =	sst s2  }
0xb: {  	[smem:$0x3FAC] =	sst s3  }
0xc: {  	[smem:$0x3FAD] =	sst s4  }
0xd: {  	[smem:$0x3FAE] =	sst s5  }
0xe: {  	[smem:$0x3FAF] =	sst s6  }
0xf: {  	[smem:$0x3FB0] =	sst s7  }
0x10: {  	[smem:$0x3FB1] =	sst s8  }
0x11: {  	[smem:$0x3FB2] =	sst s9;
	s0 =	simm.s32 @!p0 $0x0  }
0x12: {  	s1 =	sld [smem:$0x3F98];
	s0 =	simm.s32 @p0 $0x1  }
0x13: {  	[smem:$0x3FB3] =	sst s0;
	s0 =	simm.s32 @!p1 $0x0  }
0x14: {  	s2 =	sld [smem:$0x3F97];
	s0 =	simm.s32 @p1 $0x1  }
0x15: {  	[smem:$0x3FB4] =	sst s0;
	s0 =	simm.s32 @!p2 $0x0  }
0x16: {  	s3 =	sld [smem:$0x3FDB];
	s0 =	simm.s32 @p2 $0x1  }
0x17: {  	s4 =	simm.s32 $0x1BF5;
	[smem:$0x3FB6] =	sst s0  }
0x18: {  	s0 =	sld [smem:$0x3F99];
	_ =	swait.ge [sflag:s4], $0x0  }
0x19: {  	s7 =	sld [smem:$0x3F9A]  }
0x1a: {  	s8 =	sadd.s32 $0xFFFFE003, lr  }
0x1b: {  	s9 =	sadd.s32 $0xFFFFFEF7, lr;
	s5 =	simm.s32 $0xFFFFFFFF;
	p2 =	slt.u32 s8, $0xFFFFF086  }
0x1c: {  	p1 =	slt.u32 s9, $0xF7A;
	s5 =	simm.s32 @!p2 $0x0  }
0x1d: {  	s5 =	simm.s32 @p1 $0x1;
	p0 =	seq.s32 s7, s2  }
0x1e: {  	s7 =	smul.u32 @!p0 $0xF7A, s2;
	p2 =	seq.s32 @!p0 s5, $0x0  }
0x1f: {  	s9 =	smul.u32 $0xF7A, s1;
	s8 =	simm.s32 @!p0 $0x1BF5;
	p2 =	por !p2, p0  }
0x20: {  	[sflag:s8] =	ssyncset.s32 @!p0 $0xFFFFF086;
	s6 =	sadd.s32 @!p0 s3, s7;
	s7 =	simm.s32 @!p0 $0x108  }
0x21: {  	s3 =	sadd.s32 s3, s9;
	s6 =	sadd.s32 @!p0 $0x88, s6;
	s7 =	simm.s32 @p2 $0x1082  }
0x22: {  	[simem:s7], [sflag:s8] =	dma.local @!p0 [hbm:s6], $0xF7A  }
0x23: {  	s9 =	sor.u32 $0xD0000000, s2;
	s6 =	simm.s32 $0x108;
	_ =	swait.ge @!p0 [sflag:s8], $0x0  }
0x24: {  	s3 =	sadd.s32 $0x88, s3;
	s6 =	simm.s32 @!p1 $0x1082;
	[sflag:s4] =	ssyncset.s32 $0xFFFFF086  }
0x25: {  	[simem:s6], [sflag:s4] =	dma.local [hbm:s3], $0xF7A  }
0x26: {  	[smem:$0x3F9A] =	sst s1;
	(tag) =	ssettag s2;
	_ =	strace s9  }
0x27: {  	s1 =	sld [smem:$0x3FAA]  }
0x28: {  	s2 =	sld [smem:$0x3FAB]  }
0x29: {  	s4 =	sld [smem:$0x3FAD]  }
0x2a: {  	p0 =	seq.s32 s5, $0x0;
	s5 =	sld [smem:$0x3FAE]  }
0x2b: {  	s6 =	sld [smem:$0x3FAF]  }
0x2c: {  	s7 =	sld [smem:$0x3FB0]  }
0x2d: {  	s3 =	simm.s32 $0x108;
	s8 =	sld [smem:$0x3FB1]  }
0x2e: {  	s3 =	simm.s32 @!p0 $0x1082;
	s9 =	sld [smem:$0x3FB2]  }
0x2f: {  	lr =	sadd.s32 s0, s3;
	s0 =	sld [smem:$0x3FA9]  }
0x30: {  	s3 =	sld [smem:$0x3FAC]  }
0x31: {  	[smem:$0x3FB5] =	sst s10  }
0x32: {  	s10 =	sld [smem:$0x3FB3];
	_ =	sdelay $0x3  }
0x33: {  	p0 =	seq.s32 s10, $0x1;
	s10 =	sld [smem:$0x3FB5];
	_ =	sdelay $0x3  }
0x34: {  	[smem:$0x3FB5] =	sst s10  }
0x35: {  	s10 =	sld [smem:$0x3FB4];
	_ =	sdelay $0x3  }
0x36: {  	p1 =	seq.s32 s10, $0x1;
	s10 =	sld [smem:$0x3FB5];
	_ =	sdelay $0x3  }
0x37: {  	[smem:$0x3FB5] =	sst s10  }
0x38: {  	s10 =	sld [smem:$0x3FB6]  }
0x39: {  	_ = 	snop;
	(pc) =	sbr.ind lr, $3  }
0x3a: {  	_ = 	snop  }
0x3b: {  	_ = 	snop  }
0x3c: {  	p2 =	seq.s32 s10, $0x1;
	s10 =	sld [smem:$0x3FB5]  }
0x3d: {  	_ =	shalt  }
0x3e: {  	_ =	shalt  }
0x3f: {  	_ =	shalt  }
0x40: {  	_ =	shalt  }
0x41: {  	_ =	shalt  }
0x42: {  	_ =	shalt  }
0x43: {  	_ =	shalt  }
0x44: {  	_ =	shalt  }
0x45: {  	_ =	shalt  }
0x46: {  	_ =	shalt  }
0x47: {  	_ =	shalt  }
0x48: {  	_ =	shalt  }
0x49: {  	_ =	shalt  }
0x4a: {  	_ =	shalt  }
0x4b: {  	_ =	shalt  }
0x4c: {  	_ =	shalt  }
0x4d: {  	_ =	shalt  }
0x4e: {  	_ =	shalt  }
0x4f: {  	_ =	shalt  }
0x50: {  	_ =	shalt  }
0x51: {  	_ =	shalt  }
0x52: {  	_ =	shalt  }
0x53: {  	_ =	shalt  }
0x54: {  	_ =	shalt  }
0x55: {  	_ =	shalt  }
0x56: {  	_ =	shalt  }
0x57: {  	_ =	shalt  }
0x58: {  	_ =	shalt  }
0x59: {  	_ =	shalt  }
0x5a: {  	_ =	shalt  }
0x5b: {  	_ =	shalt  }
0x5c: {  	_ =	shalt  }
0x5d: {  	_ =	shalt  }
0x5e: {  	_ =	shalt  }
0x5f: {  	_ =	shalt  }
0x60: {  	_ =	shalt  }
0x61: {  	_ =	shalt  }
0x62: {  	_ =	shalt  }
0x63: {  	_ =	shalt  }
0x64: {  	_ =	shalt  }
0x65: {  	_ =	shalt  }
0x66: {  	_ =	shalt  }
0x67: {  	_ =	shalt  }
0x68: {  	_ =	shalt  }
0x69: {  	_ =	shalt  }
0x6a: {  	_ =	shalt  }
0x6b: {  	_ =	shalt  }
0x6c: {  	_ =	shalt  }
0x6d: {  	_ =	shalt  }
0x6e: {  	_ =	shalt  }
0x6f: {  	_ =	shalt  }
0x70: {  	_ =	shalt  }
0x71: {  	_ =	shalt  }
0x72: {  	_ =	shalt  }
0x73: {  	_ =	shalt  }
0x74: {  	_ =	shalt  }
0x75: {  	_ =	shalt  }
0x76: {  	_ =	shalt  }
0x77: {  	_ =	shalt  }
0x78: {  	_ =	shalt  }
0x79: {  	_ =	shalt  }
0x7a: {  	_ =	shalt  }
0x7b: {  	_ =	shalt  }
0x7c: {  	_ =	shalt  }
0x7d: {  	_ =	shalt  }
0x7e: {  	_ =	shalt  }
0x7f: {  	_ =	shalt  }
0x80: {  	_ =	shalt  }
0x81: {  	_ =	shalt  }
0x82: {  	_ =	shalt  }
0x83: {  	_ =	shalt  }
0x84: {  	_ =	shalt  }
0x85: {  	_ =	shalt  }
0x86: {  	_ =	shalt  }
0x87: {  	_ =	shalt  }
.Lfunc_end0:
.L_simem_size_0:
called_computation_lowered:
.L_overlay_start_0:
0x88: {  	s2 =	sld [smem:$0x3FD9]  }
0x89: {  	s3 =	sld [smem:$0x3FFE];
	_ =	sdelay $0x1  }
0x8a: {  	s1 =	srdreg.scid  }
0x8b: {  	s0 =	sand.u32 $0x1, s1  }
0x8c: {  	s16 =	sshll.u32 s0, $0xA;
	s2 =	sadd.s32 s3, s2  }
0x8d: {  	s2 =	sadd.s32 s2, s16  }
0x8e: {  	[smem:$0x3FC1] =	sst s2  }
0x8f: {  	_ = 	snop  }
0x90: {  	(tm) =	ssettm $0x1  }
0x91: {  	s17 =	sld [smem:$0x3FFB];
	_ =	sdelay $0x3  }
0x92: {  	_ =	strace s17  }
0x93: {  	s2 =	sld [smem:$0x3FFC];
	_ =	sdelay $0x3  }
0x94: {  	_ =	strace s2  }
0x95: {  	s2 =	sld [smem:$0x3FFD];
	_ =	sdelay $0x3  }
0x96: {  	_ =	strace s2  }
0x97: {  	_ =	strace $0x8FFFFFFF  }
0x98: {  	s18 =	sld [smem:$0x3FDB];
	_ =	sdelay $0x1  }
0x99: {  	s19 =	simm.s32 $_scs_section_size  }
0x9a: {  	s4 =	simm.s32 $_size__tile_overlayer_lowered;
	s5 =	simm.s32 $_tile_overlayer_lowered  }
0x9b: {  	s22 =	simm.s32 $0x1BFF;
	s21 =	sshll.u32 s5, $0x1;
	s2 =	sadd.s32 s19, s18  }
0x9c: {  	s6 =	simm.s32 $0x0;
	s20 =	sshll.u32 s4, $0x1;
	s4 =	sadd.s32 s21, s2  }
0x9d: {  	[timem:s6], [sflag:s22] =	dma.local [hbm:s4], s20  }
0x9e: {  	_ =	swait.ge [sflag:s22], s20  }
0x9f: {  	s3 =	ssub.s32 $0x0, s20;
	[sflag:s22] =	ssyncset.done $0x0  }
0xa0: {  	[sflag:s22] =	ssyncadd.s32 s3;
	_ =	sdelay $0x1  }
0xa1: {  	s23 =	simm.s32 $0x1B8B  }
0xa2: {  	_ =	swait.ge [sflag:s23], $0x1  }
0xa3: {  	[sflag:s23] =	ssyncset.done $0x0  }
0xa4: {  	s25 =	simm.s32 $0x1B8E;
	s24 =	sld [smem:$0x3FFE];
	[sflag:s23] =	ssyncadd.s32 $0xFFFFFFFF  }
0xa5: {  	s26 =	simm.s32 $execute0_lowered;
	[smem:$0x3FD2] =	sst s25  }
0xa6: {  	s4 =	sshll.u32 s26, $0x1;
	_ =	strace $0x80000046;
	[dreg:$0x1] =	wrdreg $0xFFFFFFFF  }
0xa7: {  	s28 =	simm.s32 $_size_execute0_lowered;
	s2 =	sadd.s32 s2, s4;
	[dreg:$0x0] =	wrdreg $0x0  }
0xa8: {  	s4 =	sshll.u32 s28, $0x1;
	[dreg:$0x2] =	wrdreg s2  }
0xa9: {  	[dreg:$0x3] =	wrdreg s4  }
0xaa: {  	[dreg:$0x4] =	wrdreg $0xC0  }
0xab: {  	_ =	task [dreg:s6], $0x5FFFF  }
0xac: {  	[dreg:$0x1] =	wrdreg $0xFFFFFFFF  }
0xad: {  	[dreg:$0x0] =	wrdreg $0x60  }
0xae: {  	[dreg:$0x2] =	wrdreg s24  }
0xaf: {  	[dreg:$0x3] =	wrdreg $0x1000  }
0xb0: {  	[dreg:$0x4] =	wrdreg $0x9  }
0xb1: {  	_ =	task.clear_ibuf [dreg:s6], $0x5FFFF;
	_ =	strace $0x90000046  }
0xb2: {  	s29 =	simm.s32 $0x9;
	_ =	strace $0x80000048  }
0xb3: {  	_ =	swait.ge [sflag:s29], $0x1  }
0xb4: {  	[sflag:s29] =	ssyncadd.s32 $0xFFFFFFFF  }
0xb5: {  	_ =	strace $0x90000048  }
0xb6: {  	_ =	sfence  }
0xb7: {  	s30 =	sld [smem:$0x0];
	_ =	sdelay $0x2  }
0xb8: {  	s31 =	sshll.u32 s1, $0xD;
	s1 =	sshrl.u32 s1, $0x2  }
0xb9: {  	s3 =	sand.u32 $0x4000, s31;
	s1 =	sadd.s32 s1, s30  }
0xba: {  	s0 =	sor.u32 s3, s0;
	s1 =	sshll.u32 s1, $0x11  }
0xbb: {  	s0 =	sor.u32 s1, s0  }
0xbc: {  	s0 =	sadd.s32 $0x8F2B, s0  }
0xbd: {  	[sflag:s0] =	ssyncadd.remote.s32 $0x1  }
0xbe: {  	_ =	sfence.sel $0xFFFF  }
0xbf: {  	[dreg:$0x0] =	wrdreg $0xFFFFFFFF;
	(pc) =	sbr.abs _section_cstart, $3  }
0xc0: {  	[dreg:$0x1] =	wrdreg $0xFFFFFFFF  }
0xc1: {  	_ =	task.clear_ibuf [dreg:s6], $0x2FFFF;
	_ =	strace $0x9FFFFFFF  }
0xc2: {  	(tm) =	ssettm $0x7FFFFFFF  }
0xc3: {  	_ =	shalt  }
tec
execute0_lowered:
.L_overlay_start_1:
0x0: {  	(tag) =	ssettag $0x1  }
0x1: {  	s6 =	rddreg [dreg:$0x0]  }
0x2: {  	s2 =	rddreg [dreg:$0x1]  }
0x3: {  	s0 =	rddreg [dreg:$0x2];
	s1 =	stileid.u32  }
0x4: {  	s4 =	srdreg.scid;
	s3 =	simm.s32 $0x0;
	s30 =	smul.u32 $0x9E0, s1  }
0x5: {  	s5 =	sand.u32 $0x1, s4;
	[smem:$0x7FF] =	sst s3;
	s9 =	smul.u32 $0x280, s1  }
0x6: {  	s4 =	sadd.s32 $0x17800, s6;
	s12 =	sshll.u32 s1, $0x6;
	s7 =	ssub.s32 $0x2, s5  }
0x7: {  	_ =	strace $0x80000047;
	p0 =	seq.s32 s5, $0x1;
	s13 =	smul.u32 $0x4F0, s5  }
0x8: {  	s5 =	sor.u32 $0x1C01, s12;
	s12 =	simm.s32 $0x80;
	s8 =	sshrl.u32 s7, $0x1  }
0x9: {  	s10 =	sadd.s32 s30, s6;
	s11 =	sadd.s32 s9, s2;
	s9 =	sshrl.u32 s9, $0x3  }
0xa: {  	s7 =	ssub.s32 s7, s8;
	s8 =	simm.s32 $0x18000;
	s31 =	sadd.s32 s13, s10  }
0xb: {  	s10 =	sshrl.u32 s11, $0x3;
	s11 =	simm.s32 $0x1;
	s8 =	simm.s32 @!p0 $0x17A00  }
0xc: {  	s13 =	simm.s32 $0x0;
	s8 =	sadd.s32 s8, s6;
	s6 =	smax.u32 s7, $0x1  }
0xd: {  	s7 =	sadd.s32 s8, s9;
	s8 =	sadd.s32 $0x3C00, s31;
	s9 =	sadd.s32 $0xDA00, s31  }
.LBB2_1:
0xe: {  	[spmem:s10], [sflag:s5] =	dma.local [hbm:s4], $0x50  }
0xf: {  	_ =	swait.ge [sflag:s11], $0x50  }
0x10: {  	[sflag:s11] =	ssyncset.done $0x0  }
0x11: {  	[sflag:s11] =	ssyncadd.s32 $0xFFFFFFB0  }
0x12: {  	s14 =	sadd.s32 $0x0, s9;
	[bflag:$0x0] =	sbarrier.arrive $0xFFFF  }
0x13: {  	[tilespmem:s3], [sflag:$0x1] =	stream.linear.gather [hbm4b:s14+s3], $0x80, $0x38;
	[tilespmem:$0x380] =	vst v63  }
0x14: {  	_ =	swait.ge [sflag:s11], $0x80  }
0x15: {  	[sflag:s11] =	ssyncset.done $0x0  }
0x16: {  	s31 =	sadd.s32 $0x0, s8;
	[sflag:s11] =	ssyncadd.s32 $0xFFFFFF80  }
0x17: {  	[tilespmem:s12], [sflag:$0x1] =	stream.linear.gather [hbm4b:s31+s3], $0x80, $0x38;
	[tilespmem:$0x380] =	vst v63  }
0x18: {  	_ =	swait.ge [sflag:s11], $0x80  }
0x19: {  	[sflag:s11] =	ssyncset.done $0x0  }
0x1a: {  	[sflag:s11] =	ssyncadd.s32 $0xFFFFFF80  }
0x1b: {  	[spmem:s2] =	stream.indirect.scatter.add.f32 [tilespmem:s12], [sflag:$0x1], $0x1, s3, s12, $0xb8;
	[tilespmem:$0x380] =	vst v63  }
0x1c: {  	_ =	swait.ge [sflag:s11], $0x80  }
0x1d: {  	s15 =	simm.s32 $0x20;
	s14 =	simm.s32 $0x10;
	[sflag:s11] =	ssyncset.done $0x0  }
.LBB2_2:
0x1e: {  	s16 =	sadd.s32 s14, s9  }
0x1f: {  	[sflag:s11] =	ssyncadd.s32 $0xFFFFFF80;
	s17 =	smov.u32 s15;
	s18 =	sadd.s32 $0x10, s15  }
0x20: {  	[tilespmem:s3], [sflag:$0x1] =	stream.linear.gather [hbm4b:s16+s3], $0x80, $0x38;
	[tilespmem:$0x380] =	vst v63  }
0x21: {  	p0 =	sne.s32 s15, $0x4E0;
	_ =	swait.ge [sflag:s11], $0x80  }
0x22: {  	[sflag:s11] =	ssyncset.done $0x0  }
0x23: {  	s15 =	sadd.s32 s14, s8;
	s14 =	smov.u32 s17;
	[sflag:s11] =	ssyncadd.s32 $0xFFFFFF80  }
0x24: {  	[tilespmem:s12], [sflag:$0x1] =	stream.linear.gather [hbm4b:s15+s3], $0x80, $0x38;
	[tilespmem:$0x380] =	vst v63  }
0x25: {  	_ =	swait.ge [sflag:s11], $0x80  }
.Ltmp0:
0x26: {  	[sflag:s11] =	ssyncset.done $0x0;
	(pc) =	sbr.rel @p0 .LBB2_2-.Ltmp0, $4  }
0x27: {  	[sflag:s11] =	ssyncadd.s32 $0xFFFFFF80  }
0x28: {  	[spmem:s2] =	stream.indirect.scatter.add.f32 [tilespmem:s12], [sflag:$0x1], $0x1, s3, s12, $0xb8;
	[tilespmem:$0x380] =	vst v63  }
0x29: {  	_ =	swait.ge [sflag:s11], $0x80  }
0x2a: {  	s15 =	smov.u32 s18;
	[sflag:s11] =	ssyncset.done $0x0  }
0x2b: {  	s15 =	sadd.s32 s14, s9;
	[sflag:s11] =	ssyncadd.s32 $0xFFFFFF80  }
0x2c: {  	[tilespmem:s3], [sflag:$0x1] =	stream.linear.gather [hbm4b:s15+s3], $0x80, $0x38;
	[tilespmem:$0x380] =	vst v63  }
0x2d: {  	_ =	swait.ge [sflag:s11], $0x80  }
0x2e: {  	[sflag:s11] =	ssyncset.done $0x0  }
0x2f: {  	s31 =	sadd.s32 s14, s8;
	[sflag:s11] =	ssyncadd.s32 $0xFFFFFF80  }
0x30: {  	[tilespmem:s12], [sflag:$0x1] =	stream.linear.gather [hbm4b:s31+s3], $0x80, $0x38;
	[tilespmem:$0x380] =	vst v63  }
0x31: {  	_ =	swait.ge [sflag:s11], $0x80  }
0x32: {  	[sflag:s11] =	ssyncset.done $0x0  }
0x33: {  	[sflag:s11] =	ssyncadd.s32 $0xFFFFFF80  }
0x34: {  	[spmem:s2] =	stream.indirect.scatter.add.f32 [tilespmem:s12], [sflag:$0x1], $0x1, s3, s12, $0xb8;
	[tilespmem:$0x380] =	vst v63  }
0x35: {  	_ =	swait.ge [sflag:s11], $0x80  }
0x36: {  	s13 =	sadd.s32 $0x1, s13;
	[sflag:s11] =	ssyncset.done $0x0  }
0x37: {  	p0 =	sne.s32 s13, s6;
	[sflag:s11] =	ssyncadd.s32 $0xFFFFFF80  }
.Ltmp1:
0x38: {  	[bflag:$0x0] =	sbarrier.arrive $0xFFFF;
	(pc) =	sbr.rel @p0 .LBB2_1-.Ltmp1, $4  }
0x39: {  	[hbm:s7], [sflag:s5] =	dma.local [spmem:s10], $0x50  }
0x3a: {  	_ =	swait.ge [sflag:s11], $0x50  }
0x3b: {  	[sflag:s11] =	ssyncset.done $0x0  }
0x3c: {  	[sflag:s11] =	ssyncadd.s32 $0xFFFFFFB0  }
0x3d: {  	_ =	sfence.sel $0x180000  }
0x3e: {  	[bflag:$0x0] =	sbarrier.arrive $0xFFFF  }
0x3f: {  	p0 =	sne.s32 s1, $0x0;
	_ =	strace $0x90000047  }
0x40: {  	s0 =	sadd.s32 @!p0 $0x100000, s0;
	[bflag:$0x2] =	sbarrier.arrive $0xFFFF  }
0x41: {  	[sflag:s0] =	ssyncadd.tile.s32 @!p0 $0x1;
	_ =	shalt  }
.Lfunc_end2:
_tile_overlayer_lowered:
.L_overlay_start_2:
0x42: {  	(tag) =	ssettag $0x2  }
0x43: {  	s0 =	rddreg [dreg:$0x0];
	s2 =	stileid.u32  }
0x44: {  	s1 =	rddreg [dreg:$0x1];
	p0 =	sne.s32 s2, $0x0  }
0x45: {  	s3 =	rddreg [dreg:$0x2];
	[bflag:$0x3] =	sbarrier.arrive $0xFFFF;
	s2 =	simm.s32 @!p0 $0x1C01  }
0x46: {  	[timem:s3], [sflag:s2] =	dma.local @!p0 [hbm:s0], s1  }
0x47: {  	s0 =	simm.s32 @!p0 $0x1  }
0x48: {  	_ =	swait.ge @!p0 [sflag:s0], s1  }
0x49: {  	s1 =	ssub.s32 @!p0 $0x0, s1;
	[sflag:s0] =	ssyncset.done @!p0 $0x0  }
0x4a: {  	[sflag:s0] =	ssyncadd.s32 @!p0 s1  }
0x4b: {  	[bflag:$0x3] =	sbarrier.arrive $0xFFFF  }
0x4c: {  	_ =	shalt  }

</sc_bundles>
